<compile_context>
chip_gen: v7x
topology: tpu7x:2x2x1
jax: 0.10.2.dev20260603
libtpu: 0.0.44.dev20260713+nightly
codegen_flags: <defaults>
</compile_context>

<pallas_src>
import functools

import jax
import jax.numpy as jnp
from jax import lax
from jax.experimental import pallas as pl
from jax.experimental.pallas import tpu as pltpu
from jax.experimental.pallas import tpu_sc as plsc

_B = 16384
_K = 64
_NW = 32
_BPW = _B // _NW
_CH = 128
_NCH = _BPW // _CH
_H = _BPW // 2


def _sc_scores(sU, sI, sJ, betaI, gammaU, gammaI):
    mesh = plsc.VectorSubcoreMesh(core_axis_name="c", subcore_axis_name="s")

    @functools.partial(
        pl.kernel,
        out_type=jax.ShapeDtypeStruct((_B,), jnp.float32),
        mesh=mesh,
        compiler_params=pltpu.CompilerParams(needs_layout_passes=False),
        scratch_types=[
            pltpu.VMEM((_BPW + 16,), jnp.int32),
            pltpu.VMEM((_BPW + 16,), jnp.int32),
            pltpu.VMEM((_BPW + 16,), jnp.int32),
            pltpu.VMEM((_H, _K), jnp.float32),
            pltpu.VMEM((_H, _K), jnp.float32),
            pltpu.VMEM((_H, _K), jnp.float32),
            pltpu.VMEM((_BPW,), jnp.float32),
            pltpu.VMEM((_BPW,), jnp.float32),
            pltpu.VMEM((_BPW,), jnp.float32),
            pltpu.SemaphoreType.DMA,
        ],
    )
    def body(sU_h, sI_h, sJ_h, betaI_h, gU_h, gI_h, out_h,
             idx_u, idx_i, idx_j, gu, gi, gj, bi, bj, xo, sem):
        wid = lax.axis_index("s") * 2 + lax.axis_index("c")
        base = wid * _BPW
        pltpu.sync_copy(sU_h.at[pl.ds(base, _BPW)], idx_u.at[pl.ds(0, _BPW)])
        pltpu.sync_copy(sI_h.at[pl.ds(base, _BPW)], idx_i.at[pl.ds(0, _BPW)])
        pltpu.sync_copy(sJ_h.at[pl.ds(base, _BPW)], idx_j.at[pl.ds(0, _BPW)])

        for c in range(_NCH):
            sl = pl.ds(c * _CH, _CH)
            pltpu.async_copy(betaI_h.at[idx_i.at[sl]], bi.at[sl], sem)
            pltpu.async_copy(betaI_h.at[idx_j.at[sl]], bj.at[sl], sem)

        pltpu.make_async_copy(betaI_h.at[pl.ds(0, _BPW)], bi, sem).wait()
        pltpu.make_async_copy(betaI_h.at[pl.ds(0, _BPW)], bj, sem).wait()

        lane = lax.broadcasted_iota(jnp.int32, (16,), 0)

        for h in range(2):
            off = h * _H

            def rowfetch(s, carry):
                iu = idx_u[pl.ds(off + s, 16)][0]
                ii = idx_i[pl.ds(off + s, 16)][0]
                ij = idx_j[pl.ds(off + s, 16)][0]
                dst = pl.ds(s, 1)
                pltpu.async_copy(gU_h.at[pl.ds(iu, 1)], gu.at[dst], sem)
                pltpu.async_copy(gI_h.at[pl.ds(ii, 1)], gi.at[dst], sem)
                pltpu.async_copy(gI_h.at[pl.ds(ij, 1)], gj.at[dst], sem)
                return carry

            lax.fori_loop(0, _H, rowfetch, 0)

            def rowdrain(s, carry):
                iu = idx_u[pl.ds(off + s, 16)][0]
                ii = idx_i[pl.ds(off + s, 16)][0]
                ij = idx_j[pl.ds(off + s, 16)][0]
                dst = pl.ds(s, 1)
                pltpu.make_async_copy(gU_h.at[pl.ds(iu, 1)], gu.at[dst], sem).wait()
                pltpu.make_async_copy(gI_h.at[pl.ds(ii, 1)], gi.at[dst], sem).wait()
                pltpu.make_async_copy(gI_h.at[pl.ds(ij, 1)], gj.at[dst], sem).wait()
                return carry

            lax.fori_loop(0, _H, rowdrain, 0)

            def group(g, carry):
                acc = (bi[pl.ds(off + g * 16, 16)] -
                       bj[pl.ds(off + g * 16, 16)])
                row = g * 16 + lane
                for k in range(_K):
                    kv = jnp.full((16,), k, jnp.int32)
                    cu = plsc.load_gather(gu, [row, kv])
                    ci = plsc.load_gather(gi, [row, kv])
                    cj = plsc.load_gather(gj, [row, kv])
                    acc = acc + cu * (ci - cj)
                xo[pl.ds(off + g * 16, 16)] = acc
                return carry

            lax.fori_loop(0, _H // 16, group, 0)

        pltpu.sync_copy(xo, out_h.at[pl.ds(base, _BPW)])

    return body(sU, sI, sJ, betaI, gammaU, gammaI)


def _tc_loss(x2d):
    def body(x_ref, o_ref):
        v = x_ref[...]
        sp = jnp.maximum(-v, 0.0) + jnp.log1p(jnp.exp(-jnp.abs(v)))
        o_ref[...] = (jnp.sum(sp) * (1.0 / _B)).reshape(1, 1)

    return pl.pallas_call(
        body,
        out_shape=jax.ShapeDtypeStruct((1, 1), jnp.float32),
    )(x2d)


def kernel(sampleU, sampleI, sampleJ, betaI, gammaU, gammaI):
    x = _sc_scores(sampleU, sampleI, sampleJ, betaI, gammaU, gammaI)
    return _tc_loss(x.reshape(128, 128))[0, 0]

# --- scband reference (transcript-rebuilt; emitter-appended) ---
"""Pipeline reference for scband-bprbatch-71442486002314 (READ-ONLY COPY).

The authoritative reference and input builder live on the scoring server;
editing this copy changes nothing except your own understanding.
"""

import jax, jax.numpy as jnp
import numpy as np

N_USERS = 100000
N_ITEMS = 1000000
K = 64
BATCH = 16384


def setup_inputs(seed: int = 0) -> dict:
    key = jax.random.key(seed)
    k1, k2, k3, k4, k5, k6 = jax.random.split(key, 6)
    sampleU = jax.random.randint(k1, (BATCH,), 0, N_USERS, dtype=jnp.int32)
    sampleI = jax.random.randint(k2, (BATCH,), 0, N_ITEMS, dtype=jnp.int32)
    sampleJ = jax.random.randint(k3, (BATCH,), 0, N_ITEMS, dtype=jnp.int32)
    betaI = jax.random.normal(k4, (N_ITEMS,), dtype=jnp.float32) * 0.001
    gammaU = jax.random.normal(k5, (N_USERS, K), dtype=jnp.float32) * 0.001
    gammaI = jax.random.normal(k6, (N_ITEMS, K), dtype=jnp.float32) * 0.001
    return {
        "sampleU": sampleU,
        "sampleI": sampleI,
        "sampleJ": sampleJ,
        "betaI": betaI,
        "gammaU": gammaU,
        "gammaI": gammaI,
    }


def _score(betaI, gammaU, gammaI, u, i):
    beta_i = jnp.take(betaI, i, axis=0)
    gamma_u = jnp.take(gammaU, u, axis=0)
    gamma_i = jnp.take(gammaI, i, axis=0)
    return beta_i + jnp.sum(gamma_u * gamma_i, axis=1)


def reference(sampleU, sampleI, sampleJ, betaI, gammaU, gammaI):
    x_ui = _score(betaI, gammaU, gammaI, sampleU, sampleI)
    x_uj = _score(betaI, gammaU, gammaI, sampleU, sampleJ)
    loss = -jnp.mean(jnp.log(jax.nn.sigmoid(x_ui - x_uj)))
    return loss

if __name__ == "__main__":
    import jax
    _d = setup_inputs()
    print(jax.jit(kernel)(*tuple(_d.values())))

</pallas_src>

<mosaic_0001>
#map = affine_map<(d0, d1) -> (0)>
#map1 = affine_map<(d0, d1) -> (0, 0)>
module attributes {stable_mosaic.version = 14 : i64} {
  func.func @body(%arg0: i32, %arg1: i32, %arg2: memref<16384xi32, #tpu.memory_space<hbm>>, %arg3: memref<16384xi32, #tpu.memory_space<hbm>>, %arg4: memref<16384xi32, #tpu.memory_space<hbm>>, %arg5: memref<1000000xf32, #tpu.memory_space<hbm>>, %arg6: memref<100000x64xf32, #tpu.memory_space<hbm>>, %arg7: memref<1000000x64xf32, #tpu.memory_space<hbm>>, %arg8: memref<16384xf32, #tpu.memory_space<hbm>>, %arg9: memref<528xi32, #tpu.memory_space<vmem>>, %arg10: memref<528xi32, #tpu.memory_space<vmem>>, %arg11: memref<528xi32, #tpu.memory_space<vmem>>, %arg12: memref<256x64xf32, #tpu.memory_space<vmem>>, %arg13: memref<256x64xf32, #tpu.memory_space<vmem>>, %arg14: memref<256x64xf32, #tpu.memory_space<vmem>>, %arg15: memref<512xf32, #tpu.memory_space<vmem>>, %arg16: memref<512xf32, #tpu.memory_space<vmem>>, %arg17: memref<512xf32, #tpu.memory_space<vmem>>, %arg18: memref<!tpu.dma_semaphore, #tpu.memory_space<semaphore_mem>>) attributes {dimension_semantics = [#tpu.dimension_semantics<core_parallel>, #tpu.dimension_semantics<subcore_parallel>], iteration_bounds = array<i64: 2, 16>, scalar_prefetch = 0 : i64, scratch_operands = 10 : i64, tpu.core_type = #tpu.core_type<sc_vector_subcore>, window_params = [{transform_indices = #map}, {transform_indices = #map}, {transform_indices = #map}, {transform_indices = #map}, {transform_indices = #map1}, {transform_indices = #map1}, {transform_indices = #map}]} {
    %mul3A = arith.constant 2 : i32
    %mul3A_0 = arith.muli %arg1, %mul3A : i32
    %add3A = arith.addi %mul3A_0, %arg0 : i32
    %mul3A_1 = arith.constant 512 : i32
    %mul3A_2 = arith.muli %add3A, %mul3A_1 : i32
    "tpu.region"() ({
      %run_scoped3A = tpu.sem_alloc : memref<!tpu.dma_semaphore, #tpu.memory_space<semaphore_mem>>
      %dma_start3A_92 = arith.constant 0 : i32
      %dma_start3A_93 = tpu.memref_slice %arg9[%dma_start3A_92] : memref<528xi32, #tpu.memory_space<vmem>> -> memref<512xi32, #tpu.memory_space<vmem>>
      %dma_start3A_94 = tpu.memref_slice %arg2[%mul3A_2] : memref<16384xi32, #tpu.memory_space<hbm>> -> memref<512xi32, #tpu.memory_space<hbm>>
      %dma_start3A_95 = arith.constant 0 : i32
      %dma_start3A_96 = tpu.memref_slice %arg9[%dma_start3A_95] : memref<528xi32, #tpu.memory_space<vmem>> -> memref<512xi32, #tpu.memory_space<vmem>>
      %dma_start3A_97 = tpu.memref_slice %arg2[%mul3A_2] : memref<16384xi32, #tpu.memory_space<hbm>> -> memref<512xi32, #tpu.memory_space<hbm>>
      tpu.enqueue_dma source(%dma_start3A_97 : memref<512xi32, #tpu.memory_space<hbm>>) target(%dma_start3A_96 : memref<512xi32, #tpu.memory_space<vmem>>) target_semaphore(%run_scoped3A : memref<!tpu.dma_semaphore, #tpu.memory_space<semaphore_mem>>)
      %dma_wait3A_98 = arith.constant 0 : i32
      %dma_wait3A_99 = tpu.memref_slice %arg9[%dma_wait3A_98] : memref<528xi32, #tpu.memory_space<vmem>> -> memref<512xi32, #tpu.memory_space<vmem>>
      %dma_wait3A_100 = tpu.memref_slice %arg2[%mul3A_2] : memref<16384xi32, #tpu.memory_space<hbm>> -> memref<512xi32, #tpu.memory_space<hbm>>
      %dma_wait3A_101 = arith.constant 0 : i32
      %dma_wait3A_102 = tpu.memref_slice %arg9[%dma_wait3A_101] : memref<528xi32, #tpu.memory_space<vmem>> -> memref<512xi32, #tpu.memory_space<vmem>>
      %dma_wait3A_103 = tpu.memref_slice %arg2[%mul3A_2] : memref<16384xi32, #tpu.memory_space<hbm>> -> memref<512xi32, #tpu.memory_space<hbm>>
      tpu.wait_dma2 semaphore(%run_scoped3A : memref<!tpu.dma_semaphore, #tpu.memory_space<semaphore_mem>>) src(%dma_wait3A_103 : memref<512xi32, #tpu.memory_space<hbm>>) dst(%dma_wait3A_102 : memref<512xi32, #tpu.memory_space<vmem>>)
      tpu.yield
    }) : () -> ()
    "tpu.region"() ({
      %run_scoped3A = tpu.sem_alloc : memref<!tpu.dma_semaphore, #tpu.memory_space<semaphore_mem>>
      %dma_start3A_92 = arith.constant 0 : i32
      %dma_start3A_93 = tpu.memref_slice %arg10[%dma_start3A_92] : memref<528xi32, #tpu.memory_space<vmem>> -> memref<512xi32, #tpu.memory_space<vmem>>
      %dma_start3A_94 = tpu.memref_slice %arg3[%mul3A_2] : memref<16384xi32, #tpu.memory_space<hbm>> -> memref<512xi32, #tpu.memory_space<hbm>>
      %dma_start3A_95 = arith.constant 0 : i32
      %dma_start3A_96 = tpu.memref_slice %arg10[%dma_start3A_95] : memref<528xi32, #tpu.memory_space<vmem>> -> memref<512xi32, #tpu.memory_space<vmem>>
      %dma_start3A_97 = tpu.memref_slice %arg3[%mul3A_2] : memref<16384xi32, #tpu.memory_space<hbm>> -> memref<512xi32, #tpu.memory_space<hbm>>
      tpu.enqueue_dma source(%dma_start3A_97 : memref<512xi32, #tpu.memory_space<hbm>>) target(%dma_start3A_96 : memref<512xi32, #tpu.memory_space<vmem>>) target_semaphore(%run_scoped3A : memref<!tpu.dma_semaphore, #tpu.memory_space<semaphore_mem>>)
      %dma_wait3A_98 = arith.constant 0 : i32
      %dma_wait3A_99 = tpu.memref_slice %arg10[%dma_wait3A_98] : memref<528xi32, #tpu.memory_space<vmem>> -> memref<512xi32, #tpu.memory_space<vmem>>
      %dma_wait3A_100 = tpu.memref_slice %arg3[%mul3A_2] : memref<16384xi32, #tpu.memory_space<hbm>> -> memref<512xi32, #tpu.memory_space<hbm>>
      %dma_wait3A_101 = arith.constant 0 : i32
      %dma_wait3A_102 = tpu.memref_slice %arg10[%dma_wait3A_101] : memref<528xi32, #tpu.memory_space<vmem>> -> memref<512xi32, #tpu.memory_space<vmem>>
      %dma_wait3A_103 = tpu.memref_slice %arg3[%mul3A_2] : memref<16384xi32, #tpu.memory_space<hbm>> -> memref<512xi32, #tpu.memory_space<hbm>>
      tpu.wait_dma2 semaphore(%run_scoped3A : memref<!tpu.dma_semaphore, #tpu.memory_space<semaphore_mem>>) src(%dma_wait3A_103 : memref<512xi32, #tpu.memory_space<hbm>>) dst(%dma_wait3A_102 : memref<512xi32, #tpu.memory_space<vmem>>)
      tpu.yield
    }) : () -> ()
    "tpu.region"() ({
      %run_scoped3A = tpu.sem_alloc : memref<!tpu.dma_semaphore, #tpu.memory_space<semaphore_mem>>
      %dma_start3A_92 = arith.constant 0 : i32
      %dma_start3A_93 = tpu.memref_slice %arg11[%dma_start3A_92] : memref<528xi32, #tpu.memory_space<vmem>> -> memref<512xi32, #tpu.memory_space<vmem>>
      %dma_start3A_94 = tpu.memref_slice %arg4[%mul3A_2] : memref<16384xi32, #tpu.memory_space<hbm>> -> memref<512xi32, #tpu.memory_space<hbm>>
      %dma_start3A_95 = arith.constant 0 : i32
      %dma_start3A_96 = tpu.memref_slice %arg11[%dma_start3A_95] : memref<528xi32, #tpu.memory_space<vmem>> -> memref<512xi32, #tpu.memory_space<vmem>>
      %dma_start3A_97 = tpu.memref_slice %arg4[%mul3A_2] : memref<16384xi32, #tpu.memory_space<hbm>> -> memref<512xi32, #tpu.memory_space<hbm>>
      tpu.enqueue_dma source(%dma_start3A_97 : memref<512xi32, #tpu.memory_space<hbm>>) target(%dma_start3A_96 : memref<512xi32, #tpu.memory_space<vmem>>) target_semaphore(%run_scoped3A : memref<!tpu.dma_semaphore, #tpu.memory_space<semaphore_mem>>)
      %dma_wait3A_98 = arith.constant 0 : i32
      %dma_wait3A_99 = tpu.memref_slice %arg11[%dma_wait3A_98] : memref<528xi32, #tpu.memory_space<vmem>> -> memref<512xi32, #tpu.memory_space<vmem>>
      %dma_wait3A_100 = tpu.memref_slice %arg4[%mul3A_2] : memref<16384xi32, #tpu.memory_space<hbm>> -> memref<512xi32, #tpu.memory_space<hbm>>
      %dma_wait3A_101 = arith.constant 0 : i32
      %dma_wait3A_102 = tpu.memref_slice %arg11[%dma_wait3A_101] : memref<528xi32, #tpu.memory_space<vmem>> -> memref<512xi32, #tpu.memory_space<vmem>>
      %dma_wait3A_103 = tpu.memref_slice %arg4[%mul3A_2] : memref<16384xi32, #tpu.memory_space<hbm>> -> memref<512xi32, #tpu.memory_space<hbm>>
      tpu.wait_dma2 semaphore(%run_scoped3A : memref<!tpu.dma_semaphore, #tpu.memory_space<semaphore_mem>>) src(%dma_wait3A_103 : memref<512xi32, #tpu.memory_space<hbm>>) dst(%dma_wait3A_102 : memref<512xi32, #tpu.memory_space<vmem>>)
      tpu.yield
    }) : () -> ()
    %dma_start3A = arith.constant 0 : i32
    %dma_start3A_3 = tpu.memref_slice %arg15[%dma_start3A] : memref<512xf32, #tpu.memory_space<vmem>> -> memref<128xf32, #tpu.memory_space<vmem>>
    %dma_start3A_4 = arith.constant 0 : i32
    %dma_start3A_5 = tpu.memref_slice %arg10[%dma_start3A_4] : memref<528xi32, #tpu.memory_space<vmem>> -> memref<128xi32, #tpu.memory_space<vmem>>
    %dma_start3A_6 = arith.constant 0 : i32
    %dma_start3A_7 = tpu.memref_slice %arg5[%dma_start3A_6] : memref<1000000xf32, #tpu.memory_space<hbm>> -> memref<1000000xf32, #tpu.memory_space<hbm>>
    tpu.enqueue_indirect_dma source(%dma_start3A_7 : memref<1000000xf32, #tpu.memory_space<hbm>>) target(%dma_start3A_3 : memref<128xf32, #tpu.memory_space<vmem>>) offsets(%dma_start3A_5 : memref<128xi32, #tpu.memory_space<vmem>>) semaphore(%arg18 : memref<!tpu.dma_semaphore, #tpu.memory_space<semaphore_mem>>)
    %dma_start3A_8 = arith.constant 0 : i32
    %dma_start3A_9 = tpu.memref_slice %arg16[%dma_start3A_8] : memref<512xf32, #tpu.memory_space<vmem>> -> memref<128xf32, #tpu.memory_space<vmem>>
    %dma_start3A_10 = arith.constant 0 : i32
    %dma_start3A_11 = tpu.memref_slice %arg11[%dma_start3A_10] : memref<528xi32, #tpu.memory_space<vmem>> -> memref<128xi32, #tpu.memory_space<vmem>>
    %dma_start3A_12 = arith.constant 0 : i32
    %dma_start3A_13 = tpu.memref_slice %arg5[%dma_start3A_12] : memref<1000000xf32, #tpu.memory_space<hbm>> -> memref<1000000xf32, #tpu.memory_space<hbm>>
    tpu.enqueue_indirect_dma source(%dma_start3A_13 : memref<1000000xf32, #tpu.memory_space<hbm>>) target(%dma_start3A_9 : memref<128xf32, #tpu.memory_space<vmem>>) offsets(%dma_start3A_11 : memref<128xi32, #tpu.memory_space<vmem>>) semaphore(%arg18 : memref<!tpu.dma_semaphore, #tpu.memory_space<semaphore_mem>>)
    %dma_start3A_14 = arith.constant 128 : i32
    %dma_start3A_15 = tpu.memref_slice %arg15[%dma_start3A_14] : memref<512xf32, #tpu.memory_space<vmem>> -> memref<128xf32, #tpu.memory_space<vmem>>
    %dma_start3A_16 = arith.constant 128 : i32
    %dma_start3A_17 = tpu.memref_slice %arg10[%dma_start3A_16] : memref<528xi32, #tpu.memory_space<vmem>> -> memref<128xi32, #tpu.memory_space<vmem>>
    %dma_start3A_18 = arith.constant 0 : i32
    %dma_start3A_19 = tpu.memref_slice %arg5[%dma_start3A_18] : memref<1000000xf32, #tpu.memory_space<hbm>> -> memref<1000000xf32, #tpu.memory_space<hbm>>
    tpu.enqueue_indirect_dma source(%dma_start3A_19 : memref<1000000xf32, #tpu.memory_space<hbm>>) target(%dma_start3A_15 : memref<128xf32, #tpu.memory_space<vmem>>) offsets(%dma_start3A_17 : memref<128xi32, #tpu.memory_space<vmem>>) semaphore(%arg18 : memref<!tpu.dma_semaphore, #tpu.memory_space<semaphore_mem>>)
    %dma_start3A_20 = arith.constant 128 : i32
    %dma_start3A_21 = tpu.memref_slice %arg16[%dma_start3A_20] : memref<512xf32, #tpu.memory_space<vmem>> -> memref<128xf32, #tpu.memory_space<vmem>>
    %dma_start3A_22 = arith.constant 128 : i32
    %dma_start3A_23 = tpu.memref_slice %arg11[%dma_start3A_22] : memref<528xi32, #tpu.memory_space<vmem>> -> memref<128xi32, #tpu.memory_space<vmem>>
    %dma_start3A_24 = arith.constant 0 : i32
    %dma_start3A_25 = tpu.memref_slice %arg5[%dma_start3A_24] : memref<1000000xf32, #tpu.memory_space<hbm>> -> memref<1000000xf32, #tpu.memory_space<hbm>>
    tpu.enqueue_indirect_dma source(%dma_start3A_25 : memref<1000000xf32, #tpu.memory_space<hbm>>) target(%dma_start3A_21 : memref<128xf32, #tpu.memory_space<vmem>>) offsets(%dma_start3A_23 : memref<128xi32, #tpu.memory_space<vmem>>) semaphore(%arg18 : memref<!tpu.dma_semaphore, #tpu.memory_space<semaphore_mem>>)
    %dma_start3A_26 = arith.constant 256 : i32
    %dma_start3A_27 = tpu.memref_slice %arg15[%dma_start3A_26] : memref<512xf32, #tpu.memory_space<vmem>> -> memref<128xf32, #tpu.memory_space<vmem>>
    %dma_start3A_28 = arith.constant 256 : i32
    %dma_start3A_29 = tpu.memref_slice %arg10[%dma_start3A_28] : memref<528xi32, #tpu.memory_space<vmem>> -> memref<128xi32, #tpu.memory_space<vmem>>
    %dma_start3A_30 = arith.constant 0 : i32
    %dma_start3A_31 = tpu.memref_slice %arg5[%dma_start3A_30] : memref<1000000xf32, #tpu.memory_space<hbm>> -> memref<1000000xf32, #tpu.memory_space<hbm>>
    tpu.enqueue_indirect_dma source(%dma_start3A_31 : memref<1000000xf32, #tpu.memory_space<hbm>>) target(%dma_start3A_27 : memref<128xf32, #tpu.memory_space<vmem>>) offsets(%dma_start3A_29 : memref<128xi32, #tpu.memory_space<vmem>>) semaphore(%arg18 : memref<!tpu.dma_semaphore, #tpu.memory_space<semaphore_mem>>)
    %dma_start3A_32 = arith.constant 256 : i32
    %dma_start3A_33 = tpu.memref_slice %arg16[%dma_start3A_32] : memref<512xf32, #tpu.memory_space<vmem>> -> memref<128xf32, #tpu.memory_space<vmem>>
    %dma_start3A_34 = arith.constant 256 : i32
    %dma_start3A_35 = tpu.memref_slice %arg11[%dma_start3A_34] : memref<528xi32, #tpu.memory_space<vmem>> -> memref<128xi32, #tpu.memory_space<vmem>>
    %dma_start3A_36 = arith.constant 0 : i32
    %dma_start3A_37 = tpu.memref_slice %arg5[%dma_start3A_36] : memref<1000000xf32, #tpu.memory_space<hbm>> -> memref<1000000xf32, #tpu.memory_space<hbm>>
    tpu.enqueue_indirect_dma source(%dma_start3A_37 : memref<1000000xf32, #tpu.memory_space<hbm>>) target(%dma_start3A_33 : memref<128xf32, #tpu.memory_space<vmem>>) offsets(%dma_start3A_35 : memref<128xi32, #tpu.memory_space<vmem>>) semaphore(%arg18 : memref<!tpu.dma_semaphore, #tpu.memory_space<semaphore_mem>>)
    %dma_start3A_38 = arith.constant 384 : i32
    %dma_start3A_39 = tpu.memref_slice %arg15[%dma_start3A_38] : memref<512xf32, #tpu.memory_space<vmem>> -> memref<128xf32, #tpu.memory_space<vmem>>
    %dma_start3A_40 = arith.constant 384 : i32
    %dma_start3A_41 = tpu.memref_slice %arg10[%dma_start3A_40] : memref<528xi32, #tpu.memory_space<vmem>> -> memref<128xi32, #tpu.memory_space<vmem>>
    %dma_start3A_42 = arith.constant 0 : i32
    %dma_start3A_43 = tpu.memref_slice %arg5[%dma_start3A_42] : memref<1000000xf32, #tpu.memory_space<hbm>> -> memref<1000000xf32, #tpu.memory_space<hbm>>
    tpu.enqueue_indirect_dma source(%dma_start3A_43 : memref<1000000xf32, #tpu.memory_space<hbm>>) target(%dma_start3A_39 : memref<128xf32, #tpu.memory_space<vmem>>) offsets(%dma_start3A_41 : memref<128xi32, #tpu.memory_space<vmem>>) semaphore(%arg18 : memref<!tpu.dma_semaphore, #tpu.memory_space<semaphore_mem>>)
    %dma_start3A_44 = arith.constant 384 : i32
    %dma_start3A_45 = tpu.memref_slice %arg16[%dma_start3A_44] : memref<512xf32, #tpu.memory_space<vmem>> -> memref<128xf32, #tpu.memory_space<vmem>>
    %dma_start3A_46 = arith.constant 384 : i32
    %dma_start3A_47 = tpu.memref_slice %arg11[%dma_start3A_46] : memref<528xi32, #tpu.memory_space<vmem>> -> memref<128xi32, #tpu.memory_space<vmem>>
    %dma_start3A_48 = arith.constant 0 : i32
    %dma_start3A_49 = tpu.memref_slice %arg5[%dma_start3A_48] : memref<1000000xf32, #tpu.memory_space<hbm>> -> memref<1000000xf32, #tpu.memory_space<hbm>>
    tpu.enqueue_indirect_dma source(%dma_start3A_49 : memref<1000000xf32, #tpu.memory_space<hbm>>) target(%dma_start3A_45 : memref<128xf32, #tpu.memory_space<vmem>>) offsets(%dma_start3A_47 : memref<128xi32, #tpu.memory_space<vmem>>) semaphore(%arg18 : memref<!tpu.dma_semaphore, #tpu.memory_space<semaphore_mem>>)
    %dma_wait3A = arith.constant 0 : i32
    %dma_wait3A_50 = tpu.memref_slice %arg5[%dma_wait3A] : memref<1000000xf32, #tpu.memory_space<hbm>> -> memref<512xf32, #tpu.memory_space<hbm>>
    %dma_wait3A_51 = arith.constant 0 : i32
    %dma_wait3A_52 = tpu.memref_slice %arg5[%dma_wait3A_51] : memref<1000000xf32, #tpu.memory_space<hbm>> -> memref<512xf32, #tpu.memory_space<hbm>>
    tpu.wait_dma2 semaphore(%arg18 : memref<!tpu.dma_semaphore, #tpu.memory_space<semaphore_mem>>) src(%dma_wait3A_52 : memref<512xf32, #tpu.memory_space<hbm>>) dst(%arg15 : memref<512xf32, #tpu.memory_space<vmem>>)
    %dma_wait3A_53 = arith.constant 0 : i32
    %dma_wait3A_54 = tpu.memref_slice %arg5[%dma_wait3A_53] : memref<1000000xf32, #tpu.memory_space<hbm>> -> memref<512xf32, #tpu.memory_space<hbm>>
    %dma_wait3A_55 = arith.constant 0 : i32
    %dma_wait3A_56 = tpu.memref_slice %arg5[%dma_wait3A_55] : memref<1000000xf32, #tpu.memory_space<hbm>> -> memref<512xf32, #tpu.memory_space<hbm>>
    tpu.wait_dma2 semaphore(%arg18 : memref<!tpu.dma_semaphore, #tpu.memory_space<semaphore_mem>>) src(%dma_wait3A_56 : memref<512xf32, #tpu.memory_space<hbm>>) dst(%arg16 : memref<512xf32, #tpu.memory_space<vmem>>)
    %iota3A = tpu.iota {dimensions = array<i32: 0>} : vector<16xi32>
    %scan3A = arith.constant 0 : i32
    %scan3A_57 = arith.constant 0 : i32
    %scan3A_58 = arith.constant 256 : i32
    %scan3A_59 = arith.addi %scan3A_57, %scan3A_58 : i32
    %scan3A_60 = arith.constant 1 : i32
    scf.for %scan3A_92 = %scan3A_57 to %scan3A_59 step %scan3A_60  : i32 {
      %add3A_93 = arith.constant 0 : i32
      %add3A_94 = arith.addi %add3A_93, %scan3A_92 : i32
      %get3A = arith.index_cast %add3A_94 : i32 to index
      %get3A_95 = tpu.vector_load %arg9[%get3A] {strides = array<i32>} : memref<528xi32, #tpu.memory_space<vmem>>, vector<16xi32>,
      %slice3A = vector.extract_strided_slice %get3A_95 {offsets = [0], sizes = [1], strides = [1]} : vector<16xi32> to vector<1xi32>
      %squeeze3A = vector.extract %slice3A[0] : i32 from vector<1xi32>
      %add3A_96 = arith.constant 0 : i32
      %add3A_97 = arith.addi %add3A_96, %scan3A_92 : i32
      %get3A_98 = arith.index_cast %add3A_97 : i32 to index
      %get3A_99 = tpu.vector_load %arg10[%get3A_98] {strides = array<i32>} : memref<528xi32, #tpu.memory_space<vmem>>, vector<16xi32>,
      %slice3A_100 = vector.extract_strided_slice %get3A_99 {offsets = [0], sizes = [1], strides = [1]} : vector<16xi32> to vector<1xi32>
      %squeeze3A_101 = vector.extract %slice3A_100[0] : i32 from vector<1xi32>
      %add3A_102 = arith.constant 0 : i32
      %add3A_103 = arith.addi %add3A_102, %scan3A_92 : i32
      %get3A_104 = arith.index_cast %add3A_103 : i32 to index
      %get3A_105 = tpu.vector_load %arg11[%get3A_104] {strides = array<i32>} : memref<528xi32, #tpu.memory_space<vmem>>, vector<16xi32>,
      %slice3A_106 = vector.extract_strided_slice %get3A_105 {offsets = [0], sizes = [1], strides = [1]} : vector<16xi32> to vector<1xi32>
      %squeeze3A_107 = vector.extract %slice3A_106[0] : i32 from vector<1xi32>
      %dma_start3A_108 = arith.constant 0 : i32
      %dma_start3A_109 = tpu.memref_slice %arg12[%scan3A_92, %dma_start3A_108] : memref<256x64xf32, #tpu.memory_space<vmem>> -> memref<1x64xf32, #tpu.memory_space<vmem>>
      %dma_start3A_110 = arith.constant 0 : i32
      %dma_start3A_111 = tpu.memref_slice %arg6[%squeeze3A, %dma_start3A_110] : memref<100000x64xf32, #tpu.memory_space<hbm>> -> memref<1x64xf32, #tpu.memory_space<hbm>>
      %dma_start3A_112 = arith.constant 0 : i32
      %dma_start3A_113 = tpu.memref_slice %arg12[%scan3A_92, %dma_start3A_112] : memref<256x64xf32, #tpu.memory_space<vmem>> -> memref<1x64xf32, #tpu.memory_space<vmem>>
      %dma_start3A_114 = arith.constant 0 : i32
      %dma_start3A_115 = tpu.memref_slice %arg6[%squeeze3A, %dma_start3A_114] : memref<100000x64xf32, #tpu.memory_space<hbm>> -> memref<1x64xf32, #tpu.memory_space<hbm>>
      tpu.enqueue_dma source(%dma_start3A_115 : memref<1x64xf32, #tpu.memory_space<hbm>>) target(%dma_start3A_113 : memref<1x64xf32, #tpu.memory_space<vmem>>) target_semaphore(%arg18 : memref<!tpu.dma_semaphore, #tpu.memory_space<semaphore_mem>>)
      %dma_start3A_116 = arith.constant 0 : i32
      %dma_start3A_117 = tpu.memref_slice %arg13[%scan3A_92, %dma_start3A_116] : memref<256x64xf32, #tpu.memory_space<vmem>> -> memref<1x64xf32, #tpu.memory_space<vmem>>
      %dma_start3A_118 = arith.constant 0 : i32
      %dma_start3A_119 = tpu.memref_slice %arg7[%squeeze3A_101, %dma_start3A_118] : memref<1000000x64xf32, #tpu.memory_space<hbm>> -> memref<1x64xf32, #tpu.memory_space<hbm>>
      %dma_start3A_120 = arith.constant 0 : i32
      %dma_start3A_121 = tpu.memref_slice %arg13[%scan3A_92, %dma_start3A_120] : memref<256x64xf32, #tpu.memory_space<vmem>> -> memref<1x64xf32, #tpu.memory_space<vmem>>
      %dma_start3A_122 = arith.constant 0 : i32
      %dma_start3A_123 = tpu.memref_slice %arg7[%squeeze3A_101, %dma_start3A_122] : memref<1000000x64xf32, #tpu.memory_space<hbm>> -> memref<1x64xf32, #tpu.memory_space<hbm>>
      tpu.enqueue_dma source(%dma_start3A_123 : memref<1x64xf32, #tpu.memory_space<hbm>>) target(%dma_start3A_121 : memref<1x64xf32, #tpu.memory_space<vmem>>) target_semaphore(%arg18 : memref<!tpu.dma_semaphore, #tpu.memory_space<semaphore_mem>>)
      %dma_start3A_124 = arith.constant 0 : i32
      %dma_start3A_125 = tpu.memref_slice %arg14[%scan3A_92, %dma_start3A_124] : memref<256x64xf32, #tpu.memory_space<vmem>> -> memref<1x64xf32, #tpu.memory_space<vmem>>
      %dma_start3A_126 = arith.constant 0 : i32
      %dma_start3A_127 = tpu.memref_slice %arg7[%squeeze3A_107, %dma_start3A_126] : memref<1000000x64xf32, #tpu.memory_space<hbm>> -> memref<1x64xf32, #tpu.memory_space<hbm>>
      %dma_start3A_128 = arith.constant 0 : i32
      %dma_start3A_129 = tpu.memref_slice %arg14[%scan3A_92, %dma_start3A_128] : memref<256x64xf32, #tpu.memory_space<vmem>> -> memref<1x64xf32, #tpu.memory_space<vmem>>
      %dma_start3A_130 = arith.constant 0 : i32
      %dma_start3A_131 = tpu.memref_slice %arg7[%squeeze3A_107, %dma_start3A_130] : memref<1000000x64xf32, #tpu.memory_space<hbm>> -> memref<1x64xf32, #tpu.memory_space<hbm>>
      tpu.enqueue_dma source(%dma_start3A_131 : memref<1x64xf32, #tpu.memory_space<hbm>>) target(%dma_start3A_129 : memref<1x64xf32, #tpu.memory_space<vmem>>) target_semaphore(%arg18 : memref<!tpu.dma_semaphore, #tpu.memory_space<semaphore_mem>>)
    }
    %scan3A_61 = arith.constant 256 : i32
    %scan3A_62 = arith.constant 0 : i32
    %scan3A_63 = arith.constant 0 : i32
    %scan3A_64 = arith.constant 256 : i32
    %scan3A_65 = arith.addi %scan3A_63, %scan3A_64 : i32
    %scan3A_66 = arith.constant 1 : i32
    scf.for %scan3A_92 = %scan3A_63 to %scan3A_65 step %scan3A_66  : i32 {
      %add3A_93 = arith.constant 0 : i32
      %add3A_94 = arith.addi %add3A_93, %scan3A_92 : i32
      %get3A = arith.index_cast %add3A_94 : i32 to index
      %get3A_95 = tpu.vector_load %arg9[%get3A] {strides = array<i32>} : memref<528xi32, #tpu.memory_space<vmem>>, vector<16xi32>,
      %slice3A = vector.extract_strided_slice %get3A_95 {offsets = [0], sizes = [1], strides = [1]} : vector<16xi32> to vector<1xi32>
      %squeeze3A = vector.extract %slice3A[0] : i32 from vector<1xi32>
      %add3A_96 = arith.constant 0 : i32
      %add3A_97 = arith.addi %add3A_96, %scan3A_92 : i32
      %get3A_98 = arith.index_cast %add3A_97 : i32 to index
      %get3A_99 = tpu.vector_load %arg10[%get3A_98] {strides = array<i32>} : memref<528xi32, #tpu.memory_space<vmem>>, vector<16xi32>,
      %slice3A_100 = vector.extract_strided_slice %get3A_99 {offsets = [0], sizes = [1], strides = [1]} : vector<16xi32> to vector<1xi32>
      %squeeze3A_101 = vector.extract %slice3A_100[0] : i32 from vector<1xi32>
      %add3A_102 = arith.constant 0 : i32
      %add3A_103 = arith.addi %add3A_102, %scan3A_92 : i32
      %get3A_104 = arith.index_cast %add3A_103 : i32 to index
      %get3A_105 = tpu.vector_load %arg11[%get3A_104] {strides = array<i32>} : memref<528xi32, #tpu.memory_space<vmem>>, vector<16xi32>,
      %slice3A_106 = vector.extract_strided_slice %get3A_105 {offsets = [0], sizes = [1], strides = [1]} : vector<16xi32> to vector<1xi32>
      %squeeze3A_107 = vector.extract %slice3A_106[0] : i32 from vector<1xi32>
      %dma_wait3A_108 = arith.constant 0 : i32
      %dma_wait3A_109 = tpu.memref_slice %arg12[%scan3A_92, %dma_wait3A_108] : memref<256x64xf32, #tpu.memory_space<vmem>> -> memref<1x64xf32, #tpu.memory_space<vmem>>
      %dma_wait3A_110 = arith.constant 0 : i32
      %dma_wait3A_111 = tpu.memref_slice %arg6[%squeeze3A, %dma_wait3A_110] : memref<100000x64xf32, #tpu.memory_space<hbm>> -> memref<1x64xf32, #tpu.memory_space<hbm>>
      %dma_wait3A_112 = arith.constant 0 : i32
      %dma_wait3A_113 = tpu.memref_slice %arg12[%scan3A_92, %dma_wait3A_112] : memref<256x64xf32, #tpu.memory_space<vmem>> -> memref<1x64xf32, #tpu.memory_space<vmem>>
      %dma_wait3A_114 = arith.constant 0 : i32
      %dma_wait3A_115 = tpu.memref_slice %arg6[%squeeze3A, %dma_wait3A_114] : memref<100000x64xf32, #tpu.memory_space<hbm>> -> memref<1x64xf32, #tpu.memory_space<hbm>>
      tpu.wait_dma2 semaphore(%arg18 : memref<!tpu.dma_semaphore, #tpu.memory_space<semaphore_mem>>) src(%dma_wait3A_115 : memref<1x64xf32, #tpu.memory_space<hbm>>) dst(%dma_wait3A_113 : memref<1x64xf32, #tpu.memory_space<vmem>>)
      %dma_wait3A_116 = arith.constant 0 : i32
      %dma_wait3A_117 = tpu.memref_slice %arg13[%scan3A_92, %dma_wait3A_116] : memref<256x64xf32, #tpu.memory_space<vmem>> -> memref<1x64xf32, #tpu.memory_space<vmem>>
      %dma_wait3A_118 = arith.constant 0 : i32
      %dma_wait3A_119 = tpu.memref_slice %arg7[%squeeze3A_101, %dma_wait3A_118] : memref<1000000x64xf32, #tpu.memory_space<hbm>> -> memref<1x64xf32, #tpu.memory_space<hbm>>
      %dma_wait3A_120 = arith.constant 0 : i32
      %dma_wait3A_121 = tpu.memref_slice %arg13[%scan3A_92, %dma_wait3A_120] : memref<256x64xf32, #tpu.memory_space<vmem>> -> memref<1x64xf32, #tpu.memory_space<vmem>>
      %dma_wait3A_122 = arith.constant 0 : i32
      %dma_wait3A_123 = tpu.memref_slice %arg7[%squeeze3A_101, %dma_wait3A_122] : memref<1000000x64xf32, #tpu.memory_space<hbm>> -> memref<1x64xf32, #tpu.memory_space<hbm>>
      tpu.wait_dma2 semaphore(%arg18 : memref<!tpu.dma_semaphore, #tpu.memory_space<semaphore_mem>>) src(%dma_wait3A_123 : memref<1x64xf32, #tpu.memory_space<hbm>>) dst(%dma_wait3A_121 : memref<1x64xf32, #tpu.memory_space<vmem>>)
      %dma_wait3A_124 = arith.constant 0 : i32
      %dma_wait3A_125 = tpu.memref_slice %arg14[%scan3A_92, %dma_wait3A_124] : memref<256x64xf32, #tpu.memory_space<vmem>> -> memref<1x64xf32, #tpu.memory_space<vmem>>
      %dma_wait3A_126 = arith.constant 0 : i32
      %dma_wait3A_127 = tpu.memref_slice %arg7[%squeeze3A_107, %dma_wait3A_126] : memref<1000000x64xf32, #tpu.memory_space<hbm>> -> memref<1x64xf32, #tpu.memory_space<hbm>>
      %dma_wait3A_128 = arith.constant 0 : i32
      %dma_wait3A_129 = tpu.memref_slice %arg14[%scan3A_92, %dma_wait3A_128] : memref<256x64xf32, #tpu.memory_space<vmem>> -> memref<1x64xf32, #tpu.memory_space<vmem>>
      %dma_wait3A_130 = arith.constant 0 : i32
      %dma_wait3A_131 = tpu.memref_slice %arg7[%squeeze3A_107, %dma_wait3A_130] : memref<1000000x64xf32, #tpu.memory_space<hbm>> -> memref<1x64xf32, #tpu.memory_space<hbm>>
      tpu.wait_dma2 semaphore(%arg18 : memref<!tpu.dma_semaphore, #tpu.memory_space<semaphore_mem>>) src(%dma_wait3A_131 : memref<1x64xf32, #tpu.memory_space<hbm>>) dst(%dma_wait3A_129 : memref<1x64xf32, #tpu.memory_space<vmem>>)
    }
    %scan3A_67 = arith.constant 256 : i32
    %scan3A_68 = arith.constant 0 : i32
    %scan3A_69 = arith.constant 0 : i32
    %scan3A_70 = arith.constant 16 : i32
    %scan3A_71 = arith.addi %scan3A_69, %scan3A_70 : i32
    %scan3A_72 = arith.constant 1 : i32
    scf.for %scan3A_92 = %scan3A_69 to %scan3A_71 step %scan3A_72  : i32 {
      %mul3A_93 = arith.constant 16 : i32
      %mul3A_94 = arith.muli %scan3A_92, %mul3A_93 : i32
      %add3A_95 = arith.constant 0 : i32
      %add3A_96 = arith.addi %add3A_95, %mul3A_94 : i32
      %get3A = arith.index_cast %add3A_96 : i32 to index
      %get3A_97 = tpu.vector_load %arg15[%get3A] {strides = array<i32>} : memref<512xf32, #tpu.memory_space<vmem>>, vector<16xf32>,
      %mul3A_98 = arith.constant 16 : i32
      %mul3A_99 = arith.muli %scan3A_92, %mul3A_98 : i32
      %add3A_100 = arith.constant 0 : i32
      %add3A_101 = arith.addi %add3A_100, %mul3A_99 : i32
      %get3A_102 = arith.index_cast %add3A_101 : i32 to index
      %get3A_103 = tpu.vector_load %arg16[%get3A_102] {strides = array<i32>} : memref<512xf32, #tpu.memory_space<vmem>>, vector<16xf32>,
      %sub3A = arith.subf %get3A_97, %get3A_103 : vector<16xf32>
      %mul3A_104 = arith.constant 16 : i32
      %mul3A_105 = arith.muli %scan3A_92, %mul3A_104 : i32
      %add3A_106 = vector.broadcast %mul3A_105 : i32 to vector<16xi32>
      %add3A_107 = arith.addi %add3A_106, %iota3A : vector<16xi32>
      %broadcast_in_dim3A = arith.constant 0 : i32
      %broadcast_in_dim3A_108 = vector.broadcast %broadcast_in_dim3A : i32 to vector<16xi32>
      %gather3A = tpu.vector_load_idx %arg12[%add3A_107, %broadcast_in_dim3A_108] : memref<256x64xf32, #tpu.memory_space<vmem>>[vector<16xi32>, vector<16xi32>], vector<16xf32>,
      %gather3A_109 = tpu.vector_load_idx %arg13[%add3A_107, %broadcast_in_dim3A_108] : memref<256x64xf32, #tpu.memory_space<vmem>>[vector<16xi32>, vector<16xi32>], vector<16xf32>,
      %gather3A_110 = tpu.vector_load_idx %arg14[%add3A_107, %broadcast_in_dim3A_108] : memref<256x64xf32, #tpu.memory_space<vmem>>[vector<16xi32>, vector<16xi32>], vector<16xf32>,
      %sub3A_111 = arith.subf %gather3A_109, %gather3A_110 : vector<16xf32>
      %mul3A_112 = arith.mulf %gather3A, %sub3A_111 : vector<16xf32>
      %add3A_113 = arith.addf %sub3A, %mul3A_112 : vector<16xf32>
      %broadcast_in_dim3A_114 = arith.constant 1 : i32
      %broadcast_in_dim3A_115 = vector.broadcast %broadcast_in_dim3A_114 : i32 to vector<16xi32>
      %gather3A_116 = tpu.vector_load_idx %arg12[%add3A_107, %broadcast_in_dim3A_115] : memref<256x64xf32, #tpu.memory_space<vmem>>[vector<16xi32>, vector<16xi32>], vector<16xf32>,
      %gather3A_117 = tpu.vector_load_idx %arg13[%add3A_107, %broadcast_in_dim3A_115] : memref<256x64xf32, #tpu.memory_space<vmem>>[vector<16xi32>, vector<16xi32>], vector<16xf32>,
      %gather3A_118 = tpu.vector_load_idx %arg14[%add3A_107, %broadcast_in_dim3A_115] : memref<256x64xf32, #tpu.memory_space<vmem>>[vector<16xi32>, vector<16xi32>], vector<16xf32>,
      %sub3A_119 = arith.subf %gather3A_117, %gather3A_118 : vector<16xf32>
      %mul3A_120 = arith.mulf %gather3A_116, %sub3A_119 : vector<16xf32>
      %add3A_121 = arith.addf %add3A_113, %mul3A_120 : vector<16xf32>
      %broadcast_in_dim3A_122 = arith.constant 2 : i32
      %broadcast_in_dim3A_123 = vector.broadcast %broadcast_in_dim3A_122 : i32 to vector<16xi32>
      %gather3A_124 = tpu.vector_load_idx %arg12[%add3A_107, %broadcast_in_dim3A_123] : memref<256x64xf32, #tpu.memory_space<vmem>>[vector<16xi32>, vector<16xi32>], vector<16xf32>,
      %gather3A_125 = tpu.vector_load_idx %arg13[%add3A_107, %broadcast_in_dim3A_123] : memref<256x64xf32, #tpu.memory_space<vmem>>[vector<16xi32>, vector<16xi32>], vector<16xf32>,
      %gather3A_126 = tpu.vector_load_idx %arg14[%add3A_107, %broadcast_in_dim3A_123] : memref<256x64xf32, #tpu.memory_space<vmem>>[vector<16xi32>, vector<16xi32>], vector<16xf32>,
      %sub3A_127 = arith.subf %gather3A_125, %gather3A_126 : vector<16xf32>
      %mul3A_128 = arith.mulf %gather3A_124, %sub3A_127 : vector<16xf32>
      %add3A_129 = arith.addf %add3A_121, %mul3A_128 : vector<16xf32>
      %broadcast_in_dim3A_130 = arith.constant 3 : i32
      %broadcast_in_dim3A_131 = vector.broadcast %broadcast_in_dim3A_130 : i32 to vector<16xi32>
      %gather3A_132 = tpu.vector_load_idx %arg12[%add3A_107, %broadcast_in_dim3A_131] : memref<256x64xf32, #tpu.memory_space<vmem>>[vector<16xi32>, vector<16xi32>], vector<16xf32>,
      %gather3A_133 = tpu.vector_load_idx %arg13[%add3A_107, %broadcast_in_dim3A_131] : memref<256x64xf32, #tpu.memory_space<vmem>>[vector<16xi32>, vector<16xi32>], vector<16xf32>,
      %gather3A_134 = tpu.vector_load_idx %arg14[%add3A_107, %broadcast_in_dim3A_131] : memref<256x64xf32, #tpu.memory_space<vmem>>[vector<16xi32>, vector<16xi32>], vector<16xf32>,
      %sub3A_135 = arith.subf %gather3A_133, %gather3A_134 : vector<16xf32>
      %mul3A_136 = arith.mulf %gather3A_132, %sub3A_135 : vector<16xf32>
      %add3A_137 = arith.addf %add3A_129, %mul3A_136 : vector<16xf32>
      %broadcast_in_dim3A_138 = arith.constant 4 : i32
      %broadcast_in_dim3A_139 = vector.broadcast %broadcast_in_dim3A_138 : i32 to vector<16xi32>
      %gather3A_140 = tpu.vector_load_idx %arg12[%add3A_107, %broadcast_in_dim3A_139] : memref<256x64xf32, #tpu.memory_space<vmem>>[vector<16xi32>, vector<16xi32>], vector<16xf32>,
      %gather3A_141 = tpu.vector_load_idx %arg13[%add3A_107, %broadcast_in_dim3A_139] : memref<256x64xf32, #tpu.memory_space<vmem>>[vector<16xi32>, vector<16xi32>], vector<16xf32>,
      %gather3A_142 = tpu.vector_load_idx %arg14[%add3A_107, %broadcast_in_dim3A_139] : memref<256x64xf32, #tpu.memory_space<vmem>>[vector<16xi32>, vector<16xi32>], vector<16xf32>,
      %sub3A_143 = arith.subf %gather3A_141, %gather3A_142 : vector<16xf32>
      %mul3A_144 = arith.mulf %gather3A_140, %sub3A_143 : vector<16xf32>
      %add3A_145 = arith.addf %add3A_137, %mul3A_144 : vector<16xf32>
      %broadcast_in_dim3A_146 = arith.constant 5 : i32
      %broadcast_in_dim3A_147 = vector.broadcast %broadcast_in_dim3A_146 : i32 to vector<16xi32>
      %gather3A_148 = tpu.vector_load_idx %arg12[%add3A_107, %broadcast_in_dim3A_147] : memref<256x64xf32, #tpu.memory_space<vmem>>[vector<16xi32>, vector<16xi32>], vector<16xf32>,
      %gather3A_149 = tpu.vector_load_idx %arg13[%add3A_107, %broadcast_in_dim3A_147] : memref<256x64xf32, #tpu.memory_space<vmem>>[vector<16xi32>, vector<16xi32>], vector<16xf32>,
      %gather3A_150 = tpu.vector_load_idx %arg14[%add3A_107, %broadcast_in_dim3A_147] : memref<256x64xf32, #tpu.memory_space<vmem>>[vector<16xi32>, vector<16xi32>], vector<16xf32>,
      %sub3A_151 = arith.subf %gather3A_149, %gather3A_150 : vector<16xf32>
      %mul3A_152 = arith.mulf %gather3A_148, %sub3A_151 : vector<16xf32>
      %add3A_153 = arith.addf %add3A_145, %mul3A_152 : vector<16xf32>
      %broadcast_in_dim3A_154 = arith.constant 6 : i32
      %broadcast_in_dim3A_155 = vector.broadcast %broadcast_in_dim3A_154 : i32 to vector<16xi32>
      %gather3A_156 = tpu.vector_load_idx %arg12[%add3A_107, %broadcast_in_dim3A_155] : memref<256x64xf32, #tpu.memory_space<vmem>>[vector<16xi32>, vector<16xi32>], vector<16xf32>,
      %gather3A_157 = tpu.vector_load_idx %arg13[%add3A_107, %broadcast_in_dim3A_155] : memref<256x64xf32, #tpu.memory_space<vmem>>[vector<16xi32>, vector<16xi32>], vector<16xf32>,
      %gather3A_158 = tpu.vector_load_idx %arg14[%add3A_107, %broadcast_in_dim3A_155] : memref<256x64xf32, #tpu.memory_space<vmem>>[vector<16xi32>, vector<16xi32>], vector<16xf32>,
      %sub3A_159 = arith.subf %gather3A_157, %gather3A_158 : vector<16xf32>
      %mul3A_160 = arith.mulf %gather3A_156, %sub3A_159 : vector<16xf32>
      %add3A_161 = arith.addf %add3A_153, %mul3A_160 : vector<16xf32>
      %broadcast_in_dim3A_162 = arith.constant 7 : i32
      %broadcast_in_dim3A_163 = vector.broadcast %broadcast_in_dim3A_162 : i32 to vector<16xi32>
      %gather3A_164 = tpu.vector_load_idx %arg12[%add3A_107, %broadcast_in_dim3A_163] : memref<256x64xf32, #tpu.memory_space<vmem>>[vector<16xi32>, vector<16xi32>], vector<16xf32>,
      %gather3A_165 = tpu.vector_load_idx %arg13[%add3A_107, %broadcast_in_dim3A_163] : memref<256x64xf32, #tpu.memory_space<vmem>>[vector<16xi32>, vector<16xi32>], vector<16xf32>,
      %gather3A_166 = tpu.vector_load_idx %arg14[%add3A_107, %broadcast_in_dim3A_163] : memref<256x64xf32, #tpu.memory_space<vmem>>[vector<16xi32>, vector<16xi32>], vector<16xf32>,
      %sub3A_167 = arith.subf %gather3A_165, %gather3A_166 : vector<16xf32>
      %mul3A_168 = arith.mulf %gather3A_164, %sub3A_167 : vector<16xf32>
      %add3A_169 = arith.addf %add3A_161, %mul3A_168 : vector<16xf32>
      %broadcast_in_dim3A_170 = arith.constant 8 : i32
      %broadcast_in_dim3A_171 = vector.broadcast %broadcast_in_dim3A_170 : i32 to vector<16xi32>
      %gather3A_172 = tpu.vector_load_idx %arg12[%add3A_107, %broadcast_in_dim3A_171] : memref<256x64xf32, #tpu.memory_space<vmem>>[vector<16xi32>, vector<16xi32>], vector<16xf32>,
      %gather3A_173 = tpu.vector_load_idx %arg13[%add3A_107, %broadcast_in_dim3A_171] : memref<256x64xf32, #tpu.memory_space<vmem>>[vector<16xi32>, vector<16xi32>], vector<16xf32>,
      %gather3A_174 = tpu.vector_load_idx %arg14[%add3A_107, %broadcast_in_dim3A_171] : memref<256x64xf32, #tpu.memory_space<vmem>>[vector<16xi32>, vector<16xi32>], vector<16xf32>,
      %sub3A_175 = arith.subf %gather3A_173, %gather3A_174 : vector<16xf32>
      %mul3A_176 = arith.mulf %gather3A_172, %sub3A_175 : vector<16xf32>
      %add3A_177 = arith.addf %add3A_169, %mul3A_176 : vector<16xf32>
      %broadcast_in_dim3A_178 = arith.constant 9 : i32
      %broadcast_in_dim3A_179 = vector.broadcast %broadcast_in_dim3A_178 : i32 to vector<16xi32>
      %gather3A_180 = tpu.vector_load_idx %arg12[%add3A_107, %broadcast_in_dim3A_179] : memref<256x64xf32, #tpu.memory_space<vmem>>[vector<16xi32>, vector<16xi32>], vector<16xf32>,
      %gather3A_181 = tpu.vector_load_idx %arg13[%add3A_107, %broadcast_in_dim3A_179] : memref<256x64xf32, #tpu.memory_space<vmem>>[vector<16xi32>, vector<16xi32>], vector<16xf32>,
      %gather3A_182 = tpu.vector_load_idx %arg14[%add3A_107, %broadcast_in_dim3A_179] : memref<256x64xf32, #tpu.memory_space<vmem>>[vector<16xi32>, vector<16xi32>], vector<16xf32>,
      %sub3A_183 = arith.subf %gather3A_181, %gather3A_182 : vector<16xf32>
      %mul3A_184 = arith.mulf %gather3A_180, %sub3A_183 : vector<16xf32>
      %add3A_185 = arith.addf %add3A_177, %mul3A_184 : vector<16xf32>
      %broadcast_in_dim3A_186 = arith.constant 10 : i32
      %broadcast_in_dim3A_187 = vector.broadcast %broadcast_in_dim3A_186 : i32 to vector<16xi32>
      %gather3A_188 = tpu.vector_load_idx %arg12[%add3A_107, %broadcast_in_dim3A_187] : memref<256x64xf32, #tpu.memory_space<vmem>>[vector<16xi32>, vector<16xi32>], vector<16xf32>,
      %gather3A_189 = tpu.vector_load_idx %arg13[%add3A_107, %broadcast_in_dim3A_187] : memref<256x64xf32, #tpu.memory_space<vmem>>[vector<16xi32>, vector<16xi32>], vector<16xf32>,
      %gather3A_190 = tpu.vector_load_idx %arg14[%add3A_107, %broadcast_in_dim3A_187] : memref<256x64xf32, #tpu.memory_space<vmem>>[vector<16xi32>, vector<16xi32>], vector<16xf32>,
      %sub3A_191 = arith.subf %gather3A_189, %gather3A_190 : vector<16xf32>
      %mul3A_192 = arith.mulf %gather3A_188, %sub3A_191 : vector<16xf32>
      %add3A_193 = arith.addf %add3A_185, %mul3A_192 : vector<16xf32>
      %broadcast_in_dim3A_194 = arith.constant 11 : i32
      %broadcast_in_dim3A_195 = vector.broadcast %broadcast_in_dim3A_194 : i32 to vector<16xi32>
      %gather3A_196 = tpu.vector_load_idx %arg12[%add3A_107, %broadcast_in_dim3A_195] : memref<256x64xf32, #tpu.memory_space<vmem>>[vector<16xi32>, vector<16xi32>], vector<16xf32>,
      %gather3A_197 = tpu.vector_load_idx %arg13[%add3A_107, %broadcast_in_dim3A_195] : memref<256x64xf32, #tpu.memory_space<vmem>>[vector<16xi32>, vector<16xi32>], vector<16xf32>,
      %gather3A_198 = tpu.vector_load_idx %arg14[%add3A_107, %broadcast_in_dim3A_195] : memref<256x64xf32, #tpu.memory_space<vmem>>[vector<16xi32>, vector<16xi32>], vector<16xf32>,
      %sub3A_199 = arith.subf %gather3A_197, %gather3A_198 : vector<16xf32>
      %mul3A_200 = arith.mulf %gather3A_196, %sub3A_199 : vector<16xf32>
      %add3A_201 = arith.addf %add3A_193, %mul3A_200 : vector<16xf32>
      %broadcast_in_dim3A_202 = arith.constant 12 : i32
      %broadcast_in_dim3A_203 = vector.broadcast %broadcast_in_dim3A_202 : i32 to vector<16xi32>
      %gather3A_204 = tpu.vector_load_idx %arg12[%add3A_107, %broadcast_in_dim3A_203] : memref<256x64xf32, #tpu.memory_space<vmem>>[vector<16xi32>, vector<16xi32>], vector<16xf32>,
      %gather3A_205 = tpu.vector_load_idx %arg13[%add3A_107, %broadcast_in_dim3A_203] : memref<256x64xf32, #tpu.memory_space<vmem>>[vector<16xi32>, vector<16xi32>], vector<16xf32>,
      %gather3A_206 = tpu.vector_load_idx %arg14[%add3A_107, %broadcast_in_dim3A_203] : memref<256x64xf32, #tpu.memory_space<vmem>>[vector<16xi32>, vector<16xi32>], vector<16xf32>,
      %sub3A_207 = arith.subf %gather3A_205, %gather3A_206 : vector<16xf32>
      %mul3A_208 = arith.mulf %gather3A_204, %sub3A_207 : vector<16xf32>
      %add3A_209 = arith.addf %add3A_201, %mul3A_208 : vector<16xf32>
      %broadcast_in_dim3A_210 = arith.constant 13 : i32
      %broadcast_in_dim3A_211 = vector.broadcast %broadcast_in_dim3A_210 : i32 to vector<16xi32>
      %gather3A_212 = tpu.vector_load_idx %arg12[%add3A_107, %broadcast_in_dim3A_211] : memref<256x64xf32, #tpu.memory_space<vmem>>[vector<16xi32>, vector<16xi32>], vector<16xf32>,
      %gather3A_213 = tpu.vector_load_idx %arg13[%add3A_107, %broadcast_in_dim3A_211] : memref<256x64xf32, #tpu.memory_space<vmem>>[vector<16xi32>, vector<16xi32>], vector<16xf32>,
      %gather3A_214 = tpu.vector_load_idx %arg14[%add3A_107, %broadcast_in_dim3A_211] : memref<256x64xf32, #tpu.memory_space<vmem>>[vector<16xi32>, vector<16xi32>], vector<16xf32>,
      %sub3A_215 = arith.subf %gather3A_213, %gather3A_214 : vector<16xf32>
      %mul3A_216 = arith.mulf %gather3A_212, %sub3A_215 : vector<16xf32>
      %add3A_217 = arith.addf %add3A_209, %mul3A_216 : vector<16xf32>
      %broadcast_in_dim3A_218 = arith.constant 14 : i32
      %broadcast_in_dim3A_219 = vector.broadcast %broadcast_in_dim3A_218 : i32 to vector<16xi32>
      %gather3A_220 = tpu.vector_load_idx %arg12[%add3A_107, %broadcast_in_dim3A_219] : memref<256x64xf32, #tpu.memory_space<vmem>>[vector<16xi32>, vector<16xi32>], vector<16xf32>,
      %gather3A_221 = tpu.vector_load_idx %arg13[%add3A_107, %broadcast_in_dim3A_219] : memref<256x64xf32, #tpu.memory_space<vmem>>[vector<16xi32>, vector<16xi32>], vector<16xf32>,
      %gather3A_222 = tpu.vector_load_idx %arg14[%add3A_107, %broadcast_in_dim3A_219] : memref<256x64xf32, #tpu.memory_space<vmem>>[vector<16xi32>, vector<16xi32>], vector<16xf32>,
      %sub3A_223 = arith.subf %gather3A_221, %gather3A_222 : vector<16xf32>
      %mul3A_224 = arith.mulf %gather3A_220, %sub3A_223 : vector<16xf32>
      %add3A_225 = arith.addf %add3A_217, %mul3A_224 : vector<16xf32>
      %broadcast_in_dim3A_226 = arith.constant 15 : i32
      %broadcast_in_dim3A_227 = vector.broadcast %broadcast_in_dim3A_226 : i32 to vector<16xi32>
      %gather3A_228 = tpu.vector_load_idx %arg12[%add3A_107, %broadcast_in_dim3A_227] : memref<256x64xf32, #tpu.memory_space<vmem>>[vector<16xi32>, vector<16xi32>], vector<16xf32>,
      %gather3A_229 = tpu.vector_load_idx %arg13[%add3A_107, %broadcast_in_dim3A_227] : memref<256x64xf32, #tpu.memory_space<vmem>>[vector<16xi32>, vector<16xi32>], vector<16xf32>,
      %gather3A_230 = tpu.vector_load_idx %arg14[%add3A_107, %broadcast_in_dim3A_227] : memref<256x64xf32, #tpu.memory_space<vmem>>[vector<16xi32>, vector<16xi32>], vector<16xf32>,
      %sub3A_231 = arith.subf %gather3A_229, %gather3A_230 : vector<16xf32>
      %mul3A_232 = arith.mulf %gather3A_228, %sub3A_231 : vector<16xf32>
      %add3A_233 = arith.addf %add3A_225, %mul3A_232 : vector<16xf32>
      %broadcast_in_dim3A_234 = arith.constant 16 : i32
      %broadcast_in_dim3A_235 = vector.broadcast %broadcast_in_dim3A_234 : i32 to vector<16xi32>
      %gather3A_236 = tpu.vector_load_idx %arg12[%add3A_107, %broadcast_in_dim3A_235] : memref<256x64xf32, #tpu.memory_space<vmem>>[vector<16xi32>, vector<16xi32>], vector<16xf32>,
      %gather3A_237 = tpu.vector_load_idx %arg13[%add3A_107, %broadcast_in_dim3A_235] : memref<256x64xf32, #tpu.memory_space<vmem>>[vector<16xi32>, vector<16xi32>], vector<16xf32>,
      %gather3A_238 = tpu.vector_load_idx %arg14[%add3A_107, %broadcast_in_dim3A_235] : memref<256x64xf32, #tpu.memory_space<vmem>>[vector<16xi32>, vector<16xi32>], vector<16xf32>,
      %sub3A_239 = arith.subf %gather3A_237, %gather3A_238 : vector<16xf32>
      %mul3A_240 = arith.mulf %gather3A_236, %sub3A_239 : vector<16xf32>
      %add3A_241 = arith.addf %add3A_233, %mul3A_240 : vector<16xf32>
      %broadcast_in_dim3A_242 = arith.constant 17 : i32
      %broadcast_in_dim3A_243 = vector.broadcast %broadcast_in_dim3A_242 : i32 to vector<16xi32>
      %gather3A_244 = tpu.vector_load_idx %arg12[%add3A_107, %broadcast_in_dim3A_243] : memref<256x64xf32, #tpu.memory_space<vmem>>[vector<16xi32>, vector<16xi32>], vector<16xf32>,
      %gather3A_245 = tpu.vector_load_idx %arg13[%add3A_107, %broadcast_in_dim3A_243] : memref<256x64xf32, #tpu.memory_space<vmem>>[vector<16xi32>, vector<16xi32>], vector<16xf32>,
      %gather3A_246 = tpu.vector_load_idx %arg14[%add3A_107, %broadcast_in_dim3A_243] : memref<256x64xf32, #tpu.memory_space<vmem>>[vector<16xi32>, vector<16xi32>], vector<16xf32>,
      %sub3A_247 = arith.subf %gather3A_245, %gather3A_246 : vector<16xf32>
      %mul3A_248 = arith.mulf %gather3A_244, %sub3A_247 : vector<16xf32>
      %add3A_249 = arith.addf %add3A_241, %mul3A_248 : vector<16xf32>
      %broadcast_in_dim3A_250 = arith.constant 18 : i32
      %broadcast_in_dim3A_251 = vector.broadcast %broadcast_in_dim3A_250 : i32 to vector<16xi32>
      %gather3A_252 = tpu.vector_load_idx %arg12[%add3A_107, %broadcast_in_dim3A_251] : memref<256x64xf32, #tpu.memory_space<vmem>>[vector<16xi32>, vector<16xi32>], vector<16xf32>,
      %gather3A_253 = tpu.vector_load_idx %arg13[%add3A_107, %broadcast_in_dim3A_251] : memref<256x64xf32, #tpu.memory_space<vmem>>[vector<16xi32>, vector<16xi32>], vector<16xf32>,
      %gather3A_254 = tpu.vector_load_idx %arg14[%add3A_107, %broadcast_in_dim3A_251] : memref<256x64xf32, #tpu.memory_space<vmem>>[vector<16xi32>, vector<16xi32>], vector<16xf32>,
      %sub3A_255 = arith.subf %gather3A_253, %gather3A_254 : vector<16xf32>
      %mul3A_256 = arith.mulf %gather3A_252, %sub3A_255 : vector<16xf32>
      %add3A_257 = arith.addf %add3A_249, %mul3A_256 : vector<16xf32>
      %broadcast_in_dim3A_258 = arith.constant 19 : i32
      %broadcast_in_dim3A_259 = vector.broadcast %broadcast_in_dim3A_258 : i32 to vector<16xi32>
      %gather3A_260 = tpu.vector_load_idx %arg12[%add3A_107, %broadcast_in_dim3A_259] : memref<256x64xf32, #tpu.memory_space<vmem>>[vector<16xi32>, vector<16xi32>], vector<16xf32>,
      %gather3A_261 = tpu.vector_load_idx %arg13[%add3A_107, %broadcast_in_dim3A_259] : memref<256x64xf32, #tpu.memory_space<vmem>>[vector<16xi32>, vector<16xi32>], vector<16xf32>,
      %gather3A_262 = tpu.vector_load_idx %arg14[%add3A_107, %broadcast_in_dim3A_259] : memref<256x64xf32, #tpu.memory_space<vmem>>[vector<16xi32>, vector<16xi32>], vector<16xf32>,
      %sub3A_263 = arith.subf %gather3A_261, %gather3A_262 : vector<16xf32>
      %mul3A_264 = arith.mulf %gather3A_260, %sub3A_263 : vector<16xf32>
      %add3A_265 = arith.addf %add3A_257, %mul3A_264 : vector<16xf32>
      %broadcast_in_dim3A_266 = arith.constant 20 : i32
      %broadcast_in_dim3A_267 = vector.broadcast %broadcast_in_dim3A_266 : i32 to vector<16xi32>
      %gather3A_268 = tpu.vector_load_idx %arg12[%add3A_107, %broadcast_in_dim3A_267] : memref<256x64xf32, #tpu.memory_space<vmem>>[vector<16xi32>, vector<16xi32>], vector<16xf32>,
      %gather3A_269 = tpu.vector_load_idx %arg13[%add3A_107, %broadcast_in_dim3A_267] : memref<256x64xf32, #tpu.memory_space<vmem>>[vector<16xi32>, vector<16xi32>], vector<16xf32>,
      %gather3A_270 = tpu.vector_load_idx %arg14[%add3A_107, %broadcast_in_dim3A_267] : memref<256x64xf32, #tpu.memory_space<vmem>>[vector<16xi32>, vector<16xi32>], vector<16xf32>,
      %sub3A_271 = arith.subf %gather3A_269, %gather3A_270 : vector<16xf32>
      %mul3A_272 = arith.mulf %gather3A_268, %sub3A_271 : vector<16xf32>
      %add3A_273 = arith.addf %add3A_265, %mul3A_272 : vector<16xf32>
      %broadcast_in_dim3A_274 = arith.constant 21 : i32
      %broadcast_in_dim3A_275 = vector.broadcast %broadcast_in_dim3A_274 : i32 to vector<16xi32>
      %gather3A_276 = tpu.vector_load_idx %arg12[%add3A_107, %broadcast_in_dim3A_275] : memref<256x64xf32, #tpu.memory_space<vmem>>[vector<16xi32>, vector<16xi32>], vector<16xf32>,
      %gather3A_277 = tpu.vector_load_idx %arg13[%add3A_107, %broadcast_in_dim3A_275] : memref<256x64xf32, #tpu.memory_space<vmem>>[vector<16xi32>, vector<16xi32>], vector<16xf32>,
      %gather3A_278 = tpu.vector_load_idx %arg14[%add3A_107, %broadcast_in_dim3A_275] : memref<256x64xf32, #tpu.memory_space<vmem>>[vector<16xi32>, vector<16xi32>], vector<16xf32>,
      %sub3A_279 = arith.subf %gather3A_277, %gather3A_278 : vector<16xf32>
      %mul3A_280 = arith.mulf %gather3A_276, %sub3A_279 : vector<16xf32>
      %add3A_281 = arith.addf %add3A_273, %mul3A_280 : vector<16xf32>
      %broadcast_in_dim3A_282 = arith.constant 22 : i32
      %broadcast_in_dim3A_283 = vector.broadcast %broadcast_in_dim3A_282 : i32 to vector<16xi32>
      %gather3A_284 = tpu.vector_load_idx %arg12[%add3A_107, %broadcast_in_dim3A_283] : memref<256x64xf32, #tpu.memory_space<vmem>>[vector<16xi32>, vector<16xi32>], vector<16xf32>,
      %gather3A_285 = tpu.vector_load_idx %arg13[%add3A_107, %broadcast_in_dim3A_283] : memref<256x64xf32, #tpu.memory_space<vmem>>[vector<16xi32>, vector<16xi32>], vector<16xf32>,
      %gather3A_286 = tpu.vector_load_idx %arg14[%add3A_107, %broadcast_in_dim3A_283] : memref<256x64xf32, #tpu.memory_space<vmem>>[vector<16xi32>, vector<16xi32>], vector<16xf32>,
      %sub3A_287 = arith.subf %gather3A_285, %gather3A_286 : vector<16xf32>
      %mul3A_288 = arith.mulf %gather3A_284, %sub3A_287 : vector<16xf32>
      %add3A_289 = arith.addf %add3A_281, %mul3A_288 : vector<16xf32>
      %broadcast_in_dim3A_290 = arith.constant 23 : i32
      %broadcast_in_dim3A_291 = vector.broadcast %broadcast_in_dim3A_290 : i32 to vector<16xi32>
      %gather3A_292 = tpu.vector_load_idx %arg12[%add3A_107, %broadcast_in_dim3A_291] : memref<256x64xf32, #tpu.memory_space<vmem>>[vector<16xi32>, vector<16xi32>], vector<16xf32>,
      %gather3A_293 = tpu.vector_load_idx %arg13[%add3A_107, %broadcast_in_dim3A_291] : memref<256x64xf32, #tpu.memory_space<vmem>>[vector<16xi32>, vector<16xi32>], vector<16xf32>,
      %gather3A_294 = tpu.vector_load_idx %arg14[%add3A_107, %broadcast_in_dim3A_291] : memref<256x64xf32, #tpu.memory_space<vmem>>[vector<16xi32>, vector<16xi32>], vector<16xf32>,
      %sub3A_295 = arith.subf %gather3A_293, %gather3A_294 : vector<16xf32>
      %mul3A_296 = arith.mulf %gather3A_292, %sub3A_295 : vector<16xf32>
      %add3A_297 = arith.addf %add3A_289, %mul3A_296 : vector<16xf32>
      %broadcast_in_dim3A_298 = arith.constant 24 : i32
      %broadcast_in_dim3A_299 = vector.broadcast %broadcast_in_dim3A_298 : i32 to vector<16xi32>
      %gather3A_300 = tpu.vector_load_idx %arg12[%add3A_107, %broadcast_in_dim3A_299] : memref<256x64xf32, #tpu.memory_space<vmem>>[vector<16xi32>, vector<16xi32>], vector<16xf32>,
      %gather3A_301 = tpu.vector_load_idx %arg13[%add3A_107, %broadcast_in_dim3A_299] : memref<256x64xf32, #tpu.memory_space<vmem>>[vector<16xi32>, vector<16xi32>], vector<16xf32>,
      %gather3A_302 = tpu.vector_load_idx %arg14[%add3A_107, %broadcast_in_dim3A_299] : memref<256x64xf32, #tpu.memory_space<vmem>>[vector<16xi32>, vector<16xi32>], vector<16xf32>,
      %sub3A_303 = arith.subf %gather3A_301, %gather3A_302 : vector<16xf32>
      %mul3A_304 = arith.mulf %gather3A_300, %sub3A_303 : vector<16xf32>
      %add3A_305 = arith.addf %add3A_297, %mul3A_304 : vector<16xf32>
      %broadcast_in_dim3A_306 = arith.constant 25 : i32
      %broadcast_in_dim3A_307 = vector.broadcast %broadcast_in_dim3A_306 : i32 to vector<16xi32>
      %gather3A_308 = tpu.vector_load_idx %arg12[%add3A_107, %broadcast_in_dim3A_307] : memref<256x64xf32, #tpu.memory_space<vmem>>[vector<16xi32>, vector<16xi32>], vector<16xf32>,
      %gather3A_309 = tpu.vector_load_idx %arg13[%add3A_107, %broadcast_in_dim3A_307] : memref<256x64xf32, #tpu.memory_space<vmem>>[vector<16xi32>, vector<16xi32>], vector<16xf32>,
      %gather3A_310 = tpu.vector_load_idx %arg14[%add3A_107, %broadcast_in_dim3A_307] : memref<256x64xf32, #tpu.memory_space<vmem>>[vector<16xi32>, vector<16xi32>], vector<16xf32>,
      %sub3A_311 = arith.subf %gather3A_309, %gather3A_310 : vector<16xf32>
      %mul3A_312 = arith.mulf %gather3A_308, %sub3A_311 : vector<16xf32>
      %add3A_313 = arith.addf %add3A_305, %mul3A_312 : vector<16xf32>
      %broadcast_in_dim3A_314 = arith.constant 26 : i32
      %broadcast_in_dim3A_315 = vector.broadcast %broadcast_in_dim3A_314 : i32 to vector<16xi32>
      %gather3A_316 = tpu.vector_load_idx %arg12[%add3A_107, %broadcast_in_dim3A_315] : memref<256x64xf32, #tpu.memory_space<vmem>>[vector<16xi32>, vector<16xi32>], vector<16xf32>,
      %gather3A_317 = tpu.vector_load_idx %arg13[%add3A_107, %broadcast_in_dim3A_315] : memref<256x64xf32, #tpu.memory_space<vmem>>[vector<16xi32>, vector<16xi32>], vector<16xf32>,
      %gather3A_318 = tpu.vector_load_idx %arg14[%add3A_107, %broadcast_in_dim3A_315] : memref<256x64xf32, #tpu.memory_space<vmem>>[vector<16xi32>, vector<16xi32>], vector<16xf32>,
      %sub3A_319 = arith.subf %gather3A_317, %gather3A_318 : vector<16xf32>
      %mul3A_320 = arith.mulf %gather3A_316, %sub3A_319 : vector<16xf32>
      %add3A_321 = arith.addf %add3A_313, %mul3A_320 : vector<16xf32>
      %broadcast_in_dim3A_322 = arith.constant 27 : i32
      %broadcast_in_dim3A_323 = vector.broadcast %broadcast_in_dim3A_322 : i32 to vector<16xi32>
      %gather3A_324 = tpu.vector_load_idx %arg12[%add3A_107, %broadcast_in_dim3A_323] : memref<256x64xf32, #tpu.memory_space<vmem>>[vector<16xi32>, vector<16xi32>], vector<16xf32>,
      %gather3A_325 = tpu.vector_load_idx %arg13[%add3A_107, %broadcast_in_dim3A_323] : memref<256x64xf32, #tpu.memory_space<vmem>>[vector<16xi32>, vector<16xi32>], vector<16xf32>,
      %gather3A_326 = tpu.vector_load_idx %arg14[%add3A_107, %broadcast_in_dim3A_323] : memref<256x64xf32, #tpu.memory_space<vmem>>[vector<16xi32>, vector<16xi32>], vector<16xf32>,
      %sub3A_327 = arith.subf %gather3A_325, %gather3A_326 : vector<16xf32>
      %mul3A_328 = arith.mulf %gather3A_324, %sub3A_327 : vector<16xf32>
      %add3A_329 = arith.addf %add3A_321, %mul3A_328 : vector<16xf32>
      %broadcast_in_dim3A_330 = arith.constant 28 : i32
      %broadcast_in_dim3A_331 = vector.broadcast %broadcast_in_dim3A_330 : i32 to vector<16xi32>
      %gather3A_332 = tpu.vector_load_idx %arg12[%add3A_107, %broadcast_in_dim3A_331] : memref<256x64xf32, #tpu.memory_space<vmem>>[vector<16xi32>, vector<16xi32>], vector<16xf32>,
      %gather3A_333 = tpu.vector_load_idx %arg13[%add3A_107, %broadcast_in_dim3A_331] : memref<256x64xf32, #tpu.memory_space<vmem>>[vector<16xi32>, vector<16xi32>], vector<16xf32>,
      %gather3A_334 = tpu.vector_load_idx %arg14[%add3A_107, %broadcast_in_dim3A_331] : memref<256x64xf32, #tpu.memory_space<vmem>>[vector<16xi32>, vector<16xi32>], vector<16xf32>,
      %sub3A_335 = arith.subf %gather3A_333, %gather3A_334 : vector<16xf32>
      %mul3A_336 = arith.mulf %gather3A_332, %sub3A_335 : vector<16xf32>
      %add3A_337 = arith.addf %add3A_329, %mul3A_336 : vector<16xf32>
      %broadcast_in_dim3A_338 = arith.constant 29 : i32
      %broadcast_in_dim3A_339 = vector.broadcast %broadcast_in_dim3A_338 : i32 to vector<16xi32>
      %gather3A_340 = tpu.vector_load_idx %arg12[%add3A_107, %broadcast_in_dim3A_339] : memref<256x64xf32, #tpu.memory_space<vmem>>[vector<16xi32>, vector<16xi32>], vector<16xf32>,
      %gather3A_341 = tpu.vector_load_idx %arg13[%add3A_107, %broadcast_in_dim3A_339] : memref<256x64xf32, #tpu.memory_space<vmem>>[vector<16xi32>, vector<16xi32>], vector<16xf32>,
      %gather3A_342 = tpu.vector_load_idx %arg14[%add3A_107, %broadcast_in_dim3A_339] : memref<256x64xf32, #tpu.memory_space<vmem>>[vector<16xi32>, vector<16xi32>], vector<16xf32>,
      %sub3A_343 = arith.subf %gather3A_341, %gather3A_342 : vector<16xf32>
      %mul3A_344 = arith.mulf %gather3A_340, %sub3A_343 : vector<16xf32>
      %add3A_345 = arith.addf %add3A_337, %mul3A_344 : vector<16xf32>
      %broadcast_in_dim3A_346 = arith.constant 30 : i32
      %broadcast_in_dim3A_347 = vector.broadcast %broadcast_in_dim3A_346 : i32 to vector<16xi32>
      %gather3A_348 = tpu.vector_load_idx %arg12[%add3A_107, %broadcast_in_dim3A_347] : memref<256x64xf32, #tpu.memory_space<vmem>>[vector<16xi32>, vector<16xi32>], vector<16xf32>,
      %gather3A_349 = tpu.vector_load_idx %arg13[%add3A_107, %broadcast_in_dim3A_347] : memref<256x64xf32, #tpu.memory_space<vmem>>[vector<16xi32>, vector<16xi32>], vector<16xf32>,
      %gather3A_350 = tpu.vector_load_idx %arg14[%add3A_107, %broadcast_in_dim3A_347] : memref<256x64xf32, #tpu.memory_space<vmem>>[vector<16xi32>, vector<16xi32>], vector<16xf32>,
      %sub3A_351 = arith.subf %gather3A_349, %gather3A_350 : vector<16xf32>
      %mul3A_352 = arith.mulf %gather3A_348, %sub3A_351 : vector<16xf32>
      %add3A_353 = arith.addf %add3A_345, %mul3A_352 : vector<16xf32>
      %broadcast_in_dim3A_354 = arith.constant 31 : i32
      %broadcast_in_dim3A_355 = vector.broadcast %broadcast_in_dim3A_354 : i32 to vector<16xi32>
      %gather3A_356 = tpu.vector_load_idx %arg12[%add3A_107, %broadcast_in_dim3A_355] : memref<256x64xf32, #tpu.memory_space<vmem>>[vector<16xi32>, vector<16xi32>], vector<16xf32>,
      %gather3A_357 = tpu.vector_load_idx %arg13[%add3A_107, %broadcast_in_dim3A_355] : memref<256x64xf32, #tpu.memory_space<vmem>>[vector<16xi32>, vector<16xi32>], vector<16xf32>,
      %gather3A_358 = tpu.vector_load_idx %arg14[%add3A_107, %broadcast_in_dim3A_355] : memref<256x64xf32, #tpu.memory_space<vmem>>[vector<16xi32>, vector<16xi32>], vector<16xf32>,
      %sub3A_359 = arith.subf %gather3A_357, %gather3A_358 : vector<16xf32>
      %mul3A_360 = arith.mulf %gather3A_356, %sub3A_359 : vector<16xf32>
      %add3A_361 = arith.addf %add3A_353, %mul3A_360 : vector<16xf32>
      %broadcast_in_dim3A_362 = arith.constant 32 : i32
      %broadcast_in_dim3A_363 = vector.broadcast %broadcast_in_dim3A_362 : i32 to vector<16xi32>
      %gather3A_364 = tpu.vector_load_idx %arg12[%add3A_107, %broadcast_in_dim3A_363] : memref<256x64xf32, #tpu.memory_space<vmem>>[vector<16xi32>, vector<16xi32>], vector<16xf32>,
      %gather3A_365 = tpu.vector_load_idx %arg13[%add3A_107, %broadcast_in_dim3A_363] : memref<256x64xf32, #tpu.memory_space<vmem>>[vector<16xi32>, vector<16xi32>], vector<16xf32>,
      %gather3A_366 = tpu.vector_load_idx %arg14[%add3A_107, %broadcast_in_dim3A_363] : memref<256x64xf32, #tpu.memory_space<vmem>>[vector<16xi32>, vector<16xi32>], vector<16xf32>,
      %sub3A_367 = arith.subf %gather3A_365, %gather3A_366 : vector<16xf32>
      %mul3A_368 = arith.mulf %gather3A_364, %sub3A_367 : vector<16xf32>
      %add3A_369 = arith.addf %add3A_361, %mul3A_368 : vector<16xf32>
      %broadcast_in_dim3A_370 = arith.constant 33 : i32
      %broadcast_in_dim3A_371 = vector.broadcast %broadcast_in_dim3A_370 : i32 to vector<16xi32>
      %gather3A_372 = tpu.vector_load_idx %arg12[%add3A_107, %broadcast_in_dim3A_371] : memref<256x64xf32, #tpu.memory_space<vmem>>[vector<16xi32>, vector<16xi32>], vector<16xf32>,
      %gather3A_373 = tpu.vector_load_idx %arg13[%add3A_107, %broadcast_in_dim3A_371] : memref<256x64xf32, #tpu.memory_space<vmem>>[vector<16xi32>, vector<16xi32>], vector<16xf32>,
      %gather3A_374 = tpu.vector_load_idx %arg14[%add3A_107, %broadcast_in_dim3A_371] : memref<256x64xf32, #tpu.memory_space<vmem>>[vector<16xi32>, vector<16xi32>], vector<16xf32>,
      %sub3A_375 = arith.subf %gather3A_373, %gather3A_374 : vector<16xf32>
      %mul3A_376 = arith.mulf %gather3A_372, %sub3A_375 : vector<16xf32>
      %add3A_377 = arith.addf %add3A_369, %mul3A_376 : vector<16xf32>
      %broadcast_in_dim3A_378 = arith.constant 34 : i32
      %broadcast_in_dim3A_379 = vector.broadcast %broadcast_in_dim3A_378 : i32 to vector<16xi32>
      %gather3A_380 = tpu.vector_load_idx %arg12[%add3A_107, %broadcast_in_dim3A_379] : memref<256x64xf32, #tpu.memory_space<vmem>>[vector<16xi32>, vector<16xi32>], vector<16xf32>,
      %gather3A_381 = tpu.vector_load_idx %arg13[%add3A_107, %broadcast_in_dim3A_379] : memref<256x64xf32, #tpu.memory_space<vmem>>[vector<16xi32>, vector<16xi32>], vector<16xf32>,
      %gather3A_382 = tpu.vector_load_idx %arg14[%add3A_107, %broadcast_in_dim3A_379] : memref<256x64xf32, #tpu.memory_space<vmem>>[vector<16xi32>, vector<16xi32>], vector<16xf32>,
      %sub3A_383 = arith.subf %gather3A_381, %gather3A_382 : vector<16xf32>
      %mul3A_384 = arith.mulf %gather3A_380, %sub3A_383 : vector<16xf32>
      %add3A_385 = arith.addf %add3A_377, %mul3A_384 : vector<16xf32>
      %broadcast_in_dim3A_386 = arith.constant 35 : i32
      %broadcast_in_dim3A_387 = vector.broadcast %broadcast_in_dim3A_386 : i32 to vector<16xi32>
      %gather3A_388 = tpu.vector_load_idx %arg12[%add3A_107, %broadcast_in_dim3A_387] : memref<256x64xf32, #tpu.memory_space<vmem>>[vector<16xi32>, vector<16xi32>], vector<16xf32>,
      %gather3A_389 = tpu.vector_load_idx %arg13[%add3A_107, %broadcast_in_dim3A_387] : memref<256x64xf32, #tpu.memory_space<vmem>>[vector<16xi32>, vector<16xi32>], vector<16xf32>,
      %gather3A_390 = tpu.vector_load_idx %arg14[%add3A_107, %broadcast_in_dim3A_387] : memref<256x64xf32, #tpu.memory_space<vmem>>[vector<16xi32>, vector<16xi32>], vector<16xf32>,
      %sub3A_391 = arith.subf %gather3A_389, %gather3A_390 : vector<16xf32>
      %mul3A_392 = arith.mulf %gather3A_388, %sub3A_391 : vector<16xf32>
      %add3A_393 = arith.addf %add3A_385, %mul3A_392 : vector<16xf32>
      %broadcast_in_dim3A_394 = arith.constant 36 : i32
      %broadcast_in_dim3A_395 = vector.broadcast %broadcast_in_dim3A_394 : i32 to vector<16xi32>
      %gather3A_396 = tpu.vector_load_idx %arg12[%add3A_107, %broadcast_in_dim3A_395] : memref<256x64xf32, #tpu.memory_space<vmem>>[vector<16xi32>, vector<16xi32>], vector<16xf32>,
      %gather3A_397 = tpu.vector_load_idx %arg13[%add3A_107, %broadcast_in_dim3A_395] : memref<256x64xf32, #tpu.memory_space<vmem>>[vector<16xi32>, vector<16xi32>], vector<16xf32>,
      %gather3A_398 = tpu.vector_load_idx %arg14[%add3A_107, %broadcast_in_dim3A_395] : memref<256x64xf32, #tpu.memory_space<vmem>>[vector<16xi32>, vector<16xi32>], vector<16xf32>,
      %sub3A_399 = arith.subf %gather3A_397, %gather3A_398 : vector<16xf32>
      %mul3A_400 = arith.mulf %gather3A_396, %sub3A_399 : vector<16xf32>
      %add3A_401 = arith.addf %add3A_393, %mul3A_400 : vector<16xf32>
      %broadcast_in_dim3A_402 = arith.constant 37 : i32
      %broadcast_in_dim3A_403 = vector.broadcast %broadcast_in_dim3A_402 : i32 to vector<16xi32>
      %gather3A_404 = tpu.vector_load_idx %arg12[%add3A_107, %broadcast_in_dim3A_403] : memref<256x64xf32, #tpu.memory_space<vmem>>[vector<16xi32>, vector<16xi32>], vector<16xf32>,
      %gather3A_405 = tpu.vector_load_idx %arg13[%add3A_107, %broadcast_in_dim3A_403] : memref<256x64xf32, #tpu.memory_space<vmem>>[vector<16xi32>, vector<16xi32>], vector<16xf32>,
      %gather3A_406 = tpu.vector_load_idx %arg14[%add3A_107, %broadcast_in_dim3A_403] : memref<256x64xf32, #tpu.memory_space<vmem>>[vector<16xi32>, vector<16xi32>], vector<16xf32>,
      %sub3A_407 = arith.subf %gather3A_405, %gather3A_406 : vector<16xf32>
      %mul3A_408 = arith.mulf %gather3A_404, %sub3A_407 : vector<16xf32>
      %add3A_409 = arith.addf %add3A_401, %mul3A_408 : vector<16xf32>
      %broadcast_in_dim3A_410 = arith.constant 38 : i32
      %broadcast_in_dim3A_411 = vector.broadcast %broadcast_in_dim3A_410 : i32 to vector<16xi32>
      %gather3A_412 = tpu.vector_load_idx %arg12[%add3A_107, %broadcast_in_dim3A_411] : memref<256x64xf32, #tpu.memory_space<vmem>>[vector<16xi32>, vector<16xi32>], vector<16xf32>,
      %gather3A_413 = tpu.vector_load_idx %arg13[%add3A_107, %broadcast_in_dim3A_411] : memref<256x64xf32, #tpu.memory_space<vmem>>[vector<16xi32>, vector<16xi32>], vector<16xf32>,
      %gather3A_414 = tpu.vector_load_idx %arg14[%add3A_107, %broadcast_in_dim3A_411] : memref<256x64xf32, #tpu.memory_space<vmem>>[vector<16xi32>, vector<16xi32>], vector<16xf32>,
      %sub3A_415 = arith.subf %gather3A_413, %gather3A_414 : vector<16xf32>
      %mul3A_416 = arith.mulf %gather3A_412, %sub3A_415 : vector<16xf32>
      %add3A_417 = arith.addf %add3A_409, %mul3A_416 : vector<16xf32>
      %broadcast_in_dim3A_418 = arith.constant 39 : i32
      %broadcast_in_dim3A_419 = vector.broadcast %broadcast_in_dim3A_418 : i32 to vector<16xi32>
      %gather3A_420 = tpu.vector_load_idx %arg12[%add3A_107, %broadcast_in_dim3A_419] : memref<256x64xf32, #tpu.memory_space<vmem>>[vector<16xi32>, vector<16xi32>], vector<16xf32>,
      %gather3A_421 = tpu.vector_load_idx %arg13[%add3A_107, %broadcast_in_dim3A_419] : memref<256x64xf32, #tpu.memory_space<vmem>>[vector<16xi32>, vector<16xi32>], vector<16xf32>,
      %gather3A_422 = tpu.vector_load_idx %arg14[%add3A_107, %broadcast_in_dim3A_419] : memref<256x64xf32, #tpu.memory_space<vmem>>[vector<16xi32>, vector<16xi32>], vector<16xf32>,
      %sub3A_423 = arith.subf %gather3A_421, %gather3A_422 : vector<16xf32>
      %mul3A_424 = arith.mulf %gather3A_420, %sub3A_423 : vector<16xf32>
      %add3A_425 = arith.addf %add3A_417, %mul3A_424 : vector<16xf32>
      %broadcast_in_dim3A_426 = arith.constant 40 : i32
      %broadcast_in_dim3A_427 = vector.broadcast %broadcast_in_dim3A_426 : i32 to vector<16xi32>
      %gather3A_428 = tpu.vector_load_idx %arg12[%add3A_107, %broadcast_in_dim3A_427] : memref<256x64xf32, #tpu.memory_space<vmem>>[vector<16xi32>, vector<16xi32>], vector<16xf32>,
      %gather3A_429 = tpu.vector_load_idx %arg13[%add3A_107, %broadcast_in_dim3A_427] : memref<256x64xf32, #tpu.memory_space<vmem>>[vector<16xi32>, vector<16xi32>], vector<16xf32>,
      %gather3A_430 = tpu.vector_load_idx %arg14[%add3A_107, %broadcast_in_dim3A_427] : memref<256x64xf32, #tpu.memory_space<vmem>>[vector<16xi32>, vector<16xi32>], vector<16xf32>,
      %sub3A_431 = arith.subf %gather3A_429, %gather3A_430 : vector<16xf32>
      %mul3A_432 = arith.mulf %gather3A_428, %sub3A_431 : vector<16xf32>
      %add3A_433 = arith.addf %add3A_425, %mul3A_432 : vector<16xf32>
      %broadcast_in_dim3A_434 = arith.constant 41 : i32
      %broadcast_in_dim3A_435 = vector.broadcast %broadcast_in_dim3A_434 : i32 to vector<16xi32>
      %gather3A_436 = tpu.vector_load_idx %arg12[%add3A_107, %broadcast_in_dim3A_435] : memref<256x64xf32, #tpu.memory_space<vmem>>[vector<16xi32>, vector<16xi32>], vector<16xf32>,
      %gather3A_437 = tpu.vector_load_idx %arg13[%add3A_107, %broadcast_in_dim3A_435] : memref<256x64xf32, #tpu.memory_space<vmem>>[vector<16xi32>, vector<16xi32>], vector<16xf32>,
      %gather3A_438 = tpu.vector_load_idx %arg14[%add3A_107, %broadcast_in_dim3A_435] : memref<256x64xf32, #tpu.memory_space<vmem>>[vector<16xi32>, vector<16xi32>], vector<16xf32>,
      %sub3A_439 = arith.subf %gather3A_437, %gather3A_438 : vector<16xf32>
      %mul3A_440 = arith.mulf %gather3A_436, %sub3A_439 : vector<16xf32>
      %add3A_441 = arith.addf %add3A_433, %mul3A_440 : vector<16xf32>
      %broadcast_in_dim3A_442 = arith.constant 42 : i32
      %broadcast_in_dim3A_443 = vector.broadcast %broadcast_in_dim3A_442 : i32 to vector<16xi32>
      %gather3A_444 = tpu.vector_load_idx %arg12[%add3A_107, %broadcast_in_dim3A_443] : memref<256x64xf32, #tpu.memory_space<vmem>>[vector<16xi32>, vector<16xi32>], vector<16xf32>,
      %gather3A_445 = tpu.vector_load_idx %arg13[%add3A_107, %broadcast_in_dim3A_443] : memref<256x64xf32, #tpu.memory_space<vmem>>[vector<16xi32>, vector<16xi32>], vector<16xf32>,
      %gather3A_446 = tpu.vector_load_idx %arg14[%add3A_107, %broadcast_in_dim3A_443] : memref<256x64xf32, #tpu.memory_space<vmem>>[vector<16xi32>, vector<16xi32>], vector<16xf32>,
      %sub3A_447 = arith.subf %gather3A_445, %gather3A_446 : vector<16xf32>
      %mul3A_448 = arith.mulf %gather3A_444, %sub3A_447 : vector<16xf32>
      %add3A_449 = arith.addf %add3A_441, %mul3A_448 : vector<16xf32>
      %broadcast_in_dim3A_450 = arith.constant 43 : i32
      %broadcast_in_dim3A_451 = vector.broadcast %broadcast_in_dim3A_450 : i32 to vector<16xi32>
      %gather3A_452 = tpu.vector_load_idx %arg12[%add3A_107, %broadcast_in_dim3A_451] : memref<256x64xf32, #tpu.memory_space<vmem>>[vector<16xi32>, vector<16xi32>], vector<16xf32>,
      %gather3A_453 = tpu.vector_load_idx %arg13[%add3A_107, %broadcast_in_dim3A_451] : memref<256x64xf32, #tpu.memory_space<vmem>>[vector<16xi32>, vector<16xi32>], vector<16xf32>,
      %gather3A_454 = tpu.vector_load_idx %arg14[%add3A_107, %broadcast_in_dim3A_451] : memref<256x64xf32, #tpu.memory_space<vmem>>[vector<16xi32>, vector<16xi32>], vector<16xf32>,
      %sub3A_455 = arith.subf %gather3A_453, %gather3A_454 : vector<16xf32>
      %mul3A_456 = arith.mulf %gather3A_452, %sub3A_455 : vector<16xf32>
      %add3A_457 = arith.addf %add3A_449, %mul3A_456 : vector<16xf32>
      %broadcast_in_dim3A_458 = arith.constant 44 : i32
      %broadcast_in_dim3A_459 = vector.broadcast %broadcast_in_dim3A_458 : i32 to vector<16xi32>
      %gather3A_460 = tpu.vector_load_idx %arg12[%add3A_107, %broadcast_in_dim3A_459] : memref<256x64xf32, #tpu.memory_space<vmem>>[vector<16xi32>, vector<16xi32>], vector<16xf32>,
      %gather3A_461 = tpu.vector_load_idx %arg13[%add3A_107, %broadcast_in_dim3A_459] : memref<256x64xf32, #tpu.memory_space<vmem>>[vector<16xi32>, vector<16xi32>], vector<16xf32>,
      %gather3A_462 = tpu.vector_load_idx %arg14[%add3A_107, %broadcast_in_dim3A_459] : memref<256x64xf32, #tpu.memory_space<vmem>>[vector<16xi32>, vector<16xi32>], vector<16xf32>,
      %sub3A_463 = arith.subf %gather3A_461, %gather3A_462 : vector<16xf32>
      %mul3A_464 = arith.mulf %gather3A_460, %sub3A_463 : vector<16xf32>
      %add3A_465 = arith.addf %add3A_457, %mul3A_464 : vector<16xf32>
      %broadcast_in_dim3A_466 = arith.constant 45 : i32
      %broadcast_in_dim3A_467 = vector.broadcast %broadcast_in_dim3A_466 : i32 to vector<16xi32>
      %gather3A_468 = tpu.vector_load_idx %arg12[%add3A_107, %broadcast_in_dim3A_467] : memref<256x64xf32, #tpu.memory_space<vmem>>[vector<16xi32>, vector<16xi32>], vector<16xf32>,
      %gather3A_469 = tpu.vector_load_idx %arg13[%add3A_107, %broadcast_in_dim3A_467] : memref<256x64xf32, #tpu.memory_space<vmem>>[vector<16xi32>, vector<16xi32>], vector<16xf32>,
      %gather3A_470 = tpu.vector_load_idx %arg14[%add3A_107, %broadcast_in_dim3A_467] : memref<256x64xf32, #tpu.memory_space<vmem>>[vector<16xi32>, vector<16xi32>], vector<16xf32>,
      %sub3A_471 = arith.subf %gather3A_469, %gather3A_470 : vector<16xf32>
      %mul3A_472 = arith.mulf %gather3A_468, %sub3A_471 : vector<16xf32>
      %add3A_473 = arith.addf %add3A_465, %mul3A_472 : vector<16xf32>
      %broadcast_in_dim3A_474 = arith.constant 46 : i32
      %broadcast_in_dim3A_475 = vector.broadcast %broadcast_in_dim3A_474 : i32 to vector<16xi32>
      %gather3A_476 = tpu.vector_load_idx %arg12[%add3A_107, %broadcast_in_dim3A_475] : memref<256x64xf32, #tpu.memory_space<vmem>>[vector<16xi32>, vector<16xi32>], vector<16xf32>,
      %gather3A_477 = tpu.vector_load_idx %arg13[%add3A_107, %broadcast_in_dim3A_475] : memref<256x64xf32, #tpu.memory_space<vmem>>[vector<16xi32>, vector<16xi32>], vector<16xf32>,
      %gather3A_478 = tpu.vector_load_idx %arg14[%add3A_107, %broadcast_in_dim3A_475] : memref<256x64xf32, #tpu.memory_space<vmem>>[vector<16xi32>, vector<16xi32>], vector<16xf32>,
      %sub3A_479 = arith.subf %gather3A_477, %gather3A_478 : vector<16xf32>
      %mul3A_480 = arith.mulf %gather3A_476, %sub3A_479 : vector<16xf32>
      %add3A_481 = arith.addf %add3A_473, %mul3A_480 : vector<16xf32>
      %broadcast_in_dim3A_482 = arith.constant 47 : i32
      %broadcast_in_dim3A_483 = vector.broadcast %broadcast_in_dim3A_482 : i32 to vector<16xi32>
      %gather3A_484 = tpu.vector_load_idx %arg12[%add3A_107, %broadcast_in_dim3A_483] : memref<256x64xf32, #tpu.memory_space<vmem>>[vector<16xi32>, vector<16xi32>], vector<16xf32>,
      %gather3A_485 = tpu.vector_load_idx %arg13[%add3A_107, %broadcast_in_dim3A_483] : memref<256x64xf32, #tpu.memory_space<vmem>>[vector<16xi32>, vector<16xi32>], vector<16xf32>,
      %gather3A_486 = tpu.vector_load_idx %arg14[%add3A_107, %broadcast_in_dim3A_483] : memref<256x64xf32, #tpu.memory_space<vmem>>[vector<16xi32>, vector<16xi32>], vector<16xf32>,
      %sub3A_487 = arith.subf %gather3A_485, %gather3A_486 : vector<16xf32>
      %mul3A_488 = arith.mulf %gather3A_484, %sub3A_487 : vector<16xf32>
      %add3A_489 = arith.addf %add3A_481, %mul3A_488 : vector<16xf32>
      %broadcast_in_dim3A_490 = arith.constant 48 : i32
      %broadcast_in_dim3A_491 = vector.broadcast %broadcast_in_dim3A_490 : i32 to vector<16xi32>
      %gather3A_492 = tpu.vector_load_idx %arg12[%add3A_107, %broadcast_in_dim3A_491] : memref<256x64xf32, #tpu.memory_space<vmem>>[vector<16xi32>, vector<16xi32>], vector<16xf32>,
      %gather3A_493 = tpu.vector_load_idx %arg13[%add3A_107, %broadcast_in_dim3A_491] : memref<256x64xf32, #tpu.memory_space<vmem>>[vector<16xi32>, vector<16xi32>], vector<16xf32>,
      %gather3A_494 = tpu.vector_load_idx %arg14[%add3A_107, %broadcast_in_dim3A_491] : memref<256x64xf32, #tpu.memory_space<vmem>>[vector<16xi32>, vector<16xi32>], vector<16xf32>,
      %sub3A_495 = arith.subf %gather3A_493, %gather3A_494 : vector<16xf32>
      %mul3A_496 = arith.mulf %gather3A_492, %sub3A_495 : vector<16xf32>
      %add3A_497 = arith.addf %add3A_489, %mul3A_496 : vector<16xf32>
      %broadcast_in_dim3A_498 = arith.constant 49 : i32
      %broadcast_in_dim3A_499 = vector.broadcast %broadcast_in_dim3A_498 : i32 to vector<16xi32>
      %gather3A_500 = tpu.vector_load_idx %arg12[%add3A_107, %broadcast_in_dim3A_499] : memref<256x64xf32, #tpu.memory_space<vmem>>[vector<16xi32>, vector<16xi32>], vector<16xf32>,
      %gather3A_501 = tpu.vector_load_idx %arg13[%add3A_107, %broadcast_in_dim3A_499] : memref<256x64xf32, #tpu.memory_space<vmem>>[vector<16xi32>, vector<16xi32>], vector<16xf32>,
      %gather3A_502 = tpu.vector_load_idx %arg14[%add3A_107, %broadcast_in_dim3A_499] : memref<256x64xf32, #tpu.memory_space<vmem>>[vector<16xi32>, vector<16xi32>], vector<16xf32>,
      %sub3A_503 = arith.subf %gather3A_501, %gather3A_502 : vector<16xf32>
      %mul3A_504 = arith.mulf %gather3A_500, %sub3A_503 : vector<16xf32>
      %add3A_505 = arith.addf %add3A_497, %mul3A_504 : vector<16xf32>
      %broadcast_in_dim3A_506 = arith.constant 50 : i32
      %broadcast_in_dim3A_507 = vector.broadcast %broadcast_in_dim3A_506 : i32 to vector<16xi32>
      %gather3A_508 = tpu.vector_load_idx %arg12[%add3A_107, %broadcast_in_dim3A_507] : memref<256x64xf32, #tpu.memory_space<vmem>>[vector<16xi32>, vector<16xi32>], vector<16xf32>,
      %gather3A_509 = tpu.vector_load_idx %arg13[%add3A_107, %broadcast_in_dim3A_507] : memref<256x64xf32, #tpu.memory_space<vmem>>[vector<16xi32>, vector<16xi32>], vector<16xf32>,
      %gather3A_510 = tpu.vector_load_idx %arg14[%add3A_107, %broadcast_in_dim3A_507] : memref<256x64xf32, #tpu.memory_space<vmem>>[vector<16xi32>, vector<16xi32>], vector<16xf32>,
      %sub3A_511 = arith.subf %gather3A_509, %gather3A_510 : vector<16xf32>
      %mul3A_512 = arith.mulf %gather3A_508, %sub3A_511 : vector<16xf32>
      %add3A_513 = arith.addf %add3A_505, %mul3A_512 : vector<16xf32>
      %broadcast_in_dim3A_514 = arith.constant 51 : i32
      %broadcast_in_dim3A_515 = vector.broadcast %broadcast_in_dim3A_514 : i32 to vector<16xi32>
      %gather3A_516 = tpu.vector_load_idx %arg12[%add3A_107, %broadcast_in_dim3A_515] : memref<256x64xf32, #tpu.memory_space<vmem>>[vector<16xi32>, vector<16xi32>], vector<16xf32>,
      %gather3A_517 = tpu.vector_load_idx %arg13[%add3A_107, %broadcast_in_dim3A_515] : memref<256x64xf32, #tpu.memory_space<vmem>>[vector<16xi32>, vector<16xi32>], vector<16xf32>,
      %gather3A_518 = tpu.vector_load_idx %arg14[%add3A_107, %broadcast_in_dim3A_515] : memref<256x64xf32, #tpu.memory_space<vmem>>[vector<16xi32>, vector<16xi32>], vector<16xf32>,
      %sub3A_519 = arith.subf %gather3A_517, %gather3A_518 : vector<16xf32>
      %mul3A_520 = arith.mulf %gather3A_516, %sub3A_519 : vector<16xf32>
      %add3A_521 = arith.addf %add3A_513, %mul3A_520 : vector<16xf32>
      %broadcast_in_dim3A_522 = arith.constant 52 : i32
      %broadcast_in_dim3A_523 = vector.broadcast %broadcast_in_dim3A_522 : i32 to vector<16xi32>
      %gather3A_524 = tpu.vector_load_idx %arg12[%add3A_107, %broadcast_in_dim3A_523] : memref<256x64xf32, #tpu.memory_space<vmem>>[vector<16xi32>, vector<16xi32>], vector<16xf32>,
      %gather3A_525 = tpu.vector_load_idx %arg13[%add3A_107, %broadcast_in_dim3A_523] : memref<256x64xf32, #tpu.memory_space<vmem>>[vector<16xi32>, vector<16xi32>], vector<16xf32>,
      %gather3A_526 = tpu.vector_load_idx %arg14[%add3A_107, %broadcast_in_dim3A_523] : memref<256x64xf32, #tpu.memory_space<vmem>>[vector<16xi32>, vector<16xi32>], vector<16xf32>,
      %sub3A_527 = arith.subf %gather3A_525, %gather3A_526 : vector<16xf32>
      %mul3A_528 = arith.mulf %gather3A_524, %sub3A_527 : vector<16xf32>
      %add3A_529 = arith.addf %add3A_521, %mul3A_528 : vector<16xf32>
      %broadcast_in_dim3A_530 = arith.constant 53 : i32
      %broadcast_in_dim3A_531 = vector.broadcast %broadcast_in_dim3A_530 : i32 to vector<16xi32>
      %gather3A_532 = tpu.vector_load_idx %arg12[%add3A_107, %broadcast_in_dim3A_531] : memref<256x64xf32, #tpu.memory_space<vmem>>[vector<16xi32>, vector<16xi32>], vector<16xf32>,
      %gather3A_533 = tpu.vector_load_idx %arg13[%add3A_107, %broadcast_in_dim3A_531] : memref<256x64xf32, #tpu.memory_space<vmem>>[vector<16xi32>, vector<16xi32>], vector<16xf32>,
      %gather3A_534 = tpu.vector_load_idx %arg14[%add3A_107, %broadcast_in_dim3A_531] : memref<256x64xf32, #tpu.memory_space<vmem>>[vector<16xi32>, vector<16xi32>], vector<16xf32>,
      %sub3A_535 = arith.subf %gather3A_533, %gather3A_534 : vector<16xf32>
      %mul3A_536 = arith.mulf %gather3A_532, %sub3A_535 : vector<16xf32>
      %add3A_537 = arith.addf %add3A_529, %mul3A_536 : vector<16xf32>
      %broadcast_in_dim3A_538 = arith.constant 54 : i32
      %broadcast_in_dim3A_539 = vector.broadcast %broadcast_in_dim3A_538 : i32 to vector<16xi32>
      %gather3A_540 = tpu.vector_load_idx %arg12[%add3A_107, %broadcast_in_dim3A_539] : memref<256x64xf32, #tpu.memory_space<vmem>>[vector<16xi32>, vector<16xi32>], vector<16xf32>,
      %gather3A_541 = tpu.vector_load_idx %arg13[%add3A_107, %broadcast_in_dim3A_539] : memref<256x64xf32, #tpu.memory_space<vmem>>[vector<16xi32>, vector<16xi32>], vector<16xf32>,
      %gather3A_542 = tpu.vector_load_idx %arg14[%add3A_107, %broadcast_in_dim3A_539] : memref<256x64xf32, #tpu.memory_space<vmem>>[vector<16xi32>, vector<16xi32>], vector<16xf32>,
      %sub3A_543 = arith.subf %gather3A_541, %gather3A_542 : vector<16xf32>
      %mul3A_544 = arith.mulf %gather3A_540, %sub3A_543 : vector<16xf32>
      %add3A_545 = arith.addf %add3A_537, %mul3A_544 : vector<16xf32>
      %broadcast_in_dim3A_546 = arith.constant 55 : i32
      %broadcast_in_dim3A_547 = vector.broadcast %broadcast_in_dim3A_546 : i32 to vector<16xi32>
      %gather3A_548 = tpu.vector_load_idx %arg12[%add3A_107, %broadcast_in_dim3A_547] : memref<256x64xf32, #tpu.memory_space<vmem>>[vector<16xi32>, vector<16xi32>], vector<16xf32>,
      %gather3A_549 = tpu.vector_load_idx %arg13[%add3A_107, %broadcast_in_dim3A_547] : memref<256x64xf32, #tpu.memory_space<vmem>>[vector<16xi32>, vector<16xi32>], vector<16xf32>,
      %gather3A_550 = tpu.vector_load_idx %arg14[%add3A_107, %broadcast_in_dim3A_547] : memref<256x64xf32, #tpu.memory_space<vmem>>[vector<16xi32>, vector<16xi32>], vector<16xf32>,
      %sub3A_551 = arith.subf %gather3A_549, %gather3A_550 : vector<16xf32>
      %mul3A_552 = arith.mulf %gather3A_548, %sub3A_551 : vector<16xf32>
      %add3A_553 = arith.addf %add3A_545, %mul3A_552 : vector<16xf32>
      %broadcast_in_dim3A_554 = arith.constant 56 : i32
      %broadcast_in_dim3A_555 = vector.broadcast %broadcast_in_dim3A_554 : i32 to vector<16xi32>
      %gather3A_556 = tpu.vector_load_idx %arg12[%add3A_107, %broadcast_in_dim3A_555] : memref<256x64xf32, #tpu.memory_space<vmem>>[vector<16xi32>, vector<16xi32>], vector<16xf32>,
      %gather3A_557 = tpu.vector_load_idx %arg13[%add3A_107, %broadcast_in_dim3A_555] : memref<256x64xf32, #tpu.memory_space<vmem>>[vector<16xi32>, vector<16xi32>], vector<16xf32>,
      %gather3A_558 = tpu.vector_load_idx %arg14[%add3A_107, %broadcast_in_dim3A_555] : memref<256x64xf32, #tpu.memory_space<vmem>>[vector<16xi32>, vector<16xi32>], vector<16xf32>,
      %sub3A_559 = arith.subf %gather3A_557, %gather3A_558 : vector<16xf32>
      %mul3A_560 = arith.mulf %gather3A_556, %sub3A_559 : vector<16xf32>
      %add3A_561 = arith.addf %add3A_553, %mul3A_560 : vector<16xf32>
      %broadcast_in_dim3A_562 = arith.constant 57 : i32
      %broadcast_in_dim3A_563 = vector.broadcast %broadcast_in_dim3A_562 : i32 to vector<16xi32>
      %gather3A_564 = tpu.vector_load_idx %arg12[%add3A_107, %broadcast_in_dim3A_563] : memref<256x64xf32, #tpu.memory_space<vmem>>[vector<16xi32>, vector<16xi32>], vector<16xf32>,
      %gather3A_565 = tpu.vector_load_idx %arg13[%add3A_107, %broadcast_in_dim3A_563] : memref<256x64xf32, #tpu.memory_space<vmem>>[vector<16xi32>, vector<16xi32>], vector<16xf32>,
      %gather3A_566 = tpu.vector_load_idx %arg14[%add3A_107, %broadcast_in_dim3A_563] : memref<256x64xf32, #tpu.memory_space<vmem>>[vector<16xi32>, vector<16xi32>], vector<16xf32>,
      %sub3A_567 = arith.subf %gather3A_565, %gather3A_566 : vector<16xf32>
      %mul3A_568 = arith.mulf %gather3A_564, %sub3A_567 : vector<16xf32>
      %add3A_569 = arith.addf %add3A_561, %mul3A_568 : vector<16xf32>
      %broadcast_in_dim3A_570 = arith.constant 58 : i32
      %broadcast_in_dim3A_571 = vector.broadcast %broadcast_in_dim3A_570 : i32 to vector<16xi32>
      %gather3A_572 = tpu.vector_load_idx %arg12[%add3A_107, %broadcast_in_dim3A_571] : memref<256x64xf32, #tpu.memory_space<vmem>>[vector<16xi32>, vector<16xi32>], vector<16xf32>,
      %gather3A_573 = tpu.vector_load_idx %arg13[%add3A_107, %broadcast_in_dim3A_571] : memref<256x64xf32, #tpu.memory_space<vmem>>[vector<16xi32>, vector<16xi32>], vector<16xf32>,
      %gather3A_574 = tpu.vector_load_idx %arg14[%add3A_107, %broadcast_in_dim3A_571] : memref<256x64xf32, #tpu.memory_space<vmem>>[vector<16xi32>, vector<16xi32>], vector<16xf32>,
      %sub3A_575 = arith.subf %gather3A_573, %gather3A_574 : vector<16xf32>
      %mul3A_576 = arith.mulf %gather3A_572, %sub3A_575 : vector<16xf32>
      %add3A_577 = arith.addf %add3A_569, %mul3A_576 : vector<16xf32>
      %broadcast_in_dim3A_578 = arith.constant 59 : i32
      %broadcast_in_dim3A_579 = vector.broadcast %broadcast_in_dim3A_578 : i32 to vector<16xi32>
      %gather3A_580 = tpu.vector_load_idx %arg12[%add3A_107, %broadcast_in_dim3A_579] : memref<256x64xf32, #tpu.memory_space<vmem>>[vector<16xi32>, vector<16xi32>], vector<16xf32>,
      %gather3A_581 = tpu.vector_load_idx %arg13[%add3A_107, %broadcast_in_dim3A_579] : memref<256x64xf32, #tpu.memory_space<vmem>>[vector<16xi32>, vector<16xi32>], vector<16xf32>,
      %gather3A_582 = tpu.vector_load_idx %arg14[%add3A_107, %broadcast_in_dim3A_579] : memref<256x64xf32, #tpu.memory_space<vmem>>[vector<16xi32>, vector<16xi32>], vector<16xf32>,
      %sub3A_583 = arith.subf %gather3A_581, %gather3A_582 : vector<16xf32>
      %mul3A_584 = arith.mulf %gather3A_580, %sub3A_583 : vector<16xf32>
      %add3A_585 = arith.addf %add3A_577, %mul3A_584 : vector<16xf32>
      %broadcast_in_dim3A_586 = arith.constant 60 : i32
      %broadcast_in_dim3A_587 = vector.broadcast %broadcast_in_dim3A_586 : i32 to vector<16xi32>
      %gather3A_588 = tpu.vector_load_idx %arg12[%add3A_107, %broadcast_in_dim3A_587] : memref<256x64xf32, #tpu.memory_space<vmem>>[vector<16xi32>, vector<16xi32>], vector<16xf32>,
      %gather3A_589 = tpu.vector_load_idx %arg13[%add3A_107, %broadcast_in_dim3A_587] : memref<256x64xf32, #tpu.memory_space<vmem>>[vector<16xi32>, vector<16xi32>], vector<16xf32>,
      %gather3A_590 = tpu.vector_load_idx %arg14[%add3A_107, %broadcast_in_dim3A_587] : memref<256x64xf32, #tpu.memory_space<vmem>>[vector<16xi32>, vector<16xi32>], vector<16xf32>,
      %sub3A_591 = arith.subf %gather3A_589, %gather3A_590 : vector<16xf32>
      %mul3A_592 = arith.mulf %gather3A_588, %sub3A_591 : vector<16xf32>
      %add3A_593 = arith.addf %add3A_585, %mul3A_592 : vector<16xf32>
      %broadcast_in_dim3A_594 = arith.constant 61 : i32
      %broadcast_in_dim3A_595 = vector.broadcast %broadcast_in_dim3A_594 : i32 to vector<16xi32>
      %gather3A_596 = tpu.vector_load_idx %arg12[%add3A_107, %broadcast_in_dim3A_595] : memref<256x64xf32, #tpu.memory_space<vmem>>[vector<16xi32>, vector<16xi32>], vector<16xf32>,
      %gather3A_597 = tpu.vector_load_idx %arg13[%add3A_107, %broadcast_in_dim3A_595] : memref<256x64xf32, #tpu.memory_space<vmem>>[vector<16xi32>, vector<16xi32>], vector<16xf32>,
      %gather3A_598 = tpu.vector_load_idx %arg14[%add3A_107, %broadcast_in_dim3A_595] : memref<256x64xf32, #tpu.memory_space<vmem>>[vector<16xi32>, vector<16xi32>], vector<16xf32>,
      %sub3A_599 = arith.subf %gather3A_597, %gather3A_598 : vector<16xf32>
      %mul3A_600 = arith.mulf %gather3A_596, %sub3A_599 : vector<16xf32>
      %add3A_601 = arith.addf %add3A_593, %mul3A_600 : vector<16xf32>
      %broadcast_in_dim3A_602 = arith.constant 62 : i32
      %broadcast_in_dim3A_603 = vector.broadcast %broadcast_in_dim3A_602 : i32 to vector<16xi32>
      %gather3A_604 = tpu.vector_load_idx %arg12[%add3A_107, %broadcast_in_dim3A_603] : memref<256x64xf32, #tpu.memory_space<vmem>>[vector<16xi32>, vector<16xi32>], vector<16xf32>,
      %gather3A_605 = tpu.vector_load_idx %arg13[%add3A_107, %broadcast_in_dim3A_603] : memref<256x64xf32, #tpu.memory_space<vmem>>[vector<16xi32>, vector<16xi32>], vector<16xf32>,
      %gather3A_606 = tpu.vector_load_idx %arg14[%add3A_107, %broadcast_in_dim3A_603] : memref<256x64xf32, #tpu.memory_space<vmem>>[vector<16xi32>, vector<16xi32>], vector<16xf32>,
      %sub3A_607 = arith.subf %gather3A_605, %gather3A_606 : vector<16xf32>
      %mul3A_608 = arith.mulf %gather3A_604, %sub3A_607 : vector<16xf32>
      %add3A_609 = arith.addf %add3A_601, %mul3A_608 : vector<16xf32>
      %broadcast_in_dim3A_610 = arith.constant 63 : i32
      %broadcast_in_dim3A_611 = vector.broadcast %broadcast_in_dim3A_610 : i32 to vector<16xi32>
      %gather3A_612 = tpu.vector_load_idx %arg12[%add3A_107, %broadcast_in_dim3A_611] : memref<256x64xf32, #tpu.memory_space<vmem>>[vector<16xi32>, vector<16xi32>], vector<16xf32>,
      %gather3A_613 = tpu.vector_load_idx %arg13[%add3A_107, %broadcast_in_dim3A_611] : memref<256x64xf32, #tpu.memory_space<vmem>>[vector<16xi32>, vector<16xi32>], vector<16xf32>,
      %gather3A_614 = tpu.vector_load_idx %arg14[%add3A_107, %broadcast_in_dim3A_611] : memref<256x64xf32, #tpu.memory_space<vmem>>[vector<16xi32>, vector<16xi32>], vector<16xf32>,
      %sub3A_615 = arith.subf %gather3A_613, %gather3A_614 : vector<16xf32>
      %mul3A_616 = arith.mulf %gather3A_612, %sub3A_615 : vector<16xf32>
      %add3A_617 = arith.addf %add3A_609, %mul3A_616 : vector<16xf32>
      %mul3A_618 = arith.constant 16 : i32
      %mul3A_619 = arith.muli %scan3A_92, %mul3A_618 : i32
      %add3A_620 = arith.constant 0 : i32
      %add3A_621 = arith.addi %add3A_620, %mul3A_619 : i32
      %swap3A = arith.index_cast %add3A_621 : i32 to index
      %swap3A_622 = tpu.vector_load %arg17[%swap3A] {strides = array<i32>} : memref<512xf32, #tpu.memory_space<vmem>>, vector<16xf32>,
      tpu.vector_store %arg17[%swap3A], %add3A_617 {strides = array<i32>} : memref<512xf32, #tpu.memory_space<vmem>>, vector<16xf32>,
    }
    %scan3A_73 = arith.constant 16 : i32
    %scan3A_74 = arith.constant 0 : i32
    %scan3A_75 = arith.constant 0 : i32
    %scan3A_76 = arith.constant 256 : i32
    %scan3A_77 = arith.addi %scan3A_75, %scan3A_76 : i32
    %scan3A_78 = arith.constant 1 : i32
    scf.for %scan3A_92 = %scan3A_75 to %scan3A_77 step %scan3A_78  : i32 {
      %add3A_93 = arith.constant 256 : i32
      %add3A_94 = arith.addi %add3A_93, %scan3A_92 : i32
      %get3A = arith.index_cast %add3A_94 : i32 to index
      %get3A_95 = tpu.vector_load %arg9[%get3A] {strides = array<i32>} : memref<528xi32, #tpu.memory_space<vmem>>, vector<16xi32>,
      %slice3A = vector.extract_strided_slice %get3A_95 {offsets = [0], sizes = [1], strides = [1]} : vector<16xi32> to vector<1xi32>
      %squeeze3A = vector.extract %slice3A[0] : i32 from vector<1xi32>
      %add3A_96 = arith.constant 256 : i32
      %add3A_97 = arith.addi %add3A_96, %scan3A_92 : i32
      %get3A_98 = arith.index_cast %add3A_97 : i32 to index
      %get3A_99 = tpu.vector_load %arg10[%get3A_98] {strides = array<i32>} : memref<528xi32, #tpu.memory_space<vmem>>, vector<16xi32>,
      %slice3A_100 = vector.extract_strided_slice %get3A_99 {offsets = [0], sizes = [1], strides = [1]} : vector<16xi32> to vector<1xi32>
      %squeeze3A_101 = vector.extract %slice3A_100[0] : i32 from vector<1xi32>
      %add3A_102 = arith.constant 256 : i32
      %add3A_103 = arith.addi %add3A_102, %scan3A_92 : i32
      %get3A_104 = arith.index_cast %add3A_103 : i32 to index
      %get3A_105 = tpu.vector_load %arg11[%get3A_104] {strides = array<i32>} : memref<528xi32, #tpu.memory_space<vmem>>, vector<16xi32>,
      %slice3A_106 = vector.extract_strided_slice %get3A_105 {offsets = [0], sizes = [1], strides = [1]} : vector<16xi32> to vector<1xi32>
      %squeeze3A_107 = vector.extract %slice3A_106[0] : i32 from vector<1xi32>
      %dma_start3A_108 = arith.constant 0 : i32
      %dma_start3A_109 = tpu.memref_slice %arg12[%scan3A_92, %dma_start3A_108] : memref<256x64xf32, #tpu.memory_space<vmem>> -> memref<1x64xf32, #tpu.memory_space<vmem>>
      %dma_start3A_110 = arith.constant 0 : i32
      %dma_start3A_111 = tpu.memref_slice %arg6[%squeeze3A, %dma_start3A_110] : memref<100000x64xf32, #tpu.memory_space<hbm>> -> memref<1x64xf32, #tpu.memory_space<hbm>>
      %dma_start3A_112 = arith.constant 0 : i32
      %dma_start3A_113 = tpu.memref_slice %arg12[%scan3A_92, %dma_start3A_112] : memref<256x64xf32, #tpu.memory_space<vmem>> -> memref<1x64xf32, #tpu.memory_space<vmem>>
      %dma_start3A_114 = arith.constant 0 : i32
      %dma_start3A_115 = tpu.memref_slice %arg6[%squeeze3A, %dma_start3A_114] : memref<100000x64xf32, #tpu.memory_space<hbm>> -> memref<1x64xf32, #tpu.memory_space<hbm>>
      tpu.enqueue_dma source(%dma_start3A_115 : memref<1x64xf32, #tpu.memory_space<hbm>>) target(%dma_start3A_113 : memref<1x64xf32, #tpu.memory_space<vmem>>) target_semaphore(%arg18 : memref<!tpu.dma_semaphore, #tpu.memory_space<semaphore_mem>>)
      %dma_start3A_116 = arith.constant 0 : i32
      %dma_start3A_117 = tpu.memref_slice %arg13[%scan3A_92, %dma_start3A_116] : memref<256x64xf32, #tpu.memory_space<vmem>> -> memref<1x64xf32, #tpu.memory_space<vmem>>
      %dma_start3A_118 = arith.constant 0 : i32
      %dma_start3A_119 = tpu.memref_slice %arg7[%squeeze3A_101, %dma_start3A_118] : memref<1000000x64xf32, #tpu.memory_space<hbm>> -> memref<1x64xf32, #tpu.memory_space<hbm>>
      %dma_start3A_120 = arith.constant 0 : i32
      %dma_start3A_121 = tpu.memref_slice %arg13[%scan3A_92, %dma_start3A_120] : memref<256x64xf32, #tpu.memory_space<vmem>> -> memref<1x64xf32, #tpu.memory_space<vmem>>
      %dma_start3A_122 = arith.constant 0 : i32
      %dma_start3A_123 = tpu.memref_slice %arg7[%squeeze3A_101, %dma_start3A_122] : memref<1000000x64xf32, #tpu.memory_space<hbm>> -> memref<1x64xf32, #tpu.memory_space<hbm>>
      tpu.enqueue_dma source(%dma_start3A_123 : memref<1x64xf32, #tpu.memory_space<hbm>>) target(%dma_start3A_121 : memref<1x64xf32, #tpu.memory_space<vmem>>) target_semaphore(%arg18 : memref<!tpu.dma_semaphore, #tpu.memory_space<semaphore_mem>>)
      %dma_start3A_124 = arith.constant 0 : i32
      %dma_start3A_125 = tpu.memref_slice %arg14[%scan3A_92, %dma_start3A_124] : memref<256x64xf32, #tpu.memory_space<vmem>> -> memref<1x64xf32, #tpu.memory_space<vmem>>
      %dma_start3A_126 = arith.constant 0 : i32
      %dma_start3A_127 = tpu.memref_slice %arg7[%squeeze3A_107, %dma_start3A_126] : memref<1000000x64xf32, #tpu.memory_space<hbm>> -> memref<1x64xf32, #tpu.memory_space<hbm>>
      %dma_start3A_128 = arith.constant 0 : i32
      %dma_start3A_129 = tpu.memref_slice %arg14[%scan3A_92, %dma_start3A_128] : memref<256x64xf32, #tpu.memory_space<vmem>> -> memref<1x64xf32, #tpu.memory_space<vmem>>
      %dma_start3A_130 = arith.constant 0 : i32
      %dma_start3A_131 = tpu.memref_slice %arg7[%squeeze3A_107, %dma_start3A_130] : memref<1000000x64xf32, #tpu.memory_space<hbm>> -> memref<1x64xf32, #tpu.memory_space<hbm>>
      tpu.enqueue_dma source(%dma_start3A_131 : memref<1x64xf32, #tpu.memory_space<hbm>>) target(%dma_start3A_129 : memref<1x64xf32, #tpu.memory_space<vmem>>) target_semaphore(%arg18 : memref<!tpu.dma_semaphore, #tpu.memory_space<semaphore_mem>>)
    }
    %scan3A_79 = arith.constant 256 : i32
    %scan3A_80 = arith.constant 0 : i32
    %scan3A_81 = arith.constant 0 : i32
    %scan3A_82 = arith.constant 256 : i32
    %scan3A_83 = arith.addi %scan3A_81, %scan3A_82 : i32
    %scan3A_84 = arith.constant 1 : i32
    scf.for %scan3A_92 = %scan3A_81 to %scan3A_83 step %scan3A_84  : i32 {
      %add3A_93 = arith.constant 256 : i32
      %add3A_94 = arith.addi %add3A_93, %scan3A_92 : i32
      %get3A = arith.index_cast %add3A_94 : i32 to index
      %get3A_95 = tpu.vector_load %arg9[%get3A] {strides = array<i32>} : memref<528xi32, #tpu.memory_space<vmem>>, vector<16xi32>,
      %slice3A = vector.extract_strided_slice %get3A_95 {offsets = [0], sizes = [1], strides = [1]} : vector<16xi32> to vector<1xi32>
      %squeeze3A = vector.extract %slice3A[0] : i32 from vector<1xi32>
      %add3A_96 = arith.constant 256 : i32
      %add3A_97 = arith.addi %add3A_96, %scan3A_92 : i32
      %get3A_98 = arith.index_cast %add3A_97 : i32 to index
      %get3A_99 = tpu.vector_load %arg10[%get3A_98] {strides = array<i32>} : memref<528xi32, #tpu.memory_space<vmem>>, vector<16xi32>,
      %slice3A_100 = vector.extract_strided_slice %get3A_99 {offsets = [0], sizes = [1], strides = [1]} : vector<16xi32> to vector<1xi32>
      %squeeze3A_101 = vector.extract %slice3A_100[0] : i32 from vector<1xi32>
      %add3A_102 = arith.constant 256 : i32
      %add3A_103 = arith.addi %add3A_102, %scan3A_92 : i32
      %get3A_104 = arith.index_cast %add3A_103 : i32 to index
      %get3A_105 = tpu.vector_load %arg11[%get3A_104] {strides = array<i32>} : memref<528xi32, #tpu.memory_space<vmem>>, vector<16xi32>,
      %slice3A_106 = vector.extract_strided_slice %get3A_105 {offsets = [0], sizes = [1], strides = [1]} : vector<16xi32> to vector<1xi32>
      %squeeze3A_107 = vector.extract %slice3A_106[0] : i32 from vector<1xi32>
      %dma_wait3A_108 = arith.constant 0 : i32
      %dma_wait3A_109 = tpu.memref_slice %arg12[%scan3A_92, %dma_wait3A_108] : memref<256x64xf32, #tpu.memory_space<vmem>> -> memref<1x64xf32, #tpu.memory_space<vmem>>
      %dma_wait3A_110 = arith.constant 0 : i32
      %dma_wait3A_111 = tpu.memref_slice %arg6[%squeeze3A, %dma_wait3A_110] : memref<100000x64xf32, #tpu.memory_space<hbm>> -> memref<1x64xf32, #tpu.memory_space<hbm>>
      %dma_wait3A_112 = arith.constant 0 : i32
      %dma_wait3A_113 = tpu.memref_slice %arg12[%scan3A_92, %dma_wait3A_112] : memref<256x64xf32, #tpu.memory_space<vmem>> -> memref<1x64xf32, #tpu.memory_space<vmem>>
      %dma_wait3A_114 = arith.constant 0 : i32
      %dma_wait3A_115 = tpu.memref_slice %arg6[%squeeze3A, %dma_wait3A_114] : memref<100000x64xf32, #tpu.memory_space<hbm>> -> memref<1x64xf32, #tpu.memory_space<hbm>>
      tpu.wait_dma2 semaphore(%arg18 : memref<!tpu.dma_semaphore, #tpu.memory_space<semaphore_mem>>) src(%dma_wait3A_115 : memref<1x64xf32, #tpu.memory_space<hbm>>) dst(%dma_wait3A_113 : memref<1x64xf32, #tpu.memory_space<vmem>>)
      %dma_wait3A_116 = arith.constant 0 : i32
      %dma_wait3A_117 = tpu.memref_slice %arg13[%scan3A_92, %dma_wait3A_116] : memref<256x64xf32, #tpu.memory_space<vmem>> -> memref<1x64xf32, #tpu.memory_space<vmem>>
      %dma_wait3A_118 = arith.constant 0 : i32
      %dma_wait3A_119 = tpu.memref_slice %arg7[%squeeze3A_101, %dma_wait3A_118] : memref<1000000x64xf32, #tpu.memory_space<hbm>> -> memref<1x64xf32, #tpu.memory_space<hbm>>
      %dma_wait3A_120 = arith.constant 0 : i32
      %dma_wait3A_121 = tpu.memref_slice %arg13[%scan3A_92, %dma_wait3A_120] : memref<256x64xf32, #tpu.memory_space<vmem>> -> memref<1x64xf32, #tpu.memory_space<vmem>>
      %dma_wait3A_122 = arith.constant 0 : i32
      %dma_wait3A_123 = tpu.memref_slice %arg7[%squeeze3A_101, %dma_wait3A_122] : memref<1000000x64xf32, #tpu.memory_space<hbm>> -> memref<1x64xf32, #tpu.memory_space<hbm>>
      tpu.wait_dma2 semaphore(%arg18 : memref<!tpu.dma_semaphore, #tpu.memory_space<semaphore_mem>>) src(%dma_wait3A_123 : memref<1x64xf32, #tpu.memory_space<hbm>>) dst(%dma_wait3A_121 : memref<1x64xf32, #tpu.memory_space<vmem>>)
      %dma_wait3A_124 = arith.constant 0 : i32
      %dma_wait3A_125 = tpu.memref_slice %arg14[%scan3A_92, %dma_wait3A_124] : memref<256x64xf32, #tpu.memory_space<vmem>> -> memref<1x64xf32, #tpu.memory_space<vmem>>
      %dma_wait3A_126 = arith.constant 0 : i32
      %dma_wait3A_127 = tpu.memref_slice %arg7[%squeeze3A_107, %dma_wait3A_126] : memref<1000000x64xf32, #tpu.memory_space<hbm>> -> memref<1x64xf32, #tpu.memory_space<hbm>>
      %dma_wait3A_128 = arith.constant 0 : i32
      %dma_wait3A_129 = tpu.memref_slice %arg14[%scan3A_92, %dma_wait3A_128] : memref<256x64xf32, #tpu.memory_space<vmem>> -> memref<1x64xf32, #tpu.memory_space<vmem>>
      %dma_wait3A_130 = arith.constant 0 : i32
      %dma_wait3A_131 = tpu.memref_slice %arg7[%squeeze3A_107, %dma_wait3A_130] : memref<1000000x64xf32, #tpu.memory_space<hbm>> -> memref<1x64xf32, #tpu.memory_space<hbm>>
      tpu.wait_dma2 semaphore(%arg18 : memref<!tpu.dma_semaphore, #tpu.memory_space<semaphore_mem>>) src(%dma_wait3A_131 : memref<1x64xf32, #tpu.memory_space<hbm>>) dst(%dma_wait3A_129 : memref<1x64xf32, #tpu.memory_space<vmem>>)
    }
    %scan3A_85 = arith.constant 256 : i32
    %scan3A_86 = arith.constant 0 : i32
    %scan3A_87 = arith.constant 0 : i32
    %scan3A_88 = arith.constant 16 : i32
    %scan3A_89 = arith.addi %scan3A_87, %scan3A_88 : i32
    %scan3A_90 = arith.constant 1 : i32
    scf.for %scan3A_92 = %scan3A_87 to %scan3A_89 step %scan3A_90  : i32 {
      %mul3A_93 = arith.constant 16 : i32
      %mul3A_94 = arith.muli %scan3A_92, %mul3A_93 : i32
      %add3A_95 = arith.constant 256 : i32
      %add3A_96 = arith.addi %add3A_95, %mul3A_94 : i32
      %get3A = arith.index_cast %add3A_96 : i32 to index
      %get3A_97 = tpu.vector_load %arg15[%get3A] {strides = array<i32>} : memref<512xf32, #tpu.memory_space<vmem>>, vector<16xf32>,
      %mul3A_98 = arith.constant 16 : i32
      %mul3A_99 = arith.muli %scan3A_92, %mul3A_98 : i32
      %add3A_100 = arith.constant 256 : i32
      %add3A_101 = arith.addi %add3A_100, %mul3A_99 : i32
      %get3A_102 = arith.index_cast %add3A_101 : i32 to index
      %get3A_103 = tpu.vector_load %arg16[%get3A_102] {strides = array<i32>} : memref<512xf32, #tpu.memory_space<vmem>>, vector<16xf32>,
      %sub3A = arith.subf %get3A_97, %get3A_103 : vector<16xf32>
      %mul3A_104 = arith.constant 16 : i32
      %mul3A_105 = arith.muli %scan3A_92, %mul3A_104 : i32
      %add3A_106 = vector.broadcast %mul3A_105 : i32 to vector<16xi32>
      %add3A_107 = arith.addi %add3A_106, %iota3A : vector<16xi32>
      %broadcast_in_dim3A = arith.constant 0 : i32
      %broadcast_in_dim3A_108 = vector.broadcast %broadcast_in_dim3A : i32 to vector<16xi32>
      %gather3A = tpu.vector_load_idx %arg12[%add3A_107, %broadcast_in_dim3A_108] : memref<256x64xf32, #tpu.memory_space<vmem>>[vector<16xi32>, vector<16xi32>], vector<16xf32>,
      %gather3A_109 = tpu.vector_load_idx %arg13[%add3A_107, %broadcast_in_dim3A_108] : memref<256x64xf32, #tpu.memory_space<vmem>>[vector<16xi32>, vector<16xi32>], vector<16xf32>,
      %gather3A_110 = tpu.vector_load_idx %arg14[%add3A_107, %broadcast_in_dim3A_108] : memref<256x64xf32, #tpu.memory_space<vmem>>[vector<16xi32>, vector<16xi32>], vector<16xf32>,
      %sub3A_111 = arith.subf %gather3A_109, %gather3A_110 : vector<16xf32>
      %mul3A_112 = arith.mulf %gather3A, %sub3A_111 : vector<16xf32>
      %add3A_113 = arith.addf %sub3A, %mul3A_112 : vector<16xf32>
      %broadcast_in_dim3A_114 = arith.constant 1 : i32
      %broadcast_in_dim3A_115 = vector.broadcast %broadcast_in_dim3A_114 : i32 to vector<16xi32>
      %gather3A_116 = tpu.vector_load_idx %arg12[%add3A_107, %broadcast_in_dim3A_115] : memref<256x64xf32, #tpu.memory_space<vmem>>[vector<16xi32>, vector<16xi32>], vector<16xf32>,
      %gather3A_117 = tpu.vector_load_idx %arg13[%add3A_107, %broadcast_in_dim3A_115] : memref<256x64xf32, #tpu.memory_space<vmem>>[vector<16xi32>, vector<16xi32>], vector<16xf32>,
      %gather3A_118 = tpu.vector_load_idx %arg14[%add3A_107, %broadcast_in_dim3A_115] : memref<256x64xf32, #tpu.memory_space<vmem>>[vector<16xi32>, vector<16xi32>], vector<16xf32>,
      %sub3A_119 = arith.subf %gather3A_117, %gather3A_118 : vector<16xf32>
      %mul3A_120 = arith.mulf %gather3A_116, %sub3A_119 : vector<16xf32>
      %add3A_121 = arith.addf %add3A_113, %mul3A_120 : vector<16xf32>
      %broadcast_in_dim3A_122 = arith.constant 2 : i32
      %broadcast_in_dim3A_123 = vector.broadcast %broadcast_in_dim3A_122 : i32 to vector<16xi32>
      %gather3A_124 = tpu.vector_load_idx %arg12[%add3A_107, %broadcast_in_dim3A_123] : memref<256x64xf32, #tpu.memory_space<vmem>>[vector<16xi32>, vector<16xi32>], vector<16xf32>,
      %gather3A_125 = tpu.vector_load_idx %arg13[%add3A_107, %broadcast_in_dim3A_123] : memref<256x64xf32, #tpu.memory_space<vmem>>[vector<16xi32>, vector<16xi32>], vector<16xf32>,
      %gather3A_126 = tpu.vector_load_idx %arg14[%add3A_107, %broadcast_in_dim3A_123] : memref<256x64xf32, #tpu.memory_space<vmem>>[vector<16xi32>, vector<16xi32>], vector<16xf32>,
      %sub3A_127 = arith.subf %gather3A_125, %gather3A_126 : vector<16xf32>
      %mul3A_128 = arith.mulf %gather3A_124, %sub3A_127 : vector<16xf32>
      %add3A_129 = arith.addf %add3A_121, %mul3A_128 : vector<16xf32>
      %broadcast_in_dim3A_130 = arith.constant 3 : i32
      %broadcast_in_dim3A_131 = vector.broadcast %broadcast_in_dim3A_130 : i32 to vector<16xi32>
      %gather3A_132 = tpu.vector_load_idx %arg12[%add3A_107, %broadcast_in_dim3A_131] : memref<256x64xf32, #tpu.memory_space<vmem>>[vector<16xi32>, vector<16xi32>], vector<16xf32>,
      %gather3A_133 = tpu.vector_load_idx %arg13[%add3A_107, %broadcast_in_dim3A_131] : memref<256x64xf32, #tpu.memory_space<vmem>>[vector<16xi32>, vector<16xi32>], vector<16xf32>,
      %gather3A_134 = tpu.vector_load_idx %arg14[%add3A_107, %broadcast_in_dim3A_131] : memref<256x64xf32, #tpu.memory_space<vmem>>[vector<16xi32>, vector<16xi32>], vector<16xf32>,
      %sub3A_135 = arith.subf %gather3A_133, %gather3A_134 : vector<16xf32>
      %mul3A_136 = arith.mulf %gather3A_132, %sub3A_135 : vector<16xf32>
      %add3A_137 = arith.addf %add3A_129, %mul3A_136 : vector<16xf32>
      %broadcast_in_dim3A_138 = arith.constant 4 : i32
      %broadcast_in_dim3A_139 = vector.broadcast %broadcast_in_dim3A_138 : i32 to vector<16xi32>
      %gather3A_140 = tpu.vector_load_idx %arg12[%add3A_107, %broadcast_in_dim3A_139] : memref<256x64xf32, #tpu.memory_space<vmem>>[vector<16xi32>, vector<16xi32>], vector<16xf32>,
      %gather3A_141 = tpu.vector_load_idx %arg13[%add3A_107, %broadcast_in_dim3A_139] : memref<256x64xf32, #tpu.memory_space<vmem>>[vector<16xi32>, vector<16xi32>], vector<16xf32>,
      %gather3A_142 = tpu.vector_load_idx %arg14[%add3A_107, %broadcast_in_dim3A_139] : memref<256x64xf32, #tpu.memory_space<vmem>>[vector<16xi32>, vector<16xi32>], vector<16xf32>,
      %sub3A_143 = arith.subf %gather3A_141, %gather3A_142 : vector<16xf32>
      %mul3A_144 = arith.mulf %gather3A_140, %sub3A_143 : vector<16xf32>
      %add3A_145 = arith.addf %add3A_137, %mul3A_144 : vector<16xf32>
      %broadcast_in_dim3A_146 = arith.constant 5 : i32
      %broadcast_in_dim3A_147 = vector.broadcast %broadcast_in_dim3A_146 : i32 to vector<16xi32>
      %gather3A_148 = tpu.vector_load_idx %arg12[%add3A_107, %broadcast_in_dim3A_147] : memref<256x64xf32, #tpu.memory_space<vmem>>[vector<16xi32>, vector<16xi32>], vector<16xf32>,
      %gather3A_149 = tpu.vector_load_idx %arg13[%add3A_107, %broadcast_in_dim3A_147] : memref<256x64xf32, #tpu.memory_space<vmem>>[vector<16xi32>, vector<16xi32>], vector<16xf32>,
      %gather3A_150 = tpu.vector_load_idx %arg14[%add3A_107, %broadcast_in_dim3A_147] : memref<256x64xf32, #tpu.memory_space<vmem>>[vector<16xi32>, vector<16xi32>], vector<16xf32>,
      %sub3A_151 = arith.subf %gather3A_149, %gather3A_150 : vector<16xf32>
      %mul3A_152 = arith.mulf %gather3A_148, %sub3A_151 : vector<16xf32>
      %add3A_153 = arith.addf %add3A_145, %mul3A_152 : vector<16xf32>
      %broadcast_in_dim3A_154 = arith.constant 6 : i32
      %broadcast_in_dim3A_155 = vector.broadcast %broadcast_in_dim3A_154 : i32 to vector<16xi32>
      %gather3A_156 = tpu.vector_load_idx %arg12[%add3A_107, %broadcast_in_dim3A_155] : memref<256x64xf32, #tpu.memory_space<vmem>>[vector<16xi32>, vector<16xi32>], vector<16xf32>,
      %gather3A_157 = tpu.vector_load_idx %arg13[%add3A_107, %broadcast_in_dim3A_155] : memref<256x64xf32, #tpu.memory_space<vmem>>[vector<16xi32>, vector<16xi32>], vector<16xf32>,
      %gather3A_158 = tpu.vector_load_idx %arg14[%add3A_107, %broadcast_in_dim3A_155] : memref<256x64xf32, #tpu.memory_space<vmem>>[vector<16xi32>, vector<16xi32>], vector<16xf32>,
      %sub3A_159 = arith.subf %gather3A_157, %gather3A_158 : vector<16xf32>
      %mul3A_160 = arith.mulf %gather3A_156, %sub3A_159 : vector<16xf32>
      %add3A_161 = arith.addf %add3A_153, %mul3A_160 : vector<16xf32>
      %broadcast_in_dim3A_162 = arith.constant 7 : i32
      %broadcast_in_dim3A_163 = vector.broadcast %broadcast_in_dim3A_162 : i32 to vector<16xi32>
      %gather3A_164 = tpu.vector_load_idx %arg12[%add3A_107, %broadcast_in_dim3A_163] : memref<256x64xf32, #tpu.memory_space<vmem>>[vector<16xi32>, vector<16xi32>], vector<16xf32>,
      %gather3A_165 = tpu.vector_load_idx %arg13[%add3A_107, %broadcast_in_dim3A_163] : memref<256x64xf32, #tpu.memory_space<vmem>>[vector<16xi32>, vector<16xi32>], vector<16xf32>,
      %gather3A_166 = tpu.vector_load_idx %arg14[%add3A_107, %broadcast_in_dim3A_163] : memref<256x64xf32, #tpu.memory_space<vmem>>[vector<16xi32>, vector<16xi32>], vector<16xf32>,
      %sub3A_167 = arith.subf %gather3A_165, %gather3A_166 : vector<16xf32>
      %mul3A_168 = arith.mulf %gather3A_164, %sub3A_167 : vector<16xf32>
      %add3A_169 = arith.addf %add3A_161, %mul3A_168 : vector<16xf32>
      %broadcast_in_dim3A_170 = arith.constant 8 : i32
      %broadcast_in_dim3A_171 = vector.broadcast %broadcast_in_dim3A_170 : i32 to vector<16xi32>
      %gather3A_172 = tpu.vector_load_idx %arg12[%add3A_107, %broadcast_in_dim3A_171] : memref<256x64xf32, #tpu.memory_space<vmem>>[vector<16xi32>, vector<16xi32>], vector<16xf32>,
      %gather3A_173 = tpu.vector_load_idx %arg13[%add3A_107, %broadcast_in_dim3A_171] : memref<256x64xf32, #tpu.memory_space<vmem>>[vector<16xi32>, vector<16xi32>], vector<16xf32>,
      %gather3A_174 = tpu.vector_load_idx %arg14[%add3A_107, %broadcast_in_dim3A_171] : memref<256x64xf32, #tpu.memory_space<vmem>>[vector<16xi32>, vector<16xi32>], vector<16xf32>,
      %sub3A_175 = arith.subf %gather3A_173, %gather3A_174 : vector<16xf32>
      %mul3A_176 = arith.mulf %gather3A_172, %sub3A_175 : vector<16xf32>
      %add3A_177 = arith.addf %add3A_169, %mul3A_176 : vector<16xf32>
      %broadcast_in_dim3A_178 = arith.constant 9 : i32
      %broadcast_in_dim3A_179 = vector.broadcast %broadcast_in_dim3A_178 : i32 to vector<16xi32>
      %gather3A_180 = tpu.vector_load_idx %arg12[%add3A_107, %broadcast_in_dim3A_179] : memref<256x64xf32, #tpu.memory_space<vmem>>[vector<16xi32>, vector<16xi32>], vector<16xf32>,
      %gather3A_181 = tpu.vector_load_idx %arg13[%add3A_107, %broadcast_in_dim3A_179] : memref<256x64xf32, #tpu.memory_space<vmem>>[vector<16xi32>, vector<16xi32>], vector<16xf32>,
      %gather3A_182 = tpu.vector_load_idx %arg14[%add3A_107, %broadcast_in_dim3A_179] : memref<256x64xf32, #tpu.memory_space<vmem>>[vector<16xi32>, vector<16xi32>], vector<16xf32>,
      %sub3A_183 = arith.subf %gather3A_181, %gather3A_182 : vector<16xf32>
      %mul3A_184 = arith.mulf %gather3A_180, %sub3A_183 : vector<16xf32>
      %add3A_185 = arith.addf %add3A_177, %mul3A_184 : vector<16xf32>
      %broadcast_in_dim3A_186 = arith.constant 10 : i32
      %broadcast_in_dim3A_187 = vector.broadcast %broadcast_in_dim3A_186 : i32 to vector<16xi32>
      %gather3A_188 = tpu.vector_load_idx %arg12[%add3A_107, %broadcast_in_dim3A_187] : memref<256x64xf32, #tpu.memory_space<vmem>>[vector<16xi32>, vector<16xi32>], vector<16xf32>,
      %gather3A_189 = tpu.vector_load_idx %arg13[%add3A_107, %broadcast_in_dim3A_187] : memref<256x64xf32, #tpu.memory_space<vmem>>[vector<16xi32>, vector<16xi32>], vector<16xf32>,
      %gather3A_190 = tpu.vector_load_idx %arg14[%add3A_107, %broadcast_in_dim3A_187] : memref<256x64xf32, #tpu.memory_space<vmem>>[vector<16xi32>, vector<16xi32>], vector<16xf32>,
      %sub3A_191 = arith.subf %gather3A_189, %gather3A_190 : vector<16xf32>
      %mul3A_192 = arith.mulf %gather3A_188, %sub3A_191 : vector<16xf32>
      %add3A_193 = arith.addf %add3A_185, %mul3A_192 : vector<16xf32>
      %broadcast_in_dim3A_194 = arith.constant 11 : i32
      %broadcast_in_dim3A_195 = vector.broadcast %broadcast_in_dim3A_194 : i32 to vector<16xi32>
      %gather3A_196 = tpu.vector_load_idx %arg12[%add3A_107, %broadcast_in_dim3A_195] : memref<256x64xf32, #tpu.memory_space<vmem>>[vector<16xi32>, vector<16xi32>], vector<16xf32>,
      %gather3A_197 = tpu.vector_load_idx %arg13[%add3A_107, %broadcast_in_dim3A_195] : memref<256x64xf32, #tpu.memory_space<vmem>>[vector<16xi32>, vector<16xi32>], vector<16xf32>,
      %gather3A_198 = tpu.vector_load_idx %arg14[%add3A_107, %broadcast_in_dim3A_195] : memref<256x64xf32, #tpu.memory_space<vmem>>[vector<16xi32>, vector<16xi32>], vector<16xf32>,
      %sub3A_199 = arith.subf %gather3A_197, %gather3A_198 : vector<16xf32>
      %mul3A_200 = arith.mulf %gather3A_196, %sub3A_199 : vector<16xf32>
      %add3A_201 = arith.addf %add3A_193, %mul3A_200 : vector<16xf32>
      %broadcast_in_dim3A_202 = arith.constant 12 : i32
      %broadcast_in_dim3A_203 = vector.broadcast %broadcast_in_dim3A_202 : i32 to vector<16xi32>
      %gather3A_204 = tpu.vector_load_idx %arg12[%add3A_107, %broadcast_in_dim3A_203] : memref<256x64xf32, #tpu.memory_space<vmem>>[vector<16xi32>, vector<16xi32>], vector<16xf32>,
      %gather3A_205 = tpu.vector_load_idx %arg13[%add3A_107, %broadcast_in_dim3A_203] : memref<256x64xf32, #tpu.memory_space<vmem>>[vector<16xi32>, vector<16xi32>], vector<16xf32>,
      %gather3A_206 = tpu.vector_load_idx %arg14[%add3A_107, %broadcast_in_dim3A_203] : memref<256x64xf32, #tpu.memory_space<vmem>>[vector<16xi32>, vector<16xi32>], vector<16xf32>,
      %sub3A_207 = arith.subf %gather3A_205, %gather3A_206 : vector<16xf32>
      %mul3A_208 = arith.mulf %gather3A_204, %sub3A_207 : vector<16xf32>
      %add3A_209 = arith.addf %add3A_201, %mul3A_208 : vector<16xf32>
      %broadcast_in_dim3A_210 = arith.constant 13 : i32
      %broadcast_in_dim3A_211 = vector.broadcast %broadcast_in_dim3A_210 : i32 to vector<16xi32>
      %gather3A_212 = tpu.vector_load_idx %arg12[%add3A_107, %broadcast_in_dim3A_211] : memref<256x64xf32, #tpu.memory_space<vmem>>[vector<16xi32>, vector<16xi32>], vector<16xf32>,
      %gather3A_213 = tpu.vector_load_idx %arg13[%add3A_107, %broadcast_in_dim3A_211] : memref<256x64xf32, #tpu.memory_space<vmem>>[vector<16xi32>, vector<16xi32>], vector<16xf32>,
      %gather3A_214 = tpu.vector_load_idx %arg14[%add3A_107, %broadcast_in_dim3A_211] : memref<256x64xf32, #tpu.memory_space<vmem>>[vector<16xi32>, vector<16xi32>], vector<16xf32>,
      %sub3A_215 = arith.subf %gather3A_213, %gather3A_214 : vector<16xf32>
      %mul3A_216 = arith.mulf %gather3A_212, %sub3A_215 : vector<16xf32>
      %add3A_217 = arith.addf %add3A_209, %mul3A_216 : vector<16xf32>
      %broadcast_in_dim3A_218 = arith.constant 14 : i32
      %broadcast_in_dim3A_219 = vector.broadcast %broadcast_in_dim3A_218 : i32 to vector<16xi32>
      %gather3A_220 = tpu.vector_load_idx %arg12[%add3A_107, %broadcast_in_dim3A_219] : memref<256x64xf32, #tpu.memory_space<vmem>>[vector<16xi32>, vector<16xi32>], vector<16xf32>,
      %gather3A_221 = tpu.vector_load_idx %arg13[%add3A_107, %broadcast_in_dim3A_219] : memref<256x64xf32, #tpu.memory_space<vmem>>[vector<16xi32>, vector<16xi32>], vector<16xf32>,
      %gather3A_222 = tpu.vector_load_idx %arg14[%add3A_107, %broadcast_in_dim3A_219] : memref<256x64xf32, #tpu.memory_space<vmem>>[vector<16xi32>, vector<16xi32>], vector<16xf32>,
      %sub3A_223 = arith.subf %gather3A_221, %gather3A_222 : vector<16xf32>
      %mul3A_224 = arith.mulf %gather3A_220, %sub3A_223 : vector<16xf32>
      %add3A_225 = arith.addf %add3A_217, %mul3A_224 : vector<16xf32>
      %broadcast_in_dim3A_226 = arith.constant 15 : i32
      %broadcast_in_dim3A_227 = vector.broadcast %broadcast_in_dim3A_226 : i32 to vector<16xi32>
      %gather3A_228 = tpu.vector_load_idx %arg12[%add3A_107, %broadcast_in_dim3A_227] : memref<256x64xf32, #tpu.memory_space<vmem>>[vector<16xi32>, vector<16xi32>], vector<16xf32>,
      %gather3A_229 = tpu.vector_load_idx %arg13[%add3A_107, %broadcast_in_dim3A_227] : memref<256x64xf32, #tpu.memory_space<vmem>>[vector<16xi32>, vector<16xi32>], vector<16xf32>,
      %gather3A_230 = tpu.vector_load_idx %arg14[%add3A_107, %broadcast_in_dim3A_227] : memref<256x64xf32, #tpu.memory_space<vmem>>[vector<16xi32>, vector<16xi32>], vector<16xf32>,
      %sub3A_231 = arith.subf %gather3A_229, %gather3A_230 : vector<16xf32>
      %mul3A_232 = arith.mulf %gather3A_228, %sub3A_231 : vector<16xf32>
      %add3A_233 = arith.addf %add3A_225, %mul3A_232 : vector<16xf32>
      %broadcast_in_dim3A_234 = arith.constant 16 : i32
      %broadcast_in_dim3A_235 = vector.broadcast %broadcast_in_dim3A_234 : i32 to vector<16xi32>
      %gather3A_236 = tpu.vector_load_idx %arg12[%add3A_107, %broadcast_in_dim3A_235] : memref<256x64xf32, #tpu.memory_space<vmem>>[vector<16xi32>, vector<16xi32>], vector<16xf32>,
      %gather3A_237 = tpu.vector_load_idx %arg13[%add3A_107, %broadcast_in_dim3A_235] : memref<256x64xf32, #tpu.memory_space<vmem>>[vector<16xi32>, vector<16xi32>], vector<16xf32>,
      %gather3A_238 = tpu.vector_load_idx %arg14[%add3A_107, %broadcast_in_dim3A_235] : memref<256x64xf32, #tpu.memory_space<vmem>>[vector<16xi32>, vector<16xi32>], vector<16xf32>,
      %sub3A_239 = arith.subf %gather3A_237, %gather3A_238 : vector<16xf32>
      %mul3A_240 = arith.mulf %gather3A_236, %sub3A_239 : vector<16xf32>
      %add3A_241 = arith.addf %add3A_233, %mul3A_240 : vector<16xf32>
      %broadcast_in_dim3A_242 = arith.constant 17 : i32
      %broadcast_in_dim3A_243 = vector.broadcast %broadcast_in_dim3A_242 : i32 to vector<16xi32>
      %gather3A_244 = tpu.vector_load_idx %arg12[%add3A_107, %broadcast_in_dim3A_243] : memref<256x64xf32, #tpu.memory_space<vmem>>[vector<16xi32>, vector<16xi32>], vector<16xf32>,
      %gather3A_245 = tpu.vector_load_idx %arg13[%add3A_107, %broadcast_in_dim3A_243] : memref<256x64xf32, #tpu.memory_space<vmem>>[vector<16xi32>, vector<16xi32>], vector<16xf32>,
      %gather3A_246 = tpu.vector_load_idx %arg14[%add3A_107, %broadcast_in_dim3A_243] : memref<256x64xf32, #tpu.memory_space<vmem>>[vector<16xi32>, vector<16xi32>], vector<16xf32>,
      %sub3A_247 = arith.subf %gather3A_245, %gather3A_246 : vector<16xf32>
      %mul3A_248 = arith.mulf %gather3A_244, %sub3A_247 : vector<16xf32>
      %add3A_249 = arith.addf %add3A_241, %mul3A_248 : vector<16xf32>
      %broadcast_in_dim3A_250 = arith.constant 18 : i32
      %broadcast_in_dim3A_251 = vector.broadcast %broadcast_in_dim3A_250 : i32 to vector<16xi32>
      %gather3A_252 = tpu.vector_load_idx %arg12[%add3A_107, %broadcast_in_dim3A_251] : memref<256x64xf32, #tpu.memory_space<vmem>>[vector<16xi32>, vector<16xi32>], vector<16xf32>,
      %gather3A_253 = tpu.vector_load_idx %arg13[%add3A_107, %broadcast_in_dim3A_251] : memref<256x64xf32, #tpu.memory_space<vmem>>[vector<16xi32>, vector<16xi32>], vector<16xf32>,
      %gather3A_254 = tpu.vector_load_idx %arg14[%add3A_107, %broadcast_in_dim3A_251] : memref<256x64xf32, #tpu.memory_space<vmem>>[vector<16xi32>, vector<16xi32>], vector<16xf32>,
      %sub3A_255 = arith.subf %gather3A_253, %gather3A_254 : vector<16xf32>
      %mul3A_256 = arith.mulf %gather3A_252, %sub3A_255 : vector<16xf32>
      %add3A_257 = arith.addf %add3A_249, %mul3A_256 : vector<16xf32>
      %broadcast_in_dim3A_258 = arith.constant 19 : i32
      %broadcast_in_dim3A_259 = vector.broadcast %broadcast_in_dim3A_258 : i32 to vector<16xi32>
      %gather3A_260 = tpu.vector_load_idx %arg12[%add3A_107, %broadcast_in_dim3A_259] : memref<256x64xf32, #tpu.memory_space<vmem>>[vector<16xi32>, vector<16xi32>], vector<16xf32>,
      %gather3A_261 = tpu.vector_load_idx %arg13[%add3A_107, %broadcast_in_dim3A_259] : memref<256x64xf32, #tpu.memory_space<vmem>>[vector<16xi32>, vector<16xi32>], vector<16xf32>,
      %gather3A_262 = tpu.vector_load_idx %arg14[%add3A_107, %broadcast_in_dim3A_259] : memref<256x64xf32, #tpu.memory_space<vmem>>[vector<16xi32>, vector<16xi32>], vector<16xf32>,
      %sub3A_263 = arith.subf %gather3A_261, %gather3A_262 : vector<16xf32>
      %mul3A_264 = arith.mulf %gather3A_260, %sub3A_263 : vector<16xf32>
      %add3A_265 = arith.addf %add3A_257, %mul3A_264 : vector<16xf32>
      %broadcast_in_dim3A_266 = arith.constant 20 : i32
      %broadcast_in_dim3A_267 = vector.broadcast %broadcast_in_dim3A_266 : i32 to vector<16xi32>
      %gather3A_268 = tpu.vector_load_idx %arg12[%add3A_107, %broadcast_in_dim3A_267] : memref<256x64xf32, #tpu.memory_space<vmem>>[vector<16xi32>, vector<16xi32>], vector<16xf32>,
      %gather3A_269 = tpu.vector_load_idx %arg13[%add3A_107, %broadcast_in_dim3A_267] : memref<256x64xf32, #tpu.memory_space<vmem>>[vector<16xi32>, vector<16xi32>], vector<16xf32>,
      %gather3A_270 = tpu.vector_load_idx %arg14[%add3A_107, %broadcast_in_dim3A_267] : memref<256x64xf32, #tpu.memory_space<vmem>>[vector<16xi32>, vector<16xi32>], vector<16xf32>,
      %sub3A_271 = arith.subf %gather3A_269, %gather3A_270 : vector<16xf32>
      %mul3A_272 = arith.mulf %gather3A_268, %sub3A_271 : vector<16xf32>
      %add3A_273 = arith.addf %add3A_265, %mul3A_272 : vector<16xf32>
      %broadcast_in_dim3A_274 = arith.constant 21 : i32
      %broadcast_in_dim3A_275 = vector.broadcast %broadcast_in_dim3A_274 : i32 to vector<16xi32>
      %gather3A_276 = tpu.vector_load_idx %arg12[%add3A_107, %broadcast_in_dim3A_275] : memref<256x64xf32, #tpu.memory_space<vmem>>[vector<16xi32>, vector<16xi32>], vector<16xf32>,
      %gather3A_277 = tpu.vector_load_idx %arg13[%add3A_107, %broadcast_in_dim3A_275] : memref<256x64xf32, #tpu.memory_space<vmem>>[vector<16xi32>, vector<16xi32>], vector<16xf32>,
      %gather3A_278 = tpu.vector_load_idx %arg14[%add3A_107, %broadcast_in_dim3A_275] : memref<256x64xf32, #tpu.memory_space<vmem>>[vector<16xi32>, vector<16xi32>], vector<16xf32>,
      %sub3A_279 = arith.subf %gather3A_277, %gather3A_278 : vector<16xf32>
      %mul3A_280 = arith.mulf %gather3A_276, %sub3A_279 : vector<16xf32>
      %add3A_281 = arith.addf %add3A_273, %mul3A_280 : vector<16xf32>
      %broadcast_in_dim3A_282 = arith.constant 22 : i32
      %broadcast_in_dim3A_283 = vector.broadcast %broadcast_in_dim3A_282 : i32 to vector<16xi32>
      %gather3A_284 = tpu.vector_load_idx %arg12[%add3A_107, %broadcast_in_dim3A_283] : memref<256x64xf32, #tpu.memory_space<vmem>>[vector<16xi32>, vector<16xi32>], vector<16xf32>,
      %gather3A_285 = tpu.vector_load_idx %arg13[%add3A_107, %broadcast_in_dim3A_283] : memref<256x64xf32, #tpu.memory_space<vmem>>[vector<16xi32>, vector<16xi32>], vector<16xf32>,
      %gather3A_286 = tpu.vector_load_idx %arg14[%add3A_107, %broadcast_in_dim3A_283] : memref<256x64xf32, #tpu.memory_space<vmem>>[vector<16xi32>, vector<16xi32>], vector<16xf32>,
      %sub3A_287 = arith.subf %gather3A_285, %gather3A_286 : vector<16xf32>
      %mul3A_288 = arith.mulf %gather3A_284, %sub3A_287 : vector<16xf32>
      %add3A_289 = arith.addf %add3A_281, %mul3A_288 : vector<16xf32>
      %broadcast_in_dim3A_290 = arith.constant 23 : i32
      %broadcast_in_dim3A_291 = vector.broadcast %broadcast_in_dim3A_290 : i32 to vector<16xi32>
      %gather3A_292 = tpu.vector_load_idx %arg12[%add3A_107, %broadcast_in_dim3A_291] : memref<256x64xf32, #tpu.memory_space<vmem>>[vector<16xi32>, vector<16xi32>], vector<16xf32>,
      %gather3A_293 = tpu.vector_load_idx %arg13[%add3A_107, %broadcast_in_dim3A_291] : memref<256x64xf32, #tpu.memory_space<vmem>>[vector<16xi32>, vector<16xi32>], vector<16xf32>,
      %gather3A_294 = tpu.vector_load_idx %arg14[%add3A_107, %broadcast_in_dim3A_291] : memref<256x64xf32, #tpu.memory_space<vmem>>[vector<16xi32>, vector<16xi32>], vector<16xf32>,
      %sub3A_295 = arith.subf %gather3A_293, %gather3A_294 : vector<16xf32>
      %mul3A_296 = arith.mulf %gather3A_292, %sub3A_295 : vector<16xf32>
      %add3A_297 = arith.addf %add3A_289, %mul3A_296 : vector<16xf32>
      %broadcast_in_dim3A_298 = arith.constant 24 : i32
      %broadcast_in_dim3A_299 = vector.broadcast %broadcast_in_dim3A_298 : i32 to vector<16xi32>
      %gather3A_300 = tpu.vector_load_idx %arg12[%add3A_107, %broadcast_in_dim3A_299] : memref<256x64xf32, #tpu.memory_space<vmem>>[vector<16xi32>, vector<16xi32>], vector<16xf32>,
      %gather3A_301 = tpu.vector_load_idx %arg13[%add3A_107, %broadcast_in_dim3A_299] : memref<256x64xf32, #tpu.memory_space<vmem>>[vector<16xi32>, vector<16xi32>], vector<16xf32>,
      %gather3A_302 = tpu.vector_load_idx %arg14[%add3A_107, %broadcast_in_dim3A_299] : memref<256x64xf32, #tpu.memory_space<vmem>>[vector<16xi32>, vector<16xi32>], vector<16xf32>,
      %sub3A_303 = arith.subf %gather3A_301, %gather3A_302 : vector<16xf32>
      %mul3A_304 = arith.mulf %gather3A_300, %sub3A_303 : vector<16xf32>
      %add3A_305 = arith.addf %add3A_297, %mul3A_304 : vector<16xf32>
      %broadcast_in_dim3A_306 = arith.constant 25 : i32
      %broadcast_in_dim3A_307 = vector.broadcast %broadcast_in_dim3A_306 : i32 to vector<16xi32>
      %gather3A_308 = tpu.vector_load_idx %arg12[%add3A_107, %broadcast_in_dim3A_307] : memref<256x64xf32, #tpu.memory_space<vmem>>[vector<16xi32>, vector<16xi32>], vector<16xf32>,
      %gather3A_309 = tpu.vector_load_idx %arg13[%add3A_107, %broadcast_in_dim3A_307] : memref<256x64xf32, #tpu.memory_space<vmem>>[vector<16xi32>, vector<16xi32>], vector<16xf32>,
      %gather3A_310 = tpu.vector_load_idx %arg14[%add3A_107, %broadcast_in_dim3A_307] : memref<256x64xf32, #tpu.memory_space<vmem>>[vector<16xi32>, vector<16xi32>], vector<16xf32>,
      %sub3A_311 = arith.subf %gather3A_309, %gather3A_310 : vector<16xf32>
      %mul3A_312 = arith.mulf %gather3A_308, %sub3A_311 : vector<16xf32>
      %add3A_313 = arith.addf %add3A_305, %mul3A_312 : vector<16xf32>
      %broadcast_in_dim3A_314 = arith.constant 26 : i32
      %broadcast_in_dim3A_315 = vector.broadcast %broadcast_in_dim3A_314 : i32 to vector<16xi32>
      %gather3A_316 = tpu.vector_load_idx %arg12[%add3A_107, %broadcast_in_dim3A_315] : memref<256x64xf32, #tpu.memory_space<vmem>>[vector<16xi32>, vector<16xi32>], vector<16xf32>,
      %gather3A_317 = tpu.vector_load_idx %arg13[%add3A_107, %broadcast_in_dim3A_315] : memref<256x64xf32, #tpu.memory_space<vmem>>[vector<16xi32>, vector<16xi32>], vector<16xf32>,
      %gather3A_318 = tpu.vector_load_idx %arg14[%add3A_107, %broadcast_in_dim3A_315] : memref<256x64xf32, #tpu.memory_space<vmem>>[vector<16xi32>, vector<16xi32>], vector<16xf32>,
      %sub3A_319 = arith.subf %gather3A_317, %gather3A_318 : vector<16xf32>
      %mul3A_320 = arith.mulf %gather3A_316, %sub3A_319 : vector<16xf32>
      %add3A_321 = arith.addf %add3A_313, %mul3A_320 : vector<16xf32>
      %broadcast_in_dim3A_322 = arith.constant 27 : i32
      %broadcast_in_dim3A_323 = vector.broadcast %broadcast_in_dim3A_322 : i32 to vector<16xi32>
      %gather3A_324 = tpu.vector_load_idx %arg12[%add3A_107, %broadcast_in_dim3A_323] : memref<256x64xf32, #tpu.memory_space<vmem>>[vector<16xi32>, vector<16xi32>], vector<16xf32>,
      %gather3A_325 = tpu.vector_load_idx %arg13[%add3A_107, %broadcast_in_dim3A_323] : memref<256x64xf32, #tpu.memory_space<vmem>>[vector<16xi32>, vector<16xi32>], vector<16xf32>,
      %gather3A_326 = tpu.vector_load_idx %arg14[%add3A_107, %broadcast_in_dim3A_323] : memref<256x64xf32, #tpu.memory_space<vmem>>[vector<16xi32>, vector<16xi32>], vector<16xf32>,
      %sub3A_327 = arith.subf %gather3A_325, %gather3A_326 : vector<16xf32>
      %mul3A_328 = arith.mulf %gather3A_324, %sub3A_327 : vector<16xf32>
      %add3A_329 = arith.addf %add3A_321, %mul3A_328 : vector<16xf32>
      %broadcast_in_dim3A_330 = arith.constant 28 : i32
      %broadcast_in_dim3A_331 = vector.broadcast %broadcast_in_dim3A_330 : i32 to vector<16xi32>
      %gather3A_332 = tpu.vector_load_idx %arg12[%add3A_107, %broadcast_in_dim3A_331] : memref<256x64xf32, #tpu.memory_space<vmem>>[vector<16xi32>, vector<16xi32>], vector<16xf32>,
      %gather3A_333 = tpu.vector_load_idx %arg13[%add3A_107, %broadcast_in_dim3A_331] : memref<256x64xf32, #tpu.memory_space<vmem>>[vector<16xi32>, vector<16xi32>], vector<16xf32>,
      %gather3A_334 = tpu.vector_load_idx %arg14[%add3A_107, %broadcast_in_dim3A_331] : memref<256x64xf32, #tpu.memory_space<vmem>>[vector<16xi32>, vector<16xi32>], vector<16xf32>,
      %sub3A_335 = arith.subf %gather3A_333, %gather3A_334 : vector<16xf32>
      %mul3A_336 = arith.mulf %gather3A_332, %sub3A_335 : vector<16xf32>
      %add3A_337 = arith.addf %add3A_329, %mul3A_336 : vector<16xf32>
      %broadcast_in_dim3A_338 = arith.constant 29 : i32
      %broadcast_in_dim3A_339 = vector.broadcast %broadcast_in_dim3A_338 : i32 to vector<16xi32>
      %gather3A_340 = tpu.vector_load_idx %arg12[%add3A_107, %broadcast_in_dim3A_339] : memref<256x64xf32, #tpu.memory_space<vmem>>[vector<16xi32>, vector<16xi32>], vector<16xf32>,
      %gather3A_341 = tpu.vector_load_idx %arg13[%add3A_107, %broadcast_in_dim3A_339] : memref<256x64xf32, #tpu.memory_space<vmem>>[vector<16xi32>, vector<16xi32>], vector<16xf32>,
      %gather3A_342 = tpu.vector_load_idx %arg14[%add3A_107, %broadcast_in_dim3A_339] : memref<256x64xf32, #tpu.memory_space<vmem>>[vector<16xi32>, vector<16xi32>], vector<16xf32>,
      %sub3A_343 = arith.subf %gather3A_341, %gather3A_342 : vector<16xf32>
      %mul3A_344 = arith.mulf %gather3A_340, %sub3A_343 : vector<16xf32>
      %add3A_345 = arith.addf %add3A_337, %mul3A_344 : vector<16xf32>
      %broadcast_in_dim3A_346 = arith.constant 30 : i32
      %broadcast_in_dim3A_347 = vector.broadcast %broadcast_in_dim3A_346 : i32 to vector<16xi32>
      %gather3A_348 = tpu.vector_load_idx %arg12[%add3A_107, %broadcast_in_dim3A_347] : memref<256x64xf32, #tpu.memory_space<vmem>>[vector<16xi32>, vector<16xi32>], vector<16xf32>,
      %gather3A_349 = tpu.vector_load_idx %arg13[%add3A_107, %broadcast_in_dim3A_347] : memref<256x64xf32, #tpu.memory_space<vmem>>[vector<16xi32>, vector<16xi32>], vector<16xf32>,
      %gather3A_350 = tpu.vector_load_idx %arg14[%add3A_107, %broadcast_in_dim3A_347] : memref<256x64xf32, #tpu.memory_space<vmem>>[vector<16xi32>, vector<16xi32>], vector<16xf32>,
      %sub3A_351 = arith.subf %gather3A_349, %gather3A_350 : vector<16xf32>
      %mul3A_352 = arith.mulf %gather3A_348, %sub3A_351 : vector<16xf32>
      %add3A_353 = arith.addf %add3A_345, %mul3A_352 : vector<16xf32>
      %broadcast_in_dim3A_354 = arith.constant 31 : i32
      %broadcast_in_dim3A_355 = vector.broadcast %broadcast_in_dim3A_354 : i32 to vector<16xi32>
      %gather3A_356 = tpu.vector_load_idx %arg12[%add3A_107, %broadcast_in_dim3A_355] : memref<256x64xf32, #tpu.memory_space<vmem>>[vector<16xi32>, vector<16xi32>], vector<16xf32>,
      %gather3A_357 = tpu.vector_load_idx %arg13[%add3A_107, %broadcast_in_dim3A_355] : memref<256x64xf32, #tpu.memory_space<vmem>>[vector<16xi32>, vector<16xi32>], vector<16xf32>,
      %gather3A_358 = tpu.vector_load_idx %arg14[%add3A_107, %broadcast_in_dim3A_355] : memref<256x64xf32, #tpu.memory_space<vmem>>[vector<16xi32>, vector<16xi32>], vector<16xf32>,
      %sub3A_359 = arith.subf %gather3A_357, %gather3A_358 : vector<16xf32>
      %mul3A_360 = arith.mulf %gather3A_356, %sub3A_359 : vector<16xf32>
      %add3A_361 = arith.addf %add3A_353, %mul3A_360 : vector<16xf32>
      %broadcast_in_dim3A_362 = arith.constant 32 : i32
      %broadcast_in_dim3A_363 = vector.broadcast %broadcast_in_dim3A_362 : i32 to vector<16xi32>
      %gather3A_364 = tpu.vector_load_idx %arg12[%add3A_107, %broadcast_in_dim3A_363] : memref<256x64xf32, #tpu.memory_space<vmem>>[vector<16xi32>, vector<16xi32>], vector<16xf32>,
      %gather3A_365 = tpu.vector_load_idx %arg13[%add3A_107, %broadcast_in_dim3A_363] : memref<256x64xf32, #tpu.memory_space<vmem>>[vector<16xi32>, vector<16xi32>], vector<16xf32>,
      %gather3A_366 = tpu.vector_load_idx %arg14[%add3A_107, %broadcast_in_dim3A_363] : memref<256x64xf32, #tpu.memory_space<vmem>>[vector<16xi32>, vector<16xi32>], vector<16xf32>,
      %sub3A_367 = arith.subf %gather3A_365, %gather3A_366 : vector<16xf32>
      %mul3A_368 = arith.mulf %gather3A_364, %sub3A_367 : vector<16xf32>
      %add3A_369 = arith.addf %add3A_361, %mul3A_368 : vector<16xf32>
      %broadcast_in_dim3A_370 = arith.constant 33 : i32
      %broadcast_in_dim3A_371 = vector.broadcast %broadcast_in_dim3A_370 : i32 to vector<16xi32>
      %gather3A_372 = tpu.vector_load_idx %arg12[%add3A_107, %broadcast_in_dim3A_371] : memref<256x64xf32, #tpu.memory_space<vmem>>[vector<16xi32>, vector<16xi32>], vector<16xf32>,
      %gather3A_373 = tpu.vector_load_idx %arg13[%add3A_107, %broadcast_in_dim3A_371] : memref<256x64xf32, #tpu.memory_space<vmem>>[vector<16xi32>, vector<16xi32>], vector<16xf32>,
      %gather3A_374 = tpu.vector_load_idx %arg14[%add3A_107, %broadcast_in_dim3A_371] : memref<256x64xf32, #tpu.memory_space<vmem>>[vector<16xi32>, vector<16xi32>], vector<16xf32>,
      %sub3A_375 = arith.subf %gather3A_373, %gather3A_374 : vector<16xf32>
      %mul3A_376 = arith.mulf %gather3A_372, %sub3A_375 : vector<16xf32>
      %add3A_377 = arith.addf %add3A_369, %mul3A_376 : vector<16xf32>
      %broadcast_in_dim3A_378 = arith.constant 34 : i32
      %broadcast_in_dim3A_379 = vector.broadcast %broadcast_in_dim3A_378 : i32 to vector<16xi32>
      %gather3A_380 = tpu.vector_load_idx %arg12[%add3A_107, %broadcast_in_dim3A_379] : memref<256x64xf32, #tpu.memory_space<vmem>>[vector<16xi32>, vector<16xi32>], vector<16xf32>,
      %gather3A_381 = tpu.vector_load_idx %arg13[%add3A_107, %broadcast_in_dim3A_379] : memref<256x64xf32, #tpu.memory_space<vmem>>[vector<16xi32>, vector<16xi32>], vector<16xf32>,
      %gather3A_382 = tpu.vector_load_idx %arg14[%add3A_107, %broadcast_in_dim3A_379] : memref<256x64xf32, #tpu.memory_space<vmem>>[vector<16xi32>, vector<16xi32>], vector<16xf32>,
      %sub3A_383 = arith.subf %gather3A_381, %gather3A_382 : vector<16xf32>
      %mul3A_384 = arith.mulf %gather3A_380, %sub3A_383 : vector<16xf32>
      %add3A_385 = arith.addf %add3A_377, %mul3A_384 : vector<16xf32>
      %broadcast_in_dim3A_386 = arith.constant 35 : i32
      %broadcast_in_dim3A_387 = vector.broadcast %broadcast_in_dim3A_386 : i32 to vector<16xi32>
      %gather3A_388 = tpu.vector_load_idx %arg12[%add3A_107, %broadcast_in_dim3A_387] : memref<256x64xf32, #tpu.memory_space<vmem>>[vector<16xi32>, vector<16xi32>], vector<16xf32>,
      %gather3A_389 = tpu.vector_load_idx %arg13[%add3A_107, %broadcast_in_dim3A_387] : memref<256x64xf32, #tpu.memory_space<vmem>>[vector<16xi32>, vector<16xi32>], vector<16xf32>,
      %gather3A_390 = tpu.vector_load_idx %arg14[%add3A_107, %broadcast_in_dim3A_387] : memref<256x64xf32, #tpu.memory_space<vmem>>[vector<16xi32>, vector<16xi32>], vector<16xf32>,
      %sub3A_391 = arith.subf %gather3A_389, %gather3A_390 : vector<16xf32>
      %mul3A_392 = arith.mulf %gather3A_388, %sub3A_391 : vector<16xf32>
      %add3A_393 = arith.addf %add3A_385, %mul3A_392 : vector<16xf32>
      %broadcast_in_dim3A_394 = arith.constant 36 : i32
      %broadcast_in_dim3A_395 = vector.broadcast %broadcast_in_dim3A_394 : i32 to vector<16xi32>
      %gather3A_396 = tpu.vector_load_idx %arg12[%add3A_107, %broadcast_in_dim3A_395] : memref<256x64xf32, #tpu.memory_space<vmem>>[vector<16xi32>, vector<16xi32>], vector<16xf32>,
      %gather3A_397 = tpu.vector_load_idx %arg13[%add3A_107, %broadcast_in_dim3A_395] : memref<256x64xf32, #tpu.memory_space<vmem>>[vector<16xi32>, vector<16xi32>], vector<16xf32>,
      %gather3A_398 = tpu.vector_load_idx %arg14[%add3A_107, %broadcast_in_dim3A_395] : memref<256x64xf32, #tpu.memory_space<vmem>>[vector<16xi32>, vector<16xi32>], vector<16xf32>,
      %sub3A_399 = arith.subf %gather3A_397, %gather3A_398 : vector<16xf32>
      %mul3A_400 = arith.mulf %gather3A_396, %sub3A_399 : vector<16xf32>
      %add3A_401 = arith.addf %add3A_393, %mul3A_400 : vector<16xf32>
      %broadcast_in_dim3A_402 = arith.constant 37 : i32
      %broadcast_in_dim3A_403 = vector.broadcast %broadcast_in_dim3A_402 : i32 to vector<16xi32>
      %gather3A_404 = tpu.vector_load_idx %arg12[%add3A_107, %broadcast_in_dim3A_403] : memref<256x64xf32, #tpu.memory_space<vmem>>[vector<16xi32>, vector<16xi32>], vector<16xf32>,
      %gather3A_405 = tpu.vector_load_idx %arg13[%add3A_107, %broadcast_in_dim3A_403] : memref<256x64xf32, #tpu.memory_space<vmem>>[vector<16xi32>, vector<16xi32>], vector<16xf32>,
      %gather3A_406 = tpu.vector_load_idx %arg14[%add3A_107, %broadcast_in_dim3A_403] : memref<256x64xf32, #tpu.memory_space<vmem>>[vector<16xi32>, vector<16xi32>], vector<16xf32>,
      %sub3A_407 = arith.subf %gather3A_405, %gather3A_406 : vector<16xf32>
      %mul3A_408 = arith.mulf %gather3A_404, %sub3A_407 : vector<16xf32>
      %add3A_409 = arith.addf %add3A_401, %mul3A_408 : vector<16xf32>
      %broadcast_in_dim3A_410 = arith.constant 38 : i32
      %broadcast_in_dim3A_411 = vector.broadcast %broadcast_in_dim3A_410 : i32 to vector<16xi32>
      %gather3A_412 = tpu.vector_load_idx %arg12[%add3A_107, %broadcast_in_dim3A_411] : memref<256x64xf32, #tpu.memory_space<vmem>>[vector<16xi32>, vector<16xi32>], vector<16xf32>,
      %gather3A_413 = tpu.vector_load_idx %arg13[%add3A_107, %broadcast_in_dim3A_411] : memref<256x64xf32, #tpu.memory_space<vmem>>[vector<16xi32>, vector<16xi32>], vector<16xf32>,
      %gather3A_414 = tpu.vector_load_idx %arg14[%add3A_107, %broadcast_in_dim3A_411] : memref<256x64xf32, #tpu.memory_space<vmem>>[vector<16xi32>, vector<16xi32>], vector<16xf32>,
      %sub3A_415 = arith.subf %gather3A_413, %gather3A_414 : vector<16xf32>
      %mul3A_416 = arith.mulf %gather3A_412, %sub3A_415 : vector<16xf32>
      %add3A_417 = arith.addf %add3A_409, %mul3A_416 : vector<16xf32>
      %broadcast_in_dim3A_418 = arith.constant 39 : i32
      %broadcast_in_dim3A_419 = vector.broadcast %broadcast_in_dim3A_418 : i32 to vector<16xi32>
      %gather3A_420 = tpu.vector_load_idx %arg12[%add3A_107, %broadcast_in_dim3A_419] : memref<256x64xf32, #tpu.memory_space<vmem>>[vector<16xi32>, vector<16xi32>], vector<16xf32>,
      %gather3A_421 = tpu.vector_load_idx %arg13[%add3A_107, %broadcast_in_dim3A_419] : memref<256x64xf32, #tpu.memory_space<vmem>>[vector<16xi32>, vector<16xi32>], vector<16xf32>,
      %gather3A_422 = tpu.vector_load_idx %arg14[%add3A_107, %broadcast_in_dim3A_419] : memref<256x64xf32, #tpu.memory_space<vmem>>[vector<16xi32>, vector<16xi32>], vector<16xf32>,
      %sub3A_423 = arith.subf %gather3A_421, %gather3A_422 : vector<16xf32>
      %mul3A_424 = arith.mulf %gather3A_420, %sub3A_423 : vector<16xf32>
      %add3A_425 = arith.addf %add3A_417, %mul3A_424 : vector<16xf32>
      %broadcast_in_dim3A_426 = arith.constant 40 : i32
      %broadcast_in_dim3A_427 = vector.broadcast %broadcast_in_dim3A_426 : i32 to vector<16xi32>
      %gather3A_428 = tpu.vector_load_idx %arg12[%add3A_107, %broadcast_in_dim3A_427] : memref<256x64xf32, #tpu.memory_space<vmem>>[vector<16xi32>, vector<16xi32>], vector<16xf32>,
      %gather3A_429 = tpu.vector_load_idx %arg13[%add3A_107, %broadcast_in_dim3A_427] : memref<256x64xf32, #tpu.memory_space<vmem>>[vector<16xi32>, vector<16xi32>], vector<16xf32>,
      %gather3A_430 = tpu.vector_load_idx %arg14[%add3A_107, %broadcast_in_dim3A_427] : memref<256x64xf32, #tpu.memory_space<vmem>>[vector<16xi32>, vector<16xi32>], vector<16xf32>,
      %sub3A_431 = arith.subf %gather3A_429, %gather3A_430 : vector<16xf32>
      %mul3A_432 = arith.mulf %gather3A_428, %sub3A_431 : vector<16xf32>
      %add3A_433 = arith.addf %add3A_425, %mul3A_432 : vector<16xf32>
      %broadcast_in_dim3A_434 = arith.constant 41 : i32
      %broadcast_in_dim3A_435 = vector.broadcast %broadcast_in_dim3A_434 : i32 to vector<16xi32>
      %gather3A_436 = tpu.vector_load_idx %arg12[%add3A_107, %broadcast_in_dim3A_435] : memref<256x64xf32, #tpu.memory_space<vmem>>[vector<16xi32>, vector<16xi32>], vector<16xf32>,
      %gather3A_437 = tpu.vector_load_idx %arg13[%add3A_107, %broadcast_in_dim3A_435] : memref<256x64xf32, #tpu.memory_space<vmem>>[vector<16xi32>, vector<16xi32>], vector<16xf32>,
      %gather3A_438 = tpu.vector_load_idx %arg14[%add3A_107, %broadcast_in_dim3A_435] : memref<256x64xf32, #tpu.memory_space<vmem>>[vector<16xi32>, vector<16xi32>], vector<16xf32>,
      %sub3A_439 = arith.subf %gather3A_437, %gather3A_438 : vector<16xf32>
      %mul3A_440 = arith.mulf %gather3A_436, %sub3A_439 : vector<16xf32>
      %add3A_441 = arith.addf %add3A_433, %mul3A_440 : vector<16xf32>
      %broadcast_in_dim3A_442 = arith.constant 42 : i32
      %broadcast_in_dim3A_443 = vector.broadcast %broadcast_in_dim3A_442 : i32 to vector<16xi32>
      %gather3A_444 = tpu.vector_load_idx %arg12[%add3A_107, %broadcast_in_dim3A_443] : memref<256x64xf32, #tpu.memory_space<vmem>>[vector<16xi32>, vector<16xi32>], vector<16xf32>,
      %gather3A_445 = tpu.vector_load_idx %arg13[%add3A_107, %broadcast_in_dim3A_443] : memref<256x64xf32, #tpu.memory_space<vmem>>[vector<16xi32>, vector<16xi32>], vector<16xf32>,
      %gather3A_446 = tpu.vector_load_idx %arg14[%add3A_107, %broadcast_in_dim3A_443] : memref<256x64xf32, #tpu.memory_space<vmem>>[vector<16xi32>, vector<16xi32>], vector<16xf32>,
      %sub3A_447 = arith.subf %gather3A_445, %gather3A_446 : vector<16xf32>
      %mul3A_448 = arith.mulf %gather3A_444, %sub3A_447 : vector<16xf32>
      %add3A_449 = arith.addf %add3A_441, %mul3A_448 : vector<16xf32>
      %broadcast_in_dim3A_450 = arith.constant 43 : i32
      %broadcast_in_dim3A_451 = vector.broadcast %broadcast_in_dim3A_450 : i32 to vector<16xi32>
      %gather3A_452 = tpu.vector_load_idx %arg12[%add3A_107, %broadcast_in_dim3A_451] : memref<256x64xf32, #tpu.memory_space<vmem>>[vector<16xi32>, vector<16xi32>], vector<16xf32>,
      %gather3A_453 = tpu.vector_load_idx %arg13[%add3A_107, %broadcast_in_dim3A_451] : memref<256x64xf32, #tpu.memory_space<vmem>>[vector<16xi32>, vector<16xi32>], vector<16xf32>,
      %gather3A_454 = tpu.vector_load_idx %arg14[%add3A_107, %broadcast_in_dim3A_451] : memref<256x64xf32, #tpu.memory_space<vmem>>[vector<16xi32>, vector<16xi32>], vector<16xf32>,
      %sub3A_455 = arith.subf %gather3A_453, %gather3A_454 : vector<16xf32>
      %mul3A_456 = arith.mulf %gather3A_452, %sub3A_455 : vector<16xf32>
      %add3A_457 = arith.addf %add3A_449, %mul3A_456 : vector<16xf32>
      %broadcast_in_dim3A_458 = arith.constant 44 : i32
      %broadcast_in_dim3A_459 = vector.broadcast %broadcast_in_dim3A_458 : i32 to vector<16xi32>
      %gather3A_460 = tpu.vector_load_idx %arg12[%add3A_107, %broadcast_in_dim3A_459] : memref<256x64xf32, #tpu.memory_space<vmem>>[vector<16xi32>, vector<16xi32>], vector<16xf32>,
      %gather3A_461 = tpu.vector_load_idx %arg13[%add3A_107, %broadcast_in_dim3A_459] : memref<256x64xf32, #tpu.memory_space<vmem>>[vector<16xi32>, vector<16xi32>], vector<16xf32>,
      %gather3A_462 = tpu.vector_load_idx %arg14[%add3A_107, %broadcast_in_dim3A_459] : memref<256x64xf32, #tpu.memory_space<vmem>>[vector<16xi32>, vector<16xi32>], vector<16xf32>,
      %sub3A_463 = arith.subf %gather3A_461, %gather3A_462 : vector<16xf32>
      %mul3A_464 = arith.mulf %gather3A_460, %sub3A_463 : vector<16xf32>
      %add3A_465 = arith.addf %add3A_457, %mul3A_464 : vector<16xf32>
      %broadcast_in_dim3A_466 = arith.constant 45 : i32
      %broadcast_in_dim3A_467 = vector.broadcast %broadcast_in_dim3A_466 : i32 to vector<16xi32>
      %gather3A_468 = tpu.vector_load_idx %arg12[%add3A_107, %broadcast_in_dim3A_467] : memref<256x64xf32, #tpu.memory_space<vmem>>[vector<16xi32>, vector<16xi32>], vector<16xf32>,
      %gather3A_469 = tpu.vector_load_idx %arg13[%add3A_107, %broadcast_in_dim3A_467] : memref<256x64xf32, #tpu.memory_space<vmem>>[vector<16xi32>, vector<16xi32>], vector<16xf32>,
      %gather3A_470 = tpu.vector_load_idx %arg14[%add3A_107, %broadcast_in_dim3A_467] : memref<256x64xf32, #tpu.memory_space<vmem>>[vector<16xi32>, vector<16xi32>], vector<16xf32>,
      %sub3A_471 = arith.subf %gather3A_469, %gather3A_470 : vector<16xf32>
      %mul3A_472 = arith.mulf %gather3A_468, %sub3A_471 : vector<16xf32>
      %add3A_473 = arith.addf %add3A_465, %mul3A_472 : vector<16xf32>
      %broadcast_in_dim3A_474 = arith.constant 46 : i32
      %broadcast_in_dim3A_475 = vector.broadcast %broadcast_in_dim3A_474 : i32 to vector<16xi32>
      %gather3A_476 = tpu.vector_load_idx %arg12[%add3A_107, %broadcast_in_dim3A_475] : memref<256x64xf32, #tpu.memory_space<vmem>>[vector<16xi32>, vector<16xi32>], vector<16xf32>,
      %gather3A_477 = tpu.vector_load_idx %arg13[%add3A_107, %broadcast_in_dim3A_475] : memref<256x64xf32, #tpu.memory_space<vmem>>[vector<16xi32>, vector<16xi32>], vector<16xf32>,
      %gather3A_478 = tpu.vector_load_idx %arg14[%add3A_107, %broadcast_in_dim3A_475] : memref<256x64xf32, #tpu.memory_space<vmem>>[vector<16xi32>, vector<16xi32>], vector<16xf32>,
      %sub3A_479 = arith.subf %gather3A_477, %gather3A_478 : vector<16xf32>
      %mul3A_480 = arith.mulf %gather3A_476, %sub3A_479 : vector<16xf32>
      %add3A_481 = arith.addf %add3A_473, %mul3A_480 : vector<16xf32>
      %broadcast_in_dim3A_482 = arith.constant 47 : i32
      %broadcast_in_dim3A_483 = vector.broadcast %broadcast_in_dim3A_482 : i32 to vector<16xi32>
      %gather3A_484 = tpu.vector_load_idx %arg12[%add3A_107, %broadcast_in_dim3A_483] : memref<256x64xf32, #tpu.memory_space<vmem>>[vector<16xi32>, vector<16xi32>], vector<16xf32>,
      %gather3A_485 = tpu.vector_load_idx %arg13[%add3A_107, %broadcast_in_dim3A_483] : memref<256x64xf32, #tpu.memory_space<vmem>>[vector<16xi32>, vector<16xi32>], vector<16xf32>,
      %gather3A_486 = tpu.vector_load_idx %arg14[%add3A_107, %broadcast_in_dim3A_483] : memref<256x64xf32, #tpu.memory_space<vmem>>[vector<16xi32>, vector<16xi32>], vector<16xf32>,
      %sub3A_487 = arith.subf %gather3A_485, %gather3A_486 : vector<16xf32>
      %mul3A_488 = arith.mulf %gather3A_484, %sub3A_487 : vector<16xf32>
      %add3A_489 = arith.addf %add3A_481, %mul3A_488 : vector<16xf32>
      %broadcast_in_dim3A_490 = arith.constant 48 : i32
      %broadcast_in_dim3A_491 = vector.broadcast %broadcast_in_dim3A_490 : i32 to vector<16xi32>
      %gather3A_492 = tpu.vector_load_idx %arg12[%add3A_107, %broadcast_in_dim3A_491] : memref<256x64xf32, #tpu.memory_space<vmem>>[vector<16xi32>, vector<16xi32>], vector<16xf32>,
      %gather3A_493 = tpu.vector_load_idx %arg13[%add3A_107, %broadcast_in_dim3A_491] : memref<256x64xf32, #tpu.memory_space<vmem>>[vector<16xi32>, vector<16xi32>], vector<16xf32>,
      %gather3A_494 = tpu.vector_load_idx %arg14[%add3A_107, %broadcast_in_dim3A_491] : memref<256x64xf32, #tpu.memory_space<vmem>>[vector<16xi32>, vector<16xi32>], vector<16xf32>,
      %sub3A_495 = arith.subf %gather3A_493, %gather3A_494 : vector<16xf32>
      %mul3A_496 = arith.mulf %gather3A_492, %sub3A_495 : vector<16xf32>
      %add3A_497 = arith.addf %add3A_489, %mul3A_496 : vector<16xf32>
      %broadcast_in_dim3A_498 = arith.constant 49 : i32
      %broadcast_in_dim3A_499 = vector.broadcast %broadcast_in_dim3A_498 : i32 to vector<16xi32>
      %gather3A_500 = tpu.vector_load_idx %arg12[%add3A_107, %broadcast_in_dim3A_499] : memref<256x64xf32, #tpu.memory_space<vmem>>[vector<16xi32>, vector<16xi32>], vector<16xf32>,
      %gather3A_501 = tpu.vector_load_idx %arg13[%add3A_107, %broadcast_in_dim3A_499] : memref<256x64xf32, #tpu.memory_space<vmem>>[vector<16xi32>, vector<16xi32>], vector<16xf32>,
      %gather3A_502 = tpu.vector_load_idx %arg14[%add3A_107, %broadcast_in_dim3A_499] : memref<256x64xf32, #tpu.memory_space<vmem>>[vector<16xi32>, vector<16xi32>], vector<16xf32>,
      %sub3A_503 = arith.subf %gather3A_501, %gather3A_502 : vector<16xf32>
      %mul3A_504 = arith.mulf %gather3A_500, %sub3A_503 : vector<16xf32>
      %add3A_505 = arith.addf %add3A_497, %mul3A_504 : vector<16xf32>
      %broadcast_in_dim3A_506 = arith.constant 50 : i32
      %broadcast_in_dim3A_507 = vector.broadcast %broadcast_in_dim3A_506 : i32 to vector<16xi32>
      %gather3A_508 = tpu.vector_load_idx %arg12[%add3A_107, %broadcast_in_dim3A_507] : memref<256x64xf32, #tpu.memory_space<vmem>>[vector<16xi32>, vector<16xi32>], vector<16xf32>,
      %gather3A_509 = tpu.vector_load_idx %arg13[%add3A_107, %broadcast_in_dim3A_507] : memref<256x64xf32, #tpu.memory_space<vmem>>[vector<16xi32>, vector<16xi32>], vector<16xf32>,
      %gather3A_510 = tpu.vector_load_idx %arg14[%add3A_107, %broadcast_in_dim3A_507] : memref<256x64xf32, #tpu.memory_space<vmem>>[vector<16xi32>, vector<16xi32>], vector<16xf32>,
      %sub3A_511 = arith.subf %gather3A_509, %gather3A_510 : vector<16xf32>
      %mul3A_512 = arith.mulf %gather3A_508, %sub3A_511 : vector<16xf32>
      %add3A_513 = arith.addf %add3A_505, %mul3A_512 : vector<16xf32>
      %broadcast_in_dim3A_514 = arith.constant 51 : i32
      %broadcast_in_dim3A_515 = vector.broadcast %broadcast_in_dim3A_514 : i32 to vector<16xi32>
      %gather3A_516 = tpu.vector_load_idx %arg12[%add3A_107, %broadcast_in_dim3A_515] : memref<256x64xf32, #tpu.memory_space<vmem>>[vector<16xi32>, vector<16xi32>], vector<16xf32>,
      %gather3A_517 = tpu.vector_load_idx %arg13[%add3A_107, %broadcast_in_dim3A_515] : memref<256x64xf32, #tpu.memory_space<vmem>>[vector<16xi32>, vector<16xi32>], vector<16xf32>,
      %gather3A_518 = tpu.vector_load_idx %arg14[%add3A_107, %broadcast_in_dim3A_515] : memref<256x64xf32, #tpu.memory_space<vmem>>[vector<16xi32>, vector<16xi32>], vector<16xf32>,
      %sub3A_519 = arith.subf %gather3A_517, %gather3A_518 : vector<16xf32>
      %mul3A_520 = arith.mulf %gather3A_516, %sub3A_519 : vector<16xf32>
      %add3A_521 = arith.addf %add3A_513, %mul3A_520 : vector<16xf32>
      %broadcast_in_dim3A_522 = arith.constant 52 : i32
      %broadcast_in_dim3A_523 = vector.broadcast %broadcast_in_dim3A_522 : i32 to vector<16xi32>
      %gather3A_524 = tpu.vector_load_idx %arg12[%add3A_107, %broadcast_in_dim3A_523] : memref<256x64xf32, #tpu.memory_space<vmem>>[vector<16xi32>, vector<16xi32>], vector<16xf32>,
      %gather3A_525 = tpu.vector_load_idx %arg13[%add3A_107, %broadcast_in_dim3A_523] : memref<256x64xf32, #tpu.memory_space<vmem>>[vector<16xi32>, vector<16xi32>], vector<16xf32>,
      %gather3A_526 = tpu.vector_load_idx %arg14[%add3A_107, %broadcast_in_dim3A_523] : memref<256x64xf32, #tpu.memory_space<vmem>>[vector<16xi32>, vector<16xi32>], vector<16xf32>,
      %sub3A_527 = arith.subf %gather3A_525, %gather3A_526 : vector<16xf32>
      %mul3A_528 = arith.mulf %gather3A_524, %sub3A_527 : vector<16xf32>
      %add3A_529 = arith.addf %add3A_521, %mul3A_528 : vector<16xf32>
      %broadcast_in_dim3A_530 = arith.constant 53 : i32
      %broadcast_in_dim3A_531 = vector.broadcast %broadcast_in_dim3A_530 : i32 to vector<16xi32>
      %gather3A_532 = tpu.vector_load_idx %arg12[%add3A_107, %broadcast_in_dim3A_531] : memref<256x64xf32, #tpu.memory_space<vmem>>[vector<16xi32>, vector<16xi32>], vector<16xf32>,
      %gather3A_533 = tpu.vector_load_idx %arg13[%add3A_107, %broadcast_in_dim3A_531] : memref<256x64xf32, #tpu.memory_space<vmem>>[vector<16xi32>, vector<16xi32>], vector<16xf32>,
      %gather3A_534 = tpu.vector_load_idx %arg14[%add3A_107, %broadcast_in_dim3A_531] : memref<256x64xf32, #tpu.memory_space<vmem>>[vector<16xi32>, vector<16xi32>], vector<16xf32>,
      %sub3A_535 = arith.subf %gather3A_533, %gather3A_534 : vector<16xf32>
      %mul3A_536 = arith.mulf %gather3A_532, %sub3A_535 : vector<16xf32>
      %add3A_537 = arith.addf %add3A_529, %mul3A_536 : vector<16xf32>
      %broadcast_in_dim3A_538 = arith.constant 54 : i32
      %broadcast_in_dim3A_539 = vector.broadcast %broadcast_in_dim3A_538 : i32 to vector<16xi32>
      %gather3A_540 = tpu.vector_load_idx %arg12[%add3A_107, %broadcast_in_dim3A_539] : memref<256x64xf32, #tpu.memory_space<vmem>>[vector<16xi32>, vector<16xi32>], vector<16xf32>,
      %gather3A_541 = tpu.vector_load_idx %arg13[%add3A_107, %broadcast_in_dim3A_539] : memref<256x64xf32, #tpu.memory_space<vmem>>[vector<16xi32>, vector<16xi32>], vector<16xf32>,
      %gather3A_542 = tpu.vector_load_idx %arg14[%add3A_107, %broadcast_in_dim3A_539] : memref<256x64xf32, #tpu.memory_space<vmem>>[vector<16xi32>, vector<16xi32>], vector<16xf32>,
      %sub3A_543 = arith.subf %gather3A_541, %gather3A_542 : vector<16xf32>
      %mul3A_544 = arith.mulf %gather3A_540, %sub3A_543 : vector<16xf32>
      %add3A_545 = arith.addf %add3A_537, %mul3A_544 : vector<16xf32>
      %broadcast_in_dim3A_546 = arith.constant 55 : i32
      %broadcast_in_dim3A_547 = vector.broadcast %broadcast_in_dim3A_546 : i32 to vector<16xi32>
      %gather3A_548 = tpu.vector_load_idx %arg12[%add3A_107, %broadcast_in_dim3A_547] : memref<256x64xf32, #tpu.memory_space<vmem>>[vector<16xi32>, vector<16xi32>], vector<16xf32>,
      %gather3A_549 = tpu.vector_load_idx %arg13[%add3A_107, %broadcast_in_dim3A_547] : memref<256x64xf32, #tpu.memory_space<vmem>>[vector<16xi32>, vector<16xi32>], vector<16xf32>,
      %gather3A_550 = tpu.vector_load_idx %arg14[%add3A_107, %broadcast_in_dim3A_547] : memref<256x64xf32, #tpu.memory_space<vmem>>[vector<16xi32>, vector<16xi32>], vector<16xf32>,
      %sub3A_551 = arith.subf %gather3A_549, %gather3A_550 : vector<16xf32>
      %mul3A_552 = arith.mulf %gather3A_548, %sub3A_551 : vector<16xf32>
      %add3A_553 = arith.addf %add3A_545, %mul3A_552 : vector<16xf32>
      %broadcast_in_dim3A_554 = arith.constant 56 : i32
      %broadcast_in_dim3A_555 = vector.broadcast %broadcast_in_dim3A_554 : i32 to vector<16xi32>
      %gather3A_556 = tpu.vector_load_idx %arg12[%add3A_107, %broadcast_in_dim3A_555] : memref<256x64xf32, #tpu.memory_space<vmem>>[vector<16xi32>, vector<16xi32>], vector<16xf32>,
      %gather3A_557 = tpu.vector_load_idx %arg13[%add3A_107, %broadcast_in_dim3A_555] : memref<256x64xf32, #tpu.memory_space<vmem>>[vector<16xi32>, vector<16xi32>], vector<16xf32>,
      %gather3A_558 = tpu.vector_load_idx %arg14[%add3A_107, %broadcast_in_dim3A_555] : memref<256x64xf32, #tpu.memory_space<vmem>>[vector<16xi32>, vector<16xi32>], vector<16xf32>,
      %sub3A_559 = arith.subf %gather3A_557, %gather3A_558 : vector<16xf32>
      %mul3A_560 = arith.mulf %gather3A_556, %sub3A_559 : vector<16xf32>
      %add3A_561 = arith.addf %add3A_553, %mul3A_560 : vector<16xf32>
      %broadcast_in_dim3A_562 = arith.constant 57 : i32
      %broadcast_in_dim3A_563 = vector.broadcast %broadcast_in_dim3A_562 : i32 to vector<16xi32>
      %gather3A_564 = tpu.vector_load_idx %arg12[%add3A_107, %broadcast_in_dim3A_563] : memref<256x64xf32, #tpu.memory_space<vmem>>[vector<16xi32>, vector<16xi32>], vector<16xf32>,
      %gather3A_565 = tpu.vector_load_idx %arg13[%add3A_107, %broadcast_in_dim3A_563] : memref<256x64xf32, #tpu.memory_space<vmem>>[vector<16xi32>, vector<16xi32>], vector<16xf32>,
      %gather3A_566 = tpu.vector_load_idx %arg14[%add3A_107, %broadcast_in_dim3A_563] : memref<256x64xf32, #tpu.memory_space<vmem>>[vector<16xi32>, vector<16xi32>], vector<16xf32>,
      %sub3A_567 = arith.subf %gather3A_565, %gather3A_566 : vector<16xf32>
      %mul3A_568 = arith.mulf %gather3A_564, %sub3A_567 : vector<16xf32>
      %add3A_569 = arith.addf %add3A_561, %mul3A_568 : vector<16xf32>
      %broadcast_in_dim3A_570 = arith.constant 58 : i32
      %broadcast_in_dim3A_571 = vector.broadcast %broadcast_in_dim3A_570 : i32 to vector<16xi32>
      %gather3A_572 = tpu.vector_load_idx %arg12[%add3A_107, %broadcast_in_dim3A_571] : memref<256x64xf32, #tpu.memory_space<vmem>>[vector<16xi32>, vector<16xi32>], vector<16xf32>,
      %gather3A_573 = tpu.vector_load_idx %arg13[%add3A_107, %broadcast_in_dim3A_571] : memref<256x64xf32, #tpu.memory_space<vmem>>[vector<16xi32>, vector<16xi32>], vector<16xf32>,
      %gather3A_574 = tpu.vector_load_idx %arg14[%add3A_107, %broadcast_in_dim3A_571] : memref<256x64xf32, #tpu.memory_space<vmem>>[vector<16xi32>, vector<16xi32>], vector<16xf32>,
      %sub3A_575 = arith.subf %gather3A_573, %gather3A_574 : vector<16xf32>
      %mul3A_576 = arith.mulf %gather3A_572, %sub3A_575 : vector<16xf32>
      %add3A_577 = arith.addf %add3A_569, %mul3A_576 : vector<16xf32>
      %broadcast_in_dim3A_578 = arith.constant 59 : i32
      %broadcast_in_dim3A_579 = vector.broadcast %broadcast_in_dim3A_578 : i32 to vector<16xi32>
      %gather3A_580 = tpu.vector_load_idx %arg12[%add3A_107, %broadcast_in_dim3A_579] : memref<256x64xf32, #tpu.memory_space<vmem>>[vector<16xi32>, vector<16xi32>], vector<16xf32>,
      %gather3A_581 = tpu.vector_load_idx %arg13[%add3A_107, %broadcast_in_dim3A_579] : memref<256x64xf32, #tpu.memory_space<vmem>>[vector<16xi32>, vector<16xi32>], vector<16xf32>,
      %gather3A_582 = tpu.vector_load_idx %arg14[%add3A_107, %broadcast_in_dim3A_579] : memref<256x64xf32, #tpu.memory_space<vmem>>[vector<16xi32>, vector<16xi32>], vector<16xf32>,
      %sub3A_583 = arith.subf %gather3A_581, %gather3A_582 : vector<16xf32>
      %mul3A_584 = arith.mulf %gather3A_580, %sub3A_583 : vector<16xf32>
      %add3A_585 = arith.addf %add3A_577, %mul3A_584 : vector<16xf32>
      %broadcast_in_dim3A_586 = arith.constant 60 : i32
      %broadcast_in_dim3A_587 = vector.broadcast %broadcast_in_dim3A_586 : i32 to vector<16xi32>
      %gather3A_588 = tpu.vector_load_idx %arg12[%add3A_107, %broadcast_in_dim3A_587] : memref<256x64xf32, #tpu.memory_space<vmem>>[vector<16xi32>, vector<16xi32>], vector<16xf32>,
      %gather3A_589 = tpu.vector_load_idx %arg13[%add3A_107, %broadcast_in_dim3A_587] : memref<256x64xf32, #tpu.memory_space<vmem>>[vector<16xi32>, vector<16xi32>], vector<16xf32>,
      %gather3A_590 = tpu.vector_load_idx %arg14[%add3A_107, %broadcast_in_dim3A_587] : memref<256x64xf32, #tpu.memory_space<vmem>>[vector<16xi32>, vector<16xi32>], vector<16xf32>,
      %sub3A_591 = arith.subf %gather3A_589, %gather3A_590 : vector<16xf32>
      %mul3A_592 = arith.mulf %gather3A_588, %sub3A_591 : vector<16xf32>
      %add3A_593 = arith.addf %add3A_585, %mul3A_592 : vector<16xf32>
      %broadcast_in_dim3A_594 = arith.constant 61 : i32
      %broadcast_in_dim3A_595 = vector.broadcast %broadcast_in_dim3A_594 : i32 to vector<16xi32>
      %gather3A_596 = tpu.vector_load_idx %arg12[%add3A_107, %broadcast_in_dim3A_595] : memref<256x64xf32, #tpu.memory_space<vmem>>[vector<16xi32>, vector<16xi32>], vector<16xf32>,
      %gather3A_597 = tpu.vector_load_idx %arg13[%add3A_107, %broadcast_in_dim3A_595] : memref<256x64xf32, #tpu.memory_space<vmem>>[vector<16xi32>, vector<16xi32>], vector<16xf32>,
      %gather3A_598 = tpu.vector_load_idx %arg14[%add3A_107, %broadcast_in_dim3A_595] : memref<256x64xf32, #tpu.memory_space<vmem>>[vector<16xi32>, vector<16xi32>], vector<16xf32>,
      %sub3A_599 = arith.subf %gather3A_597, %gather3A_598 : vector<16xf32>
      %mul3A_600 = arith.mulf %gather3A_596, %sub3A_599 : vector<16xf32>
      %add3A_601 = arith.addf %add3A_593, %mul3A_600 : vector<16xf32>
      %broadcast_in_dim3A_602 = arith.constant 62 : i32
      %broadcast_in_dim3A_603 = vector.broadcast %broadcast_in_dim3A_602 : i32 to vector<16xi32>
      %gather3A_604 = tpu.vector_load_idx %arg12[%add3A_107, %broadcast_in_dim3A_603] : memref<256x64xf32, #tpu.memory_space<vmem>>[vector<16xi32>, vector<16xi32>], vector<16xf32>,
      %gather3A_605 = tpu.vector_load_idx %arg13[%add3A_107, %broadcast_in_dim3A_603] : memref<256x64xf32, #tpu.memory_space<vmem>>[vector<16xi32>, vector<16xi32>], vector<16xf32>,
      %gather3A_606 = tpu.vector_load_idx %arg14[%add3A_107, %broadcast_in_dim3A_603] : memref<256x64xf32, #tpu.memory_space<vmem>>[vector<16xi32>, vector<16xi32>], vector<16xf32>,
      %sub3A_607 = arith.subf %gather3A_605, %gather3A_606 : vector<16xf32>
      %mul3A_608 = arith.mulf %gather3A_604, %sub3A_607 : vector<16xf32>
      %add3A_609 = arith.addf %add3A_601, %mul3A_608 : vector<16xf32>
      %broadcast_in_dim3A_610 = arith.constant 63 : i32
      %broadcast_in_dim3A_611 = vector.broadcast %broadcast_in_dim3A_610 : i32 to vector<16xi32>
      %gather3A_612 = tpu.vector_load_idx %arg12[%add3A_107, %broadcast_in_dim3A_611] : memref<256x64xf32, #tpu.memory_space<vmem>>[vector<16xi32>, vector<16xi32>], vector<16xf32>,
      %gather3A_613 = tpu.vector_load_idx %arg13[%add3A_107, %broadcast_in_dim3A_611] : memref<256x64xf32, #tpu.memory_space<vmem>>[vector<16xi32>, vector<16xi32>], vector<16xf32>,
      %gather3A_614 = tpu.vector_load_idx %arg14[%add3A_107, %broadcast_in_dim3A_611] : memref<256x64xf32, #tpu.memory_space<vmem>>[vector<16xi32>, vector<16xi32>], vector<16xf32>,
      %sub3A_615 = arith.subf %gather3A_613, %gather3A_614 : vector<16xf32>
      %mul3A_616 = arith.mulf %gather3A_612, %sub3A_615 : vector<16xf32>
      %add3A_617 = arith.addf %add3A_609, %mul3A_616 : vector<16xf32>
      %mul3A_618 = arith.constant 16 : i32
      %mul3A_619 = arith.muli %scan3A_92, %mul3A_618 : i32
      %add3A_620 = arith.constant 256 : i32
      %add3A_621 = arith.addi %add3A_620, %mul3A_619 : i32
      %swap3A = arith.index_cast %add3A_621 : i32 to index
      %swap3A_622 = tpu.vector_load %arg17[%swap3A] {strides = array<i32>} : memref<512xf32, #tpu.memory_space<vmem>>, vector<16xf32>,
      tpu.vector_store %arg17[%swap3A], %add3A_617 {strides = array<i32>} : memref<512xf32, #tpu.memory_space<vmem>>, vector<16xf32>,
    }
    %scan3A_91 = arith.constant 16 : i32
    "tpu.region"() ({
      %run_scoped3A = tpu.sem_alloc : memref<!tpu.dma_semaphore, #tpu.memory_space<semaphore_mem>>
      %dma_start3A_92 = tpu.memref_slice %arg8[%mul3A_2] : memref<16384xf32, #tpu.memory_space<hbm>> -> memref<512xf32, #tpu.memory_space<hbm>>
      %dma_start3A_93 = tpu.memref_slice %arg8[%mul3A_2] : memref<16384xf32, #tpu.memory_space<hbm>> -> memref<512xf32, #tpu.memory_space<hbm>>
      tpu.enqueue_dma source(%arg17 : memref<512xf32, #tpu.memory_space<vmem>>) target(%dma_start3A_93 : memref<512xf32, #tpu.memory_space<hbm>>) target_semaphore(%run_scoped3A : memref<!tpu.dma_semaphore, #tpu.memory_space<semaphore_mem>>)
      %dma_wait3A_94 = tpu.memref_slice %arg8[%mul3A_2] : memref<16384xf32, #tpu.memory_space<hbm>> -> memref<512xf32, #tpu.memory_space<hbm>>
      %dma_wait3A_95 = tpu.memref_slice %arg8[%mul3A_2] : memref<16384xf32, #tpu.memory_space<hbm>> -> memref<512xf32, #tpu.memory_space<hbm>>
      tpu.wait_dma2 semaphore(%run_scoped3A : memref<!tpu.dma_semaphore, #tpu.memory_space<semaphore_mem>>) src(%arg17 : memref<512xf32, #tpu.memory_space<vmem>>) dst(%dma_wait3A_95 : memref<512xf32, #tpu.memory_space<hbm>>)
      tpu.yield
    }) : () -> ()
    return
  }
}

module attributes {stable_mosaic.version = 14 : i64} {
  func.func @body(%arg0: memref<128x128xf32, #tpu.memory_space<vmem>>, %arg1: memref<1x1xf32, #tpu.memory_space<vmem>>) attributes {dimension_semantics = [], scalar_prefetch = 0 : i64, scratch_operands = 0 : i64, tpu.core_type = #tpu.core_type<tc>} {
    %get3A = arith.constant 0 : index
    %get3A_0 = arith.constant 0 : index
    %get3A_1 = vector.load %arg0[%get3A, %get3A_0] : memref<128x128xf32, #tpu.memory_space<vmem>>, vector<128x128xf32>
    %neg3A = arith.constant 0.000000e+00 : f32
    %neg3A_2 = vector.broadcast %neg3A : f32 to vector<128x128xf32>
    %neg3A_3 = arith.subf %neg3A_2, %get3A_1 : vector<128x128xf32>
    %max3A = arith.constant 0.000000e+00 : f32
    %max3A_4 = vector.broadcast %max3A : f32 to vector<128x128xf32>
    %max3A_5 = arith.maximumf %neg3A_3, %max3A_4 : vector<128x128xf32>
    %abs3A = math.absf %get3A_1 : vector<128x128xf32>
    %neg3A_6 = arith.constant 0.000000e+00 : f32
    %neg3A_7 = vector.broadcast %neg3A_6 : f32 to vector<128x128xf32>
    %neg3A_8 = arith.subf %neg3A_7, %abs3A : vector<128x128xf32>
    %exp3A = math.exp %neg3A_8 : vector<128x128xf32>
    %log1p3A = math.log1p %exp3A : vector<128x128xf32>
    %add3A = arith.addf %max3A_5, %log1p3A : vector<128x128xf32>
    %reduce_sum3A = vector.shape_cast %add3A : vector<128x128xf32> to vector<1x128x128xf32>
    %reduce_sum3A_9 = arith.constant dense<0.000000e+00> : vector<1xf32>
    %reduce_sum3A_10 = vector.multi_reduction <add>, %reduce_sum3A, %reduce_sum3A_9 [1, 2] : vector<1x128x128xf32> to vector<1xf32>
    %reduce_sum3A_11 = vector.shape_cast %reduce_sum3A_10 : vector<1xf32> to vector<1x1x1xf32>
    %reduce_sum3A_12 = vector.extract %reduce_sum3A_11[0, 0, 0] : f32 from vector<1x1x1xf32>
    %mul3A = arith.constant 6.10351563E-5 : f32
    %mul3A_13 = arith.mulf %reduce_sum3A_12, %mul3A : f32
    %reshape3A = vector.broadcast %mul3A_13 : f32 to vector<1x1xf32>
    %swap3A = arith.constant 0 : index
    %swap3A_14 = arith.constant 0 : index
    %swap3A_15 = vector.load %arg1[%swap3A, %swap3A_14] : memref<1x1xf32, #tpu.memory_space<vmem>>, vector<1x1xf32>
    tpu.vector_store %arg1[%swap3A, %swap3A_14], %reshape3A {strides = array<i32>} : memref<1x1xf32, #tpu.memory_space<vmem>>, vector<1x1xf32>,
    return
  }
}

</mosaic_0001>

<sc_bundles>
// kernel: kernel.4.cloned.1.call-start
scs
__scs_entry_jumppad:
0x0: {  	(pc) =	sbr.rel $0x88, $3  }
0x1: {  	(tag) =	ssettag $0x0;
	lr =	simm.s32 $0x1  }
0x2: {  	[smem:$0x3F9B] =	sst lr;
	_ =	strace $0xD0000000  }
0x3: {  	_ = 	snop  }
0x4: {  	_ = 	snop  }
0x5: {  	_ = 	snop  }
0x6: {  	_ = 	snop  }
0x7: {  	_ = 	snop  }
__scs_overlays_trampoline_lowered:
0x8: {  	[smem:$0x3FAA] =	sst s0  }
0x9: {  	[smem:$0x3FAB] =	sst s1  }
0xa: {  	[smem:$0x3FAC] =	sst s2  }
0xb: {  	[smem:$0x3FAD] =	sst s3  }
0xc: {  	[smem:$0x3FAE] =	sst s4  }
0xd: {  	[smem:$0x3FAF] =	sst s5  }
0xe: {  	[smem:$0x3FB0] =	sst s6  }
0xf: {  	[smem:$0x3FB1] =	sst s7  }
0x10: {  	[smem:$0x3FB2] =	sst s8  }
0x11: {  	[smem:$0x3FB3] =	sst s9;
	s0 =	simm.s32 @!p0 $0x0  }
0x12: {  	s1 =	sld [smem:$0x3F99];
	s0 =	simm.s32 @p0 $0x1  }
0x13: {  	[smem:$0x3FB4] =	sst s0;
	s0 =	simm.s32 @!p1 $0x0  }
0x14: {  	s2 =	sld [smem:$0x3F98];
	s0 =	simm.s32 @p1 $0x1  }
0x15: {  	[smem:$0x3FB5] =	sst s0;
	s0 =	simm.s32 @!p2 $0x0  }
0x16: {  	s3 =	sld [smem:$0x3FDB];
	s0 =	simm.s32 @p2 $0x1  }
0x17: {  	s4 =	simm.s32 $0x1BF5;
	[smem:$0x3FB7] =	sst s0  }
0x18: {  	s0 =	sld [smem:$0x3F9A];
	_ =	swait.ge [sflag:s4], $0x0  }
0x19: {  	s7 =	sld [smem:$0x3F9B]  }
0x1a: {  	s8 =	sadd.s32 $0xFFFFE003, lr  }
0x1b: {  	s9 =	sadd.s32 $0xFFFFFEF7, lr;
	s5 =	simm.s32 $0xFFFFFFFF;
	p2 =	slt.u32 s8, $0xFFFFF086  }
0x1c: {  	p1 =	slt.u32 s9, $0xF7A;
	s5 =	simm.s32 @!p2 $0x0  }
0x1d: {  	s5 =	simm.s32 @p1 $0x1;
	p0 =	seq.s32 s7, s2  }
0x1e: {  	s7 =	smul.u32 @!p0 $0xF7A, s2;
	p2 =	seq.s32 @!p0 s5, $0x0  }
0x1f: {  	s9 =	smul.u32 $0xF7A, s1;
	s8 =	simm.s32 @!p0 $0x1BF5;
	p2 =	por !p2, p0  }
0x20: {  	[sflag:s8] =	ssyncset.s32 @!p0 $0xFFFFF086;
	s6 =	sadd.s32 @!p0 s3, s7;
	s7 =	simm.s32 @!p0 $0x108  }
0x21: {  	s3 =	sadd.s32 s3, s9;
	s6 =	sadd.s32 @!p0 $0x88, s6;
	s7 =	simm.s32 @p2 $0x1082  }
0x22: {  	[simem:s7], [sflag:s8] =	dma.local @!p0 [hbm:s6], $0xF7A  }
0x23: {  	s9 =	sor.u32 $0xD0000000, s2;
	s6 =	simm.s32 $0x108;
	_ =	swait.ge @!p0 [sflag:s8], $0x0  }
0x24: {  	s3 =	sadd.s32 $0x88, s3;
	s6 =	simm.s32 @!p1 $0x1082;
	[sflag:s4] =	ssyncset.s32 $0xFFFFF086  }
0x25: {  	[simem:s6], [sflag:s4] =	dma.local [hbm:s3], $0xF7A  }
0x26: {  	[smem:$0x3F9B] =	sst s1;
	(tag) =	ssettag s2;
	_ =	strace s9  }
0x27: {  	s1 =	sld [smem:$0x3FAB]  }
0x28: {  	s2 =	sld [smem:$0x3FAC]  }
0x29: {  	s4 =	sld [smem:$0x3FAE]  }
0x2a: {  	p0 =	seq.s32 s5, $0x0;
	s5 =	sld [smem:$0x3FAF]  }
0x2b: {  	s6 =	sld [smem:$0x3FB0]  }
0x2c: {  	s7 =	sld [smem:$0x3FB1]  }
0x2d: {  	s3 =	simm.s32 $0x108;
	s8 =	sld [smem:$0x3FB2]  }
0x2e: {  	s3 =	simm.s32 @!p0 $0x1082;
	s9 =	sld [smem:$0x3FB3]  }
0x2f: {  	lr =	sadd.s32 s0, s3;
	s0 =	sld [smem:$0x3FAA]  }
0x30: {  	s3 =	sld [smem:$0x3FAD]  }
0x31: {  	[smem:$0x3FB6] =	sst s10  }
0x32: {  	s10 =	sld [smem:$0x3FB4];
	_ =	sdelay $0x3  }
0x33: {  	p0 =	seq.s32 s10, $0x1;
	s10 =	sld [smem:$0x3FB6];
	_ =	sdelay $0x3  }
0x34: {  	[smem:$0x3FB6] =	sst s10  }
0x35: {  	s10 =	sld [smem:$0x3FB5];
	_ =	sdelay $0x3  }
0x36: {  	p1 =	seq.s32 s10, $0x1;
	s10 =	sld [smem:$0x3FB6];
	_ =	sdelay $0x3  }
0x37: {  	[smem:$0x3FB6] =	sst s10  }
0x38: {  	s10 =	sld [smem:$0x3FB7]  }
0x39: {  	_ = 	snop;
	(pc) =	sbr.ind lr, $3  }
0x3a: {  	_ = 	snop  }
0x3b: {  	_ = 	snop  }
0x3c: {  	p2 =	seq.s32 s10, $0x1;
	s10 =	sld [smem:$0x3FB6]  }
0x3d: {  	_ =	shalt  }
0x3e: {  	_ =	shalt  }
0x3f: {  	_ =	shalt  }
0x40: {  	_ =	shalt  }
0x41: {  	_ =	shalt  }
0x42: {  	_ =	shalt  }
0x43: {  	_ =	shalt  }
0x44: {  	_ =	shalt  }
0x45: {  	_ =	shalt  }
0x46: {  	_ =	shalt  }
0x47: {  	_ =	shalt  }
0x48: {  	_ =	shalt  }
0x49: {  	_ =	shalt  }
0x4a: {  	_ =	shalt  }
0x4b: {  	_ =	shalt  }
0x4c: {  	_ =	shalt  }
0x4d: {  	_ =	shalt  }
0x4e: {  	_ =	shalt  }
0x4f: {  	_ =	shalt  }
0x50: {  	_ =	shalt  }
0x51: {  	_ =	shalt  }
0x52: {  	_ =	shalt  }
0x53: {  	_ =	shalt  }
0x54: {  	_ =	shalt  }
0x55: {  	_ =	shalt  }
0x56: {  	_ =	shalt  }
0x57: {  	_ =	shalt  }
0x58: {  	_ =	shalt  }
0x59: {  	_ =	shalt  }
0x5a: {  	_ =	shalt  }
0x5b: {  	_ =	shalt  }
0x5c: {  	_ =	shalt  }
0x5d: {  	_ =	shalt  }
0x5e: {  	_ =	shalt  }
0x5f: {  	_ =	shalt  }
0x60: {  	_ =	shalt  }
0x61: {  	_ =	shalt  }
0x62: {  	_ =	shalt  }
0x63: {  	_ =	shalt  }
0x64: {  	_ =	shalt  }
0x65: {  	_ =	shalt  }
0x66: {  	_ =	shalt  }
0x67: {  	_ =	shalt  }
0x68: {  	_ =	shalt  }
0x69: {  	_ =	shalt  }
0x6a: {  	_ =	shalt  }
0x6b: {  	_ =	shalt  }
0x6c: {  	_ =	shalt  }
0x6d: {  	_ =	shalt  }
0x6e: {  	_ =	shalt  }
0x6f: {  	_ =	shalt  }
0x70: {  	_ =	shalt  }
0x71: {  	_ =	shalt  }
0x72: {  	_ =	shalt  }
0x73: {  	_ =	shalt  }
0x74: {  	_ =	shalt  }
0x75: {  	_ =	shalt  }
0x76: {  	_ =	shalt  }
0x77: {  	_ =	shalt  }
0x78: {  	_ =	shalt  }
0x79: {  	_ =	shalt  }
0x7a: {  	_ =	shalt  }
0x7b: {  	_ =	shalt  }
0x7c: {  	_ =	shalt  }
0x7d: {  	_ =	shalt  }
0x7e: {  	_ =	shalt  }
0x7f: {  	_ =	shalt  }
0x80: {  	_ =	shalt  }
0x81: {  	_ =	shalt  }
0x82: {  	_ =	shalt  }
0x83: {  	_ =	shalt  }
0x84: {  	_ =	shalt  }
0x85: {  	_ =	shalt  }
0x86: {  	_ =	shalt  }
0x87: {  	_ =	shalt  }
.Lfunc_end0:
.L_simem_size_0:
called_computation_lowered:
.L_overlay_start_0:
0x88: {  	s2 =	sld [smem:$0x3FD9]  }
0x89: {  	s3 =	sld [smem:$0x3FFE];
	_ =	sdelay $0x1  }
0x8a: {  	s1 =	srdreg.scid  }
0x8b: {  	s0 =	sand.u32 $0x1, s1  }
0x8c: {  	s17 =	sshll.u32 s0, $0xA;
	s2 =	sadd.s32 s3, s2  }
0x8d: {  	s2 =	sadd.s32 s2, s17  }
0x8e: {  	[smem:$0x3FC2] =	sst s2  }
0x8f: {  	_ = 	snop  }
0x90: {  	s2 =	sld [smem:$0x3FC9]  }
0x91: {  	s18 =	sld [smem:$0x3FC8]  }
0x92: {  	s4 =	sld [smem:$0x3FC7]  }
0x93: {  	s5 =	sld [smem:$0x3FC6];
	(tm) =	ssettm $0x1  }
0x94: {  	s6 =	sld [smem:$0x3FFB];
	_ =	sdelay $0x3  }
0x95: {  	_ =	strace s6  }
0x96: {  	s6 =	sld [smem:$0x3FFC];
	_ =	sdelay $0x3  }
0x97: {  	_ =	strace s6  }
0x98: {  	s6 =	sld [smem:$0x3FFD];
	_ =	sdelay $0x3  }
0x99: {  	_ =	strace s6  }
0x9a: {  	_ =	strace $0x8FFFFFFF  }
0x9b: {  	s19 =	sld [smem:$0x3FDB];
	_ =	sdelay $0x1  }
0x9c: {  	s7 =	simm.s32 $_scs_section_size  }
0x9d: {  	s8 =	simm.s32 $_size__tile_overlayer_lowered;
	s9 =	simm.s32 $_tile_overlayer_lowered  }
0x9e: {  	s22 =	simm.s32 $0x1BFF;
	s21 =	sshll.u32 s9, $0x1;
	s6 =	sadd.s32 s7, s19  }
0x9f: {  	s10 =	simm.s32 $0x0;
	s20 =	sshll.u32 s8, $0x1;
	s8 =	sadd.s32 s21, s6  }
0xa0: {  	[timem:s10], [sflag:s22] =	dma.local [hbm:s8], s20  }
0xa1: {  	_ =	swait.ge [sflag:s22], s20  }
0xa2: {  	s7 =	ssub.s32 $0x0, s20;
	[sflag:s22] =	ssyncset.done $0x0  }
0xa3: {  	[sflag:s22] =	ssyncadd.s32 s7;
	_ =	sdelay $0x1  }
0xa4: {  	s23 =	simm.s32 $0x1B8B  }
0xa5: {  	_ =	swait.ge [sflag:s23], $0x1  }
0xa6: {  	[sflag:s23] =	ssyncset.done $0x0  }
0xa7: {  	s25 =	simm.s32 $0x1B8E;
	s24 =	sld [smem:$0x3FFE];
	[sflag:s23] =	ssyncadd.s32 $0xFFFFFFFF  }
0xa8: {  	s26 =	simm.s32 $execute0_lowered;
	[smem:$0x3FD2] =	sst s25  }
0xa9: {  	s8 =	sshll.u32 s26, $0x1;
	_ =	strace $0x80000046;
	[dreg:$0x1] =	wrdreg $0xFFFFFFFF  }
0xaa: {  	s28 =	simm.s32 $_size_execute0_lowered;
	s6 =	sadd.s32 s6, s8;
	[dreg:$0x0] =	wrdreg $0x0  }
0xab: {  	s8 =	sshll.u32 s28, $0x1;
	[dreg:$0x2] =	wrdreg s6  }
0xac: {  	[dreg:$0x3] =	wrdreg s8  }
0xad: {  	[dreg:$0x4] =	wrdreg $0xC0  }
0xae: {  	_ =	task [dreg:s10], $0x5FFFF  }
0xaf: {  	[dreg:$0x1] =	wrdreg $0xFFFFFFFF  }
0xb0: {  	[dreg:$0x0] =	wrdreg $0x60  }
0xb1: {  	[dreg:$0x2] =	wrdreg s2  }
0xb2: {  	[dreg:$0x3] =	wrdreg s18  }
0xb3: {  	[dreg:$0x4] =	wrdreg s4  }
0xb4: {  	[dreg:$0x5] =	wrdreg s5  }
0xb5: {  	[dreg:$0x6] =	wrdreg s24  }
0xb6: {  	[dreg:$0x7] =	wrdreg $0x9  }
0xb7: {  	_ =	task.clear_ibuf [dreg:s10], $0x8FFFF;
	_ =	strace $0x90000046  }
0xb8: {  	s29 =	simm.s32 $0x9;
	_ =	strace $0x80000048  }
0xb9: {  	_ =	swait.ge [sflag:s29], $0x1  }
0xba: {  	[sflag:s29] =	ssyncadd.s32 $0xFFFFFFFF  }
0xbb: {  	_ =	strace $0x90000048  }
0xbc: {  	_ =	sfence  }
0xbd: {  	s30 =	sld [smem:$0x0];
	_ =	sdelay $0x2  }
0xbe: {  	s31 =	sshll.u32 s1, $0xD;
	s1 =	sshrl.u32 s1, $0x2  }
0xbf: {  	s3 =	sand.u32 $0x4000, s31;
	s1 =	sadd.s32 s1, s30  }
0xc0: {  	s0 =	sor.u32 s3, s0;
	s1 =	sshll.u32 s1, $0x11  }
0xc1: {  	s0 =	sor.u32 s1, s0  }
0xc2: {  	s0 =	sadd.s32 $0x8F2B, s0  }
0xc3: {  	[sflag:s0] =	ssyncadd.remote.s32 $0x1  }
0xc4: {  	_ =	sfence.sel $0xFFFF  }
0xc5: {  	[dreg:$0x0] =	wrdreg $0xFFFFFFFF;
	(pc) =	sbr.abs _section_cstart, $3  }
0xc6: {  	[dreg:$0x1] =	wrdreg $0xFFFFFFFF  }
0xc7: {  	_ =	task.clear_ibuf [dreg:s10], $0x2FFFF;
	_ =	strace $0x9FFFFFFF  }
0xc8: {  	(tm) =	ssettm $0x7FFFFFFF  }
0xc9: {  	_ =	shalt  }
tec
execute0_lowered:
.L_overlay_start_1:
0x0: {  	(tag) =	ssettag $0x1  }
0x1: {  	s0 =	rddreg [dreg:$0x0]  }
0x2: {  	s2 =	rddreg [dreg:$0x1]  }
0x3: {  	s8 =	rddreg [dreg:$0x2]  }
0x4: {  	s1 =	rddreg [dreg:$0x3]  }
0x5: {  	s6 =	rddreg [dreg:$0x4];
	s3 =	simm.s32 $0x0;
	s4 =	srdreg.scid  }
0x6: {  	s7 =	stileid.u32;
	s12 =	simm.s32 $0x280;
	s13 =	simm.s32 $0x500  }
0x7: {  	s14 =	simm.s32 $0x80;
	s24 =	simm.s32 $0x18A80;
	s28 =	simm.s32 $0x680  }
0x8: {  	s29 =	simm.s32 $0x18B00;
	s30 =	simm.s32 $0x1;
	s31 =	simm.s32 $0x780  }
0x9: {  	s15 =	simm.s32 $0x18B80;
	s16 =	simm.s32 $0x0;
	[smem:$0x7FF] =	sst s3  }
0xa: {  	s5 =	sand.u32 $0x1, s4;
	s7 =	sshll.u32 s7, $0x7;
	s4 =	sadd.s32 $0x600, s6  }
0xb: {  	_ =	strace $0x80000047;
	s9 =	sshll.u32 s5, $0x6;
	s25 =	ssub.s32 $0x2, s5  }
0xc: {  	s5 =	sadd.s32 $0x187000, s6;
	s9 =	sor.u32 s9, s7;
	s26 =	sshrl.u32 s25, $0x1  }
0xd: {  	v0 =	vlaneseq.u32;
	s10 =	sadd.s32 s9, s6;
	s11 =	ssub.s32 s25, s26;
	s6 =	sadd.s32 s0, s9  }
0xe: {  	v57 =	vmul.u32 $0x80, v0;
	s7 =	sadd.s32 s2, s9;
	s8 =	sadd.s32 s8, s9;
	s25 =	simm.s32 $0x400  }
0xf: {  	s26 =	simm.s32 $0x18900;
	s0 =	simm.s32 $0x8780;
	s2 =	simm.s32 $0x10780  }
0x10: {  	[tilespmem:$0x1FFF0] =	vst v57;
	s9 =	sadd.s32 $0x10C9400, s10;
	s10 =	smax.u32 s11, $0x1;
	s11 =	simm.s32 $0x2  }
.LBB2_1:
0x11: {  	[tilespmem:s3], [sflag:$0x2] =	stream.linear.gather [hbm4b:s6+s3], $0x200, $0x38;
	[tilespmem:$0x18D80] =	vst v63  }
0x12: {  	_ =	swait.ge [sflag:s11], $0x200  }
0x13: {  	[sflag:s11] =	ssyncset.done $0x0  }
0x14: {  	[sflag:s11] =	ssyncadd.s32 $0xFFFFFE00  }
0x15: {  	[tilespmem:s12], [sflag:$0x2] =	stream.linear.gather [hbm4b:s7+s3], $0x200, $0x38;
	[tilespmem:$0x18D80] =	vst v63  }
0x16: {  	_ =	swait.ge [sflag:s11], $0x200  }
0x17: {  	[sflag:s11] =	ssyncset.done $0x0  }
0x18: {  	[sflag:s11] =	ssyncadd.s32 $0xFFFFFE00  }
0x19: {  	[tilespmem:s13], [sflag:$0x2] =	stream.linear.gather [hbm4b:s8+s3], $0x200, $0x38;
	[tilespmem:$0x18D80] =	vst v63  }
0x1a: {  	_ =	swait.ge [sflag:s11], $0x200  }
0x1b: {  	[sflag:s11] =	ssyncset.done $0x0  }
0x1c: {  	s17 =	simm.s32 $0x18780;
	[sflag:s11] =	ssyncadd.s32 $0xFFFFFE00  }
0x1d: {  	[tilespmem:s17], [sflag:$0x1] =	stream.indirect.gather [hbm4b:s1+s14], $0x1, s12, s14, $0xb8;
	[tilespmem:$0x18D80] =	vst v63  }
0x1e: {  	s22 =	simm.s32 $0x18980  }
0x1f: {  	[tilespmem:s22], [sflag:$0x1] =	stream.indirect.gather [hbm4b:s1+s14], $0x1, s13, s14, $0xb8;
	[tilespmem:$0x18D80] =	vst v63  }
0x20: {  	s23 =	simm.s32 $0x300;
	s18 =	simm.s32 $0x18800  }
0x21: {  	[tilespmem:s18], [sflag:$0x1] =	stream.indirect.gather [hbm4b:s1+s14], $0x1, s23, s14, $0xb8;
	[tilespmem:$0x18D80] =	vst v63  }
0x22: {  	s19 =	simm.s32 $0x580;
	s20 =	simm.s32 $0x18A00  }
0x23: {  	[tilespmem:s20], [sflag:$0x1] =	stream.indirect.gather [hbm4b:s1+s14], $0x1, s19, s14, $0xb8;
	[tilespmem:$0x18D80] =	vst v63  }
0x24: {  	s21 =	simm.s32 $0x380;
	s22 =	simm.s32 $0x18880  }
0x25: {  	[tilespmem:s22], [sflag:$0x1] =	stream.indirect.gather [hbm4b:s1+s14], $0x1, s21, s14, $0xb8;
	[tilespmem:$0x18D80] =	vst v63  }
0x26: {  	s23 =	simm.s32 $0x600  }
0x27: {  	[tilespmem:s24], [sflag:$0x1] =	stream.indirect.gather [hbm4b:s1+s14], $0x1, s23, s14, $0xb8;
	[tilespmem:$0x18D80] =	vst v63  }
0x28: {  	_ = 	snop  }
0x29: {  	[tilespmem:s26], [sflag:$0x1] =	stream.indirect.gather [hbm4b:s1+s14], $0x1, s25, s14, $0xb8;
	[tilespmem:$0x18D80] =	vst v63  }
0x2a: {  	_ = 	snop  }
0x2b: {  	[tilespmem:s29], [sflag:$0x1] =	stream.indirect.gather [hbm4b:s1+s14], $0x1, s28, s14, $0xb8;
	[tilespmem:$0x18D80] =	vst v63  }
0x2c: {  	_ =	swait.ge [sflag:s30], $0x200  }
0x2d: {  	[sflag:s30] =	ssyncset.done $0x0  }
0x2e: {  	[sflag:s30] =	ssyncadd.s32 $0xFFFFFE00  }
0x2f: {  	_ =	swait.ge [sflag:s30], $0x200  }
0x30: {  	[sflag:s30] =	ssyncset.done $0x0  }
0x31: {  	s18 =	simm.s32 $0x0;
	[sflag:s30] =	ssyncadd.s32 $0xFFFFFE00  }
0x32: {  	v0 =	vld [tilespmem:s18+$0x0]  }
0x33: {  	v1 =	vld [tilespmem:s18+$0x280]  }
0x34: {  	v2 =	vld [tilespmem:s18+$0x500];
	_ =	sdelay $0x2  }
0x35: {  	(v2sf) =	vpush v0, $0x0  }
0x36: {  	(v2sf) =	vpush v1, $0x0  }
0x37: {  	(v2sf) =	vpush v2, $0x0;
	_ =	sdelay $0xc  }
0x38: {  	s19 =	spop (v2sf)  }
0x39: {  	s17 =	sshll.u32 s19, $0x4;
	s20 =	spop (v2sf)  }
0x3a: {  	s17 =	sand.u32 $0x1FFFFFF0, s17;
	s18 =	sshll.u32 s20, $0x4;
	s19 =	spop (v2sf)  }
0x3b: {  	s17 =	sadd.s32 s4, s17;
	s18 =	sand.u32 $0x1FFFFFF0, s18;
	s19 =	sshll.u32 s19, $0x4  }
0x3c: {  	[tilespmem:s31], [sflag:$0x1] =	stream.linear.gather [hbm4b:s17+s3], $0x80, $0x38;
	[tilespmem:$0x18D80] =	vst v63  }
0x3d: {  	s21 =	sadd.s32 s5, s18;
	s22 =	sand.u32 $0x1FFFFFF0, s19  }
0x3e: {  	[tilespmem:s0], [sflag:$0x1] =	stream.linear.gather [hbm4b:s21+s3], $0x80, $0x38;
	[tilespmem:$0x18D80] =	vst v63  }
0x3f: {  	s20 =	simm.s32 $0x8;
	s23 =	sadd.s32 s5, s22;
	s21 =	simm.s32 $0x1  }
0x40: {  	[tilespmem:s2], [sflag:$0x1] =	stream.linear.gather [hbm4b:s23+s3], $0x80, $0x38;
	[tilespmem:$0x18D80] =	vst v63  }
0x41: {  	s19 =	simm.s32 $0x780;
	s18 =	simm.s32 $0x8780;
	s17 =	simm.s32 $0x10780;
	v0 =	vld [tilespmem:s21+$0x0]  }
.LBB2_2:
0x42: {  	p0 =	sne.s32 s20, $0x3FC;
	v1 =	vld [tilespmem:s21+$0x280]  }
0x43: {  	v2 =	vld [tilespmem:s21+$0x500];
	_ =	sdelay $0x2  }
0x44: {  	(v2sf) =	vpush v0, $0x0  }
0x45: {  	(v2sf) =	vpush v1, $0x0  }
0x46: {  	(v2sf) =	vpush v2, $0x0;
	_ =	sdelay $0xc  }
0x47: {  	s19 =	sadd.s32 $0x80, s19;
	s21 =	spop (v2sf)  }
0x48: {  	s18 =	sadd.s32 $0x80, s18;
	s21 =	sshll.u32 s21, $0x4;
	s22 =	spop (v2sf)  }
0x49: {  	s21 =	sand.u32 $0x1FFFFFF0, s21;
	s22 =	sshll.u32 s22, $0x4;
	s23 =	spop (v2sf)  }
0x4a: {  	s21 =	sadd.s32 s4, s21;
	s22 =	sand.u32 $0x1FFFFFF0, s22;
	s23 =	sshll.u32 s23, $0x4  }
0x4b: {  	[tilespmem:s19], [sflag:$0x1] =	stream.linear.gather [hbm4b:s21+s3], $0x80, $0x38;
	[tilespmem:$0x18D80] =	vst v63  }
.Ltmp0:
0x4c: {  	s21 =	sadd.s32 s5, s22;
	s22 =	sand.u32 $0x1FFFFFF0, s23;
	(pc) =	sbr.rel @p0 .LBB2_2-.Ltmp0, $4  }
0x4d: {  	[tilespmem:s18], [sflag:$0x1] =	stream.linear.gather [hbm4b:s21+s3], $0x80, $0x38;
	[tilespmem:$0x18D80] =	vst v63  }
0x4e: {  	s17 =	sadd.s32 $0x80, s17;
	s22 =	sadd.s32 s5, s22;
	s21 =	sshra.s32 s20, $0x2  }
0x4f: {  	[tilespmem:s17], [sflag:$0x1] =	stream.linear.gather [hbm4b:s22+s3], $0x80, $0x38;
	[tilespmem:$0x18D80] =	vst v63  }
0x50: {  	s20 =	sadd.s32 $0x4, s20;
	v0 =	vld [tilespmem:s21+$0x0]  }
0x51: {  	v1 =	vld [tilespmem:s21+$0x280]  }
0x52: {  	v2 =	vld [tilespmem:s21+$0x500];
	_ =	sdelay $0x2  }
0x53: {  	(v2sf) =	vpush v0, $0x0  }
0x54: {  	(v2sf) =	vpush v1, $0x0  }
0x55: {  	(v2sf) =	vpush v2, $0x0;
	_ =	sdelay $0xc  }
0x56: {  	s20 =	spop (v2sf)  }
0x57: {  	s19 =	sadd.s32 $0x80, s19;
	s20 =	sshll.u32 s20, $0x4;
	s23 =	spop (v2sf)  }
0x58: {  	s20 =	sand.u32 $0x1FFFFFF0, s20;
	s21 =	sshll.u32 s23, $0x4;
	s22 =	spop (v2sf)  }
0x59: {  	s20 =	sadd.s32 s4, s20;
	s21 =	sand.u32 $0x1FFFFFF0, s21;
	s22 =	sshll.u32 s22, $0x4  }
0x5a: {  	[tilespmem:s19], [sflag:$0x1] =	stream.linear.gather [hbm4b:s20+s3], $0x80, $0x38;
	[tilespmem:$0x18D80] =	vst v63  }
0x5b: {  	s18 =	sadd.s32 $0x80, s18;
	s21 =	sadd.s32 s5, s21;
	s22 =	sand.u32 $0x1FFFFFF0, s22  }
0x5c: {  	[tilespmem:s18], [sflag:$0x1] =	stream.linear.gather [hbm4b:s21+s3], $0x80, $0x38;
	[tilespmem:$0x18D80] =	vst v63  }
0x5d: {  	s17 =	sadd.s32 $0x80, s17;
	s23 =	sadd.s32 s5, s22  }
0x5e: {  	[tilespmem:s17], [sflag:$0x1] =	stream.linear.gather [hbm4b:s23+s3], $0x80, $0x38;
	[tilespmem:$0x18D80] =	vst v63  }
0x5f: {  	_ =	swait.ge [sflag:s30], $0x80  }
0x60: {  	[sflag:s30] =	ssyncset.done $0x0  }
0x61: {  	[sflag:s30] =	ssyncadd.s32 $0xFFFFFF80  }
0x62: {  	_ =	swait.ge [sflag:s30], $0x80  }
0x63: {  	[sflag:s30] =	ssyncset.done $0x0  }
0x64: {  	[sflag:s30] =	ssyncadd.s32 $0xFFFFFF80  }
0x65: {  	_ =	swait.ge [sflag:s30], $0x80  }
0x66: {  	s17 =	simm.s32 $0xFF;
	[sflag:s30] =	ssyncset.done $0x0  }
.LBB2_4:
0x67: {  	p0 =	sne.s32 s17, $0x1;
	s17 =	sadd.s32 $0xFFFFFFFF, s17;
	[sflag:s30] =	ssyncadd.s32 $0xFFFFFF80  }
0x68: {  	_ =	swait.ge [sflag:s30], $0x80  }
0x69: {  	[sflag:s30] =	ssyncset.done $0x0  }
0x6a: {  	[sflag:s30] =	ssyncadd.s32 $0xFFFFFF80  }
.Ltmp1:
0x6b: {  	_ =	swait.ge [sflag:s30], $0x80;
	(pc) =	sbr.rel @p0 .LBB2_4-.Ltmp1, $4  }
0x6c: {  	[sflag:s30] =	ssyncset.done $0x0  }
0x6d: {  	[sflag:s30] =	ssyncadd.s32 $0xFFFFFF80  }
0x6e: {  	_ =	swait.ge [sflag:s30], $0x80  }
0x6f: {  	[sflag:s30] =	ssyncset.done $0x0  }
0x70: {  	s17 =	simm.s32 $0x0  }
0x71: {  	v0 =	vmov s17  }
0x72: {  	v0 =	vshll.u32 v0, $0x7  }
0x73: {  	v0 =	vor.u32 v57, v0;
	_ =	sdelay $0x1  }
0x74: {  	[sflag:s30] =	ssyncadd.s32 $0xFFFFFF80;
	s18 =	simm.s32 $0x18980  }
0x75: {  	s19 =	simm.s32 $0x18780;
	v38 =	vld [tilespmem:s18+$0x0];
	v1 =	vor.u32 $0x12, v0  }
0x76: {  	s17 =	simm.s32 $0x780;
	v43 =	vld [tilespmem:s19+$0x0];
	v2 =	vor.u32 $0x11, v0  }
0x77: {  	s20 =	simm.s32 $0x8780;
	v3 =	vor.u32 $0x10, v0;
	v39 =	vld.idx.msk [tilespmem:v0+s17+$0x0], $0xffff  }
0x78: {  	s21 =	simm.s32 $0x10780;
	v4 =	vor.u32 $0xF, v0;
	v40 =	vld.idx.msk [tilespmem:v0+s20+$0x0], $0xffff  }
0x79: {  	v5 =	vor.u32 $0xE, v0;
	v41 =	vld.idx.msk [tilespmem:v0+s21+$0x0], $0xffff  }
0x7a: {  	v6 =	vor.u32 $0xD, v0;
	v7 =	vld.idx.msk [tilespmem:v1+s17+$0x0], $0xffff  }
0x7b: {  	v9 =	vor.u32 $0xA, v0;
	v8 =	vld.idx.msk [tilespmem:v2+s17+$0x0], $0xffff  }
0x7c: {  	v10 =	vor.u32 $0x9, v0;
	v27 =	vld.idx.msk [tilespmem:v3+s17+$0x0], $0xffff  }
0x7d: {  	v11 =	vor.u32 $0x8, v0;
	v26 =	vld.idx.msk [tilespmem:v4+s17+$0x0], $0xffff  }
0x7e: {  	v12 =	vor.u32 $0x7, v0;
	v23 =	vld.idx.msk [tilespmem:v5+s17+$0x0], $0xffff  }
0x7f: {  	v14 =	vor.u32 $0x6, v0;
	v20 =	vld.idx.msk [tilespmem:v6+s17+$0x0], $0xffff  }
0x80: {  	v15 =	vor.u32 $0x5, v0;
	v18 =	vld.idx.msk [tilespmem:v9+s17+$0x0], $0xffff  }
0x81: {  	v16 =	vor.u32 $0x4, v0;
	v22 =	vld.idx.msk [tilespmem:v10+s17+$0x0], $0xffff  }
0x82: {  	v24 =	vor.u32 $0x3, v0;
	v25 =	vld.idx.msk [tilespmem:v11+s17+$0x0], $0xffff  }
0x83: {  	v28 =	vor.u32 $0x2, v0;
	v30 =	vld.idx.msk [tilespmem:v12+s17+$0x0], $0xffff  }
0x84: {  	v29 =	vor.u32 $0x1, v0;
	v31 =	vld.idx.msk [tilespmem:v14+s17+$0x0], $0xffff  }
0x85: {  	v32 =	vld.idx.msk [tilespmem:v15+s17+$0x0], $0xffff  }
0x86: {  	v33 =	vld.idx.msk [tilespmem:v16+s17+$0x0], $0xffff  }
0x87: {  	v34 =	vld.idx.msk [tilespmem:v24+s17+$0x0], $0xffff  }
0x88: {  	v35 =	vld.idx.msk [tilespmem:v28+s17+$0x0], $0xffff  }
0x89: {  	v36 =	vld.idx.msk [tilespmem:v29+s17+$0x0], $0xffff  }
0x8a: {  	v37 =	vld.idx.msk [tilespmem:v28+s20+$0x0], $0xffff  }
0x8b: {  	v42 =	vld.idx.msk [tilespmem:v29+s20+$0x0], $0xffff  }
0x8c: {  	v29 =	vld.idx.msk [tilespmem:v29+s21+$0x0], $0xffff  }
0x8d: {  	v44 =	vld.idx.msk [tilespmem:v28+s21+$0x0], $0xffff  }
0x8e: {  	v45 =	vld.idx.msk [tilespmem:v24+s20+$0x0], $0xffff  }
0x8f: {  	v24 =	vld.idx.msk [tilespmem:v24+s21+$0x0], $0xffff  }
0x90: {  	v46 =	vld.idx.msk [tilespmem:v16+s20+$0x0], $0xffff  }
0x91: {  	v16 =	vld.idx.msk [tilespmem:v16+s21+$0x0], $0xffff  }
0x92: {  	v47 =	vld.idx.msk [tilespmem:v15+s20+$0x0], $0xffff  }
0x93: {  	v15 =	vld.idx.msk [tilespmem:v15+s21+$0x0], $0xffff  }
0x94: {  	v48 =	vld.idx.msk [tilespmem:v14+s20+$0x0], $0xffff  }
0x95: {  	v14 =	vld.idx.msk [tilespmem:v14+s21+$0x0], $0xffff  }
0x96: {  	v49 =	vld.idx.msk [tilespmem:v12+s20+$0x0], $0xffff  }
0x97: {  	v12 =	vld.idx.msk [tilespmem:v12+s21+$0x0], $0xffff  }
0x98: {  	v50 =	vld.idx.msk [tilespmem:v11+s20+$0x0], $0xffff  }
0x99: {  	v11 =	vld.idx.msk [tilespmem:v11+s21+$0x0], $0xffff  }
0x9a: {  	v51 =	vld.idx.msk [tilespmem:v10+s20+$0x0], $0xffff  }
0x9b: {  	v52 =	vld.idx.msk [tilespmem:v10+s21+$0x0], $0xffff  }
0x9c: {  	v53 =	vld.idx.msk [tilespmem:v9+s20+$0x0], $0xffff  }
0x9d: {  	v54 =	vld.idx.msk [tilespmem:v9+s21+$0x0], $0xffff  }
0x9e: {  	v59 =	vld.idx.msk [tilespmem:v6+s20+$0x0], $0xffff  }
0x9f: {  	v60 =	vld.idx.msk [tilespmem:v6+s21+$0x0], $0xffff  }
0xa0: {  	v61 =	vld.idx.msk [tilespmem:v5+s20+$0x0], $0xffff  }
0xa1: {  	v62 =	vld.idx.msk [tilespmem:v5+s21+$0x0], $0xffff  }
0xa2: {  	v63 =	vld.idx.msk [tilespmem:v4+s20+$0x0], $0xffff  }
0xa3: {  	v5 =	vld.idx.msk [tilespmem:v4+s21+$0x0], $0xffff  }
0xa4: {  	v6 =	vor.u32 $0x13, v0;
	v4 =	vld.idx.msk [tilespmem:v3+s21+$0x0], $0xffff  }
0xa5: {  	v13 =	vld.idx.msk [tilespmem:v2+s20+$0x0], $0xffff;
	v10 =	vor.u32 $0x15, v0  }
0xa6: {  	v9 =	vld.idx.msk [tilespmem:v2+s21+$0x0], $0xffff  }
0xa7: {  	v28 =	vld.idx.msk [tilespmem:v1+s20+$0x0], $0xffff  }
0xa8: {  	v17 =	vld.idx.msk [tilespmem:v1+s21+$0x0], $0xffff;
	[tilespmem:$0x1FB30] =	vst v7;
	v7 =	vor.u32 $0xC, v0  }
0xa9: {  	[tilespmem:$0x1FB20] =	vst v8;
	v8 =	vor.u32 $0xB, v0;
	v1 =	vld.idx.msk [tilespmem:v6+s17+$0x0], $0xffff  }
0xaa: {  	v42 =	vsub.f32 v42, v29;
	v29 =	vld.idx.msk [tilespmem:v10+s17+$0x0], $0xffff;
	v24 =	vsub.f32 v45, v24  }
0xab: {  	v45 =	vld.idx.msk [tilespmem:v10+s20+$0x0], $0xffff  }
0xac: {  	v24 =	vmul.f32 v24, v34;
	v34 =	vld.idx.msk [tilespmem:v10+s21+$0x0], $0xffff  }
0xad: {  	v19 =	vld.idx.msk [tilespmem:v7+s17+$0x0], $0xffff  }
0xae: {  	v21 =	vld.idx.msk [tilespmem:v8+s17+$0x0], $0xffff  }
0xaf: {  	v55 =	vld.idx.msk [tilespmem:v8+s20+$0x0], $0xffff  }
0xb0: {  	v56 =	vld.idx.msk [tilespmem:v8+s21+$0x0], $0xffff  }
0xb1: {  	v2 =	vor.u32 $0x3E, v0;
	v57 =	vld.idx.msk [tilespmem:v7+s20+$0x0], $0xffff  }
0xb2: {  	v43 =	vsub.f32 v43, v38;
	v38 =	vor.u32 $0x3C, v0;
	v58 =	vld.idx.msk [tilespmem:v7+s21+$0x0], $0xffff  }
0xb3: {  	v36 =	vmul.f32 v42, v36;
	v42 =	vor.u32 $0x16, v0;
	v7 =	vld.idx.msk [tilespmem:v3+s20+$0x0], $0xffff  }
0xb4: {  	v8 =	vsub.f32 v40, v41;
	v41 =	vld.idx.msk [tilespmem:v6+s20+$0x0], $0xffff  }
0xb5: {  	v14 =	vsub.f32 v48, v14;
	v10 =	vor.u32 $0x3A, v0;
	v6 =	vld.idx.msk [tilespmem:v6+s21+$0x0], $0xffff  }
0xb6: {  	v3 =	vor.u32 $0x3D, v0;
	[tilespmem:$0x1FB40] =	vst v1;
	v1 =	vld.idx.msk [tilespmem:v2+s17+$0x0], $0xffff  }
0xb7: {  	[tilespmem:$0x1FB60] =	vst v2;
	v14 =	vmul.f32 v14, v31;
	v31 =	vor.u32 $0x19, v0;
	v2 =	vld.idx.msk [tilespmem:v38+s17+$0x0], $0xffff  }
0xb8: {  	v16 =	vsub.f32 v46, v16;
	v11 =	vsub.f32 v50, v11;
	v46 =	vld.idx.msk [tilespmem:v42+s17+$0x0], $0xffff  }
0xb9: {  	v15 =	vsub.f32 v47, v15;
	v40 =	vor.u32 $0x14, v0;
	v8 =	vmul.f32 v8, v39;
	v47 =	vld.idx.msk [tilespmem:v42+s21+$0x0], $0xffff  }
0xba: {  	v37 =	vsub.f32 v37, v44;
	v11 =	vmul.f32 v11, v25;
	v25 =	vsub.f32 v51, v52;
	v48 =	vld.idx.msk [tilespmem:v10+s17+$0x0], $0xffff  }
0xbb: {  	v8 =	vadd.f32 v8, v43;
	[tilespmem:$0x1FB90] =	vst v1;
	v1 =	vld.idx.msk [tilespmem:v3+s17+$0x0], $0xffff  }
0xbc: {  	v35 =	vmul.f32 v37, v35;
	v22 =	vmul.f32 v25, v22;
	v52 =	vld.idx.msk [tilespmem:v31+s17+$0x0], $0xffff  }
0xbd: {  	v25 =	vsub.f32 v53, v54;
	v54 =	vld.idx.msk [tilespmem:v31+s21+$0x0], $0xffff;
	v8 =	vadd.f32 v36, v8;
	v36 =	vor.u32 $0x18, v0  }
0xbe: {  	v43 =	vld.idx.msk [tilespmem:v40+s17+$0x0], $0xffff  }
0xbf: {  	v44 =	vld.idx.msk [tilespmem:v40+s20+$0x0], $0xffff;
	v35 =	vadd.f32 v35, v8  }
0xc0: {  	v40 =	vld.idx.msk [tilespmem:v40+s21+$0x0], $0xffff;
	[tilespmem:$0x1FB80] =	vst v1;
	v1 =	vor.u32 $0x17, v0  }
0xc1: {  	v16 =	vmul.f32 v16, v33;
	v24 =	vadd.f32 v24, v35;
	v35 =	vld.idx.msk [tilespmem:v42+s20+$0x0], $0xffff  }
0xc2: {  	[tilespmem:$0x1FB50] =	vst v3;
	v3 =	vld.idx.msk [tilespmem:v36+s20+$0x0], $0xffff  }
0xc3: {  	v15 =	vmul.f32 v15, v32;
	v16 =	vadd.f32 v16, v24;
	v24 =	vld.idx.msk [tilespmem:v36+s17+$0x0], $0xffff  }
0xc4: {  	v7 =	vsub.f32 v7, v4;
	v4 =	vsub.f32 v13, v9;
	v9 =	vor.u32 $0x1E, v0;
	v36 =	vld.idx.msk [tilespmem:v36+s21+$0x0], $0xffff  }
0xc5: {  	v12 =	vsub.f32 v49, v12;
	v34 =	vsub.f32 v45, v34;
	v45 =	vor.u32 $0x24, v0;
	v49 =	vld.idx.msk [tilespmem:v1+s17+$0x0], $0xffff  }
0xc6: {  	v15 =	vadd.f32 v15, v16;
	v16 =	vor.u32 $0x37, v0;
	v8 =	vld.idx.msk [tilespmem:v1+s20+$0x0], $0xffff  }
0xc7: {  	v50 =	vld.idx.msk [tilespmem:v1+s21+$0x0], $0xffff  }
0xc8: {  	v18 =	vmul.f32 v25, v18;
	v1 =	vld [tilespmem:$0x1FB20];
	v14 =	vadd.f32 v14, v15;
	v15 =	vmul.f32 v12, v30  }
0xc9: {  	v25 =	vsub.f32 v55, v56;
	v6 =	vsub.f32 v41, v6;
	v41 =	vld.idx.msk [tilespmem:v9+s17+$0x0], $0xffff;
	v12 =	vor.u32 $0x39, v0  }
0xca: {  	v30 =	vor.u32 $0x1B, v0;
	v3 =	vsub.f32 v3, v36;
	v36 =	vld.idx.msk [tilespmem:v45+s17+$0x0], $0xffff;
	v15 =	vadd.f32 v15, v14  }
0xcb: {  	v21 =	vmul.f32 v25, v21;
	v25 =	vor.u32 $0x33, v0;
	v39 =	vld.idx.msk [tilespmem:v16+s17+$0x0], $0xffff  }
0xcc: {  	v14 =	vor.u32 $0x38, v0;
	v15 =	vadd.f32 v11, v15;
	v11 =	vld.idx.msk [tilespmem:v31+s20+$0x0], $0xffff  }
0xcd: {  	v31 =	vor.u32 $0x1A, v0;
	v4 =	vmul.f32 v4, v1;
	v1 =	vld [tilespmem:$0x1FB30]  }
0xce: {  	v53 =	vld.idx.msk [tilespmem:v12+s17+$0x0], $0xffff  }
0xcf: {  	v55 =	vld.idx.msk [tilespmem:v30+s17+$0x0], $0xffff  }
0xd0: {  	v22 =	vadd.f32 v22, v15;
	v15 =	vld.idx.msk [tilespmem:v25+s17+$0x0], $0xffff  }
0xd1: {  	v51 =	vld.idx.msk [tilespmem:v14+s17+$0x0], $0xffff  }
0xd2: {  	v32 =	vor.u32 $0x1C, v0;
	v56 =	vld.idx.msk [tilespmem:v31+s17+$0x0], $0xffff  }
0xd3: {  	v18 =	vadd.f32 v18, v22;
	v22 =	vsub.f32 v57, v58;
	v57 =	vld.idx.msk [tilespmem:v31+s20+$0x0], $0xffff  }
0xd4: {  	v58 =	vld.idx.msk [tilespmem:v31+s21+$0x0], $0xffff;
	v31 =	vor.u32 $0x20, v0  }
0xd5: {  	v21 =	vadd.f32 v21, v18;
	v19 =	vmul.f32 v22, v19;
	v22 =	vsub.f32 v59, v60;
	v59 =	vld.idx.msk [tilespmem:v30+s20+$0x0], $0xffff  }
0xd6: {  	v13 =	vsub.f32 v28, v17;
	v28 =	vor.u32 $0x31, v0;
	v60 =	vld.idx.msk [tilespmem:v30+s21+$0x0], $0xffff  }
0xd7: {  	v30 =	vsub.f32 v61, v62;
	v61 =	vld.idx.msk [tilespmem:v32+s17+$0x0], $0xffff;
	v19 =	vadd.f32 v19, v21;
	v21 =	vmul.f32 v22, v20  }
0xd8: {  	v18 =	vor.u32 $0x36, v0;
	v62 =	vld.idx.msk [tilespmem:v32+s20+$0x0], $0xffff;
	v20 =	vor.u32 $0x35, v0  }
0xd9: {  	v19 =	vadd.f32 v21, v19;
	v21 =	vmul.f32 v30, v23;
	v23 =	vsub.f32 v63, v5;
	v63 =	vld.idx.msk [tilespmem:v32+s21+$0x0], $0xffff  }
0xda: {  	v7 =	vmul.f32 v7, v27;
	v22 =	vor.u32 $0x34, v0;
	v27 =	vld.idx.msk [tilespmem:v31+s17+$0x0], $0xffff  }
0xdb: {  	v29 =	vmul.f32 v34, v29;
	v34 =	vld.idx.msk [tilespmem:v31+s21+$0x0], $0xffff;
	v30 =	vadd.f32 v21, v19;
	v23 =	vmul.f32 v23, v26  }
0xdc: {  	v5 =	vld.idx.msk [tilespmem:v28+s17+$0x0], $0xffff  }
0xdd: {  	v32 =	vor.u32 $0x1F, v0;
	v33 =	vld.idx.msk [tilespmem:v18+s17+$0x0], $0xffff;
	v23 =	vadd.f32 v23, v30  }
0xde: {  	v19 =	vld.idx.msk [tilespmem:v20+s17+$0x0], $0xffff  }
0xdf: {  	v26 =	vor.u32 $0x1D, v0;
	v21 =	vld.idx.msk [tilespmem:v22+s17+$0x0], $0xffff;
	v7 =	vadd.f32 v7, v23  }
0xe0: {  	v30 =	vsub.f32 v44, v40;
	v44 =	vld.idx.msk [tilespmem:v31+s20+$0x0], $0xffff  }
0xe1: {  	v4 =	vadd.f32 v4, v7;
	v7 =	vmul.f32 v13, v1;
	v1 =	vld [tilespmem:$0x1FB40]  }
0xe2: {  	[tilespmem:$0x1FB70] =	vst v2;
	v2 =	vld.idx.msk [tilespmem:v32+s17+$0x0], $0xffff  }
0xe3: {  	v40 =	vld.idx.msk [tilespmem:v32+s20+$0x0], $0xffff  }
0xe4: {  	v23 =	vld.idx.msk [tilespmem:v26+s20+$0x0], $0xffff  }
0xe5: {  	v13 =	vld.idx.msk [tilespmem:v26+s21+$0x0], $0xffff  }
0xe6: {  	v17 =	vld.idx.msk [tilespmem:v26+s17+$0x0], $0xffff;
	v26 =	vor.u32 $0x32, v0;
	v4 =	vadd.f32 v7, v4;
	v6 =	vmul.f32 v6, v1  }
0xe7: {  	v7 =	vld.idx.msk [tilespmem:v9+s20+$0x0], $0xffff;
	v1 =	vor.u32 $0x21, v0  }
0xe8: {  	v9 =	vld.idx.msk [tilespmem:v9+s21+$0x0], $0xffff;
	v4 =	vadd.f32 v6, v4;
	v6 =	vmul.f32 v30, v43;
	v30 =	vor.u32 $0x30, v0  }
0xe9: {  	v50 =	vsub.f32 v8, v50;
	v31 =	vsub.f32 v35, v47;
	v43 =	vld.idx.msk [tilespmem:v32+s21+$0x0], $0xffff;
	v32 =	vor.u32 $0x2F, v0  }
0xea: {  	v35 =	vor.u32 $0x23, v0;
	v13 =	vsub.f32 v23, v13;
	v23 =	vld.idx.msk [tilespmem:v45+s21+$0x0], $0xffff;
	v4 =	vadd.f32 v6, v4  }
0xeb: {  	v6 =	vld.idx.msk [tilespmem:v26+s17+$0x0], $0xffff  }
0xec: {  	v50 =	vmul.f32 v50, v49;
	v46 =	vmul.f32 v31, v46;
	v49 =	vld.idx.msk [tilespmem:v1+s20+$0x0], $0xffff;
	v47 =	vadd.f32 v29, v4  }
0xed: {  	v29 =	vor.u32 $0x22, v0;
	v4 =	vld.idx.msk [tilespmem:v30+s17+$0x0], $0xffff  }
0xee: {  	v31 =	vld.idx.msk [tilespmem:v32+s17+$0x0], $0xffff;
	v8 =	vadd.f32 v46, v47  }
0xef: {  	v3 =	vmul.f32 v3, v24;
	v11 =	vsub.f32 v11, v54;
	v47 =	vld.idx.msk [tilespmem:v35+s17+$0x0], $0xffff  }
0xf0: {  	v7 =	vsub.f32 v7, v9;
	v9 =	vor.u32 $0x27, v0;
	v46 =	vld.idx.msk [tilespmem:v1+s17+$0x0], $0xffff;
	v8 =	vadd.f32 v50, v8  }
0xf1: {  	v1 =	vld.idx.msk [tilespmem:v1+s21+$0x0], $0xffff  }
0xf2: {  	v24 =	vld.idx.msk [tilespmem:v29+s17+$0x0], $0xffff;
	v3 =	vadd.f32 v3, v8;
	v8 =	vmul.f32 v11, v52;
	v11 =	vsub.f32 v57, v58  }
0xf3: {  	v63 =	vsub.f32 v62, v63;
	v50 =	vld.idx.msk [tilespmem:v29+s20+$0x0], $0xffff;
	v52 =	vor.u32 $0x2E, v0  }
0xf4: {  	v29 =	vld.idx.msk [tilespmem:v29+s21+$0x0], $0xffff;
	v3 =	vadd.f32 v8, v3;
	v8 =	vmul.f32 v11, v56;
	v11 =	vsub.f32 v59, v60  }
0xf5: {  	v57 =	vor.u32 $0x2B, v0;
	v56 =	vmul.f32 v63, v61;
	v63 =	vld.idx.msk [tilespmem:v9+s17+$0x0], $0xffff  }
0xf6: {  	v58 =	vor.u32 $0x2A, v0;
	v3 =	vadd.f32 v8, v3;
	v8 =	vmul.f32 v11, v55;
	v11 =	vld.idx.msk [tilespmem:v35+s20+$0x0], $0xffff  }
0xf7: {  	v54 =	vor.u32 $0x2D, v0;
	v35 =	vld.idx.msk [tilespmem:v35+s21+$0x0], $0xffff  }
0xf8: {  	v55 =	vor.u32 $0x2C, v0;
	v59 =	vld.idx.msk [tilespmem:v52+s17+$0x0], $0xffff  }
0xf9: {  	v3 =	vadd.f32 v8, v3;
	v8 =	vld.idx.msk [tilespmem:v45+s20+$0x0], $0xffff;
	v45 =	vor.u32 $0x29, v0  }
0xfa: {  	v13 =	vmul.f32 v13, v17;
	v61 =	vld.idx.msk [tilespmem:v57+s17+$0x0], $0xffff  }
0xfb: {  	v17 =	vor.u32 $0x28, v0;
	v40 =	vsub.f32 v40, v43;
	v43 =	vld.idx.msk [tilespmem:v58+s17+$0x0], $0xffff;
	v3 =	vadd.f32 v56, v3  }
0xfc: {  	v7 =	vmul.f32 v7, v41;
	v41 =	vor.u32 $0x25, v0;
	v56 =	vld.idx.msk [tilespmem:v54+s17+$0x0], $0xffff  }
0xfd: {  	v60 =	vld.idx.msk [tilespmem:v55+s17+$0x0], $0xffff;
	v3 =	vadd.f32 v13, v3;
	v13 =	vor.u32 $0x26, v0  }
0xfe: {  	v62 =	vld.idx.msk [tilespmem:v45+s17+$0x0], $0xffff;
	v8 =	vsub.f32 v8, v23  }
0xff: {  	v2 =	vmul.f32 v40, v2;
	v23 =	vld.idx.msk [tilespmem:v45+s20+$0x0], $0xffff;
	v3 =	vadd.f32 v7, v3;
	v7 =	vsub.f32 v44, v34  }
0x100: {  	v44 =	vld.idx.msk [tilespmem:v17+s17+$0x0], $0xffff  }
0x101: {  	v1 =	vsub.f32 v49, v1;
	v2 =	vadd.f32 v2, v3;
	v3 =	vmul.f32 v7, v27;
	v27 =	vld.idx.msk [tilespmem:v41+s17+$0x0], $0xffff  }
0x102: {  	v7 =	vld.idx.msk [tilespmem:v13+s17+$0x0], $0xffff  }
0x103: {  	v1 =	vmul.f32 v1, v46;
	v2 =	vadd.f32 v3, v2;
	v3 =	vsub.f32 v50, v29;
	v29 =	vld.idx.msk [tilespmem:v41+s20+$0x0], $0xffff  }
0x104: {  	v41 =	vld.idx.msk [tilespmem:v41+s21+$0x0], $0xffff  }
0x105: {  	v11 =	vsub.f32 v11, v35;
	v1 =	vadd.f32 v1, v2;
	v2 =	vld.idx.msk [tilespmem:v13+s20+$0x0], $0xffff;
	v3 =	vmul.f32 v3, v24  }
0x106: {  	v13 =	vld.idx.msk [tilespmem:v13+s21+$0x0], $0xffff  }
0x107: {  	v24 =	vld.idx.msk [tilespmem:v9+s20+$0x0], $0xffff;
	v1 =	vadd.f32 v3, v1;
	v3 =	vmul.f32 v11, v47  }
0x108: {  	v9 =	vld.idx.msk [tilespmem:v9+s21+$0x0], $0xffff  }
0x109: {  	v11 =	vld.idx.msk [tilespmem:v17+s20+$0x0], $0xffff;
	v1 =	vadd.f32 v3, v1;
	v3 =	vmul.f32 v8, v36;
	v8 =	vsub.f32 v29, v41  }
0x10a: {  	v17 =	vld.idx.msk [tilespmem:v17+s21+$0x0], $0xffff  }
0x10b: {  	v2 =	vsub.f32 v2, v13;
	v13 =	vld.idx.msk [tilespmem:v58+s20+$0x0], $0xffff;
	v1 =	vadd.f32 v3, v1;
	v3 =	vmul.f32 v8, v27  }
0x10c: {  	v8 =	vld.idx.msk [tilespmem:v45+s21+$0x0], $0xffff  }
0x10d: {  	v2 =	vmul.f32 v2, v7;
	v7 =	vld.idx.msk [tilespmem:v58+s21+$0x0], $0xffff;
	v1 =	vadd.f32 v3, v1;
	v3 =	vsub.f32 v24, v9  }
0x10e: {  	v9 =	vld.idx.msk [tilespmem:v57+s20+$0x0], $0xffff  }
0x10f: {  	v1 =	vadd.f32 v2, v1;
	v2 =	vmul.f32 v3, v63;
	v3 =	vsub.f32 v11, v17;
	v11 =	vld.idx.msk [tilespmem:v57+s21+$0x0], $0xffff  }
0x110: {  	v17 =	vld.idx.msk [tilespmem:v55+s20+$0x0], $0xffff  }
0x111: {  	v1 =	vadd.f32 v2, v1;
	v2 =	vmul.f32 v3, v44;
	v3 =	vsub.f32 v23, v8;
	v8 =	vld.idx.msk [tilespmem:v55+s21+$0x0], $0xffff  }
0x112: {  	v23 =	vld.idx.msk [tilespmem:v54+s20+$0x0], $0xffff  }
0x113: {  	v1 =	vadd.f32 v2, v1;
	v2 =	vmul.f32 v3, v62;
	v3 =	vsub.f32 v13, v7;
	v7 =	vld.idx.msk [tilespmem:v54+s21+$0x0], $0xffff  }
0x114: {  	v13 =	vld.idx.msk [tilespmem:v52+s20+$0x0], $0xffff  }
0x115: {  	v1 =	vadd.f32 v2, v1;
	v2 =	vmul.f32 v3, v43;
	v3 =	vsub.f32 v9, v11;
	v9 =	vld.idx.msk [tilespmem:v52+s21+$0x0], $0xffff  }
0x116: {  	v11 =	vld.idx.msk [tilespmem:v32+s20+$0x0], $0xffff  }
0x117: {  	v1 =	vadd.f32 v2, v1;
	v2 =	vmul.f32 v3, v61;
	v3 =	vsub.f32 v17, v8;
	v8 =	vld.idx.msk [tilespmem:v32+s21+$0x0], $0xffff  }
0x118: {  	v17 =	vld.idx.msk [tilespmem:v30+s20+$0x0], $0xffff  }
0x119: {  	v1 =	vadd.f32 v2, v1;
	v2 =	vmul.f32 v3, v60;
	v3 =	vsub.f32 v23, v7;
	v7 =	vld.idx.msk [tilespmem:v30+s21+$0x0], $0xffff  }
0x11a: {  	v23 =	vld.idx.msk [tilespmem:v28+s20+$0x0], $0xffff  }
0x11b: {  	v1 =	vadd.f32 v2, v1;
	v2 =	vmul.f32 v3, v56;
	v3 =	vsub.f32 v13, v9;
	v9 =	vld.idx.msk [tilespmem:v28+s21+$0x0], $0xffff  }
0x11c: {  	v13 =	vld.idx.msk [tilespmem:v26+s20+$0x0], $0xffff  }
0x11d: {  	v1 =	vadd.f32 v2, v1;
	v2 =	vmul.f32 v3, v59;
	v3 =	vsub.f32 v11, v8;
	v8 =	vld.idx.msk [tilespmem:v26+s21+$0x0], $0xffff  }
0x11e: {  	v11 =	vld.idx.msk [tilespmem:v25+s20+$0x0], $0xffff  }
0x11f: {  	v1 =	vadd.f32 v2, v1;
	v2 =	vmul.f32 v3, v31;
	v3 =	vsub.f32 v17, v7;
	v7 =	vld.idx.msk [tilespmem:v25+s21+$0x0], $0xffff  }
0x120: {  	v17 =	vld.idx.msk [tilespmem:v22+s20+$0x0], $0xffff  }
0x121: {  	v1 =	vadd.f32 v2, v1;
	v2 =	vmul.f32 v3, v4;
	v3 =	vsub.f32 v23, v9;
	v4 =	vld.idx.msk [tilespmem:v22+s21+$0x0], $0xffff  }
0x122: {  	v9 =	vld.idx.msk [tilespmem:v20+s20+$0x0], $0xffff  }
0x123: {  	v1 =	vadd.f32 v2, v1;
	v2 =	vmul.f32 v3, v5;
	v3 =	vsub.f32 v13, v8;
	v5 =	vld.idx.msk [tilespmem:v20+s21+$0x0], $0xffff  }
0x124: {  	v8 =	vld.idx.msk [tilespmem:v18+s20+$0x0], $0xffff  }
0x125: {  	v1 =	vadd.f32 v2, v1;
	v2 =	vmul.f32 v3, v6;
	v3 =	vsub.f32 v11, v7;
	v6 =	vld.idx.msk [tilespmem:v18+s21+$0x0], $0xffff  }
0x126: {  	v7 =	vld.idx.msk [tilespmem:v16+s20+$0x0], $0xffff  }
0x127: {  	v11 =	vld.idx.msk [tilespmem:v14+s20+$0x0], $0xffff;
	v1 =	vadd.f32 v2, v1;
	v2 =	vmul.f32 v3, v15;
	v3 =	vsub.f32 v17, v4  }
0x128: {  	v37 =	vor.u32 $0x3B, v0;
	v4 =	vld.idx.msk [tilespmem:v16+s21+$0x0], $0xffff  }
0x129: {  	v1 =	vadd.f32 v2, v1;
	v2 =	vmul.f32 v3, v21;
	v3 =	vsub.f32 v9, v5;
	v5 =	vld.idx.msk [tilespmem:v14+s21+$0x0], $0xffff  }
0x12a: {  	v9 =	vld.idx.msk [tilespmem:v12+s20+$0x0], $0xffff  }
0x12b: {  	v1 =	vadd.f32 v2, v1;
	v2 =	vmul.f32 v3, v19;
	v3 =	vsub.f32 v8, v6;
	v6 =	vld.idx.msk [tilespmem:v12+s21+$0x0], $0xffff  }
0x12c: {  	v8 =	vld.idx.msk [tilespmem:v10+s20+$0x0], $0xffff  }
0x12d: {  	v1 =	vadd.f32 v2, v1;
	v2 =	vmul.f32 v3, v33;
	v3 =	vsub.f32 v7, v4;
	v4 =	vld.idx.msk [tilespmem:v10+s21+$0x0], $0xffff  }
0x12e: {  	v7 =	vld.idx.msk [tilespmem:v37+s20+$0x0], $0xffff  }
0x12f: {  	v1 =	vadd.f32 v2, v1;
	v2 =	vmul.f32 v3, v39;
	v3 =	vsub.f32 v11, v5;
	v11 =	vld [tilespmem:$0x1FB50]  }
0x130: {  	v5 =	vld.idx.msk [tilespmem:v37+s21+$0x0], $0xffff  }
0x131: {  	v1 =	vadd.f32 v2, v1;
	v2 =	vmul.f32 v3, v51;
	v3 =	vsub.f32 v9, v6  }
0x132: {  	v42 =	vld.idx.msk [tilespmem:v37+s17+$0x0], $0xffff  }
0x133: {  	v1 =	vadd.f32 v2, v1;
	v2 =	vmul.f32 v3, v53;
	v3 =	vsub.f32 v8, v4;
	_ =	sdelay $0x1  }
0x134: {  	v10 =	vld.idx.msk [tilespmem:v38+s20+$0x0], $0xffff;
	v1 =	vadd.f32 v2, v1;
	v2 =	vmul.f32 v3, v48;
	v3 =	vsub.f32 v7, v5  }
0x135: {  	v6 =	vld.idx.msk [tilespmem:v38+s21+$0x0], $0xffff  }
0x136: {  	v9 =	vld.idx.msk [tilespmem:v11+s20+$0x0], $0xffff;
	v1 =	vadd.f32 v2, v1;
	v2 =	vmul.f32 v3, v42  }
0x137: {  	v4 =	vld.idx.msk [tilespmem:v11+s21+$0x0], $0xffff  }
0x138: {  	v1 =	vadd.f32 v2, v1;
	v2 =	vld [tilespmem:$0x1FB70]  }
0x139: {  	v11 =	vld [tilespmem:$0x1FB60];
	_ =	sdelay $0x1  }
0x13a: {  	v3 =	vsub.f32 v10, v6;
	_ =	sdelay $0x1  }
0x13b: {  	v2 =	vmul.f32 v3, v2;
	_ =	sdelay $0x1  }
0x13c: {  	v0 =	vor.u32 $0x3F, v0;
	v1 =	vadd.f32 v2, v1;
	v2 =	vld [tilespmem:$0x1FB80];
	_ =	sdelay $0x1  }
0x13d: {  	v8 =	vld.idx.msk [tilespmem:v11+s20+$0x0], $0xffff  }
0x13e: {  	v3 =	vsub.f32 v9, v4;
	v5 =	vld.idx.msk [tilespmem:v11+s21+$0x0], $0xffff;
	_ =	sdelay $0x1  }
0x13f: {  	v7 =	vld.idx.msk [tilespmem:v0+s20+$0x0], $0xffff;
	v2 =	vmul.f32 v3, v2  }
0x140: {  	v6 =	vld.idx.msk [tilespmem:v0+s21+$0x0], $0xffff  }
0x141: {  	v1 =	vadd.f32 v2, v1;
	v2 =	vld [tilespmem:$0x1FB90]  }
0x142: {  	v3 =	vsub.f32 v8, v5;
	v5 =	vld [tilespmem:$0x1FFF0]  }
0x143: {  	v0 =	vld.idx.msk [tilespmem:v0+s17+$0x0], $0xffff  }
0x144: {  	s22 =	simm.s32 $0x10  }
0x145: {  	v4 =	vmov s22  }
0x146: {  	v4 =	vshll.u32 v4, $0x7;
	v2 =	vmul.f32 v3, v2;
	v3 =	vsub.f32 v7, v6  }
0x147: {  	v6 =	vor.u32 v5, v4  }
0x148: {  	v4 =	vor.u32 $0x3E, v6;
	v1 =	vadd.f32 v2, v1;
	v0 =	vmul.f32 v3, v0;
	_ =	sdelay $0x1  }
0x149: {  	v0 =	vadd.f32 v0, v1  }
0x14a: {  	s22 =	simm.s32 $0x18B80  }
0x14b: {  	[tilespmem:s22+$0x0] =	vst v0  }
0x14c: {  	v2 =	vor.u32 $0x3D, v6;
	v0 =	vld.idx.msk [tilespmem:v4+s17+$0x0], $0xffff;
	_ =	sdelay $0x4  }
0x14d: {  	v3 =	vor.u32 $0x3C, v6;
	[tilespmem:$0x1FBB0] =	vst v0;
	v0 =	vld.idx.msk [tilespmem:v2+s17+$0x0], $0xffff;
	_ =	sdelay $0x4  }
0x14e: {  	v1 =	vor.u32 $0x3B, v6;
	[tilespmem:$0x1FBD0] =	vst v0;
	v0 =	vld.idx.msk [tilespmem:v3+s17+$0x0], $0xffff;
	_ =	sdelay $0x4  }
0x14f: {  	v5 =	vor.u32 $0x3A, v6;
	[tilespmem:$0x1FBF0] =	vst v0;
	v0 =	vld.idx.msk [tilespmem:v1+s17+$0x0], $0xffff;
	_ =	sdelay $0x4  }
0x150: {  	v7 =	vor.u32 $0x39, v6;
	[tilespmem:$0x1FC10] =	vst v0;
	v0 =	vld.idx.msk [tilespmem:v5+s17+$0x0], $0xffff;
	_ =	sdelay $0x3  }
0x151: {  	[tilespmem:$0x1FBA0] =	vst v4  }
0x152: {  	v4 =	vor.u32 $0x38, v6;
	[tilespmem:$0x1FC30] =	vst v0;
	v0 =	vld.idx.msk [tilespmem:v7+s17+$0x0], $0xffff;
	_ =	sdelay $0x3  }
0x153: {  	[tilespmem:$0x1FBC0] =	vst v2  }
0x154: {  	v2 =	vor.u32 $0x37, v6;
	[tilespmem:$0x1FC50] =	vst v0;
	v0 =	vld.idx.msk [tilespmem:v4+s17+$0x0], $0xffff;
	_ =	sdelay $0x3  }
0x155: {  	[tilespmem:$0x1FBE0] =	vst v3  }
0x156: {  	v3 =	vor.u32 $0x36, v6;
	[tilespmem:$0x1FC70] =	vst v0;
	v0 =	vld.idx.msk [tilespmem:v2+s17+$0x0], $0xffff;
	_ =	sdelay $0x3  }
0x157: {  	[tilespmem:$0x1FC00] =	vst v1  }
0x158: {  	v1 =	vor.u32 $0x35, v6;
	[tilespmem:$0x1FC90] =	vst v0;
	v0 =	vld.idx.msk [tilespmem:v3+s17+$0x0], $0xffff;
	_ =	sdelay $0x3  }
0x159: {  	[tilespmem:$0x1FC20] =	vst v5  }
0x15a: {  	v5 =	vor.u32 $0x34, v6;
	[tilespmem:$0x1FCB0] =	vst v0;
	v0 =	vld.idx.msk [tilespmem:v1+s17+$0x0], $0xffff;
	_ =	sdelay $0x3  }
0x15b: {  	[tilespmem:$0x1FC40] =	vst v7  }
0x15c: {  	v7 =	vor.u32 $0x33, v6;
	[tilespmem:$0x1FCD0] =	vst v0;
	v0 =	vld.idx.msk [tilespmem:v5+s17+$0x0], $0xffff;
	_ =	sdelay $0x3  }
0x15d: {  	[tilespmem:$0x1FC60] =	vst v4  }
0x15e: {  	v4 =	vor.u32 $0x32, v6;
	[tilespmem:$0x1FCF0] =	vst v0;
	v0 =	vld.idx.msk [tilespmem:v7+s17+$0x0], $0xffff;
	_ =	sdelay $0x3  }
0x15f: {  	[tilespmem:$0x1FC80] =	vst v2  }
0x160: {  	v2 =	vor.u32 $0x31, v6;
	[tilespmem:$0x1FD10] =	vst v0;
	v0 =	vld.idx.msk [tilespmem:v4+s17+$0x0], $0xffff;
	_ =	sdelay $0x3  }
0x161: {  	[tilespmem:$0x1FCA0] =	vst v3  }
0x162: {  	v3 =	vor.u32 $0x30, v6;
	[tilespmem:$0x1FD30] =	vst v0;
	v0 =	vld.idx.msk [tilespmem:v2+s17+$0x0], $0xffff;
	_ =	sdelay $0x3  }
0x163: {  	[tilespmem:$0x1FCC0] =	vst v1  }
0x164: {  	v1 =	vor.u32 $0x2F, v6;
	[tilespmem:$0x1FD50] =	vst v0;
	v0 =	vld.idx.msk [tilespmem:v3+s17+$0x0], $0xffff;
	_ =	sdelay $0x3  }
0x165: {  	[tilespmem:$0x1FCE0] =	vst v5  }
0x166: {  	v5 =	vor.u32 $0x2E, v6;
	[tilespmem:$0x1FD70] =	vst v0;
	v0 =	vld.idx.msk [tilespmem:v1+s17+$0x0], $0xffff;
	_ =	sdelay $0x3  }
0x167: {  	[tilespmem:$0x1FD00] =	vst v7  }
0x168: {  	v7 =	vor.u32 $0x2D, v6;
	[tilespmem:$0x1FD90] =	vst v0;
	v0 =	vld.idx.msk [tilespmem:v5+s17+$0x0], $0xffff;
	_ =	sdelay $0x3  }
0x169: {  	[tilespmem:$0x1FD20] =	vst v4  }
0x16a: {  	v4 =	vor.u32 $0x2C, v6;
	[tilespmem:$0x1FDB0] =	vst v0;
	v0 =	vld.idx.msk [tilespmem:v7+s17+$0x0], $0xffff;
	_ =	sdelay $0x3  }
0x16b: {  	[tilespmem:$0x1FD40] =	vst v2  }
0x16c: {  	v2 =	vor.u32 $0x2B, v6;
	[tilespmem:$0x1FDD0] =	vst v0;
	v0 =	vld.idx.msk [tilespmem:v4+s17+$0x0], $0xffff;
	_ =	sdelay $0x3  }
0x16d: {  	[tilespmem:$0x1FD60] =	vst v3  }
0x16e: {  	v3 =	vor.u32 $0x2A, v6;
	[tilespmem:$0x1FDF0] =	vst v0;
	v0 =	vld.idx.msk [tilespmem:v2+s17+$0x0], $0xffff;
	_ =	sdelay $0x3  }
0x16f: {  	[tilespmem:$0x1FD80] =	vst v1  }
0x170: {  	v1 =	vor.u32 $0x29, v6;
	[tilespmem:$0x1FE10] =	vst v0;
	v0 =	vld.idx.msk [tilespmem:v3+s17+$0x0], $0xffff;
	_ =	sdelay $0x3  }
0x171: {  	[tilespmem:$0x1FDA0] =	vst v5  }
0x172: {  	v5 =	vor.u32 $0x28, v6;
	[tilespmem:$0x1FE30] =	vst v0;
	v0 =	vld.idx.msk [tilespmem:v1+s17+$0x0], $0xffff;
	_ =	sdelay $0x3  }
0x173: {  	[tilespmem:$0x1FDC0] =	vst v7  }
0x174: {  	v7 =	vor.u32 $0x27, v6;
	[tilespmem:$0x1FE50] =	vst v0;
	v0 =	vld.idx.msk [tilespmem:v5+s17+$0x0], $0xffff;
	_ =	sdelay $0x3  }
0x175: {  	[tilespmem:$0x1FDE0] =	vst v4  }
0x176: {  	v4 =	vor.u32 $0x26, v6;
	[tilespmem:$0x1FE70] =	vst v0;
	v0 =	vld.idx.msk [tilespmem:v7+s17+$0x0], $0xffff;
	_ =	sdelay $0x3  }
0x177: {  	[tilespmem:$0x1FE00] =	vst v2  }
0x178: {  	v2 =	vor.u32 $0x25, v6;
	[tilespmem:$0x1FE90] =	vst v0;
	v0 =	vld.idx.msk [tilespmem:v4+s17+$0x0], $0xffff;
	_ =	sdelay $0x3  }
0x179: {  	[tilespmem:$0x1FE20] =	vst v3  }
0x17a: {  	v3 =	vor.u32 $0x24, v6;
	[tilespmem:$0x1FEB0] =	vst v0;
	v0 =	vld.idx.msk [tilespmem:v2+s17+$0x0], $0xffff;
	_ =	sdelay $0x4  }
0x17b: {  	v8 =	vor.u32 $0x23, v6;
	[tilespmem:$0x1FED0] =	vst v0;
	v0 =	vld.idx.msk [tilespmem:v3+s17+$0x0], $0xffff;
	_ =	sdelay $0x4  }
0x17c: {  	v59 =	vor.u32 $0x22, v6;
	[tilespmem:$0x1FEF0] =	vst v0;
	v0 =	vld.idx.msk [tilespmem:v8+s17+$0x0], $0xffff;
	_ =	sdelay $0x4  }
0x17d: {  	v61 =	vor.u32 $0x21, v6;
	[tilespmem:$0x1FF10] =	vst v0;
	v0 =	vld.idx.msk [tilespmem:v59+s17+$0x0], $0xffff;
	_ =	sdelay $0x4  }
0x17e: {  	v63 =	vor.u32 $0x20, v6;
	[tilespmem:$0x1FF20] =	vst v0;
	v0 =	vld.idx.msk [tilespmem:v61+s17+$0x0], $0xffff;
	_ =	sdelay $0x3  }
0x17f: {  	[tilespmem:$0x1FE40] =	vst v1  }
0x180: {  	v1 =	vor.u32 $0x1F, v6;
	[tilespmem:$0x1FF30] =	vst v0;
	v0 =	vld.idx.msk [tilespmem:v63+s17+$0x0], $0xffff;
	_ =	sdelay $0x3  }
0x181: {  	[tilespmem:$0x1FE60] =	vst v5  }
0x182: {  	v5 =	vor.u32 $0x1E, v6;
	[tilespmem:$0x1FF40] =	vst v0;
	v0 =	vld.idx.msk [tilespmem:v1+s17+$0x0], $0xffff;
	_ =	sdelay $0x4  }
0x183: {  	v9 =	vor.u32 $0x1D, v6;
	[tilespmem:$0x1FF50] =	vst v0;
	v0 =	vld.idx.msk [tilespmem:v5+s17+$0x0], $0xffff;
	_ =	sdelay $0x4  }
0x184: {  	v14 =	vor.u32 $0x1C, v6;
	[tilespmem:$0x1FF60] =	vst v0;
	v0 =	vld.idx.msk [tilespmem:v9+s17+$0x0], $0xffff;
	_ =	sdelay $0x4  }
0x185: {  	v18 =	vor.u32 $0x1B, v6;
	[tilespmem:$0x1FF70] =	vst v0;
	v0 =	vld.idx.msk [tilespmem:v14+s17+$0x0], $0xffff;
	_ =	sdelay $0x4  }
0x186: {  	v22 =	vor.u32 $0x1A, v6;
	[tilespmem:$0x1FF80] =	vst v0;
	v0 =	vld.idx.msk [tilespmem:v18+s17+$0x0], $0xffff;
	_ =	sdelay $0x4  }
0x187: {  	v26 =	vor.u32 $0x19, v6;
	[tilespmem:$0x1FF90] =	vst v0;
	v0 =	vld.idx.msk [tilespmem:v22+s17+$0x0], $0xffff;
	_ =	sdelay $0x3  }
0x188: {  	v42 =	vor.u32 $0x15, v6  }
0x189: {  	v30 =	vor.u32 $0x18, v6;
	[tilespmem:$0x1FFA0] =	vst v0;
	v0 =	vld.idx.msk [tilespmem:v26+s17+$0x0], $0xffff  }
0x18a: {  	v46 =	vor.u32 $0x14, v6  }
0x18b: {  	v10 =	vor.u32 $0x11, v6  }
0x18c: {  	v12 =	vor.u32 $0x10, v6  }
0x18d: {  	v54 =	vor.u32 $0xF, v6;
	v40 =	vld.idx.msk [tilespmem:v42+s17+$0x0], $0xffff  }
0x18e: {  	v34 =	vor.u32 $0x17, v6;
	[tilespmem:$0x1FFB0] =	vst v0;
	v0 =	vld.idx.msk [tilespmem:v30+s17+$0x0], $0xffff  }
0x18f: {  	v56 =	vor.u32 $0xE, v6;
	v44 =	vld.idx.msk [tilespmem:v46+s17+$0x0], $0xffff  }
0x190: {  	v19 =	vor.u32 $0xD, v6;
	v50 =	vld.idx.msk [tilespmem:v10+s17+$0x0], $0xffff  }
0x191: {  	v21 =	vor.u32 $0xC, v6;
	v52 =	vld.idx.msk [tilespmem:v12+s17+$0x0], $0xffff  }
0x192: {  	v23 =	vor.u32 $0xB, v6;
	v13 =	vld.idx.msk [tilespmem:v54+s17+$0x0], $0xffff  }
0x193: {  	v38 =	vor.u32 $0x16, v6;
	[tilespmem:$0x1FFC0] =	vst v0;
	v0 =	vld.idx.msk [tilespmem:v34+s17+$0x0], $0xffff  }
0x194: {  	v62 =	vor.u32 $0xA, v6;
	v15 =	vld.idx.msk [tilespmem:v56+s17+$0x0], $0xffff  }
0x195: {  	v31 =	vor.u32 $0x8, v6;
	v17 =	vld.idx.msk [tilespmem:v19+s17+$0x0], $0xffff  }
0x196: {  	v37 =	vor.u32 $0x6, v6;
	v58 =	vld.idx.msk [tilespmem:v21+s17+$0x0], $0xffff  }
0x197: {  	v39 =	vor.u32 $0x5, v6;
	v60 =	vld.idx.msk [tilespmem:v23+s17+$0x0], $0xffff  }
0x198: {  	v41 =	vor.u32 $0x4, v6;
	[tilespmem:$0x1FFD0] =	vst v0;
	v0 =	vld.idx.msk [tilespmem:v38+s17+$0x0], $0xffff  }
0x199: {  	v43 =	vor.u32 $0x3, v6;
	v25 =	vld.idx.msk [tilespmem:v62+s17+$0x0], $0xffff  }
0x19a: {  	v29 =	vld.idx.msk [tilespmem:v31+s17+$0x0], $0xffff;
	[tilespmem:$0x1FE80] =	vst v7;
	v7 =	vor.u32 $0x12, v6  }
0x19b: {  	v48 =	vor.u32 $0x13, v6;
	v33 =	vld.idx.msk [tilespmem:v37+s17+$0x0], $0xffff  }
0x19c: {  	[tilespmem:$0x1FF00] =	vst v8;
	v35 =	vld.idx.msk [tilespmem:v39+s17+$0x0], $0xffff;
	v8 =	vor.u32 $0x7, v6  }
0x19d: {  	v11 =	vld.idx.msk [tilespmem:v41+s17+$0x0], $0xffff;
	[tilespmem:$0x1FFE0] =	vst v0;
	v0 =	vor.u32 $0x9, v6  }
0x19e: {  	v16 =	vld.idx.msk [tilespmem:v43+s17+$0x0], $0xffff  }
0x19f: {  	[tilespmem:$0x1FEA0] =	vst v4;
	v4 =	vld.idx.msk [tilespmem:v7+s17+$0x0], $0xffff  }
0x1a0: {  	[tilespmem:$0x1FEC0] =	vst v2;
	v2 =	vld.idx.msk [tilespmem:v48+s17+$0x0], $0xffff  }
0x1a1: {  	[tilespmem:$0x1FEE0] =	vst v3;
	v3 =	vld.idx.msk [tilespmem:v8+s17+$0x0], $0xffff  }
0x1a2: {  	s23 =	simm.s32 $0x20;
	v20 =	vor.u32 $0x2, v6;
	v45 =	vor.u32 $0x1, v6;
	v27 =	vld.idx.msk [tilespmem:v0+s17+$0x0], $0xffff  }
.LBB2_6:
0x1a3: {  	_ =	sdelay $0x3  }
0x1a4: {  	v24 =	vld.idx.msk [tilespmem:v20+s17+$0x0], $0xffff  }
0x1a5: {  	v47 =	vld.idx.msk [tilespmem:v45+s17+$0x0], $0xffff  }
0x1a6: {  	v51 =	vld.idx.msk [tilespmem:v6+s17+$0x0], $0xffff  }
0x1a7: {  	v32 =	vld.idx.msk [tilespmem:v6+s20+$0x0], $0xffff  }
0x1a8: {  	v53 =	vld.idx.msk [tilespmem:v6+s21+$0x0], $0xffff  }
0x1a9: {  	v55 =	vld.idx.msk [tilespmem:v45+s20+$0x0], $0xffff  }
0x1aa: {  	s18 =	sadd.s32 $0x10, s18;
	v45 =	vld.idx.msk [tilespmem:v45+s21+$0x0], $0xffff  }
0x1ab: {  	s19 =	sadd.s32 $0x10, s19;
	v28 =	vld [tilespmem:s18+$0x0]  }
0x1ac: {  	v36 =	vld [tilespmem:s19+$0x0]  }
0x1ad: {  	v49 =	vld.idx.msk [tilespmem:v20+s20+$0x0], $0xffff  }
0x1ae: {  	v20 =	vld.idx.msk [tilespmem:v20+s21+$0x0], $0xffff  }
0x1af: {  	v57 =	vld.idx.msk [tilespmem:v43+s20+$0x0], $0xffff;
	v32 =	vsub.f32 v32, v53  }
0x1b0: {  	v43 =	vld.idx.msk [tilespmem:v43+s21+$0x0], $0xffff  }
0x1b1: {  	v53 =	vld.idx.msk [tilespmem:v41+s20+$0x0], $0xffff;
	v55 =	vsub.f32 v55, v45;
	v28 =	vsub.f32 v36, v28;
	v32 =	vmul.f32 v32, v51  }
0x1b2: {  	v41 =	vld.idx.msk [tilespmem:v41+s21+$0x0], $0xffff  }
0x1b3: {  	v45 =	vld.idx.msk [tilespmem:v39+s20+$0x0], $0xffff;
	v20 =	vsub.f32 v49, v20;
	v51 =	vmul.f32 v55, v47;
	v28 =	vadd.f32 v32, v28  }
0x1b4: {  	v55 =	vld.idx.msk [tilespmem:v39+s21+$0x0], $0xffff  }
0x1b5: {  	v49 =	vld.idx.msk [tilespmem:v37+s21+$0x0], $0xffff;
	v20 =	vmul.f32 v20, v24;
	v24 =	vsub.f32 v57, v43;
	v28 =	vadd.f32 v51, v28  }
0x1b6: {  	v47 =	vld.idx.msk [tilespmem:v37+s20+$0x0], $0xffff  }
0x1b7: {  	v16 =	vmul.f32 v24, v16;
	v24 =	vsub.f32 v53, v41;
	v51 =	vld.idx.msk [tilespmem:v8+s20+$0x0], $0xffff;
	v20 =	vadd.f32 v20, v28  }
0x1b8: {  	v8 =	vld.idx.msk [tilespmem:v8+s21+$0x0], $0xffff  }
0x1b9: {  	v11 =	vmul.f32 v24, v11;
	v24 =	vld.idx.msk [tilespmem:v31+s21+$0x0], $0xffff;
	v16 =	vadd.f32 v16, v20;
	v20 =	vsub.f32 v45, v55  }
0x1ba: {  	v28 =	vld.idx.msk [tilespmem:v31+s20+$0x0], $0xffff  }
0x1bb: {  	v31 =	vld.idx.msk [tilespmem:v0+s20+$0x0], $0xffff;
	v11 =	vadd.f32 v11, v16;
	v16 =	vmul.f32 v20, v35;
	v20 =	vsub.f32 v47, v49  }
0x1bc: {  	v0 =	vld.idx.msk [tilespmem:v0+s21+$0x0], $0xffff  }
0x1bd: {  	v55 =	vld.idx.msk [tilespmem:v62+s20+$0x0], $0xffff;
	v8 =	vsub.f32 v51, v8;
	v11 =	vadd.f32 v16, v11;
	v16 =	vmul.f32 v20, v33  }
0x1be: {  	v20 =	vld.idx.msk [tilespmem:v62+s21+$0x0], $0xffff  }
0x1bf: {  	v3 =	vmul.f32 v8, v3;
	v8 =	vsub.f32 v28, v24;
	v62 =	vld.idx.msk [tilespmem:v23+s20+$0x0], $0xffff;
	v11 =	vadd.f32 v16, v11  }
0x1c0: {  	v16 =	vld.idx.msk [tilespmem:v23+s21+$0x0], $0xffff  }
0x1c1: {  	v0 =	vsub.f32 v31, v0;
	v8 =	vmul.f32 v8, v29;
	v23 =	vld.idx.msk [tilespmem:v21+s20+$0x0], $0xffff;
	v3 =	vadd.f32 v3, v11  }
0x1c2: {  	v11 =	vld.idx.msk [tilespmem:v21+s21+$0x0], $0xffff  }
0x1c3: {  	v0 =	vmul.f32 v0, v27;
	v21 =	vld.idx.msk [tilespmem:v19+s20+$0x0], $0xffff;
	v3 =	vadd.f32 v8, v3;
	v8 =	vsub.f32 v55, v20  }
0x1c4: {  	v19 =	vld.idx.msk [tilespmem:v19+s21+$0x0], $0xffff  }
0x1c5: {  	v20 =	vld.idx.msk [tilespmem:v56+s20+$0x0], $0xffff;
	v0 =	vadd.f32 v0, v3;
	v3 =	vmul.f32 v8, v25;
	v8 =	vsub.f32 v62, v16  }
0x1c6: {  	v16 =	vld.idx.msk [tilespmem:v56+s21+$0x0], $0xffff  }
0x1c7: {  	v24 =	vld.idx.msk [tilespmem:v54+s20+$0x0], $0xffff;
	v0 =	vadd.f32 v3, v0;
	v3 =	vmul.f32 v8, v60;
	v8 =	vsub.f32 v23, v11  }
0x1c8: {  	v11 =	vld.idx.msk [tilespmem:v54+s21+$0x0], $0xffff  }
0x1c9: {  	v23 =	vld.idx.msk [tilespmem:v12+s20+$0x0], $0xffff;
	v0 =	vadd.f32 v3, v0;
	v3 =	vmul.f32 v8, v58;
	v8 =	vsub.f32 v21, v19  }
0x1ca: {  	v12 =	vld.idx.msk [tilespmem:v12+s21+$0x0], $0xffff  }
0x1cb: {  	v19 =	vld.idx.msk [tilespmem:v10+s20+$0x0], $0xffff;
	v0 =	vadd.f32 v3, v0;
	v3 =	vmul.f32 v8, v17;
	v8 =	vsub.f32 v20, v16  }
0x1cc: {  	v10 =	vld.idx.msk [tilespmem:v10+s21+$0x0], $0xffff  }
0x1cd: {  	v16 =	vld.idx.msk [tilespmem:v7+s20+$0x0], $0xffff;
	v0 =	vadd.f32 v3, v0;
	v3 =	vmul.f32 v8, v15;
	v8 =	vsub.f32 v24, v11  }
0x1ce: {  	v7 =	vld.idx.msk [tilespmem:v7+s21+$0x0], $0xffff  }
0x1cf: {  	v11 =	vld.idx.msk [tilespmem:v48+s20+$0x0], $0xffff;
	v0 =	vadd.f32 v3, v0;
	v3 =	vmul.f32 v8, v13;
	v8 =	vsub.f32 v23, v12  }
0x1d0: {  	v12 =	vld.idx.msk [tilespmem:v48+s21+$0x0], $0xffff  }
0x1d1: {  	v13 =	vld.idx.msk [tilespmem:v46+s20+$0x0], $0xffff;
	v0 =	vadd.f32 v3, v0;
	v3 =	vmul.f32 v8, v52;
	v8 =	vsub.f32 v19, v10  }
0x1d2: {  	v10 =	vld.idx.msk [tilespmem:v46+s21+$0x0], $0xffff  }
0x1d3: {  	v15 =	vld.idx.msk [tilespmem:v42+s20+$0x0], $0xffff;
	v7 =	vsub.f32 v16, v7;
	v0 =	vadd.f32 v3, v0;
	v3 =	vmul.f32 v8, v50  }
0x1d4: {  	v8 =	vld.idx.msk [tilespmem:v42+s21+$0x0], $0xffff  }
0x1d5: {  	v0 =	vadd.f32 v3, v0;
	v3 =	vmul.f32 v7, v4;
	v4 =	vsub.f32 v11, v12;
	_ =	sdelay $0x1  }
0x1d6: {  	v0 =	vadd.f32 v3, v0;
	v2 =	vmul.f32 v4, v2;
	v3 =	vsub.f32 v13, v10;
	_ =	sdelay $0x1  }
0x1d7: {  	v0 =	vadd.f32 v2, v0;
	v2 =	vmul.f32 v3, v44;
	v3 =	vsub.f32 v15, v8  }
0x1d8: {  	v16 =	vld.idx.msk [tilespmem:v38+s20+$0x0], $0xffff  }
0x1d9: {  	v7 =	vld.idx.msk [tilespmem:v38+s21+$0x0], $0xffff;
	v0 =	vadd.f32 v2, v0;
	v2 =	vmul.f32 v3, v40;
	_ =	sdelay $0x1  }
0x1da: {  	v0 =	vadd.f32 v2, v0;
	v2 =	vld [tilespmem:$0x1FFE0];
	_ =	sdelay $0x2  }
0x1db: {  	v3 =	vsub.f32 v16, v7  }
0x1dc: {  	v11 =	vld.idx.msk [tilespmem:v34+s20+$0x0], $0xffff  }
0x1dd: {  	v4 =	vld.idx.msk [tilespmem:v34+s21+$0x0], $0xffff;
	v2 =	vmul.f32 v3, v2;
	_ =	sdelay $0x1  }
0x1de: {  	v0 =	vadd.f32 v2, v0;
	v2 =	vld [tilespmem:$0x1FFD0];
	_ =	sdelay $0x2  }
0x1df: {  	v3 =	vsub.f32 v11, v4  }
0x1e0: {  	v10 =	vld.idx.msk [tilespmem:v30+s20+$0x0], $0xffff  }
0x1e1: {  	v8 =	vld.idx.msk [tilespmem:v30+s21+$0x0], $0xffff;
	v2 =	vmul.f32 v3, v2;
	_ =	sdelay $0x1  }
0x1e2: {  	v0 =	vadd.f32 v2, v0;
	v2 =	vld [tilespmem:$0x1FFC0];
	_ =	sdelay $0x2  }
0x1e3: {  	v3 =	vsub.f32 v10, v8  }
0x1e4: {  	v12 =	vld.idx.msk [tilespmem:v26+s20+$0x0], $0xffff  }
0x1e5: {  	v7 =	vld.idx.msk [tilespmem:v26+s21+$0x0], $0xffff;
	v2 =	vmul.f32 v3, v2;
	_ =	sdelay $0x1  }
0x1e6: {  	v0 =	vadd.f32 v2, v0;
	v2 =	vld [tilespmem:$0x1FFB0];
	_ =	sdelay $0x2  }
0x1e7: {  	v3 =	vsub.f32 v12, v7  }
0x1e8: {  	v13 =	vld.idx.msk [tilespmem:v22+s20+$0x0], $0xffff  }
0x1e9: {  	v4 =	vld.idx.msk [tilespmem:v22+s21+$0x0], $0xffff;
	v2 =	vmul.f32 v3, v2;
	_ =	sdelay $0x1  }
0x1ea: {  	v0 =	vadd.f32 v2, v0;
	v2 =	vld [tilespmem:$0x1FFA0];
	_ =	sdelay $0x2  }
0x1eb: {  	v3 =	vsub.f32 v13, v4  }
0x1ec: {  	v11 =	vld.idx.msk [tilespmem:v18+s20+$0x0], $0xffff  }
0x1ed: {  	v8 =	vld.idx.msk [tilespmem:v18+s21+$0x0], $0xffff;
	v2 =	vmul.f32 v3, v2;
	_ =	sdelay $0x1  }
0x1ee: {  	v0 =	vadd.f32 v2, v0;
	v2 =	vld [tilespmem:$0x1FF90];
	_ =	sdelay $0x2  }
0x1ef: {  	v3 =	vsub.f32 v11, v8  }
0x1f0: {  	v10 =	vld.idx.msk [tilespmem:v14+s20+$0x0], $0xffff  }
0x1f1: {  	v7 =	vld.idx.msk [tilespmem:v14+s21+$0x0], $0xffff;
	v2 =	vmul.f32 v3, v2;
	_ =	sdelay $0x1  }
0x1f2: {  	v0 =	vadd.f32 v2, v0;
	v2 =	vld [tilespmem:$0x1FF80];
	_ =	sdelay $0x2  }
0x1f3: {  	v3 =	vsub.f32 v10, v7  }
0x1f4: {  	v12 =	vld.idx.msk [tilespmem:v9+s20+$0x0], $0xffff  }
0x1f5: {  	v4 =	vld.idx.msk [tilespmem:v9+s21+$0x0], $0xffff;
	v2 =	vmul.f32 v3, v2;
	_ =	sdelay $0x1  }
0x1f6: {  	v0 =	vadd.f32 v2, v0;
	v2 =	vld [tilespmem:$0x1FF70];
	_ =	sdelay $0x2  }
0x1f7: {  	v3 =	vsub.f32 v12, v4  }
0x1f8: {  	v9 =	vld.idx.msk [tilespmem:v5+s20+$0x0], $0xffff  }
0x1f9: {  	v5 =	vld.idx.msk [tilespmem:v5+s21+$0x0], $0xffff;
	v2 =	vmul.f32 v3, v2;
	_ =	sdelay $0x1  }
0x1fa: {  	v0 =	vadd.f32 v2, v0;
	v2 =	vld [tilespmem:$0x1FF60];
	_ =	sdelay $0x1  }
0x1fb: {  	v8 =	vld.idx.msk [tilespmem:v1+s20+$0x0], $0xffff  }
0x1fc: {  	v11 =	vld [tilespmem:$0x1FF00];
	v3 =	vsub.f32 v9, v5  }
0x1fd: {  	v1 =	vld.idx.msk [tilespmem:v1+s21+$0x0], $0xffff  }
0x1fe: {  	v7 =	vld.idx.msk [tilespmem:v63+s20+$0x0], $0xffff;
	v2 =	vmul.f32 v3, v2  }
0x1ff: {  	v4 =	vld.idx.msk [tilespmem:v63+s21+$0x0], $0xffff  }
0x200: {  	v0 =	vadd.f32 v2, v0;
	v2 =	vld [tilespmem:$0x1FF50];
	_ =	sdelay $0x2  }
0x201: {  	v1 =	vsub.f32 v8, v1  }
0x202: {  	v8 =	vld.idx.msk [tilespmem:v11+s20+$0x0], $0xffff  }
0x203: {  	v1 =	vmul.f32 v1, v2;
	v2 =	vsub.f32 v7, v4;
	v4 =	vld.idx.msk [tilespmem:v11+s21+$0x0], $0xffff  }
0x204: {  	v11 =	vld [tilespmem:$0x1FEE0];
	_ =	sdelay $0x1  }
0x205: {  	v10 =	vld.idx.msk [tilespmem:v61+s20+$0x0], $0xffff  }
0x206: {  	v5 =	vld.idx.msk [tilespmem:v61+s21+$0x0], $0xffff  }
0x207: {  	v0 =	vadd.f32 v1, v0;
	v1 =	vld [tilespmem:$0x1FF40];
	_ =	sdelay $0x3  }
0x208: {  	v7 =	vld.idx.msk [tilespmem:v11+s20+$0x0], $0xffff  }
0x209: {  	v1 =	vmul.f32 v2, v1;
	v2 =	vsub.f32 v10, v5;
	v5 =	vld.idx.msk [tilespmem:v11+s21+$0x0], $0xffff  }
0x20a: {  	v11 =	vld [tilespmem:$0x1FEC0];
	_ =	sdelay $0x1  }
0x20b: {  	v9 =	vld.idx.msk [tilespmem:v59+s20+$0x0], $0xffff  }
0x20c: {  	v3 =	vld.idx.msk [tilespmem:v59+s21+$0x0], $0xffff  }
0x20d: {  	v0 =	vadd.f32 v1, v0;
	v1 =	vld [tilespmem:$0x1FF30];
	_ =	sdelay $0x3  }
0x20e: {  	v10 =	vld.idx.msk [tilespmem:v11+s20+$0x0], $0xffff  }
0x20f: {  	v1 =	vmul.f32 v2, v1;
	v2 =	vsub.f32 v9, v3;
	v3 =	vld.idx.msk [tilespmem:v11+s21+$0x0], $0xffff  }
0x210: {  	v11 =	vld [tilespmem:$0x1FEA0]  }
0x211: {  	v0 =	vadd.f32 v1, v0;
	v1 =	vld [tilespmem:$0x1FF20];
	_ =	sdelay $0x4  }
0x212: {  	v1 =	vmul.f32 v2, v1;
	_ =	sdelay $0x1  }
0x213: {  	v0 =	vadd.f32 v1, v0;
	v1 =	vld [tilespmem:$0x1FF10]  }
0x214: {  	v9 =	vld.idx.msk [tilespmem:v11+s20+$0x0], $0xffff  }
0x215: {  	v2 =	vsub.f32 v8, v4;
	v4 =	vld.idx.msk [tilespmem:v11+s21+$0x0], $0xffff  }
0x216: {  	v11 =	vld [tilespmem:$0x1FE80];
	_ =	sdelay $0x4  }
0x217: {  	v1 =	vmul.f32 v2, v1;
	_ =	sdelay $0x1  }
0x218: {  	v0 =	vadd.f32 v1, v0;
	v1 =	vld [tilespmem:$0x1FEF0]  }
0x219: {  	v8 =	vld.idx.msk [tilespmem:v11+s20+$0x0], $0xffff  }
0x21a: {  	v2 =	vsub.f32 v7, v5;
	v5 =	vld.idx.msk [tilespmem:v11+s21+$0x0], $0xffff  }
0x21b: {  	v11 =	vld [tilespmem:$0x1FE60];
	_ =	sdelay $0x4  }
0x21c: {  	v1 =	vmul.f32 v2, v1;
	_ =	sdelay $0x1  }
0x21d: {  	v0 =	vadd.f32 v1, v0;
	v1 =	vld [tilespmem:$0x1FED0]  }
0x21e: {  	v7 =	vld.idx.msk [tilespmem:v11+s20+$0x0], $0xffff  }
0x21f: {  	v2 =	vsub.f32 v10, v3;
	v3 =	vld.idx.msk [tilespmem:v11+s21+$0x0], $0xffff  }
0x220: {  	v11 =	vld [tilespmem:$0x1FE40];
	_ =	sdelay $0x4  }
0x221: {  	v1 =	vmul.f32 v2, v1;
	_ =	sdelay $0x1  }
0x222: {  	v0 =	vadd.f32 v1, v0;
	v1 =	vld [tilespmem:$0x1FEB0]  }
0x223: {  	v10 =	vld.idx.msk [tilespmem:v11+s20+$0x0], $0xffff  }
0x224: {  	v2 =	vsub.f32 v9, v4;
	v4 =	vld.idx.msk [tilespmem:v11+s21+$0x0], $0xffff  }
0x225: {  	v11 =	vld [tilespmem:$0x1FE20];
	_ =	sdelay $0x4  }
0x226: {  	v1 =	vmul.f32 v2, v1;
	_ =	sdelay $0x1  }
0x227: {  	v0 =	vadd.f32 v1, v0;
	v1 =	vld [tilespmem:$0x1FE90]  }
0x228: {  	v9 =	vld.idx.msk [tilespmem:v11+s20+$0x0], $0xffff  }
0x229: {  	v2 =	vsub.f32 v8, v5;
	v5 =	vld.idx.msk [tilespmem:v11+s21+$0x0], $0xffff  }
0x22a: {  	v11 =	vld [tilespmem:$0x1FE00];
	_ =	sdelay $0x4  }
0x22b: {  	v1 =	vmul.f32 v2, v1;
	_ =	sdelay $0x1  }
0x22c: {  	v0 =	vadd.f32 v1, v0;
	v1 =	vld [tilespmem:$0x1FE70]  }
0x22d: {  	v8 =	vld.idx.msk [tilespmem:v11+s20+$0x0], $0xffff  }
0x22e: {  	v2 =	vsub.f32 v7, v3;
	v3 =	vld.idx.msk [tilespmem:v11+s21+$0x0], $0xffff  }
0x22f: {  	v11 =	vld [tilespmem:$0x1FDE0];
	_ =	sdelay $0x1  }
0x230: {  	v1 =	vmul.f32 v2, v1;
	_ =	sdelay $0x1  }
0x231: {  	v0 =	vadd.f32 v1, v0;
	v1 =	vld [tilespmem:$0x1FE50];
	_ =	sdelay $0x2  }
0x232: {  	v2 =	vsub.f32 v10, v4  }
0x233: {  	v7 =	vld.idx.msk [tilespmem:v11+s20+$0x0], $0xffff  }
0x234: {  	v1 =	vmul.f32 v2, v1;
	v4 =	vld.idx.msk [tilespmem:v11+s21+$0x0], $0xffff  }
0x235: {  	v11 =	vld [tilespmem:$0x1FDC0]  }
0x236: {  	v0 =	vadd.f32 v1, v0;
	v1 =	vld [tilespmem:$0x1FE30];
	_ =	sdelay $0x2  }
0x237: {  	v2 =	vsub.f32 v9, v5;
	_ =	sdelay $0x1  }
0x238: {  	v1 =	vmul.f32 v2, v1;
	_ =	sdelay $0x1  }
0x239: {  	v0 =	vadd.f32 v1, v0;
	v1 =	vld [tilespmem:$0x1FE10]  }
0x23a: {  	v10 =	vld.idx.msk [tilespmem:v11+s20+$0x0], $0xffff  }
0x23b: {  	v5 =	vld.idx.msk [tilespmem:v11+s21+$0x0], $0xffff  }
0x23c: {  	v11 =	vld [tilespmem:$0x1FDA0];
	_ =	sdelay $0x2  }
0x23d: {  	v2 =	vsub.f32 v8, v3;
	_ =	sdelay $0x1  }
0x23e: {  	v1 =	vmul.f32 v2, v1;
	_ =	sdelay $0x1  }
0x23f: {  	v0 =	vadd.f32 v1, v0;
	v1 =	vld [tilespmem:$0x1FDF0]  }
0x240: {  	v9 =	vld.idx.msk [tilespmem:v11+s20+$0x0], $0xffff  }
0x241: {  	v3 =	vld.idx.msk [tilespmem:v11+s21+$0x0], $0xffff  }
0x242: {  	v11 =	vld [tilespmem:$0x1FD80];
	_ =	sdelay $0x2  }
0x243: {  	v2 =	vsub.f32 v7, v4;
	_ =	sdelay $0x1  }
0x244: {  	v1 =	vmul.f32 v2, v1;
	_ =	sdelay $0x1  }
0x245: {  	v0 =	vadd.f32 v1, v0;
	v1 =	vld [tilespmem:$0x1FDD0]  }
0x246: {  	v8 =	vld.idx.msk [tilespmem:v11+s20+$0x0], $0xffff  }
0x247: {  	v4 =	vld.idx.msk [tilespmem:v11+s21+$0x0], $0xffff  }
0x248: {  	v11 =	vld [tilespmem:$0x1FD60];
	_ =	sdelay $0x2  }
0x249: {  	v2 =	vsub.f32 v10, v5;
	_ =	sdelay $0x1  }
0x24a: {  	v1 =	vmul.f32 v2, v1;
	_ =	sdelay $0x1  }
0x24b: {  	v0 =	vadd.f32 v1, v0;
	v1 =	vld [tilespmem:$0x1FDB0]  }
0x24c: {  	v7 =	vld.idx.msk [tilespmem:v11+s20+$0x0], $0xffff  }
0x24d: {  	v5 =	vld.idx.msk [tilespmem:v11+s21+$0x0], $0xffff  }
0x24e: {  	v11 =	vld [tilespmem:$0x1FD40];
	_ =	sdelay $0x2  }
0x24f: {  	v2 =	vsub.f32 v9, v3;
	_ =	sdelay $0x1  }
0x250: {  	v1 =	vmul.f32 v2, v1;
	_ =	sdelay $0x1  }
0x251: {  	v0 =	vadd.f32 v1, v0;
	v1 =	vld [tilespmem:$0x1FD90]  }
0x252: {  	v10 =	vld.idx.msk [tilespmem:v11+s20+$0x0], $0xffff  }
0x253: {  	v3 =	vld.idx.msk [tilespmem:v11+s21+$0x0], $0xffff  }
0x254: {  	v11 =	vld [tilespmem:$0x1FD20];
	_ =	sdelay $0x2  }
0x255: {  	v2 =	vsub.f32 v8, v4;
	_ =	sdelay $0x1  }
0x256: {  	v1 =	vmul.f32 v2, v1;
	_ =	sdelay $0x1  }
0x257: {  	v0 =	vadd.f32 v1, v0;
	v1 =	vld [tilespmem:$0x1FD70]  }
0x258: {  	v9 =	vld.idx.msk [tilespmem:v11+s20+$0x0], $0xffff  }
0x259: {  	v4 =	vld.idx.msk [tilespmem:v11+s21+$0x0], $0xffff  }
0x25a: {  	v2 =	vsub.f32 v7, v5;
	v11 =	vld [tilespmem:$0x1FD00];
	_ =	sdelay $0x1  }
0x25b: {  	v1 =	vmul.f32 v2, v1;
	_ =	sdelay $0x1  }
0x25c: {  	v0 =	vadd.f32 v1, v0;
	v1 =	vld [tilespmem:$0x1FD50];
	_ =	sdelay $0x2  }
0x25d: {  	v2 =	vsub.f32 v10, v3  }
0x25e: {  	v8 =	vld.idx.msk [tilespmem:v11+s20+$0x0], $0xffff  }
0x25f: {  	v1 =	vmul.f32 v2, v1;
	v5 =	vld.idx.msk [tilespmem:v11+s21+$0x0], $0xffff  }
0x260: {  	v11 =	vld [tilespmem:$0x1FCE0]  }
0x261: {  	v0 =	vadd.f32 v1, v0;
	v1 =	vld [tilespmem:$0x1FD30];
	_ =	sdelay $0x2  }
0x262: {  	v2 =	vsub.f32 v9, v4;
	_ =	sdelay $0x1  }
0x263: {  	v1 =	vmul.f32 v2, v1;
	_ =	sdelay $0x1  }
0x264: {  	v0 =	vadd.f32 v1, v0;
	v1 =	vld [tilespmem:$0x1FD10]  }
0x265: {  	v7 =	vld.idx.msk [tilespmem:v11+s20+$0x0], $0xffff  }
0x266: {  	v3 =	vld.idx.msk [tilespmem:v11+s21+$0x0], $0xffff  }
0x267: {  	v11 =	vld [tilespmem:$0x1FCC0];
	_ =	sdelay $0x2  }
0x268: {  	v2 =	vsub.f32 v8, v5;
	_ =	sdelay $0x1  }
0x269: {  	v1 =	vmul.f32 v2, v1;
	_ =	sdelay $0x1  }
0x26a: {  	v0 =	vadd.f32 v1, v0;
	v1 =	vld [tilespmem:$0x1FCF0]  }
0x26b: {  	v10 =	vld.idx.msk [tilespmem:v11+s20+$0x0], $0xffff  }
0x26c: {  	v4 =	vld.idx.msk [tilespmem:v11+s21+$0x0], $0xffff  }
0x26d: {  	v11 =	vld [tilespmem:$0x1FCA0];
	_ =	sdelay $0x2  }
0x26e: {  	v2 =	vsub.f32 v7, v3;
	_ =	sdelay $0x1  }
0x26f: {  	v1 =	vmul.f32 v2, v1;
	_ =	sdelay $0x1  }
0x270: {  	v0 =	vadd.f32 v1, v0;
	v1 =	vld [tilespmem:$0x1FCD0]  }
0x271: {  	v9 =	vld.idx.msk [tilespmem:v11+s20+$0x0], $0xffff  }
0x272: {  	v5 =	vld.idx.msk [tilespmem:v11+s21+$0x0], $0xffff  }
0x273: {  	v11 =	vld [tilespmem:$0x1FC80];
	_ =	sdelay $0x2  }
0x274: {  	v2 =	vsub.f32 v10, v4;
	_ =	sdelay $0x1  }
0x275: {  	v1 =	vmul.f32 v2, v1;
	_ =	sdelay $0x1  }
0x276: {  	v0 =	vadd.f32 v1, v0;
	v1 =	vld [tilespmem:$0x1FCB0]  }
0x277: {  	v8 =	vld.idx.msk [tilespmem:v11+s20+$0x0], $0xffff  }
0x278: {  	v3 =	vld.idx.msk [tilespmem:v11+s21+$0x0], $0xffff  }
0x279: {  	v11 =	vld [tilespmem:$0x1FC60];
	_ =	sdelay $0x2  }
0x27a: {  	v2 =	vsub.f32 v9, v5;
	_ =	sdelay $0x1  }
0x27b: {  	v1 =	vmul.f32 v2, v1;
	_ =	sdelay $0x1  }
0x27c: {  	v0 =	vadd.f32 v1, v0;
	v1 =	vld [tilespmem:$0x1FC90]  }
0x27d: {  	v7 =	vld.idx.msk [tilespmem:v11+s20+$0x0], $0xffff  }
0x27e: {  	v4 =	vld.idx.msk [tilespmem:v11+s21+$0x0], $0xffff  }
0x27f: {  	v11 =	vld [tilespmem:$0x1FC40];
	_ =	sdelay $0x2  }
0x280: {  	v2 =	vsub.f32 v8, v3;
	_ =	sdelay $0x1  }
0x281: {  	v1 =	vmul.f32 v2, v1;
	_ =	sdelay $0x1  }
0x282: {  	v0 =	vadd.f32 v1, v0;
	v1 =	vld [tilespmem:$0x1FC70]  }
0x283: {  	v10 =	vld.idx.msk [tilespmem:v11+s20+$0x0], $0xffff  }
0x284: {  	v5 =	vld.idx.msk [tilespmem:v11+s21+$0x0], $0xffff  }
0x285: {  	v11 =	vld [tilespmem:$0x1FC20];
	_ =	sdelay $0x2  }
0x286: {  	v2 =	vsub.f32 v7, v4;
	_ =	sdelay $0x1  }
0x287: {  	v1 =	vmul.f32 v2, v1;
	_ =	sdelay $0x1  }
0x288: {  	v0 =	vadd.f32 v1, v0;
	v1 =	vld [tilespmem:$0x1FC50]  }
0x289: {  	v9 =	vld.idx.msk [tilespmem:v11+s20+$0x0], $0xffff  }
0x28a: {  	v3 =	vld.idx.msk [tilespmem:v11+s21+$0x0], $0xffff  }
0x28b: {  	v11 =	vld [tilespmem:$0x1FC00];
	_ =	sdelay $0x2  }
0x28c: {  	v2 =	vsub.f32 v10, v5;
	_ =	sdelay $0x1  }
0x28d: {  	v1 =	vmul.f32 v2, v1;
	_ =	sdelay $0x1  }
0x28e: {  	v0 =	vadd.f32 v1, v0;
	v1 =	vld [tilespmem:$0x1FC30]  }
0x28f: {  	v8 =	vld.idx.msk [tilespmem:v11+s20+$0x0], $0xffff  }
0x290: {  	v4 =	vld.idx.msk [tilespmem:v11+s21+$0x0], $0xffff  }
0x291: {  	v11 =	vld [tilespmem:$0x1FBE0];
	_ =	sdelay $0x2  }
0x292: {  	v2 =	vsub.f32 v9, v3;
	_ =	sdelay $0x1  }
0x293: {  	v1 =	vmul.f32 v2, v1;
	_ =	sdelay $0x1  }
0x294: {  	v0 =	vadd.f32 v1, v0;
	v1 =	vld [tilespmem:$0x1FC10]  }
0x295: {  	v7 =	vld.idx.msk [tilespmem:v11+s20+$0x0], $0xffff  }
0x296: {  	v5 =	vld.idx.msk [tilespmem:v11+s21+$0x0], $0xffff  }
0x297: {  	v11 =	vld [tilespmem:$0x1FBC0];
	_ =	sdelay $0x2  }
0x298: {  	v2 =	vsub.f32 v8, v4;
	_ =	sdelay $0x1  }
0x299: {  	v1 =	vmul.f32 v2, v1;
	_ =	sdelay $0x1  }
0x29a: {  	v0 =	vadd.f32 v1, v0;
	v1 =	vld [tilespmem:$0x1FBF0]  }
0x29b: {  	v10 =	vld.idx.msk [tilespmem:v11+s20+$0x0], $0xffff  }
0x29c: {  	v3 =	vld.idx.msk [tilespmem:v11+s21+$0x0], $0xffff  }
0x29d: {  	v2 =	vsub.f32 v7, v5;
	v11 =	vld [tilespmem:$0x1FBA0];
	_ =	sdelay $0x1  }
0x29e: {  	v6 =	vor.u32 $0x3F, v6;
	v1 =	vmul.f32 v2, v1;
	_ =	sdelay $0x1  }
0x29f: {  	v0 =	vadd.f32 v1, v0;
	v1 =	vld [tilespmem:$0x1FBD0];
	_ =	sdelay $0x2  }
0x2a0: {  	v8 =	vld.idx.msk [tilespmem:v6+s20+$0x0], $0xffff;
	v2 =	vsub.f32 v10, v3  }
0x2a1: {  	v9 =	vld.idx.msk [tilespmem:v11+s20+$0x0], $0xffff  }
0x2a2: {  	v1 =	vmul.f32 v2, v1;
	v4 =	vld.idx.msk [tilespmem:v11+s21+$0x0], $0xffff  }
0x2a3: {  	v5 =	vld.idx.msk [tilespmem:v6+s21+$0x0], $0xffff  }
0x2a4: {  	v0 =	vadd.f32 v1, v0;
	v1 =	vld [tilespmem:$0x1FBB0]  }
0x2a5: {  	v57 =	vld [tilespmem:$0x1FFF0]  }
0x2a6: {  	v3 =	vld.idx.msk [tilespmem:v6+s17+$0x0], $0xffff  }
0x2a7: {  	v2 =	vsub.f32 v9, v4  }
0x2a8: {  	v6 =	vmov s23  }
0x2a9: {  	v4 =	vshll.u32 v6, $0x7;
	v1 =	vmul.f32 v2, v1;
	v2 =	vsub.f32 v8, v5  }
0x2aa: {  	v6 =	vor.u32 v57, v4  }
0x2ab: {  	v4 =	vor.u32 $0x3E, v6;
	v0 =	vadd.f32 v1, v0;
	v1 =	vmul.f32 v2, v3;
	_ =	sdelay $0x1  }
0x2ac: {  	v0 =	vadd.f32 v1, v0  }
0x2ad: {  	s22 =	sadd.s32 $0x10, s22  }
0x2ae: {  	[tilespmem:s22+$0x0] =	vst v0  }
0x2af: {  	v2 =	vor.u32 $0x3D, v6;
	v0 =	vld.idx.msk [tilespmem:v4+s17+$0x0], $0xffff;
	_ =	sdelay $0x4  }
0x2b0: {  	v3 =	vor.u32 $0x3C, v6;
	[tilespmem:$0x1FBB0] =	vst v0;
	v0 =	vld.idx.msk [tilespmem:v2+s17+$0x0], $0xffff;
	_ =	sdelay $0x4  }
0x2b1: {  	v1 =	vor.u32 $0x3B, v6;
	[tilespmem:$0x1FBD0] =	vst v0;
	v0 =	vld.idx.msk [tilespmem:v3+s17+$0x0], $0xffff;
	_ =	sdelay $0x4  }
0x2b2: {  	v5 =	vor.u32 $0x3A, v6;
	[tilespmem:$0x1FBF0] =	vst v0;
	v0 =	vld.idx.msk [tilespmem:v1+s17+$0x0], $0xffff;
	_ =	sdelay $0x4  }
0x2b3: {  	v7 =	vor.u32 $0x39, v6;
	[tilespmem:$0x1FC10] =	vst v0;
	v0 =	vld.idx.msk [tilespmem:v5+s17+$0x0], $0xffff;
	_ =	sdelay $0x3  }
0x2b4: {  	[tilespmem:$0x1FBA0] =	vst v4  }
0x2b5: {  	v4 =	vor.u32 $0x38, v6;
	[tilespmem:$0x1FC30] =	vst v0;
	v0 =	vld.idx.msk [tilespmem:v7+s17+$0x0], $0xffff;
	_ =	sdelay $0x3  }
0x2b6: {  	[tilespmem:$0x1FBC0] =	vst v2  }
0x2b7: {  	v2 =	vor.u32 $0x37, v6;
	[tilespmem:$0x1FC50] =	vst v0;
	v0 =	vld.idx.msk [tilespmem:v4+s17+$0x0], $0xffff;
	_ =	sdelay $0x3  }
0x2b8: {  	[tilespmem:$0x1FBE0] =	vst v3  }
0x2b9: {  	v3 =	vor.u32 $0x36, v6;
	[tilespmem:$0x1FC70] =	vst v0;
	v0 =	vld.idx.msk [tilespmem:v2+s17+$0x0], $0xffff;
	_ =	sdelay $0x3  }
0x2ba: {  	[tilespmem:$0x1FC00] =	vst v1  }
0x2bb: {  	v1 =	vor.u32 $0x35, v6;
	[tilespmem:$0x1FC90] =	vst v0;
	v0 =	vld.idx.msk [tilespmem:v3+s17+$0x0], $0xffff;
	_ =	sdelay $0x3  }
0x2bc: {  	[tilespmem:$0x1FC20] =	vst v5  }
0x2bd: {  	v5 =	vor.u32 $0x34, v6;
	[tilespmem:$0x1FCB0] =	vst v0;
	v0 =	vld.idx.msk [tilespmem:v1+s17+$0x0], $0xffff;
	_ =	sdelay $0x3  }
0x2be: {  	[tilespmem:$0x1FC40] =	vst v7  }
0x2bf: {  	v7 =	vor.u32 $0x33, v6;
	[tilespmem:$0x1FCD0] =	vst v0;
	v0 =	vld.idx.msk [tilespmem:v5+s17+$0x0], $0xffff;
	_ =	sdelay $0x3  }
0x2c0: {  	[tilespmem:$0x1FC60] =	vst v4  }
0x2c1: {  	v4 =	vor.u32 $0x32, v6;
	[tilespmem:$0x1FCF0] =	vst v0;
	v0 =	vld.idx.msk [tilespmem:v7+s17+$0x0], $0xffff;
	_ =	sdelay $0x3  }
0x2c2: {  	[tilespmem:$0x1FC80] =	vst v2  }
0x2c3: {  	v2 =	vor.u32 $0x31, v6;
	[tilespmem:$0x1FD10] =	vst v0;
	v0 =	vld.idx.msk [tilespmem:v4+s17+$0x0], $0xffff;
	_ =	sdelay $0x3  }
0x2c4: {  	[tilespmem:$0x1FCA0] =	vst v3  }
0x2c5: {  	v3 =	vor.u32 $0x30, v6;
	[tilespmem:$0x1FD30] =	vst v0;
	v0 =	vld.idx.msk [tilespmem:v2+s17+$0x0], $0xffff;
	_ =	sdelay $0x3  }
0x2c6: {  	[tilespmem:$0x1FCC0] =	vst v1  }
0x2c7: {  	v1 =	vor.u32 $0x2F, v6;
	[tilespmem:$0x1FD50] =	vst v0;
	v0 =	vld.idx.msk [tilespmem:v3+s17+$0x0], $0xffff;
	_ =	sdelay $0x3  }
0x2c8: {  	[tilespmem:$0x1FCE0] =	vst v5  }
0x2c9: {  	v5 =	vor.u32 $0x2E, v6;
	[tilespmem:$0x1FD70] =	vst v0;
	v0 =	vld.idx.msk [tilespmem:v1+s17+$0x0], $0xffff;
	_ =	sdelay $0x3  }
0x2ca: {  	[tilespmem:$0x1FD00] =	vst v7  }
0x2cb: {  	v7 =	vor.u32 $0x2D, v6;
	[tilespmem:$0x1FD90] =	vst v0;
	v0 =	vld.idx.msk [tilespmem:v5+s17+$0x0], $0xffff;
	_ =	sdelay $0x3  }
0x2cc: {  	[tilespmem:$0x1FD20] =	vst v4  }
0x2cd: {  	v4 =	vor.u32 $0x2C, v6;
	[tilespmem:$0x1FDB0] =	vst v0;
	v0 =	vld.idx.msk [tilespmem:v7+s17+$0x0], $0xffff;
	_ =	sdelay $0x3  }
0x2ce: {  	[tilespmem:$0x1FD40] =	vst v2  }
0x2cf: {  	v2 =	vor.u32 $0x2B, v6;
	[tilespmem:$0x1FDD0] =	vst v0;
	v0 =	vld.idx.msk [tilespmem:v4+s17+$0x0], $0xffff;
	_ =	sdelay $0x3  }
0x2d0: {  	[tilespmem:$0x1FD60] =	vst v3  }
0x2d1: {  	v3 =	vor.u32 $0x2A, v6;
	[tilespmem:$0x1FDF0] =	vst v0;
	v0 =	vld.idx.msk [tilespmem:v2+s17+$0x0], $0xffff;
	_ =	sdelay $0x3  }
0x2d2: {  	[tilespmem:$0x1FD80] =	vst v1  }
0x2d3: {  	v1 =	vor.u32 $0x29, v6;
	[tilespmem:$0x1FE10] =	vst v0;
	v0 =	vld.idx.msk [tilespmem:v3+s17+$0x0], $0xffff;
	_ =	sdelay $0x3  }
0x2d4: {  	[tilespmem:$0x1FDA0] =	vst v5  }
0x2d5: {  	v5 =	vor.u32 $0x28, v6;
	[tilespmem:$0x1FE30] =	vst v0;
	v0 =	vld.idx.msk [tilespmem:v1+s17+$0x0], $0xffff;
	_ =	sdelay $0x3  }
0x2d6: {  	[tilespmem:$0x1FDC0] =	vst v7  }
0x2d7: {  	v7 =	vor.u32 $0x27, v6;
	[tilespmem:$0x1FE50] =	vst v0;
	v0 =	vld.idx.msk [tilespmem:v5+s17+$0x0], $0xffff;
	_ =	sdelay $0x3  }
0x2d8: {  	[tilespmem:$0x1FDE0] =	vst v4  }
0x2d9: {  	v4 =	vor.u32 $0x26, v6;
	[tilespmem:$0x1FE70] =	vst v0;
	v0 =	vld.idx.msk [tilespmem:v7+s17+$0x0], $0xffff;
	_ =	sdelay $0x3  }
0x2da: {  	[tilespmem:$0x1FE00] =	vst v2  }
0x2db: {  	v2 =	vor.u32 $0x25, v6;
	[tilespmem:$0x1FE90] =	vst v0;
	v0 =	vld.idx.msk [tilespmem:v4+s17+$0x0], $0xffff;
	_ =	sdelay $0x3  }
0x2dc: {  	[tilespmem:$0x1FE20] =	vst v3  }
0x2dd: {  	v3 =	vor.u32 $0x24, v6;
	[tilespmem:$0x1FEB0] =	vst v0;
	v0 =	vld.idx.msk [tilespmem:v2+s17+$0x0], $0xffff;
	_ =	sdelay $0x4  }
0x2de: {  	v8 =	vor.u32 $0x23, v6;
	[tilespmem:$0x1FED0] =	vst v0;
	v0 =	vld.idx.msk [tilespmem:v3+s17+$0x0], $0xffff;
	_ =	sdelay $0x4  }
0x2df: {  	v59 =	vor.u32 $0x22, v6;
	[tilespmem:$0x1FEF0] =	vst v0;
	v0 =	vld.idx.msk [tilespmem:v8+s17+$0x0], $0xffff;
	_ =	sdelay $0x4  }
0x2e0: {  	v61 =	vor.u32 $0x21, v6;
	[tilespmem:$0x1FF10] =	vst v0;
	v0 =	vld.idx.msk [tilespmem:v59+s17+$0x0], $0xffff;
	_ =	sdelay $0x4  }
0x2e1: {  	v63 =	vor.u32 $0x20, v6;
	[tilespmem:$0x1FF20] =	vst v0;
	v0 =	vld.idx.msk [tilespmem:v61+s17+$0x0], $0xffff;
	_ =	sdelay $0x3  }
0x2e2: {  	[tilespmem:$0x1FE40] =	vst v1  }
0x2e3: {  	v1 =	vor.u32 $0x1F, v6;
	[tilespmem:$0x1FF30] =	vst v0;
	v0 =	vld.idx.msk [tilespmem:v63+s17+$0x0], $0xffff;
	_ =	sdelay $0x3  }
0x2e4: {  	[tilespmem:$0x1FE60] =	vst v5  }
0x2e5: {  	v5 =	vor.u32 $0x1E, v6;
	[tilespmem:$0x1FF40] =	vst v0;
	v0 =	vld.idx.msk [tilespmem:v1+s17+$0x0], $0xffff;
	_ =	sdelay $0x4  }
0x2e6: {  	v9 =	vor.u32 $0x1D, v6;
	[tilespmem:$0x1FF50] =	vst v0;
	v0 =	vld.idx.msk [tilespmem:v5+s17+$0x0], $0xffff;
	_ =	sdelay $0x4  }
0x2e7: {  	v14 =	vor.u32 $0x1C, v6;
	[tilespmem:$0x1FF60] =	vst v0;
	v0 =	vld.idx.msk [tilespmem:v9+s17+$0x0], $0xffff;
	_ =	sdelay $0x4  }
0x2e8: {  	v18 =	vor.u32 $0x1B, v6;
	[tilespmem:$0x1FF70] =	vst v0;
	v0 =	vld.idx.msk [tilespmem:v14+s17+$0x0], $0xffff;
	_ =	sdelay $0x4  }
0x2e9: {  	v22 =	vor.u32 $0x1A, v6;
	[tilespmem:$0x1FF80] =	vst v0;
	v0 =	vld.idx.msk [tilespmem:v18+s17+$0x0], $0xffff;
	_ =	sdelay $0x4  }
0x2ea: {  	v26 =	vor.u32 $0x19, v6;
	[tilespmem:$0x1FF90] =	vst v0;
	v0 =	vld.idx.msk [tilespmem:v22+s17+$0x0], $0xffff;
	_ =	sdelay $0x3  }
0x2eb: {  	v42 =	vor.u32 $0x15, v6  }
0x2ec: {  	v30 =	vor.u32 $0x18, v6;
	[tilespmem:$0x1FFA0] =	vst v0;
	v0 =	vld.idx.msk [tilespmem:v26+s17+$0x0], $0xffff  }
0x2ed: {  	v46 =	vor.u32 $0x14, v6  }
0x2ee: {  	v10 =	vor.u32 $0x11, v6  }
0x2ef: {  	v12 =	vor.u32 $0x10, v6  }
0x2f0: {  	v54 =	vor.u32 $0xF, v6;
	v40 =	vld.idx.msk [tilespmem:v42+s17+$0x0], $0xffff  }
0x2f1: {  	v34 =	vor.u32 $0x17, v6;
	[tilespmem:$0x1FFB0] =	vst v0;
	v0 =	vld.idx.msk [tilespmem:v30+s17+$0x0], $0xffff  }
0x2f2: {  	v56 =	vor.u32 $0xE, v6;
	v44 =	vld.idx.msk [tilespmem:v46+s17+$0x0], $0xffff  }
0x2f3: {  	v19 =	vor.u32 $0xD, v6;
	v50 =	vld.idx.msk [tilespmem:v10+s17+$0x0], $0xffff  }
0x2f4: {  	v21 =	vor.u32 $0xC, v6;
	v52 =	vld.idx.msk [tilespmem:v12+s17+$0x0], $0xffff  }
0x2f5: {  	v23 =	vor.u32 $0xB, v6;
	v13 =	vld.idx.msk [tilespmem:v54+s17+$0x0], $0xffff  }
0x2f6: {  	v38 =	vor.u32 $0x16, v6;
	[tilespmem:$0x1FFC0] =	vst v0;
	v0 =	vld.idx.msk [tilespmem:v34+s17+$0x0], $0xffff  }
0x2f7: {  	v62 =	vor.u32 $0xA, v6;
	v15 =	vld.idx.msk [tilespmem:v56+s17+$0x0], $0xffff  }
0x2f8: {  	v31 =	vor.u32 $0x8, v6;
	v17 =	vld.idx.msk [tilespmem:v19+s17+$0x0], $0xffff  }
0x2f9: {  	v37 =	vor.u32 $0x6, v6;
	v58 =	vld.idx.msk [tilespmem:v21+s17+$0x0], $0xffff  }
0x2fa: {  	v39 =	vor.u32 $0x5, v6;
	v60 =	vld.idx.msk [tilespmem:v23+s17+$0x0], $0xffff  }
0x2fb: {  	v41 =	vor.u32 $0x4, v6;
	[tilespmem:$0x1FFD0] =	vst v0;
	v0 =	vld.idx.msk [tilespmem:v38+s17+$0x0], $0xffff  }
0x2fc: {  	v43 =	vor.u32 $0x3, v6;
	v25 =	vld.idx.msk [tilespmem:v62+s17+$0x0], $0xffff  }
0x2fd: {  	v29 =	vld.idx.msk [tilespmem:v31+s17+$0x0], $0xffff;
	[tilespmem:$0x1FE80] =	vst v7;
	v7 =	vor.u32 $0x12, v6  }
0x2fe: {  	v48 =	vor.u32 $0x13, v6;
	v33 =	vld.idx.msk [tilespmem:v37+s17+$0x0], $0xffff  }
0x2ff: {  	[tilespmem:$0x1FF00] =	vst v8;
	v35 =	vld.idx.msk [tilespmem:v39+s17+$0x0], $0xffff;
	v8 =	vor.u32 $0x7, v6  }
0x300: {  	p0 =	sne.s32 s23, $0xF0;
	v11 =	vld.idx.msk [tilespmem:v41+s17+$0x0], $0xffff;
	[tilespmem:$0x1FFE0] =	vst v0;
	v0 =	vor.u32 $0x9, v6  }
.Ltmp2:
0x301: {  	v16 =	vld.idx.msk [tilespmem:v43+s17+$0x0], $0xffff;
	(pc) =	sbr.rel @p0 .LBB2_6-.Ltmp2, $4  }
0x302: {  	[tilespmem:$0x1FEA0] =	vst v4;
	v4 =	vld.idx.msk [tilespmem:v7+s17+$0x0], $0xffff  }
0x303: {  	[tilespmem:$0x1FEC0] =	vst v2;
	v2 =	vld.idx.msk [tilespmem:v48+s17+$0x0], $0xffff  }
0x304: {  	[tilespmem:$0x1FEE0] =	vst v3;
	v3 =	vld.idx.msk [tilespmem:v8+s17+$0x0], $0xffff  }
0x305: {  	s23 =	sadd.s32 $0x10, s23;
	v20 =	vor.u32 $0x2, v6;
	v45 =	vor.u32 $0x1, v6;
	v27 =	vld.idx.msk [tilespmem:v0+s17+$0x0], $0xffff  }
0x306: {  	_ =	sdelay $0x3  }
0x307: {  	v24 =	vld.idx.msk [tilespmem:v45+s17+$0x0], $0xffff  }
0x308: {  	v36 =	vld.idx.msk [tilespmem:v20+s17+$0x0], $0xffff  }
0x309: {  	s21 =	simm.s32 $0x8780;
	v51 =	vld.idx.msk [tilespmem:v6+s17+$0x0], $0xffff  }
0x30a: {  	s20 =	simm.s32 $0x10780;
	v28 =	vld.idx.msk [tilespmem:v45+s21+$0x0], $0xffff  }
0x30b: {  	v32 =	vld.idx.msk [tilespmem:v45+s20+$0x0], $0xffff  }
0x30c: {  	v47 =	vld.idx.msk [tilespmem:v6+s21+$0x0], $0xffff  }
0x30d: {  	s18 =	sadd.s32 $0x10, s18;
	v49 =	vld.idx.msk [tilespmem:v6+s20+$0x0], $0xffff  }
0x30e: {  	s19 =	sadd.s32 $0x10, s19;
	v45 =	vld [tilespmem:s18+$0x0]  }
0x30f: {  	v53 =	vld [tilespmem:s19+$0x0]  }
0x310: {  	v55 =	vld.idx.msk [tilespmem:v20+s21+$0x0], $0xffff  }
0x311: {  	v20 =	vld.idx.msk [tilespmem:v20+s20+$0x0], $0xffff  }
0x312: {  	v47 =	vsub.f32 v47, v49;
	v49 =	vld.idx.msk [tilespmem:v43+s21+$0x0], $0xffff  }
0x313: {  	v43 =	vld.idx.msk [tilespmem:v43+s20+$0x0], $0xffff  }
0x314: {  	v45 =	vsub.f32 v53, v45;
	v28 =	vsub.f32 v28, v32;
	v32 =	vld.idx.msk [tilespmem:v41+s21+$0x0], $0xffff;
	v47 =	vmul.f32 v47, v51  }
0x315: {  	v53 =	vld.idx.msk [tilespmem:v41+s20+$0x0], $0xffff  }
0x316: {  	v20 =	vsub.f32 v55, v20;
	v24 =	vmul.f32 v28, v24;
	v28 =	vld.idx.msk [tilespmem:v39+s21+$0x0], $0xffff;
	v45 =	vadd.f32 v47, v45  }
0x317: {  	v39 =	vld.idx.msk [tilespmem:v39+s20+$0x0], $0xffff  }
0x318: {  	v20 =	vmul.f32 v20, v36;
	v51 =	vld.idx.msk [tilespmem:v37+s20+$0x0], $0xffff;
	v47 =	vsub.f32 v49, v43;
	v24 =	vadd.f32 v24, v45  }
0x319: {  	v49 =	vld.idx.msk [tilespmem:v37+s21+$0x0], $0xffff  }
0x31a: {  	v55 =	vld.idx.msk [tilespmem:v8+s21+$0x0], $0xffff;
	v53 =	vsub.f32 v32, v53;
	v16 =	vmul.f32 v47, v16;
	v20 =	vadd.f32 v20, v24  }
0x31b: {  	v36 =	vld.idx.msk [tilespmem:v8+s20+$0x0], $0xffff  }
0x31c: {  	v41 =	vld.idx.msk [tilespmem:v31+s21+$0x0], $0xffff;
	v11 =	vmul.f32 v53, v11;
	v39 =	vsub.f32 v28, v39;
	v16 =	vadd.f32 v16, v20  }
0x31d: {  	v45 =	vld.idx.msk [tilespmem:v31+s20+$0x0], $0xffff  }
0x31e: {  	v47 =	vmul.f32 v39, v35;
	v49 =	vsub.f32 v49, v51;
	v51 =	vld.idx.msk [tilespmem:v0+s21+$0x0], $0xffff;
	v11 =	vadd.f32 v11, v16  }
0x31f: {  	v0 =	vld.idx.msk [tilespmem:v0+s20+$0x0], $0xffff  }
0x320: {  	v8 =	vsub.f32 v55, v36;
	v55 =	vld.idx.msk [tilespmem:v62+s21+$0x0], $0xffff;
	v53 =	vmul.f32 v49, v33;
	v11 =	vadd.f32 v47, v11  }
0x321: {  	v62 =	vld.idx.msk [tilespmem:v62+s20+$0x0], $0xffff  }
0x322: {  	v3 =	vmul.f32 v8, v3;
	v35 =	vld.idx.msk [tilespmem:v23+s20+$0x0], $0xffff;
	v28 =	vsub.f32 v41, v45;
	v11 =	vadd.f32 v53, v11  }
0x323: {  	v33 =	vld.idx.msk [tilespmem:v23+s21+$0x0], $0xffff  }
0x324: {  	v37 =	vld.idx.msk [tilespmem:v21+s20+$0x0], $0xffff;
	v8 =	vmul.f32 v28, v29;
	v0 =	vsub.f32 v51, v0;
	v3 =	vadd.f32 v3, v11  }
0x325: {  	v36 =	vld.idx.msk [tilespmem:v21+s21+$0x0], $0xffff  }
0x326: {  	v43 =	vld.idx.msk [tilespmem:v19+s20+$0x0], $0xffff;
	v39 =	vsub.f32 v55, v62;
	v0 =	vmul.f32 v0, v27;
	v3 =	vadd.f32 v8, v3  }
0x327: {  	v41 =	vld.idx.msk [tilespmem:v19+s21+$0x0], $0xffff  }
0x328: {  	v49 =	vld.idx.msk [tilespmem:v56+s20+$0x0], $0xffff;
	v45 =	vsub.f32 v33, v35;
	v0 =	vadd.f32 v0, v3;
	v3 =	vmul.f32 v39, v25  }
0x329: {  	v47 =	vld.idx.msk [tilespmem:v56+s21+$0x0], $0xffff  }
0x32a: {  	v51 =	vsub.f32 v36, v37;
	v53 =	vld.idx.msk [tilespmem:v54+s21+$0x0], $0xffff;
	v0 =	vadd.f32 v3, v0;
	v3 =	vmul.f32 v45, v60  }
0x32b: {  	v54 =	vld.idx.msk [tilespmem:v54+s20+$0x0], $0xffff  }
0x32c: {  	v56 =	vld.idx.msk [tilespmem:v12+s21+$0x0], $0xffff;
	v55 =	vsub.f32 v41, v43;
	v0 =	vadd.f32 v3, v0;
	v3 =	vmul.f32 v51, v58  }
0x32d: {  	v58 =	vld.idx.msk [tilespmem:v12+s20+$0x0], $0xffff  }
0x32e: {  	v20 =	vld.idx.msk [tilespmem:v10+s20+$0x0], $0xffff;
	v60 =	vsub.f32 v47, v49;
	v0 =	vadd.f32 v3, v0;
	v3 =	vmul.f32 v55, v17  }
0x32f: {  	v62 =	vld.idx.msk [tilespmem:v10+s21+$0x0], $0xffff  }
0x330: {  	v24 =	vld.idx.msk [tilespmem:v7+s20+$0x0], $0xffff;
	v21 =	vsub.f32 v53, v54;
	v0 =	vadd.f32 v3, v0;
	v3 =	vmul.f32 v60, v15  }
0x331: {  	v23 =	vld.idx.msk [tilespmem:v7+s21+$0x0], $0xffff  }
0x332: {  	v28 =	vld.idx.msk [tilespmem:v48+s20+$0x0], $0xffff;
	v25 =	vsub.f32 v56, v58;
	v0 =	vadd.f32 v3, v0;
	v3 =	vmul.f32 v21, v13  }
0x333: {  	v27 =	vld.idx.msk [tilespmem:v48+s21+$0x0], $0xffff  }
0x334: {  	v32 =	vld.idx.msk [tilespmem:v46+s20+$0x0], $0xffff;
	v29 =	vsub.f32 v62, v20;
	v0 =	vadd.f32 v3, v0;
	v3 =	vmul.f32 v25, v52  }
0x335: {  	v31 =	vld.idx.msk [tilespmem:v46+s21+$0x0], $0xffff  }
0x336: {  	v7 =	vsub.f32 v23, v24;
	v33 =	vld.idx.msk [tilespmem:v42+s21+$0x0], $0xffff;
	v0 =	vadd.f32 v3, v0;
	v3 =	vmul.f32 v29, v50  }
0x337: {  	v35 =	vld.idx.msk [tilespmem:v42+s20+$0x0], $0xffff  }
0x338: {  	v36 =	vsub.f32 v27, v28;
	v0 =	vadd.f32 v3, v0;
	v3 =	vmul.f32 v7, v4;
	_ =	sdelay $0x1  }
0x339: {  	v2 =	vmul.f32 v36, v2;
	v0 =	vadd.f32 v3, v0;
	v3 =	vsub.f32 v31, v32;
	_ =	sdelay $0x1  }
0x33a: {  	v0 =	vadd.f32 v2, v0;
	v2 =	vmul.f32 v3, v44;
	v3 =	vsub.f32 v33, v35  }
0x33b: {  	v37 =	vld.idx.msk [tilespmem:v38+s21+$0x0], $0xffff  }
0x33c: {  	v38 =	vld.idx.msk [tilespmem:v38+s20+$0x0], $0xffff;
	v0 =	vadd.f32 v2, v0;
	v2 =	vmul.f32 v3, v40;
	_ =	sdelay $0x1  }
0x33d: {  	v0 =	vadd.f32 v2, v0;
	v2 =	vld [tilespmem:$0x1FFE0];
	_ =	sdelay $0x2  }
0x33e: {  	v3 =	vsub.f32 v37, v38  }
0x33f: {  	v41 =	vld.idx.msk [tilespmem:v34+s20+$0x0], $0xffff  }
0x340: {  	v39 =	vld.idx.msk [tilespmem:v34+s21+$0x0], $0xffff;
	v2 =	vmul.f32 v3, v2;
	_ =	sdelay $0x1  }
0x341: {  	v0 =	vadd.f32 v2, v0;
	v2 =	vld [tilespmem:$0x1FFD0];
	_ =	sdelay $0x2  }
0x342: {  	v3 =	vsub.f32 v39, v41  }
0x343: {  	v43 =	vld.idx.msk [tilespmem:v30+s20+$0x0], $0xffff  }
0x344: {  	v42 =	vld.idx.msk [tilespmem:v30+s21+$0x0], $0xffff;
	v2 =	vmul.f32 v3, v2;
	_ =	sdelay $0x1  }
0x345: {  	v0 =	vadd.f32 v2, v0;
	v2 =	vld [tilespmem:$0x1FFC0];
	_ =	sdelay $0x2  }
0x346: {  	v3 =	vsub.f32 v42, v43  }
0x347: {  	v45 =	vld.idx.msk [tilespmem:v26+s20+$0x0], $0xffff  }
0x348: {  	v44 =	vld.idx.msk [tilespmem:v26+s21+$0x0], $0xffff;
	v2 =	vmul.f32 v3, v2;
	_ =	sdelay $0x1  }
0x349: {  	v0 =	vadd.f32 v2, v0;
	v2 =	vld [tilespmem:$0x1FFB0];
	_ =	sdelay $0x2  }
0x34a: {  	v3 =	vsub.f32 v44, v45  }
0x34b: {  	v46 =	vld.idx.msk [tilespmem:v22+s21+$0x0], $0xffff  }
0x34c: {  	v47 =	vld.idx.msk [tilespmem:v22+s20+$0x0], $0xffff;
	v2 =	vmul.f32 v3, v2;
	_ =	sdelay $0x1  }
0x34d: {  	v0 =	vadd.f32 v2, v0;
	v2 =	vld [tilespmem:$0x1FFA0];
	_ =	sdelay $0x2  }
0x34e: {  	v3 =	vsub.f32 v46, v47  }
0x34f: {  	v48 =	vld.idx.msk [tilespmem:v18+s21+$0x0], $0xffff  }
0x350: {  	v49 =	vld.idx.msk [tilespmem:v18+s20+$0x0], $0xffff;
	v2 =	vmul.f32 v3, v2;
	_ =	sdelay $0x1  }
0x351: {  	v0 =	vadd.f32 v2, v0;
	v2 =	vld [tilespmem:$0x1FF90];
	_ =	sdelay $0x2  }
0x352: {  	v3 =	vsub.f32 v48, v49  }
0x353: {  	v51 =	vld.idx.msk [tilespmem:v14+s20+$0x0], $0xffff  }
0x354: {  	v50 =	vld.idx.msk [tilespmem:v14+s21+$0x0], $0xffff;
	v2 =	vmul.f32 v3, v2;
	_ =	sdelay $0x1  }
0x355: {  	v0 =	vadd.f32 v2, v0;
	v2 =	vld [tilespmem:$0x1FF80];
	_ =	sdelay $0x2  }
0x356: {  	v3 =	vsub.f32 v50, v51  }
0x357: {  	v53 =	vld.idx.msk [tilespmem:v9+s20+$0x0], $0xffff  }
0x358: {  	v52 =	vld.idx.msk [tilespmem:v9+s21+$0x0], $0xffff;
	v2 =	vmul.f32 v3, v2;
	_ =	sdelay $0x1  }
0x359: {  	v0 =	vadd.f32 v2, v0;
	v2 =	vld [tilespmem:$0x1FF70];
	_ =	sdelay $0x2  }
0x35a: {  	v3 =	vsub.f32 v52, v53  }
0x35b: {  	v54 =	vld.idx.msk [tilespmem:v5+s21+$0x0], $0xffff  }
0x35c: {  	v55 =	vld.idx.msk [tilespmem:v5+s20+$0x0], $0xffff;
	v2 =	vmul.f32 v3, v2;
	_ =	sdelay $0x1  }
0x35d: {  	v0 =	vadd.f32 v2, v0;
	v2 =	vld [tilespmem:$0x1FF60];
	_ =	sdelay $0x2  }
0x35e: {  	v3 =	vsub.f32 v54, v55  }
0x35f: {  	v56 =	vld.idx.msk [tilespmem:v1+s21+$0x0], $0xffff  }
0x360: {  	v1 =	vld.idx.msk [tilespmem:v1+s20+$0x0], $0xffff;
	v2 =	vmul.f32 v3, v2;
	_ =	sdelay $0x1  }
0x361: {  	v0 =	vadd.f32 v2, v0;
	v2 =	vld [tilespmem:$0x1FF50];
	_ =	sdelay $0x2  }
0x362: {  	v1 =	vsub.f32 v56, v1  }
0x363: {  	v60 =	vld.idx.msk [tilespmem:v63+s20+$0x0], $0xffff  }
0x364: {  	v58 =	vld.idx.msk [tilespmem:v63+s21+$0x0], $0xffff;
	v1 =	vmul.f32 v1, v2;
	_ =	sdelay $0x1  }
0x365: {  	v0 =	vadd.f32 v1, v0;
	v1 =	vld [tilespmem:$0x1FF40];
	_ =	sdelay $0x2  }
0x366: {  	v2 =	vsub.f32 v58, v60  }
0x367: {  	v62 =	vld.idx.msk [tilespmem:v61+s21+$0x0], $0xffff  }
0x368: {  	v63 =	vld.idx.msk [tilespmem:v61+s20+$0x0], $0xffff;
	v1 =	vmul.f32 v2, v1;
	_ =	sdelay $0x1  }
0x369: {  	v0 =	vadd.f32 v1, v0;
	v1 =	vld [tilespmem:$0x1FF30];
	_ =	sdelay $0x2  }
0x36a: {  	v13 =	vld [tilespmem:$0x1FF00];
	v2 =	vsub.f32 v62, v63  }
0x36b: {  	v12 =	vld.idx.msk [tilespmem:v59+s20+$0x0], $0xffff  }
0x36c: {  	v3 =	vld.idx.msk [tilespmem:v59+s21+$0x0], $0xffff;
	v1 =	vmul.f32 v2, v1;
	_ =	sdelay $0x1  }
0x36d: {  	v0 =	vadd.f32 v1, v0;
	v1 =	vld [tilespmem:$0x1FF20];
	_ =	sdelay $0x2  }
0x36e: {  	v15 =	vld [tilespmem:$0x1FEE0];
	v2 =	vsub.f32 v3, v12  }
0x36f: {  	v14 =	vld.idx.msk [tilespmem:v13+s21+$0x0], $0xffff  }
0x370: {  	v9 =	vld.idx.msk [tilespmem:v13+s20+$0x0], $0xffff;
	v1 =	vmul.f32 v2, v1;
	_ =	sdelay $0x1  }
0x371: {  	v0 =	vadd.f32 v1, v0;
	v1 =	vld [tilespmem:$0x1FF10];
	_ =	sdelay $0x2  }
0x372: {  	v17 =	vld [tilespmem:$0x1FEC0];
	v2 =	vsub.f32 v14, v9  }
0x373: {  	v16 =	vld.idx.msk [tilespmem:v15+s21+$0x0], $0xffff  }
0x374: {  	v8 =	vld.idx.msk [tilespmem:v15+s20+$0x0], $0xffff;
	v1 =	vmul.f32 v2, v1;
	_ =	sdelay $0x1  }
0x375: {  	v0 =	vadd.f32 v1, v0;
	v1 =	vld [tilespmem:$0x1FEF0];
	_ =	sdelay $0x2  }
0x376: {  	v18 =	vld [tilespmem:$0x1FEA0];
	v2 =	vsub.f32 v16, v8  }
0x377: {  	v7 =	vld.idx.msk [tilespmem:v17+s20+$0x0], $0xffff  }
0x378: {  	v3 =	vld.idx.msk [tilespmem:v17+s21+$0x0], $0xffff;
	v1 =	vmul.f32 v2, v1;
	_ =	sdelay $0x1  }
0x379: {  	v0 =	vadd.f32 v1, v0;
	v1 =	vld [tilespmem:$0x1FED0];
	_ =	sdelay $0x2  }
0x37a: {  	v20 =	vld [tilespmem:$0x1FE80];
	v2 =	vsub.f32 v3, v7  }
0x37b: {  	v19 =	vld.idx.msk [tilespmem:v18+s21+$0x0], $0xffff  }
0x37c: {  	v9 =	vld.idx.msk [tilespmem:v18+s20+$0x0], $0xffff;
	v1 =	vmul.f32 v2, v1;
	_ =	sdelay $0x1  }
0x37d: {  	v0 =	vadd.f32 v1, v0;
	v1 =	vld [tilespmem:$0x1FEB0];
	_ =	sdelay $0x2  }
0x37e: {  	v22 =	vld [tilespmem:$0x1FE60];
	v2 =	vsub.f32 v19, v9  }
0x37f: {  	v21 =	vld.idx.msk [tilespmem:v20+s21+$0x0], $0xffff  }
0x380: {  	v8 =	vld.idx.msk [tilespmem:v20+s20+$0x0], $0xffff;
	v1 =	vmul.f32 v2, v1;
	_ =	sdelay $0x1  }
0x381: {  	v0 =	vadd.f32 v1, v0;
	v1 =	vld [tilespmem:$0x1FE90];
	_ =	sdelay $0x2  }
0x382: {  	v23 =	vld [tilespmem:$0x1FE40];
	v2 =	vsub.f32 v21, v8  }
0x383: {  	v3 =	vld.idx.msk [tilespmem:v22+s21+$0x0], $0xffff  }
0x384: {  	v7 =	vld.idx.msk [tilespmem:v22+s20+$0x0], $0xffff;
	v1 =	vmul.f32 v2, v1;
	_ =	sdelay $0x1  }
0x385: {  	v0 =	vadd.f32 v1, v0;
	v1 =	vld [tilespmem:$0x1FE70];
	_ =	sdelay $0x2  }
0x386: {  	v25 =	vld [tilespmem:$0x1FE20];
	v2 =	vsub.f32 v3, v7  }
0x387: {  	v24 =	vld.idx.msk [tilespmem:v23+s21+$0x0], $0xffff  }
0x388: {  	v9 =	vld.idx.msk [tilespmem:v23+s20+$0x0], $0xffff;
	v1 =	vmul.f32 v2, v1;
	_ =	sdelay $0x1  }
0x389: {  	v0 =	vadd.f32 v1, v0;
	v1 =	vld [tilespmem:$0x1FE50];
	_ =	sdelay $0x2  }
0x38a: {  	v27 =	vld [tilespmem:$0x1FE00];
	v2 =	vsub.f32 v24, v9  }
0x38b: {  	v26 =	vld.idx.msk [tilespmem:v25+s21+$0x0], $0xffff  }
0x38c: {  	v8 =	vld.idx.msk [tilespmem:v25+s20+$0x0], $0xffff;
	v1 =	vmul.f32 v2, v1;
	_ =	sdelay $0x1  }
0x38d: {  	v0 =	vadd.f32 v1, v0;
	v1 =	vld [tilespmem:$0x1FE30];
	_ =	sdelay $0x2  }
0x38e: {  	v28 =	vld [tilespmem:$0x1FDE0];
	v2 =	vsub.f32 v26, v8  }
0x38f: {  	v3 =	vld.idx.msk [tilespmem:v27+s21+$0x0], $0xffff  }
0x390: {  	v7 =	vld.idx.msk [tilespmem:v27+s20+$0x0], $0xffff;
	v1 =	vmul.f32 v2, v1;
	_ =	sdelay $0x1  }
0x391: {  	v0 =	vadd.f32 v1, v0;
	v1 =	vld [tilespmem:$0x1FE10];
	_ =	sdelay $0x2  }
0x392: {  	v30 =	vld [tilespmem:$0x1FDC0];
	v2 =	vsub.f32 v3, v7  }
0x393: {  	v29 =	vld.idx.msk [tilespmem:v28+s21+$0x0], $0xffff  }
0x394: {  	v9 =	vld.idx.msk [tilespmem:v28+s20+$0x0], $0xffff;
	v1 =	vmul.f32 v2, v1;
	_ =	sdelay $0x1  }
0x395: {  	v0 =	vadd.f32 v1, v0;
	v1 =	vld [tilespmem:$0x1FDF0];
	_ =	sdelay $0x2  }
0x396: {  	v32 =	vld [tilespmem:$0x1FDA0];
	v2 =	vsub.f32 v29, v9  }
0x397: {  	v31 =	vld.idx.msk [tilespmem:v30+s21+$0x0], $0xffff  }
0x398: {  	v8 =	vld.idx.msk [tilespmem:v30+s20+$0x0], $0xffff;
	v1 =	vmul.f32 v2, v1;
	_ =	sdelay $0x1  }
0x399: {  	v0 =	vadd.f32 v1, v0;
	v1 =	vld [tilespmem:$0x1FDD0];
	_ =	sdelay $0x2  }
0x39a: {  	v33 =	vld [tilespmem:$0x1FD80];
	v2 =	vsub.f32 v31, v8  }
0x39b: {  	v3 =	vld.idx.msk [tilespmem:v32+s21+$0x0], $0xffff  }
0x39c: {  	v7 =	vld.idx.msk [tilespmem:v32+s20+$0x0], $0xffff;
	v1 =	vmul.f32 v2, v1;
	_ =	sdelay $0x1  }
0x39d: {  	v0 =	vadd.f32 v1, v0;
	v1 =	vld [tilespmem:$0x1FDB0];
	_ =	sdelay $0x2  }
0x39e: {  	v35 =	vld [tilespmem:$0x1FD60];
	v2 =	vsub.f32 v3, v7  }
0x39f: {  	v34 =	vld.idx.msk [tilespmem:v33+s21+$0x0], $0xffff  }
0x3a0: {  	v9 =	vld.idx.msk [tilespmem:v33+s20+$0x0], $0xffff;
	v1 =	vmul.f32 v2, v1;
	_ =	sdelay $0x1  }
0x3a1: {  	v0 =	vadd.f32 v1, v0;
	v1 =	vld [tilespmem:$0x1FD90];
	_ =	sdelay $0x2  }
0x3a2: {  	v37 =	vld [tilespmem:$0x1FD40];
	v2 =	vsub.f32 v34, v9  }
0x3a3: {  	v36 =	vld.idx.msk [tilespmem:v35+s21+$0x0], $0xffff  }
0x3a4: {  	v8 =	vld.idx.msk [tilespmem:v35+s20+$0x0], $0xffff;
	v1 =	vmul.f32 v2, v1;
	_ =	sdelay $0x1  }
0x3a5: {  	v0 =	vadd.f32 v1, v0;
	v1 =	vld [tilespmem:$0x1FD70];
	_ =	sdelay $0x2  }
0x3a6: {  	v38 =	vld [tilespmem:$0x1FD20];
	v2 =	vsub.f32 v36, v8  }
0x3a7: {  	v3 =	vld.idx.msk [tilespmem:v37+s21+$0x0], $0xffff  }
0x3a8: {  	v7 =	vld.idx.msk [tilespmem:v37+s20+$0x0], $0xffff;
	v1 =	vmul.f32 v2, v1;
	_ =	sdelay $0x1  }
0x3a9: {  	v0 =	vadd.f32 v1, v0;
	v1 =	vld [tilespmem:$0x1FD50];
	_ =	sdelay $0x2  }
0x3aa: {  	v40 =	vld [tilespmem:$0x1FD00];
	v2 =	vsub.f32 v3, v7  }
0x3ab: {  	v39 =	vld.idx.msk [tilespmem:v38+s21+$0x0], $0xffff  }
0x3ac: {  	v9 =	vld.idx.msk [tilespmem:v38+s20+$0x0], $0xffff;
	v1 =	vmul.f32 v2, v1;
	_ =	sdelay $0x1  }
0x3ad: {  	v0 =	vadd.f32 v1, v0;
	v1 =	vld [tilespmem:$0x1FD30];
	_ =	sdelay $0x2  }
0x3ae: {  	v42 =	vld [tilespmem:$0x1FCE0];
	v2 =	vsub.f32 v39, v9  }
0x3af: {  	v41 =	vld.idx.msk [tilespmem:v40+s21+$0x0], $0xffff  }
0x3b0: {  	v8 =	vld.idx.msk [tilespmem:v40+s20+$0x0], $0xffff;
	v1 =	vmul.f32 v2, v1;
	_ =	sdelay $0x1  }
0x3b1: {  	v0 =	vadd.f32 v1, v0;
	v1 =	vld [tilespmem:$0x1FD10];
	_ =	sdelay $0x2  }
0x3b2: {  	v43 =	vld [tilespmem:$0x1FCC0];
	v2 =	vsub.f32 v41, v8  }
0x3b3: {  	v3 =	vld.idx.msk [tilespmem:v42+s21+$0x0], $0xffff  }
0x3b4: {  	v7 =	vld.idx.msk [tilespmem:v42+s20+$0x0], $0xffff;
	v1 =	vmul.f32 v2, v1;
	_ =	sdelay $0x1  }
0x3b5: {  	v0 =	vadd.f32 v1, v0;
	v1 =	vld [tilespmem:$0x1FCF0];
	_ =	sdelay $0x2  }
0x3b6: {  	v45 =	vld [tilespmem:$0x1FCA0];
	v2 =	vsub.f32 v3, v7  }
0x3b7: {  	v44 =	vld.idx.msk [tilespmem:v43+s21+$0x0], $0xffff  }
0x3b8: {  	v9 =	vld.idx.msk [tilespmem:v43+s20+$0x0], $0xffff;
	v1 =	vmul.f32 v2, v1;
	_ =	sdelay $0x1  }
0x3b9: {  	v0 =	vadd.f32 v1, v0;
	v1 =	vld [tilespmem:$0x1FCD0];
	_ =	sdelay $0x2  }
0x3ba: {  	v47 =	vld [tilespmem:$0x1FC80];
	v2 =	vsub.f32 v44, v9  }
0x3bb: {  	v46 =	vld.idx.msk [tilespmem:v45+s21+$0x0], $0xffff  }
0x3bc: {  	v8 =	vld.idx.msk [tilespmem:v45+s20+$0x0], $0xffff;
	v1 =	vmul.f32 v2, v1;
	_ =	sdelay $0x1  }
0x3bd: {  	v0 =	vadd.f32 v1, v0;
	v1 =	vld [tilespmem:$0x1FCB0];
	_ =	sdelay $0x2  }
0x3be: {  	v48 =	vld [tilespmem:$0x1FC60];
	v2 =	vsub.f32 v46, v8  }
0x3bf: {  	v3 =	vld.idx.msk [tilespmem:v47+s21+$0x0], $0xffff  }
0x3c0: {  	v7 =	vld.idx.msk [tilespmem:v47+s20+$0x0], $0xffff;
	v1 =	vmul.f32 v2, v1;
	_ =	sdelay $0x1  }
0x3c1: {  	v0 =	vadd.f32 v1, v0;
	v1 =	vld [tilespmem:$0x1FC90];
	_ =	sdelay $0x2  }
0x3c2: {  	v50 =	vld [tilespmem:$0x1FC40];
	v2 =	vsub.f32 v3, v7  }
0x3c3: {  	v49 =	vld.idx.msk [tilespmem:v48+s21+$0x0], $0xffff  }
0x3c4: {  	v9 =	vld.idx.msk [tilespmem:v48+s20+$0x0], $0xffff;
	v1 =	vmul.f32 v2, v1;
	_ =	sdelay $0x1  }
0x3c5: {  	v0 =	vadd.f32 v1, v0;
	v1 =	vld [tilespmem:$0x1FC70];
	_ =	sdelay $0x2  }
0x3c6: {  	v52 =	vld [tilespmem:$0x1FC20];
	v2 =	vsub.f32 v49, v9  }
0x3c7: {  	v51 =	vld.idx.msk [tilespmem:v50+s21+$0x0], $0xffff  }
0x3c8: {  	v8 =	vld.idx.msk [tilespmem:v50+s20+$0x0], $0xffff;
	v1 =	vmul.f32 v2, v1;
	_ =	sdelay $0x1  }
0x3c9: {  	v0 =	vadd.f32 v1, v0;
	v1 =	vld [tilespmem:$0x1FC50];
	_ =	sdelay $0x2  }
0x3ca: {  	v53 =	vld [tilespmem:$0x1FC00];
	v2 =	vsub.f32 v51, v8  }
0x3cb: {  	v3 =	vld.idx.msk [tilespmem:v52+s21+$0x0], $0xffff  }
0x3cc: {  	v7 =	vld.idx.msk [tilespmem:v52+s20+$0x0], $0xffff;
	v1 =	vmul.f32 v2, v1;
	_ =	sdelay $0x1  }
0x3cd: {  	v0 =	vadd.f32 v1, v0;
	v1 =	vld [tilespmem:$0x1FC30];
	_ =	sdelay $0x2  }
0x3ce: {  	v55 =	vld [tilespmem:$0x1FBE0];
	v2 =	vsub.f32 v3, v7  }
0x3cf: {  	v54 =	vld.idx.msk [tilespmem:v53+s21+$0x0], $0xffff  }
0x3d0: {  	v9 =	vld.idx.msk [tilespmem:v53+s20+$0x0], $0xffff;
	v1 =	vmul.f32 v2, v1;
	_ =	sdelay $0x1  }
0x3d1: {  	v0 =	vadd.f32 v1, v0;
	v1 =	vld [tilespmem:$0x1FC10];
	_ =	sdelay $0x2  }
0x3d2: {  	v59 =	vld [tilespmem:$0x1FBC0];
	v2 =	vsub.f32 v54, v9  }
0x3d3: {  	v56 =	vld.idx.msk [tilespmem:v55+s21+$0x0], $0xffff  }
0x3d4: {  	v8 =	vld.idx.msk [tilespmem:v55+s20+$0x0], $0xffff;
	v1 =	vmul.f32 v2, v1;
	_ =	sdelay $0x1  }
0x3d5: {  	v0 =	vadd.f32 v1, v0;
	v1 =	vld [tilespmem:$0x1FBF0];
	_ =	sdelay $0x2  }
0x3d6: {  	v60 =	vld [tilespmem:$0x1FBA0];
	v5 =	vsub.f32 v56, v8  }
0x3d7: {  	v3 =	vld.idx.msk [tilespmem:v59+s21+$0x0], $0xffff  }
0x3d8: {  	v58 =	vor.u32 $0x3F, v6;
	v7 =	vld.idx.msk [tilespmem:v59+s20+$0x0], $0xffff;
	v1 =	vmul.f32 v5, v1;
	_ =	sdelay $0x1  }
0x3d9: {  	v0 =	vadd.f32 v1, v0;
	v1 =	vld [tilespmem:$0x1FBD0];
	_ =	sdelay $0x2  }
0x3da: {  	v62 =	vld.idx.msk [tilespmem:v58+s20+$0x0], $0xffff;
	v3 =	vsub.f32 v3, v7  }
0x3db: {  	v61 =	vld.idx.msk [tilespmem:v60+s21+$0x0], $0xffff  }
0x3dc: {  	v9 =	vld.idx.msk [tilespmem:v60+s20+$0x0], $0xffff;
	v1 =	vmul.f32 v3, v1  }
0x3dd: {  	v2 =	vld.idx.msk [tilespmem:v58+s21+$0x0], $0xffff  }
0x3de: {  	v0 =	vadd.f32 v1, v0;
	v1 =	vld [tilespmem:$0x1FBB0];
	_ =	sdelay $0x1  }
0x3df: {  	v63 =	vld.idx.msk [tilespmem:v58+s17+$0x0], $0xffff  }
0x3e0: {  	v3 =	vsub.f32 v61, v9;
	_ =	sdelay $0x1  }
0x3e1: {  	v2 =	vsub.f32 v2, v62;
	v1 =	vmul.f32 v3, v1;
	_ =	sdelay $0x1  }
0x3e2: {  	v0 =	vadd.f32 v1, v0;
	v1 =	vmul.f32 v2, v63;
	_ =	sdelay $0x1  }
0x3e3: {  	v0 =	vadd.f32 v1, v0  }
0x3e4: {  	s22 =	sadd.s32 $0x10, s22  }
0x3e5: {  	s23 =	simm.s32 $0x0;
	[tilespmem:s22+$0x0] =	vst v0  }
0x3e6: {  	v0 =	vld [tilespmem:s23+$0x100]  }
0x3e7: {  	v1 =	vld [tilespmem:s23+$0x380]  }
0x3e8: {  	v2 =	vld [tilespmem:s23+$0x600];
	_ =	sdelay $0x2  }
0x3e9: {  	(v2sf) =	vpush v0, $0x0  }
0x3ea: {  	(v2sf) =	vpush v1, $0x0  }
0x3eb: {  	(v2sf) =	vpush v2, $0x0;
	_ =	sdelay $0xc  }
0x3ec: {  	s19 =	spop (v2sf)  }
0x3ed: {  	s18 =	sshll.u32 s19, $0x4;
	s22 =	spop (v2sf)  }
0x3ee: {  	s18 =	sand.u32 $0x1FFFFFF0, s18;
	s19 =	sshll.u32 s22, $0x4;
	s23 =	spop (v2sf)  }
0x3ef: {  	s18 =	sadd.s32 s4, s18;
	s19 =	sand.u32 $0x1FFFFFF0, s19;
	s22 =	sshll.u32 s23, $0x4  }
0x3f0: {  	[tilespmem:s17], [sflag:$0x1] =	stream.linear.gather [hbm4b:s18+s3], $0x80, $0x38;
	[tilespmem:$0x18D80] =	vst v63  }
0x3f1: {  	s19 =	sadd.s32 s5, s19;
	s22 =	sand.u32 $0x1FFFFFF0, s22  }
0x3f2: {  	[tilespmem:s21], [sflag:$0x1] =	stream.linear.gather [hbm4b:s19+s3], $0x80, $0x38;
	[tilespmem:$0x18D80] =	vst v63  }
0x3f3: {  	s23 =	sadd.s32 s5, s22;
	s19 =	simm.s32 $0x1  }
0x3f4: {  	[tilespmem:s20], [sflag:$0x1] =	stream.linear.gather [hbm4b:s23+s3], $0x80, $0x38;
	[tilespmem:$0x18D80] =	vst v63  }
0x3f5: {  	s18 =	simm.s32 $0x8;
	v0 =	vld [tilespmem:s19+$0x100]  }
.LBB2_8:
0x3f6: {  	p0 =	sne.s32 s18, $0x3FC;
	v1 =	vld [tilespmem:s19+$0x380]  }
0x3f7: {  	v2 =	vld [tilespmem:s19+$0x600];
	_ =	sdelay $0x2  }
0x3f8: {  	(v2sf) =	vpush v0, $0x0  }
0x3f9: {  	(v2sf) =	vpush v1, $0x0  }
0x3fa: {  	(v2sf) =	vpush v2, $0x0;
	_ =	sdelay $0xc  }
0x3fb: {  	s17 =	sadd.s32 $0x80, s17;
	s19 =	spop (v2sf)  }
0x3fc: {  	s21 =	sadd.s32 $0x80, s21;
	s19 =	sshll.u32 s19, $0x4;
	s22 =	spop (v2sf)  }
0x3fd: {  	s19 =	sand.u32 $0x1FFFFFF0, s19;
	s22 =	sshll.u32 s22, $0x4;
	s23 =	spop (v2sf)  }
0x3fe: {  	s19 =	sadd.s32 s4, s19;
	s22 =	sand.u32 $0x1FFFFFF0, s22;
	s23 =	sshll.u32 s23, $0x4  }
0x3ff: {  	[tilespmem:s17], [sflag:$0x1] =	stream.linear.gather [hbm4b:s19+s3], $0x80, $0x38;
	[tilespmem:$0x18D80] =	vst v63  }
.Ltmp3:
0x400: {  	s19 =	sadd.s32 s5, s22;
	s22 =	sand.u32 $0x1FFFFFF0, s23;
	(pc) =	sbr.rel @p0 .LBB2_8-.Ltmp3, $4  }
0x401: {  	[tilespmem:s21], [sflag:$0x1] =	stream.linear.gather [hbm4b:s19+s3], $0x80, $0x38;
	[tilespmem:$0x18D80] =	vst v63  }
0x402: {  	s20 =	sadd.s32 $0x80, s20;
	s22 =	sadd.s32 s5, s22;
	s19 =	sshra.s32 s18, $0x2  }
0x403: {  	[tilespmem:s20], [sflag:$0x1] =	stream.linear.gather [hbm4b:s22+s3], $0x80, $0x38;
	[tilespmem:$0x18D80] =	vst v63  }
0x404: {  	s18 =	sadd.s32 $0x4, s18;
	v0 =	vld [tilespmem:s19+$0x100]  }
0x405: {  	v1 =	vld [tilespmem:s19+$0x380]  }
0x406: {  	v2 =	vld [tilespmem:s19+$0x600];
	_ =	sdelay $0x2  }
0x407: {  	(v2sf) =	vpush v0, $0x0  }
0x408: {  	(v2sf) =	vpush v1, $0x0  }
0x409: {  	(v2sf) =	vpush v2, $0x0;
	_ =	sdelay $0xc  }
0x40a: {  	s18 =	spop (v2sf)  }
0x40b: {  	s17 =	sadd.s32 $0x80, s17;
	s18 =	sshll.u32 s18, $0x4;
	s23 =	spop (v2sf)  }
0x40c: {  	s18 =	sand.u32 $0x1FFFFFF0, s18;
	s19 =	sshll.u32 s23, $0x4;
	s22 =	spop (v2sf)  }
0x40d: {  	s18 =	sadd.s32 s4, s18;
	s19 =	sand.u32 $0x1FFFFFF0, s19;
	s22 =	sshll.u32 s22, $0x4  }
0x40e: {  	[tilespmem:s17], [sflag:$0x1] =	stream.linear.gather [hbm4b:s18+s3], $0x80, $0x38;
	[tilespmem:$0x18D80] =	vst v63  }
0x40f: {  	s21 =	sadd.s32 $0x80, s21;
	s19 =	sadd.s32 s5, s19;
	s23 =	sand.u32 $0x1FFFFFF0, s22  }
0x410: {  	[tilespmem:s21], [sflag:$0x1] =	stream.linear.gather [hbm4b:s19+s3], $0x80, $0x38;
	[tilespmem:$0x18D80] =	vst v63  }
0x411: {  	s22 =	sadd.s32 s5, s23;
	s23 =	sadd.s32 $0x80, s20  }
0x412: {  	[tilespmem:s23], [sflag:$0x1] =	stream.linear.gather [hbm4b:s22+s3], $0x80, $0x38;
	[tilespmem:$0x18D80] =	vst v63  }
0x413: {  	_ =	swait.ge [sflag:s30], $0x80  }
0x414: {  	[sflag:s30] =	ssyncset.done $0x0  }
0x415: {  	[sflag:s30] =	ssyncadd.s32 $0xFFFFFF80  }
0x416: {  	_ =	swait.ge [sflag:s30], $0x80  }
0x417: {  	[sflag:s30] =	ssyncset.done $0x0  }
0x418: {  	[sflag:s30] =	ssyncadd.s32 $0xFFFFFF80  }
0x419: {  	_ =	swait.ge [sflag:s30], $0x80  }
0x41a: {  	s17 =	simm.s32 $0xFF;
	[sflag:s30] =	ssyncset.done $0x0  }
.LBB2_10:
0x41b: {  	p0 =	sne.s32 s17, $0x1;
	s17 =	sadd.s32 $0xFFFFFFFF, s17;
	[sflag:s30] =	ssyncadd.s32 $0xFFFFFF80  }
0x41c: {  	_ =	swait.ge [sflag:s30], $0x80  }
0x41d: {  	[sflag:s30] =	ssyncset.done $0x0  }
0x41e: {  	[sflag:s30] =	ssyncadd.s32 $0xFFFFFF80  }
.Ltmp4:
0x41f: {  	_ =	swait.ge [sflag:s30], $0x80;
	(pc) =	sbr.rel @p0 .LBB2_10-.Ltmp4, $4  }
0x420: {  	[sflag:s30] =	ssyncset.done $0x0  }
0x421: {  	[sflag:s30] =	ssyncadd.s32 $0xFFFFFF80  }
0x422: {  	_ =	swait.ge [sflag:s30], $0x80  }
0x423: {  	[sflag:s30] =	ssyncset.done $0x0  }
0x424: {  	s17 =	simm.s32 $0x0  }
0x425: {  	v0 =	vmov s17  }
0x426: {  	v0 =	vshll.u32 v0, $0x7  }
0x427: {  	v0 =	vor.u32 v57, v0;
	_ =	sdelay $0x1  }
0x428: {  	[sflag:s30] =	ssyncadd.s32 $0xFFFFFF80;
	s18 =	simm.s32 $0x18880  }
0x429: {  	s17 =	simm.s32 $0x18A80;
	v43 =	vld [tilespmem:s18+$0x0];
	v1 =	vor.u32 $0x12, v0  }
0x42a: {  	v38 =	vld [tilespmem:s17+$0x0];
	v2 =	vor.u32 $0x11, v0  }
0x42b: {  	v3 =	vor.u32 $0x10, v0;
	v39 =	vld.idx.msk [tilespmem:v0+s31+$0x0], $0xffff  }
0x42c: {  	v4 =	vor.u32 $0xF, v0;
	v40 =	vld.idx.msk [tilespmem:v0+s0+$0x0], $0xffff  }
0x42d: {  	v5 =	vor.u32 $0xE, v0;
	v41 =	vld.idx.msk [tilespmem:v0+s2+$0x0], $0xffff  }
0x42e: {  	v6 =	vor.u32 $0xD, v0;
	v7 =	vld.idx.msk [tilespmem:v1+s31+$0x0], $0xffff  }
0x42f: {  	v9 =	vor.u32 $0xA, v0;
	v8 =	vld.idx.msk [tilespmem:v2+s31+$0x0], $0xffff  }
0x430: {  	v10 =	vor.u32 $0x9, v0;
	v27 =	vld.idx.msk [tilespmem:v3+s31+$0x0], $0xffff  }
0x431: {  	v11 =	vor.u32 $0x8, v0;
	v26 =	vld.idx.msk [tilespmem:v4+s31+$0x0], $0xffff  }
0x432: {  	v12 =	vor.u32 $0x7, v0;
	v23 =	vld.idx.msk [tilespmem:v5+s31+$0x0], $0xffff  }
0x433: {  	v14 =	vor.u32 $0x6, v0;
	v20 =	vld.idx.msk [tilespmem:v6+s31+$0x0], $0xffff  }
0x434: {  	v15 =	vor.u32 $0x5, v0;
	v18 =	vld.idx.msk [tilespmem:v9+s31+$0x0], $0xffff  }
0x435: {  	v16 =	vor.u32 $0x4, v0;
	v22 =	vld.idx.msk [tilespmem:v10+s31+$0x0], $0xffff  }
0x436: {  	v24 =	vor.u32 $0x3, v0;
	v25 =	vld.idx.msk [tilespmem:v11+s31+$0x0], $0xffff  }
0x437: {  	v28 =	vor.u32 $0x2, v0;
	v30 =	vld.idx.msk [tilespmem:v12+s31+$0x0], $0xffff  }
0x438: {  	v29 =	vor.u32 $0x1, v0;
	v31 =	vld.idx.msk [tilespmem:v14+s31+$0x0], $0xffff  }
0x439: {  	v32 =	vld.idx.msk [tilespmem:v15+s31+$0x0], $0xffff  }
0x43a: {  	v33 =	vld.idx.msk [tilespmem:v16+s31+$0x0], $0xffff  }
0x43b: {  	v34 =	vld.idx.msk [tilespmem:v24+s31+$0x0], $0xffff  }
0x43c: {  	v35 =	vld.idx.msk [tilespmem:v28+s31+$0x0], $0xffff  }
0x43d: {  	v36 =	vld.idx.msk [tilespmem:v29+s31+$0x0], $0xffff  }
0x43e: {  	v37 =	vld.idx.msk [tilespmem:v28+s0+$0x0], $0xffff  }
0x43f: {  	v42 =	vld.idx.msk [tilespmem:v29+s0+$0x0], $0xffff  }
0x440: {  	v29 =	vld.idx.msk [tilespmem:v29+s2+$0x0], $0xffff  }
0x441: {  	v44 =	vld.idx.msk [tilespmem:v28+s2+$0x0], $0xffff  }
0x442: {  	v45 =	vld.idx.msk [tilespmem:v24+s0+$0x0], $0xffff  }
0x443: {  	v24 =	vld.idx.msk [tilespmem:v24+s2+$0x0], $0xffff  }
0x444: {  	v46 =	vld.idx.msk [tilespmem:v16+s0+$0x0], $0xffff  }
0x445: {  	v16 =	vld.idx.msk [tilespmem:v16+s2+$0x0], $0xffff  }
0x446: {  	v47 =	vld.idx.msk [tilespmem:v15+s0+$0x0], $0xffff  }
0x447: {  	v15 =	vld.idx.msk [tilespmem:v15+s2+$0x0], $0xffff  }
0x448: {  	v48 =	vld.idx.msk [tilespmem:v14+s0+$0x0], $0xffff  }
0x449: {  	v14 =	vld.idx.msk [tilespmem:v14+s2+$0x0], $0xffff  }
0x44a: {  	v49 =	vld.idx.msk [tilespmem:v12+s0+$0x0], $0xffff  }
0x44b: {  	v12 =	vld.idx.msk [tilespmem:v12+s2+$0x0], $0xffff  }
0x44c: {  	v50 =	vld.idx.msk [tilespmem:v11+s0+$0x0], $0xffff  }
0x44d: {  	v11 =	vld.idx.msk [tilespmem:v11+s2+$0x0], $0xffff  }
0x44e: {  	v51 =	vld.idx.msk [tilespmem:v10+s0+$0x0], $0xffff  }
0x44f: {  	v52 =	vld.idx.msk [tilespmem:v10+s2+$0x0], $0xffff  }
0x450: {  	v53 =	vld.idx.msk [tilespmem:v9+s0+$0x0], $0xffff  }
0x451: {  	v54 =	vld.idx.msk [tilespmem:v9+s2+$0x0], $0xffff  }
0x452: {  	v59 =	vld.idx.msk [tilespmem:v6+s0+$0x0], $0xffff  }
0x453: {  	v60 =	vld.idx.msk [tilespmem:v6+s2+$0x0], $0xffff  }
0x454: {  	v61 =	vld.idx.msk [tilespmem:v5+s0+$0x0], $0xffff  }
0x455: {  	v62 =	vld.idx.msk [tilespmem:v5+s2+$0x0], $0xffff  }
0x456: {  	v63 =	vld.idx.msk [tilespmem:v4+s0+$0x0], $0xffff  }
0x457: {  	v5 =	vld.idx.msk [tilespmem:v4+s2+$0x0], $0xffff  }
0x458: {  	v6 =	vor.u32 $0x13, v0;
	v4 =	vld.idx.msk [tilespmem:v3+s2+$0x0], $0xffff  }
0x459: {  	v13 =	vld.idx.msk [tilespmem:v2+s0+$0x0], $0xffff;
	v10 =	vor.u32 $0x15, v0  }
0x45a: {  	v9 =	vld.idx.msk [tilespmem:v2+s2+$0x0], $0xffff  }
0x45b: {  	v28 =	vld.idx.msk [tilespmem:v1+s0+$0x0], $0xffff  }
0x45c: {  	v17 =	vld.idx.msk [tilespmem:v1+s2+$0x0], $0xffff;
	[tilespmem:$0x1F660] =	vst v7;
	v7 =	vor.u32 $0xC, v0  }
0x45d: {  	[tilespmem:$0x1F650] =	vst v8;
	v8 =	vor.u32 $0xB, v0;
	v1 =	vld.idx.msk [tilespmem:v6+s31+$0x0], $0xffff  }
0x45e: {  	v42 =	vsub.f32 v42, v29;
	v29 =	vld.idx.msk [tilespmem:v10+s31+$0x0], $0xffff;
	v24 =	vsub.f32 v45, v24  }
0x45f: {  	v45 =	vld.idx.msk [tilespmem:v10+s0+$0x0], $0xffff  }
0x460: {  	v24 =	vmul.f32 v24, v34;
	v34 =	vld.idx.msk [tilespmem:v10+s2+$0x0], $0xffff  }
0x461: {  	v19 =	vld.idx.msk [tilespmem:v7+s31+$0x0], $0xffff  }
0x462: {  	v21 =	vld.idx.msk [tilespmem:v8+s31+$0x0], $0xffff  }
0x463: {  	v55 =	vld.idx.msk [tilespmem:v8+s0+$0x0], $0xffff  }
0x464: {  	v56 =	vld.idx.msk [tilespmem:v8+s2+$0x0], $0xffff  }
0x465: {  	v2 =	vor.u32 $0x3E, v0;
	v57 =	vld.idx.msk [tilespmem:v7+s0+$0x0], $0xffff  }
0x466: {  	v43 =	vsub.f32 v43, v38;
	v38 =	vor.u32 $0x3C, v0;
	v58 =	vld.idx.msk [tilespmem:v7+s2+$0x0], $0xffff  }
0x467: {  	v36 =	vmul.f32 v42, v36;
	v42 =	vor.u32 $0x16, v0;
	v7 =	vld.idx.msk [tilespmem:v3+s0+$0x0], $0xffff  }
0x468: {  	v8 =	vsub.f32 v40, v41;
	v41 =	vld.idx.msk [tilespmem:v6+s0+$0x0], $0xffff  }
0x469: {  	v14 =	vsub.f32 v48, v14;
	v10 =	vor.u32 $0x3A, v0;
	v6 =	vld.idx.msk [tilespmem:v6+s2+$0x0], $0xffff  }
0x46a: {  	v3 =	vor.u32 $0x3D, v0;
	[tilespmem:$0x1F670] =	vst v1;
	v1 =	vld.idx.msk [tilespmem:v2+s31+$0x0], $0xffff  }
0x46b: {  	[tilespmem:$0x1F690] =	vst v2;
	v14 =	vmul.f32 v14, v31;
	v31 =	vor.u32 $0x19, v0;
	v2 =	vld.idx.msk [tilespmem:v38+s31+$0x0], $0xffff  }
0x46c: {  	v16 =	vsub.f32 v46, v16;
	v11 =	vsub.f32 v50, v11;
	v46 =	vld.idx.msk [tilespmem:v42+s31+$0x0], $0xffff  }
0x46d: {  	v15 =	vsub.f32 v47, v15;
	v40 =	vor.u32 $0x14, v0;
	v8 =	vmul.f32 v8, v39;
	v47 =	vld.idx.msk [tilespmem:v42+s2+$0x0], $0xffff  }
0x46e: {  	v37 =	vsub.f32 v37, v44;
	v11 =	vmul.f32 v11, v25;
	v25 =	vsub.f32 v51, v52;
	v48 =	vld.idx.msk [tilespmem:v10+s31+$0x0], $0xffff  }
0x46f: {  	v8 =	vadd.f32 v8, v43;
	[tilespmem:$0x1F6C0] =	vst v1;
	v1 =	vld.idx.msk [tilespmem:v3+s31+$0x0], $0xffff  }
0x470: {  	v35 =	vmul.f32 v37, v35;
	v22 =	vmul.f32 v25, v22;
	v52 =	vld.idx.msk [tilespmem:v31+s31+$0x0], $0xffff  }
0x471: {  	v25 =	vsub.f32 v53, v54;
	v54 =	vld.idx.msk [tilespmem:v31+s2+$0x0], $0xffff;
	v8 =	vadd.f32 v36, v8;
	v36 =	vor.u32 $0x18, v0  }
0x472: {  	v43 =	vld.idx.msk [tilespmem:v40+s31+$0x0], $0xffff  }
0x473: {  	v44 =	vld.idx.msk [tilespmem:v40+s0+$0x0], $0xffff;
	v35 =	vadd.f32 v35, v8  }
0x474: {  	v40 =	vld.idx.msk [tilespmem:v40+s2+$0x0], $0xffff;
	[tilespmem:$0x1F6B0] =	vst v1;
	v1 =	vor.u32 $0x17, v0  }
0x475: {  	v16 =	vmul.f32 v16, v33;
	v24 =	vadd.f32 v24, v35;
	v35 =	vld.idx.msk [tilespmem:v42+s0+$0x0], $0xffff  }
0x476: {  	[tilespmem:$0x1F680] =	vst v3;
	v3 =	vld.idx.msk [tilespmem:v36+s0+$0x0], $0xffff  }
0x477: {  	v15 =	vmul.f32 v15, v32;
	v16 =	vadd.f32 v16, v24;
	v24 =	vld.idx.msk [tilespmem:v36+s31+$0x0], $0xffff  }
0x478: {  	v7 =	vsub.f32 v7, v4;
	v4 =	vsub.f32 v13, v9;
	v9 =	vor.u32 $0x1E, v0;
	v36 =	vld.idx.msk [tilespmem:v36+s2+$0x0], $0xffff  }
0x479: {  	v12 =	vsub.f32 v49, v12;
	v34 =	vsub.f32 v45, v34;
	v45 =	vor.u32 $0x24, v0;
	v49 =	vld.idx.msk [tilespmem:v1+s31+$0x0], $0xffff  }
0x47a: {  	v15 =	vadd.f32 v15, v16;
	v16 =	vor.u32 $0x37, v0;
	v8 =	vld.idx.msk [tilespmem:v1+s0+$0x0], $0xffff  }
0x47b: {  	v50 =	vld.idx.msk [tilespmem:v1+s2+$0x0], $0xffff  }
0x47c: {  	v18 =	vmul.f32 v25, v18;
	v1 =	vld [tilespmem:$0x1F650];
	v14 =	vadd.f32 v14, v15;
	v15 =	vmul.f32 v12, v30  }
0x47d: {  	v25 =	vsub.f32 v55, v56;
	v6 =	vsub.f32 v41, v6;
	v41 =	vld.idx.msk [tilespmem:v9+s31+$0x0], $0xffff;
	v12 =	vor.u32 $0x39, v0  }
0x47e: {  	v30 =	vor.u32 $0x1B, v0;
	v3 =	vsub.f32 v3, v36;
	v36 =	vld.idx.msk [tilespmem:v45+s31+$0x0], $0xffff;
	v15 =	vadd.f32 v15, v14  }
0x47f: {  	v21 =	vmul.f32 v25, v21;
	v25 =	vor.u32 $0x33, v0;
	v39 =	vld.idx.msk [tilespmem:v16+s31+$0x0], $0xffff  }
0x480: {  	v14 =	vor.u32 $0x38, v0;
	v15 =	vadd.f32 v11, v15;
	v11 =	vld.idx.msk [tilespmem:v31+s0+$0x0], $0xffff  }
0x481: {  	v31 =	vor.u32 $0x1A, v0;
	v4 =	vmul.f32 v4, v1;
	v1 =	vld [tilespmem:$0x1F660]  }
0x482: {  	v53 =	vld.idx.msk [tilespmem:v12+s31+$0x0], $0xffff  }
0x483: {  	v55 =	vld.idx.msk [tilespmem:v30+s31+$0x0], $0xffff  }
0x484: {  	v22 =	vadd.f32 v22, v15;
	v15 =	vld.idx.msk [tilespmem:v25+s31+$0x0], $0xffff  }
0x485: {  	v51 =	vld.idx.msk [tilespmem:v14+s31+$0x0], $0xffff  }
0x486: {  	v32 =	vor.u32 $0x1C, v0;
	v56 =	vld.idx.msk [tilespmem:v31+s31+$0x0], $0xffff  }
0x487: {  	v18 =	vadd.f32 v18, v22;
	v22 =	vsub.f32 v57, v58;
	v57 =	vld.idx.msk [tilespmem:v31+s0+$0x0], $0xffff  }
0x488: {  	v58 =	vld.idx.msk [tilespmem:v31+s2+$0x0], $0xffff;
	v31 =	vor.u32 $0x20, v0  }
0x489: {  	v21 =	vadd.f32 v21, v18;
	v19 =	vmul.f32 v22, v19;
	v22 =	vsub.f32 v59, v60;
	v59 =	vld.idx.msk [tilespmem:v30+s0+$0x0], $0xffff  }
0x48a: {  	v13 =	vsub.f32 v28, v17;
	v28 =	vor.u32 $0x31, v0;
	v60 =	vld.idx.msk [tilespmem:v30+s2+$0x0], $0xffff  }
0x48b: {  	v30 =	vsub.f32 v61, v62;
	v61 =	vld.idx.msk [tilespmem:v32+s31+$0x0], $0xffff;
	v19 =	vadd.f32 v19, v21;
	v21 =	vmul.f32 v22, v20  }
0x48c: {  	v18 =	vor.u32 $0x36, v0;
	v62 =	vld.idx.msk [tilespmem:v32+s0+$0x0], $0xffff;
	v20 =	vor.u32 $0x35, v0  }
0x48d: {  	v19 =	vadd.f32 v21, v19;
	v21 =	vmul.f32 v30, v23;
	v23 =	vsub.f32 v63, v5;
	v63 =	vld.idx.msk [tilespmem:v32+s2+$0x0], $0xffff  }
0x48e: {  	v7 =	vmul.f32 v7, v27;
	v22 =	vor.u32 $0x34, v0;
	v27 =	vld.idx.msk [tilespmem:v31+s31+$0x0], $0xffff  }
0x48f: {  	v29 =	vmul.f32 v34, v29;
	v34 =	vld.idx.msk [tilespmem:v31+s2+$0x0], $0xffff;
	v30 =	vadd.f32 v21, v19;
	v23 =	vmul.f32 v23, v26  }
0x490: {  	v5 =	vld.idx.msk [tilespmem:v28+s31+$0x0], $0xffff  }
0x491: {  	v32 =	vor.u32 $0x1F, v0;
	v33 =	vld.idx.msk [tilespmem:v18+s31+$0x0], $0xffff;
	v23 =	vadd.f32 v23, v30  }
0x492: {  	v19 =	vld.idx.msk [tilespmem:v20+s31+$0x0], $0xffff  }
0x493: {  	v26 =	vor.u32 $0x1D, v0;
	v21 =	vld.idx.msk [tilespmem:v22+s31+$0x0], $0xffff;
	v7 =	vadd.f32 v7, v23  }
0x494: {  	v30 =	vsub.f32 v44, v40;
	v44 =	vld.idx.msk [tilespmem:v31+s0+$0x0], $0xffff  }
0x495: {  	v4 =	vadd.f32 v4, v7;
	v7 =	vmul.f32 v13, v1;
	v1 =	vld [tilespmem:$0x1F670]  }
0x496: {  	[tilespmem:$0x1F6A0] =	vst v2;
	v2 =	vld.idx.msk [tilespmem:v32+s31+$0x0], $0xffff  }
0x497: {  	v40 =	vld.idx.msk [tilespmem:v32+s0+$0x0], $0xffff  }
0x498: {  	v23 =	vld.idx.msk [tilespmem:v26+s0+$0x0], $0xffff  }
0x499: {  	v13 =	vld.idx.msk [tilespmem:v26+s2+$0x0], $0xffff  }
0x49a: {  	v17 =	vld.idx.msk [tilespmem:v26+s31+$0x0], $0xffff;
	v26 =	vor.u32 $0x32, v0;
	v4 =	vadd.f32 v7, v4;
	v6 =	vmul.f32 v6, v1  }
0x49b: {  	v7 =	vld.idx.msk [tilespmem:v9+s0+$0x0], $0xffff;
	v1 =	vor.u32 $0x21, v0  }
0x49c: {  	v9 =	vld.idx.msk [tilespmem:v9+s2+$0x0], $0xffff;
	v4 =	vadd.f32 v6, v4;
	v6 =	vmul.f32 v30, v43;
	v30 =	vor.u32 $0x30, v0  }
0x49d: {  	v50 =	vsub.f32 v8, v50;
	v31 =	vsub.f32 v35, v47;
	v43 =	vld.idx.msk [tilespmem:v32+s2+$0x0], $0xffff;
	v32 =	vor.u32 $0x2F, v0  }
0x49e: {  	v35 =	vor.u32 $0x23, v0;
	v13 =	vsub.f32 v23, v13;
	v23 =	vld.idx.msk [tilespmem:v45+s2+$0x0], $0xffff;
	v4 =	vadd.f32 v6, v4  }
0x49f: {  	v6 =	vld.idx.msk [tilespmem:v26+s31+$0x0], $0xffff  }
0x4a0: {  	v50 =	vmul.f32 v50, v49;
	v46 =	vmul.f32 v31, v46;
	v49 =	vld.idx.msk [tilespmem:v1+s0+$0x0], $0xffff;
	v47 =	vadd.f32 v29, v4  }
0x4a1: {  	v29 =	vor.u32 $0x22, v0;
	v4 =	vld.idx.msk [tilespmem:v30+s31+$0x0], $0xffff  }
0x4a2: {  	v31 =	vld.idx.msk [tilespmem:v32+s31+$0x0], $0xffff;
	v8 =	vadd.f32 v46, v47  }
0x4a3: {  	v3 =	vmul.f32 v3, v24;
	v11 =	vsub.f32 v11, v54;
	v47 =	vld.idx.msk [tilespmem:v35+s31+$0x0], $0xffff  }
0x4a4: {  	v7 =	vsub.f32 v7, v9;
	v9 =	vor.u32 $0x27, v0;
	v46 =	vld.idx.msk [tilespmem:v1+s31+$0x0], $0xffff;
	v8 =	vadd.f32 v50, v8  }
0x4a5: {  	v1 =	vld.idx.msk [tilespmem:v1+s2+$0x0], $0xffff  }
0x4a6: {  	v24 =	vld.idx.msk [tilespmem:v29+s31+$0x0], $0xffff;
	v3 =	vadd.f32 v3, v8;
	v8 =	vmul.f32 v11, v52;
	v11 =	vsub.f32 v57, v58  }
0x4a7: {  	v63 =	vsub.f32 v62, v63;
	v50 =	vld.idx.msk [tilespmem:v29+s0+$0x0], $0xffff;
	v52 =	vor.u32 $0x2E, v0  }
0x4a8: {  	v29 =	vld.idx.msk [tilespmem:v29+s2+$0x0], $0xffff;
	v3 =	vadd.f32 v8, v3;
	v8 =	vmul.f32 v11, v56;
	v11 =	vsub.f32 v59, v60  }
0x4a9: {  	v57 =	vor.u32 $0x2B, v0;
	v56 =	vmul.f32 v63, v61;
	v63 =	vld.idx.msk [tilespmem:v9+s31+$0x0], $0xffff  }
0x4aa: {  	v58 =	vor.u32 $0x2A, v0;
	v3 =	vadd.f32 v8, v3;
	v8 =	vmul.f32 v11, v55;
	v11 =	vld.idx.msk [tilespmem:v35+s0+$0x0], $0xffff  }
0x4ab: {  	v54 =	vor.u32 $0x2D, v0;
	v35 =	vld.idx.msk [tilespmem:v35+s2+$0x0], $0xffff  }
0x4ac: {  	v55 =	vor.u32 $0x2C, v0;
	v59 =	vld.idx.msk [tilespmem:v52+s31+$0x0], $0xffff  }
0x4ad: {  	v3 =	vadd.f32 v8, v3;
	v8 =	vld.idx.msk [tilespmem:v45+s0+$0x0], $0xffff;
	v45 =	vor.u32 $0x29, v0  }
0x4ae: {  	v13 =	vmul.f32 v13, v17;
	v61 =	vld.idx.msk [tilespmem:v57+s31+$0x0], $0xffff  }
0x4af: {  	v17 =	vor.u32 $0x28, v0;
	v40 =	vsub.f32 v40, v43;
	v43 =	vld.idx.msk [tilespmem:v58+s31+$0x0], $0xffff;
	v3 =	vadd.f32 v56, v3  }
0x4b0: {  	v7 =	vmul.f32 v7, v41;
	v41 =	vor.u32 $0x25, v0;
	v56 =	vld.idx.msk [tilespmem:v54+s31+$0x0], $0xffff  }
0x4b1: {  	v60 =	vld.idx.msk [tilespmem:v55+s31+$0x0], $0xffff;
	v3 =	vadd.f32 v13, v3;
	v13 =	vor.u32 $0x26, v0  }
0x4b2: {  	v62 =	vld.idx.msk [tilespmem:v45+s31+$0x0], $0xffff;
	v8 =	vsub.f32 v8, v23  }
0x4b3: {  	v2 =	vmul.f32 v40, v2;
	v23 =	vld.idx.msk [tilespmem:v45+s0+$0x0], $0xffff;
	v3 =	vadd.f32 v7, v3;
	v7 =	vsub.f32 v44, v34  }
0x4b4: {  	v44 =	vld.idx.msk [tilespmem:v17+s31+$0x0], $0xffff  }
0x4b5: {  	v1 =	vsub.f32 v49, v1;
	v2 =	vadd.f32 v2, v3;
	v3 =	vmul.f32 v7, v27;
	v27 =	vld.idx.msk [tilespmem:v41+s31+$0x0], $0xffff  }
0x4b6: {  	v7 =	vld.idx.msk [tilespmem:v13+s31+$0x0], $0xffff  }
0x4b7: {  	v1 =	vmul.f32 v1, v46;
	v2 =	vadd.f32 v3, v2;
	v3 =	vsub.f32 v50, v29;
	v29 =	vld.idx.msk [tilespmem:v41+s0+$0x0], $0xffff  }
0x4b8: {  	v41 =	vld.idx.msk [tilespmem:v41+s2+$0x0], $0xffff  }
0x4b9: {  	v11 =	vsub.f32 v11, v35;
	v1 =	vadd.f32 v1, v2;
	v2 =	vld.idx.msk [tilespmem:v13+s0+$0x0], $0xffff;
	v3 =	vmul.f32 v3, v24  }
0x4ba: {  	v13 =	vld.idx.msk [tilespmem:v13+s2+$0x0], $0xffff  }
0x4bb: {  	v24 =	vld.idx.msk [tilespmem:v9+s0+$0x0], $0xffff;
	v1 =	vadd.f32 v3, v1;
	v3 =	vmul.f32 v11, v47  }
0x4bc: {  	v9 =	vld.idx.msk [tilespmem:v9+s2+$0x0], $0xffff  }
0x4bd: {  	v11 =	vld.idx.msk [tilespmem:v17+s0+$0x0], $0xffff;
	v1 =	vadd.f32 v3, v1;
	v3 =	vmul.f32 v8, v36;
	v8 =	vsub.f32 v29, v41  }
0x4be: {  	v17 =	vld.idx.msk [tilespmem:v17+s2+$0x0], $0xffff  }
0x4bf: {  	v2 =	vsub.f32 v2, v13;
	v13 =	vld.idx.msk [tilespmem:v58+s0+$0x0], $0xffff;
	v1 =	vadd.f32 v3, v1;
	v3 =	vmul.f32 v8, v27  }
0x4c0: {  	v8 =	vld.idx.msk [tilespmem:v45+s2+$0x0], $0xffff  }
0x4c1: {  	v2 =	vmul.f32 v2, v7;
	v7 =	vld.idx.msk [tilespmem:v58+s2+$0x0], $0xffff;
	v1 =	vadd.f32 v3, v1;
	v3 =	vsub.f32 v24, v9  }
0x4c2: {  	v9 =	vld.idx.msk [tilespmem:v57+s0+$0x0], $0xffff  }
0x4c3: {  	v1 =	vadd.f32 v2, v1;
	v2 =	vmul.f32 v3, v63;
	v3 =	vsub.f32 v11, v17;
	v11 =	vld.idx.msk [tilespmem:v57+s2+$0x0], $0xffff  }
0x4c4: {  	v17 =	vld.idx.msk [tilespmem:v55+s0+$0x0], $0xffff  }
0x4c5: {  	v1 =	vadd.f32 v2, v1;
	v2 =	vmul.f32 v3, v44;
	v3 =	vsub.f32 v23, v8;
	v8 =	vld.idx.msk [tilespmem:v55+s2+$0x0], $0xffff  }
0x4c6: {  	v23 =	vld.idx.msk [tilespmem:v54+s0+$0x0], $0xffff  }
0x4c7: {  	v1 =	vadd.f32 v2, v1;
	v2 =	vmul.f32 v3, v62;
	v3 =	vsub.f32 v13, v7;
	v7 =	vld.idx.msk [tilespmem:v54+s2+$0x0], $0xffff  }
0x4c8: {  	v13 =	vld.idx.msk [tilespmem:v52+s0+$0x0], $0xffff  }
0x4c9: {  	v1 =	vadd.f32 v2, v1;
	v2 =	vmul.f32 v3, v43;
	v3 =	vsub.f32 v9, v11;
	v9 =	vld.idx.msk [tilespmem:v52+s2+$0x0], $0xffff  }
0x4ca: {  	v11 =	vld.idx.msk [tilespmem:v32+s0+$0x0], $0xffff  }
0x4cb: {  	v1 =	vadd.f32 v2, v1;
	v2 =	vmul.f32 v3, v61;
	v3 =	vsub.f32 v17, v8;
	v8 =	vld.idx.msk [tilespmem:v32+s2+$0x0], $0xffff  }
0x4cc: {  	v17 =	vld.idx.msk [tilespmem:v30+s0+$0x0], $0xffff  }
0x4cd: {  	v1 =	vadd.f32 v2, v1;
	v2 =	vmul.f32 v3, v60;
	v3 =	vsub.f32 v23, v7;
	v7 =	vld.idx.msk [tilespmem:v30+s2+$0x0], $0xffff  }
0x4ce: {  	v23 =	vld.idx.msk [tilespmem:v28+s0+$0x0], $0xffff  }
0x4cf: {  	v1 =	vadd.f32 v2, v1;
	v2 =	vmul.f32 v3, v56;
	v3 =	vsub.f32 v13, v9;
	v9 =	vld.idx.msk [tilespmem:v28+s2+$0x0], $0xffff  }
0x4d0: {  	v13 =	vld.idx.msk [tilespmem:v26+s0+$0x0], $0xffff  }
0x4d1: {  	v1 =	vadd.f32 v2, v1;
	v2 =	vmul.f32 v3, v59;
	v3 =	vsub.f32 v11, v8;
	v8 =	vld.idx.msk [tilespmem:v26+s2+$0x0], $0xffff  }
0x4d2: {  	v11 =	vld.idx.msk [tilespmem:v25+s0+$0x0], $0xffff  }
0x4d3: {  	v1 =	vadd.f32 v2, v1;
	v2 =	vmul.f32 v3, v31;
	v3 =	vsub.f32 v17, v7;
	v7 =	vld.idx.msk [tilespmem:v25+s2+$0x0], $0xffff  }
0x4d4: {  	v17 =	vld.idx.msk [tilespmem:v22+s0+$0x0], $0xffff  }
0x4d5: {  	v1 =	vadd.f32 v2, v1;
	v2 =	vmul.f32 v3, v4;
	v3 =	vsub.f32 v23, v9;
	v4 =	vld.idx.msk [tilespmem:v22+s2+$0x0], $0xffff  }
0x4d6: {  	v9 =	vld.idx.msk [tilespmem:v20+s0+$0x0], $0xffff  }
0x4d7: {  	v1 =	vadd.f32 v2, v1;
	v2 =	vmul.f32 v3, v5;
	v3 =	vsub.f32 v13, v8;
	v5 =	vld.idx.msk [tilespmem:v20+s2+$0x0], $0xffff  }
0x4d8: {  	v8 =	vld.idx.msk [tilespmem:v18+s0+$0x0], $0xffff  }
0x4d9: {  	v1 =	vadd.f32 v2, v1;
	v2 =	vmul.f32 v3, v6;
	v3 =	vsub.f32 v11, v7;
	v6 =	vld.idx.msk [tilespmem:v18+s2+$0x0], $0xffff  }
0x4da: {  	v7 =	vld.idx.msk [tilespmem:v16+s0+$0x0], $0xffff  }
0x4db: {  	v11 =	vld.idx.msk [tilespmem:v14+s0+$0x0], $0xffff;
	v1 =	vadd.f32 v2, v1;
	v2 =	vmul.f32 v3, v15;
	v3 =	vsub.f32 v17, v4  }
0x4dc: {  	v37 =	vor.u32 $0x3B, v0;
	v4 =	vld.idx.msk [tilespmem:v16+s2+$0x0], $0xffff  }
0x4dd: {  	v1 =	vadd.f32 v2, v1;
	v2 =	vmul.f32 v3, v21;
	v3 =	vsub.f32 v9, v5;
	v5 =	vld.idx.msk [tilespmem:v14+s2+$0x0], $0xffff  }
0x4de: {  	v9 =	vld.idx.msk [tilespmem:v12+s0+$0x0], $0xffff  }
0x4df: {  	v1 =	vadd.f32 v2, v1;
	v2 =	vmul.f32 v3, v19;
	v3 =	vsub.f32 v8, v6;
	v6 =	vld.idx.msk [tilespmem:v12+s2+$0x0], $0xffff  }
0x4e0: {  	v8 =	vld.idx.msk [tilespmem:v10+s0+$0x0], $0xffff  }
0x4e1: {  	v1 =	vadd.f32 v2, v1;
	v2 =	vmul.f32 v3, v33;
	v3 =	vsub.f32 v7, v4;
	v4 =	vld.idx.msk [tilespmem:v10+s2+$0x0], $0xffff  }
0x4e2: {  	v7 =	vld.idx.msk [tilespmem:v37+s0+$0x0], $0xffff  }
0x4e3: {  	v1 =	vadd.f32 v2, v1;
	v2 =	vmul.f32 v3, v39;
	v3 =	vsub.f32 v11, v5;
	v11 =	vld [tilespmem:$0x1F680]  }
0x4e4: {  	v5 =	vld.idx.msk [tilespmem:v37+s2+$0x0], $0xffff  }
0x4e5: {  	v1 =	vadd.f32 v2, v1;
	v2 =	vmul.f32 v3, v51;
	v3 =	vsub.f32 v9, v6  }
0x4e6: {  	v42 =	vld.idx.msk [tilespmem:v37+s31+$0x0], $0xffff  }
0x4e7: {  	v1 =	vadd.f32 v2, v1;
	v2 =	vmul.f32 v3, v53;
	v3 =	vsub.f32 v8, v4;
	_ =	sdelay $0x1  }
0x4e8: {  	v10 =	vld.idx.msk [tilespmem:v38+s0+$0x0], $0xffff;
	v1 =	vadd.f32 v2, v1;
	v2 =	vmul.f32 v3, v48;
	v3 =	vsub.f32 v7, v5  }
0x4e9: {  	v6 =	vld.idx.msk [tilespmem:v38+s2+$0x0], $0xffff  }
0x4ea: {  	v9 =	vld.idx.msk [tilespmem:v11+s0+$0x0], $0xffff;
	v1 =	vadd.f32 v2, v1;
	v2 =	vmul.f32 v3, v42  }
0x4eb: {  	v4 =	vld.idx.msk [tilespmem:v11+s2+$0x0], $0xffff  }
0x4ec: {  	v1 =	vadd.f32 v2, v1;
	v2 =	vld [tilespmem:$0x1F6A0]  }
0x4ed: {  	v11 =	vld [tilespmem:$0x1F690];
	_ =	sdelay $0x1  }
0x4ee: {  	v3 =	vsub.f32 v10, v6;
	_ =	sdelay $0x1  }
0x4ef: {  	v2 =	vmul.f32 v3, v2;
	_ =	sdelay $0x1  }
0x4f0: {  	v0 =	vor.u32 $0x3F, v0;
	v1 =	vadd.f32 v2, v1;
	v2 =	vld [tilespmem:$0x1F6B0];
	_ =	sdelay $0x1  }
0x4f1: {  	v8 =	vld.idx.msk [tilespmem:v11+s0+$0x0], $0xffff  }
0x4f2: {  	v3 =	vsub.f32 v9, v4;
	v5 =	vld.idx.msk [tilespmem:v11+s2+$0x0], $0xffff;
	_ =	sdelay $0x1  }
0x4f3: {  	v7 =	vld.idx.msk [tilespmem:v0+s0+$0x0], $0xffff;
	v2 =	vmul.f32 v3, v2  }
0x4f4: {  	v6 =	vld.idx.msk [tilespmem:v0+s2+$0x0], $0xffff  }
0x4f5: {  	v1 =	vadd.f32 v2, v1;
	v2 =	vld [tilespmem:$0x1F6C0]  }
0x4f6: {  	v3 =	vsub.f32 v8, v5;
	v5 =	vld [tilespmem:$0x1FFF0]  }
0x4f7: {  	v0 =	vld.idx.msk [tilespmem:v0+s31+$0x0], $0xffff  }
0x4f8: {  	s19 =	simm.s32 $0x10  }
0x4f9: {  	v4 =	vmov s19  }
0x4fa: {  	v4 =	vshll.u32 v4, $0x7;
	v2 =	vmul.f32 v3, v2;
	v3 =	vsub.f32 v7, v6  }
0x4fb: {  	v6 =	vor.u32 v5, v4  }
0x4fc: {  	v4 =	vor.u32 $0x3E, v6;
	v1 =	vadd.f32 v2, v1;
	v0 =	vmul.f32 v3, v0;
	_ =	sdelay $0x1  }
0x4fd: {  	v0 =	vadd.f32 v0, v1  }
0x4fe: {  	s19 =	simm.s32 $0x18C80  }
0x4ff: {  	[tilespmem:s19+$0x0] =	vst v0  }
0x500: {  	v2 =	vor.u32 $0x3D, v6;
	v0 =	vld.idx.msk [tilespmem:v4+s31+$0x0], $0xffff;
	_ =	sdelay $0x4  }
0x501: {  	v3 =	vor.u32 $0x3C, v6;
	[tilespmem:$0x1F6E0] =	vst v0;
	v0 =	vld.idx.msk [tilespmem:v2+s31+$0x0], $0xffff;
	_ =	sdelay $0x4  }
0x502: {  	v1 =	vor.u32 $0x3B, v6;
	[tilespmem:$0x1F700] =	vst v0;
	v0 =	vld.idx.msk [tilespmem:v3+s31+$0x0], $0xffff;
	_ =	sdelay $0x4  }
0x503: {  	v5 =	vor.u32 $0x3A, v6;
	[tilespmem:$0x1F720] =	vst v0;
	v0 =	vld.idx.msk [tilespmem:v1+s31+$0x0], $0xffff;
	_ =	sdelay $0x4  }
0x504: {  	v7 =	vor.u32 $0x39, v6;
	[tilespmem:$0x1F740] =	vst v0;
	v0 =	vld.idx.msk [tilespmem:v5+s31+$0x0], $0xffff;
	_ =	sdelay $0x3  }
0x505: {  	[tilespmem:$0x1F6D0] =	vst v4  }
0x506: {  	v4 =	vor.u32 $0x38, v6;
	[tilespmem:$0x1F760] =	vst v0;
	v0 =	vld.idx.msk [tilespmem:v7+s31+$0x0], $0xffff;
	_ =	sdelay $0x3  }
0x507: {  	[tilespmem:$0x1F6F0] =	vst v2  }
0x508: {  	v2 =	vor.u32 $0x37, v6;
	[tilespmem:$0x1F780] =	vst v0;
	v0 =	vld.idx.msk [tilespmem:v4+s31+$0x0], $0xffff;
	_ =	sdelay $0x3  }
0x509: {  	[tilespmem:$0x1F710] =	vst v3  }
0x50a: {  	v3 =	vor.u32 $0x36, v6;
	[tilespmem:$0x1F7A0] =	vst v0;
	v0 =	vld.idx.msk [tilespmem:v2+s31+$0x0], $0xffff;
	_ =	sdelay $0x3  }
0x50b: {  	[tilespmem:$0x1F730] =	vst v1  }
0x50c: {  	v1 =	vor.u32 $0x35, v6;
	[tilespmem:$0x1F7C0] =	vst v0;
	v0 =	vld.idx.msk [tilespmem:v3+s31+$0x0], $0xffff;
	_ =	sdelay $0x3  }
0x50d: {  	[tilespmem:$0x1F750] =	vst v5  }
0x50e: {  	v5 =	vor.u32 $0x34, v6;
	[tilespmem:$0x1F7E0] =	vst v0;
	v0 =	vld.idx.msk [tilespmem:v1+s31+$0x0], $0xffff;
	_ =	sdelay $0x3  }
0x50f: {  	[tilespmem:$0x1F770] =	vst v7  }
0x510: {  	v7 =	vor.u32 $0x33, v6;
	[tilespmem:$0x1F800] =	vst v0;
	v0 =	vld.idx.msk [tilespmem:v5+s31+$0x0], $0xffff;
	_ =	sdelay $0x3  }
0x511: {  	[tilespmem:$0x1F790] =	vst v4  }
0x512: {  	v4 =	vor.u32 $0x32, v6;
	[tilespmem:$0x1F820] =	vst v0;
	v0 =	vld.idx.msk [tilespmem:v7+s31+$0x0], $0xffff;
	_ =	sdelay $0x3  }
0x513: {  	[tilespmem:$0x1F7B0] =	vst v2  }
0x514: {  	v2 =	vor.u32 $0x31, v6;
	[tilespmem:$0x1F840] =	vst v0;
	v0 =	vld.idx.msk [tilespmem:v4+s31+$0x0], $0xffff;
	_ =	sdelay $0x3  }
0x515: {  	[tilespmem:$0x1F7D0] =	vst v3  }
0x516: {  	v3 =	vor.u32 $0x30, v6;
	[tilespmem:$0x1F860] =	vst v0;
	v0 =	vld.idx.msk [tilespmem:v2+s31+$0x0], $0xffff;
	_ =	sdelay $0x3  }
0x517: {  	[tilespmem:$0x1F7F0] =	vst v1  }
0x518: {  	v1 =	vor.u32 $0x2F, v6;
	[tilespmem:$0x1F880] =	vst v0;
	v0 =	vld.idx.msk [tilespmem:v3+s31+$0x0], $0xffff;
	_ =	sdelay $0x3  }
0x519: {  	[tilespmem:$0x1F810] =	vst v5  }
0x51a: {  	v5 =	vor.u32 $0x2E, v6;
	[tilespmem:$0x1F8A0] =	vst v0;
	v0 =	vld.idx.msk [tilespmem:v1+s31+$0x0], $0xffff;
	_ =	sdelay $0x3  }
0x51b: {  	[tilespmem:$0x1F830] =	vst v7  }
0x51c: {  	v7 =	vor.u32 $0x2D, v6;
	[tilespmem:$0x1F8C0] =	vst v0;
	v0 =	vld.idx.msk [tilespmem:v5+s31+$0x0], $0xffff;
	_ =	sdelay $0x3  }
0x51d: {  	[tilespmem:$0x1F850] =	vst v4  }
0x51e: {  	v4 =	vor.u32 $0x2C, v6;
	[tilespmem:$0x1F8E0] =	vst v0;
	v0 =	vld.idx.msk [tilespmem:v7+s31+$0x0], $0xffff;
	_ =	sdelay $0x3  }
0x51f: {  	[tilespmem:$0x1F870] =	vst v2  }
0x520: {  	v2 =	vor.u32 $0x2B, v6;
	[tilespmem:$0x1F900] =	vst v0;
	v0 =	vld.idx.msk [tilespmem:v4+s31+$0x0], $0xffff;
	_ =	sdelay $0x3  }
0x521: {  	[tilespmem:$0x1F890] =	vst v3  }
0x522: {  	v3 =	vor.u32 $0x2A, v6;
	[tilespmem:$0x1F920] =	vst v0;
	v0 =	vld.idx.msk [tilespmem:v2+s31+$0x0], $0xffff;
	_ =	sdelay $0x3  }
0x523: {  	[tilespmem:$0x1F8B0] =	vst v1  }
0x524: {  	v1 =	vor.u32 $0x29, v6;
	[tilespmem:$0x1F940] =	vst v0;
	v0 =	vld.idx.msk [tilespmem:v3+s31+$0x0], $0xffff;
	_ =	sdelay $0x1  }
0x525: {  	[tilespmem:$0x1F8D0] =	vst v5  }
0x526: {  	[tilespmem:$0x1F930] =	vst v2;
	v2 =	vor.u32 $0x25, v6  }
0x527: {  	[tilespmem:$0x1F950] =	vst v3;
	v3 =	vor.u32 $0x24, v6  }
0x528: {  	v5 =	vor.u32 $0x28, v6;
	[tilespmem:$0x1F960] =	vst v0;
	v0 =	vld.idx.msk [tilespmem:v1+s31+$0x0], $0xffff;
	_ =	sdelay $0x1  }
0x529: {  	[tilespmem:$0x1F8F0] =	vst v7  }
0x52a: {  	[tilespmem:$0x1F970] =	vst v1;
	v1 =	vld.idx.msk [tilespmem:v2+s31+$0x0], $0xffff  }
0x52b: {  	v8 =	vor.u32 $0x23, v6;
	[tilespmem:$0x1F9F0] =	vst v2;
	v2 =	vld.idx.msk [tilespmem:v3+s31+$0x0], $0xffff  }
0x52c: {  	v7 =	vor.u32 $0x27, v6;
	[tilespmem:$0x1F980] =	vst v0;
	v0 =	vld.idx.msk [tilespmem:v5+s31+$0x0], $0xffff;
	_ =	sdelay $0x2  }
0x52d: {  	[tilespmem:$0x1F910] =	vst v4  }
0x52e: {  	v59 =	vor.u32 $0x22, v6;
	[tilespmem:$0x1FA20] =	vst v2;
	v2 =	vld.idx.msk [tilespmem:v8+s31+$0x0], $0xffff  }
0x52f: {  	v4 =	vor.u32 $0x26, v6;
	[tilespmem:$0x1F9A0] =	vst v0;
	v0 =	vld.idx.msk [tilespmem:v7+s31+$0x0], $0xffff;
	_ =	sdelay $0x3  }
0x530: {  	[tilespmem:$0x1FA40] =	vst v2;
	v2 =	vld.idx.msk [tilespmem:v59+s31+$0x0], $0xffff  }
0x531: {  	v61 =	vor.u32 $0x21, v6;
	[tilespmem:$0x1F9C0] =	vst v0;
	v0 =	vld.idx.msk [tilespmem:v4+s31+$0x0], $0xffff;
	_ =	sdelay $0x3  }
0x532: {  	[tilespmem:$0x1FA50] =	vst v2  }
0x533: {  	v2 =	vld.idx.msk [tilespmem:v61+s31+$0x0], $0xffff;
	[tilespmem:$0x1F9E0] =	vst v0;
	v0 =	vor.u32 $0x20, v6;
	_ =	sdelay $0x3  }
0x534: {  	[tilespmem:$0x1FA00] =	vst v1  }
0x535: {  	v1 =	vor.u32 $0x1F, v6;
	[tilespmem:$0x1FA60] =	vst v2;
	v2 =	vld.idx.msk [tilespmem:v0+s31+$0x0], $0xffff;
	_ =	sdelay $0x3  }
0x536: {  	[tilespmem:$0x1F990] =	vst v5  }
0x537: {  	v5 =	vor.u32 $0x1E, v6;
	[tilespmem:$0x1FA70] =	vst v2;
	v2 =	vld.idx.msk [tilespmem:v1+s31+$0x0], $0xffff;
	_ =	sdelay $0x4  }
0x538: {  	v9 =	vor.u32 $0x1D, v6;
	[tilespmem:$0x1FA80] =	vst v2;
	v2 =	vld.idx.msk [tilespmem:v5+s31+$0x0], $0xffff;
	_ =	sdelay $0x4  }
0x539: {  	v14 =	vor.u32 $0x1C, v6;
	[tilespmem:$0x1FA90] =	vst v2;
	v2 =	vld.idx.msk [tilespmem:v9+s31+$0x0], $0xffff;
	_ =	sdelay $0x4  }
0x53a: {  	v18 =	vor.u32 $0x1B, v6;
	[tilespmem:$0x1FAA0] =	vst v2;
	v2 =	vld.idx.msk [tilespmem:v14+s31+$0x0], $0xffff;
	_ =	sdelay $0x4  }
0x53b: {  	v22 =	vor.u32 $0x1A, v6;
	[tilespmem:$0x1FAB0] =	vst v2;
	v2 =	vld.idx.msk [tilespmem:v18+s31+$0x0], $0xffff;
	_ =	sdelay $0x2  }
0x53c: {  	v42 =	vor.u32 $0x15, v6  }
0x53d: {  	v46 =	vor.u32 $0x14, v6  }
0x53e: {  	v26 =	vor.u32 $0x19, v6;
	[tilespmem:$0x1FAC0] =	vst v2;
	v2 =	vld.idx.msk [tilespmem:v22+s31+$0x0], $0xffff  }
0x53f: {  	v10 =	vor.u32 $0x11, v6  }
0x540: {  	v12 =	vor.u32 $0x10, v6  }
0x541: {  	v54 =	vor.u32 $0xF, v6;
	v40 =	vld.idx.msk [tilespmem:v42+s31+$0x0], $0xffff  }
0x542: {  	v56 =	vor.u32 $0xE, v6;
	v44 =	vld.idx.msk [tilespmem:v46+s31+$0x0], $0xffff  }
0x543: {  	v30 =	vor.u32 $0x18, v6;
	[tilespmem:$0x1FAD0] =	vst v2;
	v2 =	vld.idx.msk [tilespmem:v26+s31+$0x0], $0xffff  }
0x544: {  	v19 =	vor.u32 $0xD, v6;
	v50 =	vld.idx.msk [tilespmem:v10+s31+$0x0], $0xffff  }
0x545: {  	v21 =	vor.u32 $0xC, v6;
	v52 =	vld.idx.msk [tilespmem:v12+s31+$0x0], $0xffff  }
0x546: {  	v23 =	vor.u32 $0xB, v6;
	v13 =	vld.idx.msk [tilespmem:v54+s31+$0x0], $0xffff  }
0x547: {  	v62 =	vor.u32 $0xA, v6;
	v15 =	vld.idx.msk [tilespmem:v56+s31+$0x0], $0xffff  }
0x548: {  	v34 =	vor.u32 $0x17, v6;
	[tilespmem:$0x1FAE0] =	vst v2;
	v2 =	vld.idx.msk [tilespmem:v30+s31+$0x0], $0xffff  }
0x549: {  	v63 =	vor.u32 $0x9, v6;
	v17 =	vld.idx.msk [tilespmem:v19+s31+$0x0], $0xffff  }
0x54a: {  	v31 =	vor.u32 $0x8, v6;
	v58 =	vld.idx.msk [tilespmem:v21+s31+$0x0], $0xffff  }
0x54b: {  	v37 =	vor.u32 $0x6, v6;
	v60 =	vld.idx.msk [tilespmem:v23+s31+$0x0], $0xffff  }
0x54c: {  	v39 =	vor.u32 $0x5, v6;
	v25 =	vld.idx.msk [tilespmem:v62+s31+$0x0], $0xffff  }
0x54d: {  	v38 =	vor.u32 $0x16, v6;
	[tilespmem:$0x1FAF0] =	vst v2;
	v2 =	vld.idx.msk [tilespmem:v34+s31+$0x0], $0xffff  }
0x54e: {  	v41 =	vor.u32 $0x4, v6;
	v27 =	vld.idx.msk [tilespmem:v63+s31+$0x0], $0xffff  }
0x54f: {  	v43 =	vor.u32 $0x3, v6;
	v29 =	vld.idx.msk [tilespmem:v31+s31+$0x0], $0xffff  }
0x550: {  	[tilespmem:$0x1FA30] =	vst v8;
	v33 =	vld.idx.msk [tilespmem:v37+s31+$0x0], $0xffff;
	v8 =	vor.u32 $0x7, v6  }
0x551: {  	v35 =	vld.idx.msk [tilespmem:v39+s31+$0x0], $0xffff;
	[tilespmem:$0x1F9B0] =	vst v7;
	v7 =	vor.u32 $0x12, v6  }
0x552: {  	v48 =	vor.u32 $0x13, v6;
	[tilespmem:$0x1FB00] =	vst v2;
	v2 =	vld.idx.msk [tilespmem:v38+s31+$0x0], $0xffff  }
0x553: {  	v11 =	vld.idx.msk [tilespmem:v41+s31+$0x0], $0xffff  }
0x554: {  	v16 =	vld.idx.msk [tilespmem:v43+s31+$0x0], $0xffff  }
0x555: {  	[tilespmem:$0x1FA10] =	vst v3;
	v3 =	vld.idx.msk [tilespmem:v8+s31+$0x0], $0xffff  }
0x556: {  	[tilespmem:$0x1F9D0] =	vst v4;
	v4 =	vld.idx.msk [tilespmem:v7+s31+$0x0], $0xffff  }
0x557: {  	s20 =	simm.s32 $0x20;
	v20 =	vor.u32 $0x2, v6;
	v45 =	vor.u32 $0x1, v6;
	[tilespmem:$0x1FB10] =	vst v2;
	v2 =	vld.idx.msk [tilespmem:v48+s31+$0x0], $0xffff  }
.LBB2_12:
0x558: {  	_ =	sdelay $0x3  }
0x559: {  	v24 =	vld.idx.msk [tilespmem:v20+s31+$0x0], $0xffff  }
0x55a: {  	v47 =	vld.idx.msk [tilespmem:v45+s31+$0x0], $0xffff  }
0x55b: {  	v51 =	vld.idx.msk [tilespmem:v6+s31+$0x0], $0xffff  }
0x55c: {  	v32 =	vld.idx.msk [tilespmem:v6+s0+$0x0], $0xffff  }
0x55d: {  	v53 =	vld.idx.msk [tilespmem:v6+s2+$0x0], $0xffff  }
0x55e: {  	v55 =	vld.idx.msk [tilespmem:v45+s0+$0x0], $0xffff  }
0x55f: {  	s17 =	sadd.s32 $0x10, s17;
	v45 =	vld.idx.msk [tilespmem:v45+s2+$0x0], $0xffff  }
0x560: {  	s18 =	sadd.s32 $0x10, s18;
	v28 =	vld [tilespmem:s17+$0x0]  }
0x561: {  	v36 =	vld [tilespmem:s18+$0x0]  }
0x562: {  	v49 =	vld.idx.msk [tilespmem:v20+s0+$0x0], $0xffff  }
0x563: {  	v20 =	vld.idx.msk [tilespmem:v20+s2+$0x0], $0xffff  }
0x564: {  	v57 =	vld.idx.msk [tilespmem:v43+s0+$0x0], $0xffff;
	v32 =	vsub.f32 v32, v53  }
0x565: {  	v43 =	vld.idx.msk [tilespmem:v43+s2+$0x0], $0xffff  }
0x566: {  	v53 =	vld.idx.msk [tilespmem:v41+s0+$0x0], $0xffff;
	v55 =	vsub.f32 v55, v45;
	v28 =	vsub.f32 v36, v28;
	v32 =	vmul.f32 v32, v51  }
0x567: {  	v41 =	vld.idx.msk [tilespmem:v41+s2+$0x0], $0xffff  }
0x568: {  	v45 =	vld.idx.msk [tilespmem:v39+s0+$0x0], $0xffff;
	v20 =	vsub.f32 v49, v20;
	v51 =	vmul.f32 v55, v47;
	v28 =	vadd.f32 v32, v28  }
0x569: {  	v55 =	vld.idx.msk [tilespmem:v39+s2+$0x0], $0xffff  }
0x56a: {  	v49 =	vld.idx.msk [tilespmem:v37+s2+$0x0], $0xffff;
	v20 =	vmul.f32 v20, v24;
	v24 =	vsub.f32 v57, v43;
	v28 =	vadd.f32 v51, v28  }
0x56b: {  	v47 =	vld.idx.msk [tilespmem:v37+s0+$0x0], $0xffff  }
0x56c: {  	v16 =	vmul.f32 v24, v16;
	v24 =	vsub.f32 v53, v41;
	v51 =	vld.idx.msk [tilespmem:v8+s0+$0x0], $0xffff;
	v20 =	vadd.f32 v20, v28  }
0x56d: {  	v8 =	vld.idx.msk [tilespmem:v8+s2+$0x0], $0xffff  }
0x56e: {  	v11 =	vmul.f32 v24, v11;
	v24 =	vld.idx.msk [tilespmem:v31+s2+$0x0], $0xffff;
	v16 =	vadd.f32 v16, v20;
	v20 =	vsub.f32 v45, v55  }
0x56f: {  	v28 =	vld.idx.msk [tilespmem:v31+s0+$0x0], $0xffff  }
0x570: {  	v53 =	vld.idx.msk [tilespmem:v63+s2+$0x0], $0xffff;
	v11 =	vadd.f32 v11, v16;
	v16 =	vmul.f32 v20, v35;
	v20 =	vsub.f32 v47, v49  }
0x571: {  	v31 =	vld.idx.msk [tilespmem:v63+s0+$0x0], $0xffff  }
0x572: {  	v55 =	vld.idx.msk [tilespmem:v62+s0+$0x0], $0xffff;
	v8 =	vsub.f32 v51, v8;
	v11 =	vadd.f32 v16, v11;
	v16 =	vmul.f32 v20, v33  }
0x573: {  	v20 =	vld.idx.msk [tilespmem:v62+s2+$0x0], $0xffff  }
0x574: {  	v63 =	vld.idx.msk [tilespmem:v23+s0+$0x0], $0xffff;
	v3 =	vmul.f32 v8, v3;
	v8 =	vsub.f32 v28, v24;
	v11 =	vadd.f32 v16, v11  }
0x575: {  	v16 =	vld.idx.msk [tilespmem:v23+s2+$0x0], $0xffff  }
0x576: {  	v8 =	vmul.f32 v8, v29;
	v23 =	vld.idx.msk [tilespmem:v21+s0+$0x0], $0xffff;
	v3 =	vadd.f32 v3, v11;
	v11 =	vsub.f32 v31, v53  }
0x577: {  	v21 =	vld.idx.msk [tilespmem:v21+s2+$0x0], $0xffff  }
0x578: {  	v24 =	vld.idx.msk [tilespmem:v19+s0+$0x0], $0xffff;
	v3 =	vadd.f32 v8, v3;
	v8 =	vmul.f32 v11, v27;
	v11 =	vsub.f32 v55, v20  }
0x579: {  	v19 =	vld.idx.msk [tilespmem:v19+s2+$0x0], $0xffff  }
0x57a: {  	v20 =	vld.idx.msk [tilespmem:v56+s0+$0x0], $0xffff;
	v3 =	vadd.f32 v8, v3;
	v8 =	vmul.f32 v11, v25;
	v11 =	vsub.f32 v63, v16  }
0x57b: {  	v16 =	vld.idx.msk [tilespmem:v56+s2+$0x0], $0xffff  }
0x57c: {  	v25 =	vld.idx.msk [tilespmem:v54+s0+$0x0], $0xffff;
	v3 =	vadd.f32 v8, v3;
	v8 =	vmul.f32 v11, v60;
	v11 =	vsub.f32 v23, v21  }
0x57d: {  	v21 =	vld.idx.msk [tilespmem:v54+s2+$0x0], $0xffff  }
0x57e: {  	v23 =	vld.idx.msk [tilespmem:v12+s0+$0x0], $0xffff;
	v3 =	vadd.f32 v8, v3;
	v8 =	vmul.f32 v11, v58;
	v11 =	vsub.f32 v24, v19  }
0x57f: {  	v12 =	vld.idx.msk [tilespmem:v12+s2+$0x0], $0xffff  }
0x580: {  	v19 =	vld.idx.msk [tilespmem:v10+s0+$0x0], $0xffff;
	v3 =	vadd.f32 v8, v3;
	v8 =	vmul.f32 v11, v17;
	v11 =	vsub.f32 v20, v16  }
0x581: {  	v10 =	vld.idx.msk [tilespmem:v10+s2+$0x0], $0xffff  }
0x582: {  	v16 =	vld.idx.msk [tilespmem:v7+s0+$0x0], $0xffff;
	v3 =	vadd.f32 v8, v3;
	v8 =	vmul.f32 v11, v15;
	v11 =	vsub.f32 v25, v21  }
0x583: {  	v7 =	vld.idx.msk [tilespmem:v7+s2+$0x0], $0xffff  }
0x584: {  	v15 =	vld.idx.msk [tilespmem:v48+s0+$0x0], $0xffff;
	v3 =	vadd.f32 v8, v3;
	v8 =	vmul.f32 v11, v13;
	v11 =	vsub.f32 v23, v12  }
0x585: {  	v12 =	vld.idx.msk [tilespmem:v48+s2+$0x0], $0xffff  }
0x586: {  	v10 =	vsub.f32 v19, v10;
	v13 =	vld.idx.msk [tilespmem:v46+s0+$0x0], $0xffff;
	v3 =	vadd.f32 v8, v3;
	v8 =	vmul.f32 v11, v52  }
0x587: {  	v11 =	vld.idx.msk [tilespmem:v46+s2+$0x0], $0xffff  }
0x588: {  	v17 =	vld.idx.msk [tilespmem:v42+s0+$0x0], $0xffff;
	v7 =	vsub.f32 v16, v7;
	v3 =	vadd.f32 v8, v3;
	v8 =	vmul.f32 v10, v50  }
0x589: {  	v10 =	vld.idx.msk [tilespmem:v42+s2+$0x0], $0xffff  }
0x58a: {  	v4 =	vmul.f32 v7, v4;
	v7 =	vsub.f32 v15, v12;
	v3 =	vadd.f32 v8, v3;
	_ =	sdelay $0x1  }
0x58b: {  	v2 =	vmul.f32 v7, v2;
	v3 =	vadd.f32 v4, v3;
	v4 =	vsub.f32 v13, v11;
	_ =	sdelay $0x1  }
0x58c: {  	v2 =	vadd.f32 v2, v3;
	v3 =	vmul.f32 v4, v44;
	v4 =	vsub.f32 v17, v10  }
0x58d: {  	v16 =	vld.idx.msk [tilespmem:v38+s0+$0x0], $0xffff  }
0x58e: {  	v8 =	vld.idx.msk [tilespmem:v38+s2+$0x0], $0xffff;
	v2 =	vadd.f32 v3, v2;
	v3 =	vmul.f32 v4, v40;
	_ =	sdelay $0x1  }
0x58f: {  	v2 =	vadd.f32 v3, v2;
	v3 =	vld [tilespmem:$0x1FB10];
	_ =	sdelay $0x2  }
0x590: {  	v4 =	vsub.f32 v16, v8  }
0x591: {  	v12 =	vld.idx.msk [tilespmem:v34+s0+$0x0], $0xffff  }
0x592: {  	v7 =	vld.idx.msk [tilespmem:v34+s2+$0x0], $0xffff;
	v3 =	vmul.f32 v4, v3;
	_ =	sdelay $0x1  }
0x593: {  	v2 =	vadd.f32 v3, v2;
	v3 =	vld [tilespmem:$0x1FB00];
	_ =	sdelay $0x2  }
0x594: {  	v4 =	vsub.f32 v12, v7  }
0x595: {  	v11 =	vld.idx.msk [tilespmem:v30+s0+$0x0], $0xffff  }
0x596: {  	v10 =	vld.idx.msk [tilespmem:v30+s2+$0x0], $0xffff;
	v3 =	vmul.f32 v4, v3;
	_ =	sdelay $0x1  }
0x597: {  	v2 =	vadd.f32 v3, v2;
	v3 =	vld [tilespmem:$0x1FAF0];
	_ =	sdelay $0x2  }
0x598: {  	v4 =	vsub.f32 v11, v10  }
0x599: {  	v13 =	vld.idx.msk [tilespmem:v26+s0+$0x0], $0xffff  }
0x59a: {  	v8 =	vld.idx.msk [tilespmem:v26+s2+$0x0], $0xffff;
	v3 =	vmul.f32 v4, v3;
	_ =	sdelay $0x1  }
0x59b: {  	v2 =	vadd.f32 v3, v2;
	v3 =	vld [tilespmem:$0x1FAE0];
	_ =	sdelay $0x2  }
0x59c: {  	v4 =	vsub.f32 v13, v8  }
0x59d: {  	v15 =	vld.idx.msk [tilespmem:v22+s0+$0x0], $0xffff  }
0x59e: {  	v7 =	vld.idx.msk [tilespmem:v22+s2+$0x0], $0xffff;
	v3 =	vmul.f32 v4, v3;
	_ =	sdelay $0x1  }
0x59f: {  	v2 =	vadd.f32 v3, v2;
	v3 =	vld [tilespmem:$0x1FAD0];
	_ =	sdelay $0x2  }
0x5a0: {  	v4 =	vsub.f32 v15, v7  }
0x5a1: {  	v12 =	vld.idx.msk [tilespmem:v18+s0+$0x0], $0xffff  }
0x5a2: {  	v10 =	vld.idx.msk [tilespmem:v18+s2+$0x0], $0xffff;
	v3 =	vmul.f32 v4, v3;
	_ =	sdelay $0x1  }
0x5a3: {  	v2 =	vadd.f32 v3, v2;
	v3 =	vld [tilespmem:$0x1FAC0];
	_ =	sdelay $0x2  }
0x5a4: {  	v4 =	vsub.f32 v12, v10  }
0x5a5: {  	v11 =	vld.idx.msk [tilespmem:v14+s0+$0x0], $0xffff  }
0x5a6: {  	v8 =	vld.idx.msk [tilespmem:v14+s2+$0x0], $0xffff;
	v3 =	vmul.f32 v4, v3;
	_ =	sdelay $0x1  }
0x5a7: {  	v2 =	vadd.f32 v3, v2;
	v3 =	vld [tilespmem:$0x1FAB0];
	_ =	sdelay $0x2  }
0x5a8: {  	v4 =	vsub.f32 v11, v8  }
0x5a9: {  	v13 =	vld.idx.msk [tilespmem:v9+s0+$0x0], $0xffff  }
0x5aa: {  	v7 =	vld.idx.msk [tilespmem:v9+s2+$0x0], $0xffff;
	v3 =	vmul.f32 v4, v3;
	_ =	sdelay $0x1  }
0x5ab: {  	v2 =	vadd.f32 v3, v2;
	v3 =	vld [tilespmem:$0x1FAA0];
	_ =	sdelay $0x2  }
0x5ac: {  	v4 =	vsub.f32 v13, v7  }
0x5ad: {  	v9 =	vld.idx.msk [tilespmem:v5+s0+$0x0], $0xffff  }
0x5ae: {  	v5 =	vld.idx.msk [tilespmem:v5+s2+$0x0], $0xffff;
	v3 =	vmul.f32 v4, v3;
	_ =	sdelay $0x1  }
0x5af: {  	v2 =	vadd.f32 v3, v2;
	v3 =	vld [tilespmem:$0x1FA90];
	_ =	sdelay $0x2  }
0x5b0: {  	v11 =	vld [tilespmem:$0x1FA30];
	v4 =	vsub.f32 v9, v5  }
0x5b1: {  	v10 =	vld.idx.msk [tilespmem:v1+s0+$0x0], $0xffff  }
0x5b2: {  	v1 =	vld.idx.msk [tilespmem:v1+s2+$0x0], $0xffff;
	v3 =	vmul.f32 v4, v3;
	_ =	sdelay $0x1  }
0x5b3: {  	v2 =	vadd.f32 v3, v2;
	v3 =	vld [tilespmem:$0x1FA80];
	_ =	sdelay $0x2  }
0x5b4: {  	v1 =	vsub.f32 v10, v1;
	v8 =	vld.idx.msk [tilespmem:v0+s0+$0x0], $0xffff  }
0x5b5: {  	v10 =	vld.idx.msk [tilespmem:v11+s0+$0x0], $0xffff  }
0x5b6: {  	v1 =	vmul.f32 v1, v3;
	v3 =	vld.idx.msk [tilespmem:v11+s2+$0x0], $0xffff  }
0x5b7: {  	v11 =	vld [tilespmem:$0x1FA10]  }
0x5b8: {  	v0 =	vld.idx.msk [tilespmem:v0+s2+$0x0], $0xffff  }
0x5b9: {  	v7 =	vld.idx.msk [tilespmem:v61+s0+$0x0], $0xffff  }
0x5ba: {  	v5 =	vld.idx.msk [tilespmem:v61+s2+$0x0], $0xffff  }
0x5bb: {  	v1 =	vadd.f32 v1, v2;
	v2 =	vld [tilespmem:$0x1FA70];
	_ =	sdelay $0x2  }
0x5bc: {  	v0 =	vsub.f32 v8, v0  }
0x5bd: {  	v8 =	vld.idx.msk [tilespmem:v11+s0+$0x0], $0xffff  }
0x5be: {  	v0 =	vmul.f32 v0, v2;
	v2 =	vsub.f32 v7, v5;
	v5 =	vld.idx.msk [tilespmem:v11+s2+$0x0], $0xffff  }
0x5bf: {  	v11 =	vld [tilespmem:$0x1F9F0];
	_ =	sdelay $0x1  }
0x5c0: {  	v9 =	vld.idx.msk [tilespmem:v59+s0+$0x0], $0xffff  }
0x5c1: {  	v4 =	vld.idx.msk [tilespmem:v59+s2+$0x0], $0xffff  }
0x5c2: {  	v0 =	vadd.f32 v0, v1;
	v1 =	vld [tilespmem:$0x1FA60];
	_ =	sdelay $0x3  }
0x5c3: {  	v7 =	vld.idx.msk [tilespmem:v11+s0+$0x0], $0xffff  }
0x5c4: {  	v1 =	vmul.f32 v2, v1;
	v2 =	vsub.f32 v9, v4;
	v4 =	vld.idx.msk [tilespmem:v11+s2+$0x0], $0xffff  }
0x5c5: {  	v11 =	vld [tilespmem:$0x1F9D0]  }
0x5c6: {  	v0 =	vadd.f32 v1, v0;
	v1 =	vld [tilespmem:$0x1FA50];
	_ =	sdelay $0x4  }
0x5c7: {  	v1 =	vmul.f32 v2, v1;
	_ =	sdelay $0x1  }
0x5c8: {  	v0 =	vadd.f32 v1, v0;
	v1 =	vld [tilespmem:$0x1FA40]  }
0x5c9: {  	v9 =	vld.idx.msk [tilespmem:v11+s0+$0x0], $0xffff  }
0x5ca: {  	v2 =	vsub.f32 v10, v3;
	v3 =	vld.idx.msk [tilespmem:v11+s2+$0x0], $0xffff  }
0x5cb: {  	v11 =	vld [tilespmem:$0x1F9B0];
	_ =	sdelay $0x4  }
0x5cc: {  	v1 =	vmul.f32 v2, v1;
	_ =	sdelay $0x1  }
0x5cd: {  	v0 =	vadd.f32 v1, v0;
	v1 =	vld [tilespmem:$0x1FA20]  }
0x5ce: {  	v10 =	vld.idx.msk [tilespmem:v11+s0+$0x0], $0xffff  }
0x5cf: {  	v2 =	vsub.f32 v8, v5;
	v5 =	vld.idx.msk [tilespmem:v11+s2+$0x0], $0xffff  }
0x5d0: {  	v11 =	vld [tilespmem:$0x1F990];
	_ =	sdelay $0x4  }
0x5d1: {  	v1 =	vmul.f32 v2, v1;
	_ =	sdelay $0x1  }
0x5d2: {  	v0 =	vadd.f32 v1, v0;
	v1 =	vld [tilespmem:$0x1FA00]  }
0x5d3: {  	v8 =	vld.idx.msk [tilespmem:v11+s0+$0x0], $0xffff  }
0x5d4: {  	v2 =	vsub.f32 v7, v4;
	v4 =	vld.idx.msk [tilespmem:v11+s2+$0x0], $0xffff  }
0x5d5: {  	v11 =	vld [tilespmem:$0x1F970];
	_ =	sdelay $0x4  }
0x5d6: {  	v1 =	vmul.f32 v2, v1;
	_ =	sdelay $0x1  }
0x5d7: {  	v0 =	vadd.f32 v1, v0;
	v1 =	vld [tilespmem:$0x1F9E0]  }
0x5d8: {  	v7 =	vld.idx.msk [tilespmem:v11+s0+$0x0], $0xffff  }
0x5d9: {  	v2 =	vsub.f32 v9, v3;
	v3 =	vld.idx.msk [tilespmem:v11+s2+$0x0], $0xffff  }
0x5da: {  	v11 =	vld [tilespmem:$0x1F950];
	_ =	sdelay $0x4  }
0x5db: {  	v1 =	vmul.f32 v2, v1;
	_ =	sdelay $0x1  }
0x5dc: {  	v0 =	vadd.f32 v1, v0;
	v1 =	vld [tilespmem:$0x1F9C0]  }
0x5dd: {  	v9 =	vld.idx.msk [tilespmem:v11+s0+$0x0], $0xffff  }
0x5de: {  	v2 =	vsub.f32 v10, v5;
	v5 =	vld.idx.msk [tilespmem:v11+s2+$0x0], $0xffff  }
0x5df: {  	v11 =	vld [tilespmem:$0x1F930];
	_ =	sdelay $0x4  }
0x5e0: {  	v1 =	vmul.f32 v2, v1;
	_ =	sdelay $0x1  }
0x5e1: {  	v0 =	vadd.f32 v1, v0;
	v1 =	vld [tilespmem:$0x1F9A0]  }
0x5e2: {  	v10 =	vld.idx.msk [tilespmem:v11+s0+$0x0], $0xffff  }
0x5e3: {  	v2 =	vsub.f32 v8, v4;
	v4 =	vld.idx.msk [tilespmem:v11+s2+$0x0], $0xffff  }
0x5e4: {  	v11 =	vld [tilespmem:$0x1F910];
	_ =	sdelay $0x1  }
0x5e5: {  	v1 =	vmul.f32 v2, v1;
	_ =	sdelay $0x1  }
0x5e6: {  	v0 =	vadd.f32 v1, v0;
	v1 =	vld [tilespmem:$0x1F980];
	_ =	sdelay $0x2  }
0x5e7: {  	v2 =	vsub.f32 v7, v3  }
0x5e8: {  	v8 =	vld.idx.msk [tilespmem:v11+s0+$0x0], $0xffff  }
0x5e9: {  	v1 =	vmul.f32 v2, v1;
	v3 =	vld.idx.msk [tilespmem:v11+s2+$0x0], $0xffff  }
0x5ea: {  	v11 =	vld [tilespmem:$0x1F8F0]  }
0x5eb: {  	v0 =	vadd.f32 v1, v0;
	v1 =	vld [tilespmem:$0x1F960];
	_ =	sdelay $0x2  }
0x5ec: {  	v2 =	vsub.f32 v9, v5;
	_ =	sdelay $0x1  }
0x5ed: {  	v1 =	vmul.f32 v2, v1;
	_ =	sdelay $0x1  }
0x5ee: {  	v0 =	vadd.f32 v1, v0;
	v1 =	vld [tilespmem:$0x1F940]  }
0x5ef: {  	v7 =	vld.idx.msk [tilespmem:v11+s0+$0x0], $0xffff  }
0x5f0: {  	v5 =	vld.idx.msk [tilespmem:v11+s2+$0x0], $0xffff  }
0x5f1: {  	v11 =	vld [tilespmem:$0x1F8D0];
	_ =	sdelay $0x2  }
0x5f2: {  	v2 =	vsub.f32 v10, v4;
	_ =	sdelay $0x1  }
0x5f3: {  	v1 =	vmul.f32 v2, v1;
	_ =	sdelay $0x1  }
0x5f4: {  	v0 =	vadd.f32 v1, v0;
	v1 =	vld [tilespmem:$0x1F920]  }
0x5f5: {  	v9 =	vld.idx.msk [tilespmem:v11+s0+$0x0], $0xffff  }
0x5f6: {  	v4 =	vld.idx.msk [tilespmem:v11+s2+$0x0], $0xffff  }
0x5f7: {  	v11 =	vld [tilespmem:$0x1F8B0];
	_ =	sdelay $0x2  }
0x5f8: {  	v2 =	vsub.f32 v8, v3;
	_ =	sdelay $0x1  }
0x5f9: {  	v1 =	vmul.f32 v2, v1;
	_ =	sdelay $0x1  }
0x5fa: {  	v0 =	vadd.f32 v1, v0;
	v1 =	vld [tilespmem:$0x1F900]  }
0x5fb: {  	v10 =	vld.idx.msk [tilespmem:v11+s0+$0x0], $0xffff  }
0x5fc: {  	v3 =	vld.idx.msk [tilespmem:v11+s2+$0x0], $0xffff  }
0x5fd: {  	v11 =	vld [tilespmem:$0x1F890];
	_ =	sdelay $0x2  }
0x5fe: {  	v2 =	vsub.f32 v7, v5;
	_ =	sdelay $0x1  }
0x5ff: {  	v1 =	vmul.f32 v2, v1;
	_ =	sdelay $0x1  }
0x600: {  	v0 =	vadd.f32 v1, v0;
	v1 =	vld [tilespmem:$0x1F8E0]  }
0x601: {  	v8 =	vld.idx.msk [tilespmem:v11+s0+$0x0], $0xffff  }
0x602: {  	v5 =	vld.idx.msk [tilespmem:v11+s2+$0x0], $0xffff  }
0x603: {  	v11 =	vld [tilespmem:$0x1F870];
	_ =	sdelay $0x2  }
0x604: {  	v2 =	vsub.f32 v9, v4;
	_ =	sdelay $0x1  }
0x605: {  	v1 =	vmul.f32 v2, v1;
	_ =	sdelay $0x1  }
0x606: {  	v0 =	vadd.f32 v1, v0;
	v1 =	vld [tilespmem:$0x1F8C0]  }
0x607: {  	v7 =	vld.idx.msk [tilespmem:v11+s0+$0x0], $0xffff  }
0x608: {  	v4 =	vld.idx.msk [tilespmem:v11+s2+$0x0], $0xffff  }
0x609: {  	v11 =	vld [tilespmem:$0x1F850];
	_ =	sdelay $0x2  }
0x60a: {  	v2 =	vsub.f32 v10, v3;
	_ =	sdelay $0x1  }
0x60b: {  	v1 =	vmul.f32 v2, v1;
	_ =	sdelay $0x1  }
0x60c: {  	v0 =	vadd.f32 v1, v0;
	v1 =	vld [tilespmem:$0x1F8A0]  }
0x60d: {  	v9 =	vld.idx.msk [tilespmem:v11+s0+$0x0], $0xffff  }
0x60e: {  	v3 =	vld.idx.msk [tilespmem:v11+s2+$0x0], $0xffff  }
0x60f: {  	v2 =	vsub.f32 v8, v5;
	v11 =	vld [tilespmem:$0x1F830];
	_ =	sdelay $0x1  }
0x610: {  	v1 =	vmul.f32 v2, v1;
	_ =	sdelay $0x1  }
0x611: {  	v0 =	vadd.f32 v1, v0;
	v1 =	vld [tilespmem:$0x1F880];
	_ =	sdelay $0x2  }
0x612: {  	v2 =	vsub.f32 v7, v4  }
0x613: {  	v10 =	vld.idx.msk [tilespmem:v11+s0+$0x0], $0xffff  }
0x614: {  	v1 =	vmul.f32 v2, v1;
	v5 =	vld.idx.msk [tilespmem:v11+s2+$0x0], $0xffff  }
0x615: {  	v11 =	vld [tilespmem:$0x1F810]  }
0x616: {  	v0 =	vadd.f32 v1, v0;
	v1 =	vld [tilespmem:$0x1F860];
	_ =	sdelay $0x2  }
0x617: {  	v2 =	vsub.f32 v9, v3;
	_ =	sdelay $0x1  }
0x618: {  	v1 =	vmul.f32 v2, v1;
	_ =	sdelay $0x1  }
0x619: {  	v0 =	vadd.f32 v1, v0;
	v1 =	vld [tilespmem:$0x1F840]  }
0x61a: {  	v8 =	vld.idx.msk [tilespmem:v11+s0+$0x0], $0xffff  }
0x61b: {  	v4 =	vld.idx.msk [tilespmem:v11+s2+$0x0], $0xffff  }
0x61c: {  	v11 =	vld [tilespmem:$0x1F7F0];
	_ =	sdelay $0x2  }
0x61d: {  	v2 =	vsub.f32 v10, v5;
	_ =	sdelay $0x1  }
0x61e: {  	v1 =	vmul.f32 v2, v1;
	_ =	sdelay $0x1  }
0x61f: {  	v0 =	vadd.f32 v1, v0;
	v1 =	vld [tilespmem:$0x1F820]  }
0x620: {  	v7 =	vld.idx.msk [tilespmem:v11+s0+$0x0], $0xffff  }
0x621: {  	v3 =	vld.idx.msk [tilespmem:v11+s2+$0x0], $0xffff  }
0x622: {  	v11 =	vld [tilespmem:$0x1F7D0];
	_ =	sdelay $0x2  }
0x623: {  	v2 =	vsub.f32 v8, v4;
	_ =	sdelay $0x1  }
0x624: {  	v1 =	vmul.f32 v2, v1;
	_ =	sdelay $0x1  }
0x625: {  	v0 =	vadd.f32 v1, v0;
	v1 =	vld [tilespmem:$0x1F800]  }
0x626: {  	v9 =	vld.idx.msk [tilespmem:v11+s0+$0x0], $0xffff  }
0x627: {  	v5 =	vld.idx.msk [tilespmem:v11+s2+$0x0], $0xffff  }
0x628: {  	v11 =	vld [tilespmem:$0x1F7B0];
	_ =	sdelay $0x2  }
0x629: {  	v2 =	vsub.f32 v7, v3;
	_ =	sdelay $0x1  }
0x62a: {  	v1 =	vmul.f32 v2, v1;
	_ =	sdelay $0x1  }
0x62b: {  	v0 =	vadd.f32 v1, v0;
	v1 =	vld [tilespmem:$0x1F7E0]  }
0x62c: {  	v10 =	vld.idx.msk [tilespmem:v11+s0+$0x0], $0xffff  }
0x62d: {  	v4 =	vld.idx.msk [tilespmem:v11+s2+$0x0], $0xffff  }
0x62e: {  	v11 =	vld [tilespmem:$0x1F790];
	_ =	sdelay $0x2  }
0x62f: {  	v2 =	vsub.f32 v9, v5;
	_ =	sdelay $0x1  }
0x630: {  	v1 =	vmul.f32 v2, v1;
	_ =	sdelay $0x1  }
0x631: {  	v0 =	vadd.f32 v1, v0;
	v1 =	vld [tilespmem:$0x1F7C0]  }
0x632: {  	v8 =	vld.idx.msk [tilespmem:v11+s0+$0x0], $0xffff  }
0x633: {  	v3 =	vld.idx.msk [tilespmem:v11+s2+$0x0], $0xffff  }
0x634: {  	v11 =	vld [tilespmem:$0x1F770];
	_ =	sdelay $0x2  }
0x635: {  	v2 =	vsub.f32 v10, v4;
	_ =	sdelay $0x1  }
0x636: {  	v1 =	vmul.f32 v2, v1;
	_ =	sdelay $0x1  }
0x637: {  	v0 =	vadd.f32 v1, v0;
	v1 =	vld [tilespmem:$0x1F7A0]  }
0x638: {  	v7 =	vld.idx.msk [tilespmem:v11+s0+$0x0], $0xffff  }
0x639: {  	v5 =	vld.idx.msk [tilespmem:v11+s2+$0x0], $0xffff  }
0x63a: {  	v11 =	vld [tilespmem:$0x1F750];
	_ =	sdelay $0x2  }
0x63b: {  	v2 =	vsub.f32 v8, v3;
	_ =	sdelay $0x1  }
0x63c: {  	v1 =	vmul.f32 v2, v1;
	_ =	sdelay $0x1  }
0x63d: {  	v0 =	vadd.f32 v1, v0;
	v1 =	vld [tilespmem:$0x1F780]  }
0x63e: {  	v9 =	vld.idx.msk [tilespmem:v11+s0+$0x0], $0xffff  }
0x63f: {  	v4 =	vld.idx.msk [tilespmem:v11+s2+$0x0], $0xffff  }
0x640: {  	v11 =	vld [tilespmem:$0x1F730];
	_ =	sdelay $0x2  }
0x641: {  	v2 =	vsub.f32 v7, v5;
	_ =	sdelay $0x1  }
0x642: {  	v1 =	vmul.f32 v2, v1;
	_ =	sdelay $0x1  }
0x643: {  	v0 =	vadd.f32 v1, v0;
	v1 =	vld [tilespmem:$0x1F760]  }
0x644: {  	v10 =	vld.idx.msk [tilespmem:v11+s0+$0x0], $0xffff  }
0x645: {  	v3 =	vld.idx.msk [tilespmem:v11+s2+$0x0], $0xffff  }
0x646: {  	v11 =	vld [tilespmem:$0x1F710];
	_ =	sdelay $0x2  }
0x647: {  	v2 =	vsub.f32 v9, v4;
	_ =	sdelay $0x1  }
0x648: {  	v1 =	vmul.f32 v2, v1;
	_ =	sdelay $0x1  }
0x649: {  	v0 =	vadd.f32 v1, v0;
	v1 =	vld [tilespmem:$0x1F740]  }
0x64a: {  	v8 =	vld.idx.msk [tilespmem:v11+s0+$0x0], $0xffff  }
0x64b: {  	v5 =	vld.idx.msk [tilespmem:v11+s2+$0x0], $0xffff  }
0x64c: {  	v11 =	vld [tilespmem:$0x1F6F0];
	_ =	sdelay $0x2  }
0x64d: {  	v2 =	vsub.f32 v10, v3;
	_ =	sdelay $0x1  }
0x64e: {  	v1 =	vmul.f32 v2, v1;
	_ =	sdelay $0x1  }
0x64f: {  	v0 =	vadd.f32 v1, v0;
	v1 =	vld [tilespmem:$0x1F720]  }
0x650: {  	v7 =	vld.idx.msk [tilespmem:v11+s0+$0x0], $0xffff  }
0x651: {  	v4 =	vld.idx.msk [tilespmem:v11+s2+$0x0], $0xffff  }
0x652: {  	v2 =	vsub.f32 v8, v5;
	v11 =	vld [tilespmem:$0x1F6D0];
	_ =	sdelay $0x1  }
0x653: {  	v6 =	vor.u32 $0x3F, v6;
	v1 =	vmul.f32 v2, v1;
	_ =	sdelay $0x1  }
0x654: {  	v0 =	vadd.f32 v1, v0;
	v1 =	vld [tilespmem:$0x1F700];
	_ =	sdelay $0x2  }
0x655: {  	v10 =	vld.idx.msk [tilespmem:v6+s0+$0x0], $0xffff;
	v2 =	vsub.f32 v7, v4  }
0x656: {  	v9 =	vld.idx.msk [tilespmem:v11+s0+$0x0], $0xffff  }
0x657: {  	v1 =	vmul.f32 v2, v1;
	v3 =	vld.idx.msk [tilespmem:v11+s2+$0x0], $0xffff  }
0x658: {  	v5 =	vld.idx.msk [tilespmem:v6+s2+$0x0], $0xffff  }
0x659: {  	v0 =	vadd.f32 v1, v0;
	v1 =	vld [tilespmem:$0x1F6E0]  }
0x65a: {  	v57 =	vld [tilespmem:$0x1FFF0]  }
0x65b: {  	v4 =	vld.idx.msk [tilespmem:v6+s31+$0x0], $0xffff  }
0x65c: {  	v2 =	vsub.f32 v9, v3  }
0x65d: {  	v6 =	vmov s20  }
0x65e: {  	v3 =	vshll.u32 v6, $0x7;
	v1 =	vmul.f32 v2, v1;
	v2 =	vsub.f32 v10, v5  }
0x65f: {  	v6 =	vor.u32 v57, v3  }
0x660: {  	v3 =	vor.u32 $0x3E, v6;
	v0 =	vadd.f32 v1, v0;
	v1 =	vmul.f32 v2, v4;
	_ =	sdelay $0x1  }
0x661: {  	v0 =	vadd.f32 v1, v0  }
0x662: {  	s19 =	sadd.s32 $0x10, s19  }
0x663: {  	[tilespmem:s19+$0x0] =	vst v0  }
0x664: {  	v2 =	vor.u32 $0x3D, v6;
	v0 =	vld.idx.msk [tilespmem:v3+s31+$0x0], $0xffff;
	_ =	sdelay $0x4  }
0x665: {  	v4 =	vor.u32 $0x3C, v6;
	[tilespmem:$0x1F6E0] =	vst v0;
	v0 =	vld.idx.msk [tilespmem:v2+s31+$0x0], $0xffff;
	_ =	sdelay $0x4  }
0x666: {  	v1 =	vor.u32 $0x3B, v6;
	[tilespmem:$0x1F700] =	vst v0;
	v0 =	vld.idx.msk [tilespmem:v4+s31+$0x0], $0xffff;
	_ =	sdelay $0x4  }
0x667: {  	v5 =	vor.u32 $0x3A, v6;
	[tilespmem:$0x1F720] =	vst v0;
	v0 =	vld.idx.msk [tilespmem:v1+s31+$0x0], $0xffff;
	_ =	sdelay $0x4  }
0x668: {  	v7 =	vor.u32 $0x39, v6;
	[tilespmem:$0x1F740] =	vst v0;
	v0 =	vld.idx.msk [tilespmem:v5+s31+$0x0], $0xffff;
	_ =	sdelay $0x3  }
0x669: {  	[tilespmem:$0x1F6D0] =	vst v3  }
0x66a: {  	v3 =	vor.u32 $0x38, v6;
	[tilespmem:$0x1F760] =	vst v0;
	v0 =	vld.idx.msk [tilespmem:v7+s31+$0x0], $0xffff;
	_ =	sdelay $0x3  }
0x66b: {  	[tilespmem:$0x1F6F0] =	vst v2  }
0x66c: {  	v2 =	vor.u32 $0x37, v6;
	[tilespmem:$0x1F780] =	vst v0;
	v0 =	vld.idx.msk [tilespmem:v3+s31+$0x0], $0xffff;
	_ =	sdelay $0x3  }
0x66d: {  	[tilespmem:$0x1F710] =	vst v4  }
0x66e: {  	v4 =	vor.u32 $0x36, v6;
	[tilespmem:$0x1F7A0] =	vst v0;
	v0 =	vld.idx.msk [tilespmem:v2+s31+$0x0], $0xffff;
	_ =	sdelay $0x3  }
0x66f: {  	[tilespmem:$0x1F730] =	vst v1  }
0x670: {  	v1 =	vor.u32 $0x35, v6;
	[tilespmem:$0x1F7C0] =	vst v0;
	v0 =	vld.idx.msk [tilespmem:v4+s31+$0x0], $0xffff;
	_ =	sdelay $0x3  }
0x671: {  	[tilespmem:$0x1F750] =	vst v5  }
0x672: {  	v5 =	vor.u32 $0x34, v6;
	[tilespmem:$0x1F7E0] =	vst v0;
	v0 =	vld.idx.msk [tilespmem:v1+s31+$0x0], $0xffff;
	_ =	sdelay $0x3  }
0x673: {  	[tilespmem:$0x1F770] =	vst v7  }
0x674: {  	v7 =	vor.u32 $0x33, v6;
	[tilespmem:$0x1F800] =	vst v0;
	v0 =	vld.idx.msk [tilespmem:v5+s31+$0x0], $0xffff;
	_ =	sdelay $0x3  }
0x675: {  	[tilespmem:$0x1F790] =	vst v3  }
0x676: {  	v3 =	vor.u32 $0x32, v6;
	[tilespmem:$0x1F820] =	vst v0;
	v0 =	vld.idx.msk [tilespmem:v7+s31+$0x0], $0xffff;
	_ =	sdelay $0x3  }
0x677: {  	[tilespmem:$0x1F7B0] =	vst v2  }
0x678: {  	v2 =	vor.u32 $0x31, v6;
	[tilespmem:$0x1F840] =	vst v0;
	v0 =	vld.idx.msk [tilespmem:v3+s31+$0x0], $0xffff;
	_ =	sdelay $0x3  }
0x679: {  	[tilespmem:$0x1F7D0] =	vst v4  }
0x67a: {  	v4 =	vor.u32 $0x30, v6;
	[tilespmem:$0x1F860] =	vst v0;
	v0 =	vld.idx.msk [tilespmem:v2+s31+$0x0], $0xffff;
	_ =	sdelay $0x3  }
0x67b: {  	[tilespmem:$0x1F7F0] =	vst v1  }
0x67c: {  	v1 =	vor.u32 $0x2F, v6;
	[tilespmem:$0x1F880] =	vst v0;
	v0 =	vld.idx.msk [tilespmem:v4+s31+$0x0], $0xffff;
	_ =	sdelay $0x3  }
0x67d: {  	[tilespmem:$0x1F810] =	vst v5  }
0x67e: {  	v5 =	vor.u32 $0x2E, v6;
	[tilespmem:$0x1F8A0] =	vst v0;
	v0 =	vld.idx.msk [tilespmem:v1+s31+$0x0], $0xffff;
	_ =	sdelay $0x3  }
0x67f: {  	[tilespmem:$0x1F830] =	vst v7  }
0x680: {  	v7 =	vor.u32 $0x2D, v6;
	[tilespmem:$0x1F8C0] =	vst v0;
	v0 =	vld.idx.msk [tilespmem:v5+s31+$0x0], $0xffff;
	_ =	sdelay $0x3  }
0x681: {  	[tilespmem:$0x1F850] =	vst v3  }
0x682: {  	v3 =	vor.u32 $0x2C, v6;
	[tilespmem:$0x1F8E0] =	vst v0;
	v0 =	vld.idx.msk [tilespmem:v7+s31+$0x0], $0xffff;
	_ =	sdelay $0x3  }
0x683: {  	[tilespmem:$0x1F870] =	vst v2  }
0x684: {  	v2 =	vor.u32 $0x2B, v6;
	[tilespmem:$0x1F900] =	vst v0;
	v0 =	vld.idx.msk [tilespmem:v3+s31+$0x0], $0xffff;
	_ =	sdelay $0x3  }
0x685: {  	[tilespmem:$0x1F890] =	vst v4  }
0x686: {  	v4 =	vor.u32 $0x2A, v6;
	[tilespmem:$0x1F920] =	vst v0;
	v0 =	vld.idx.msk [tilespmem:v2+s31+$0x0], $0xffff;
	_ =	sdelay $0x3  }
0x687: {  	[tilespmem:$0x1F8B0] =	vst v1  }
0x688: {  	v1 =	vor.u32 $0x29, v6;
	[tilespmem:$0x1F940] =	vst v0;
	v0 =	vld.idx.msk [tilespmem:v4+s31+$0x0], $0xffff;
	_ =	sdelay $0x1  }
0x689: {  	[tilespmem:$0x1F8D0] =	vst v5  }
0x68a: {  	[tilespmem:$0x1F930] =	vst v2;
	v2 =	vor.u32 $0x25, v6  }
0x68b: {  	[tilespmem:$0x1F950] =	vst v4;
	v4 =	vor.u32 $0x24, v6  }
0x68c: {  	v5 =	vor.u32 $0x28, v6;
	[tilespmem:$0x1F960] =	vst v0;
	v0 =	vld.idx.msk [tilespmem:v1+s31+$0x0], $0xffff;
	_ =	sdelay $0x1  }
0x68d: {  	[tilespmem:$0x1F8F0] =	vst v7  }
0x68e: {  	[tilespmem:$0x1F970] =	vst v1;
	v1 =	vld.idx.msk [tilespmem:v2+s31+$0x0], $0xffff  }
0x68f: {  	v8 =	vor.u32 $0x23, v6;
	[tilespmem:$0x1F9F0] =	vst v2;
	v2 =	vld.idx.msk [tilespmem:v4+s31+$0x0], $0xffff  }
0x690: {  	v7 =	vor.u32 $0x27, v6;
	[tilespmem:$0x1F980] =	vst v0;
	v0 =	vld.idx.msk [tilespmem:v5+s31+$0x0], $0xffff;
	_ =	sdelay $0x2  }
0x691: {  	[tilespmem:$0x1F910] =	vst v3  }
0x692: {  	v59 =	vor.u32 $0x22, v6;
	[tilespmem:$0x1FA20] =	vst v2;
	v2 =	vld.idx.msk [tilespmem:v8+s31+$0x0], $0xffff  }
0x693: {  	v3 =	vor.u32 $0x26, v6;
	[tilespmem:$0x1F9A0] =	vst v0;
	v0 =	vld.idx.msk [tilespmem:v7+s31+$0x0], $0xffff;
	_ =	sdelay $0x3  }
0x694: {  	[tilespmem:$0x1FA40] =	vst v2;
	v2 =	vld.idx.msk [tilespmem:v59+s31+$0x0], $0xffff  }
0x695: {  	v61 =	vor.u32 $0x21, v6;
	[tilespmem:$0x1F9C0] =	vst v0;
	v0 =	vld.idx.msk [tilespmem:v3+s31+$0x0], $0xffff;
	_ =	sdelay $0x3  }
0x696: {  	[tilespmem:$0x1FA50] =	vst v2  }
0x697: {  	v2 =	vld.idx.msk [tilespmem:v61+s31+$0x0], $0xffff;
	[tilespmem:$0x1F9E0] =	vst v0;
	v0 =	vor.u32 $0x20, v6;
	_ =	sdelay $0x3  }
0x698: {  	[tilespmem:$0x1FA00] =	vst v1  }
0x699: {  	v1 =	vor.u32 $0x1F, v6;
	[tilespmem:$0x1FA60] =	vst v2;
	v2 =	vld.idx.msk [tilespmem:v0+s31+$0x0], $0xffff;
	_ =	sdelay $0x3  }
0x69a: {  	[tilespmem:$0x1F990] =	vst v5  }
0x69b: {  	v5 =	vor.u32 $0x1E, v6;
	[tilespmem:$0x1FA70] =	vst v2;
	v2 =	vld.idx.msk [tilespmem:v1+s31+$0x0], $0xffff;
	_ =	sdelay $0x4  }
0x69c: {  	v9 =	vor.u32 $0x1D, v6;
	[tilespmem:$0x1FA80] =	vst v2;
	v2 =	vld.idx.msk [tilespmem:v5+s31+$0x0], $0xffff;
	_ =	sdelay $0x4  }
0x69d: {  	v14 =	vor.u32 $0x1C, v6;
	[tilespmem:$0x1FA90] =	vst v2;
	v2 =	vld.idx.msk [tilespmem:v9+s31+$0x0], $0xffff;
	_ =	sdelay $0x4  }
0x69e: {  	v18 =	vor.u32 $0x1B, v6;
	[tilespmem:$0x1FAA0] =	vst v2;
	v2 =	vld.idx.msk [tilespmem:v14+s31+$0x0], $0xffff;
	_ =	sdelay $0x4  }
0x69f: {  	v22 =	vor.u32 $0x1A, v6;
	[tilespmem:$0x1FAB0] =	vst v2;
	v2 =	vld.idx.msk [tilespmem:v18+s31+$0x0], $0xffff;
	_ =	sdelay $0x2  }
0x6a0: {  	v42 =	vor.u32 $0x15, v6  }
0x6a1: {  	v46 =	vor.u32 $0x14, v6  }
0x6a2: {  	v26 =	vor.u32 $0x19, v6;
	[tilespmem:$0x1FAC0] =	vst v2;
	v2 =	vld.idx.msk [tilespmem:v22+s31+$0x0], $0xffff  }
0x6a3: {  	v10 =	vor.u32 $0x11, v6  }
0x6a4: {  	v12 =	vor.u32 $0x10, v6  }
0x6a5: {  	v54 =	vor.u32 $0xF, v6;
	v40 =	vld.idx.msk [tilespmem:v42+s31+$0x0], $0xffff  }
0x6a6: {  	v56 =	vor.u32 $0xE, v6;
	v44 =	vld.idx.msk [tilespmem:v46+s31+$0x0], $0xffff  }
0x6a7: {  	v30 =	vor.u32 $0x18, v6;
	[tilespmem:$0x1FAD0] =	vst v2;
	v2 =	vld.idx.msk [tilespmem:v26+s31+$0x0], $0xffff  }
0x6a8: {  	v19 =	vor.u32 $0xD, v6;
	v50 =	vld.idx.msk [tilespmem:v10+s31+$0x0], $0xffff  }
0x6a9: {  	v21 =	vor.u32 $0xC, v6;
	v52 =	vld.idx.msk [tilespmem:v12+s31+$0x0], $0xffff  }
0x6aa: {  	v23 =	vor.u32 $0xB, v6;
	v13 =	vld.idx.msk [tilespmem:v54+s31+$0x0], $0xffff  }
0x6ab: {  	v62 =	vor.u32 $0xA, v6;
	v15 =	vld.idx.msk [tilespmem:v56+s31+$0x0], $0xffff  }
0x6ac: {  	v34 =	vor.u32 $0x17, v6;
	[tilespmem:$0x1FAE0] =	vst v2;
	v2 =	vld.idx.msk [tilespmem:v30+s31+$0x0], $0xffff  }
0x6ad: {  	v63 =	vor.u32 $0x9, v6;
	v17 =	vld.idx.msk [tilespmem:v19+s31+$0x0], $0xffff  }
0x6ae: {  	v31 =	vor.u32 $0x8, v6;
	v58 =	vld.idx.msk [tilespmem:v21+s31+$0x0], $0xffff  }
0x6af: {  	v37 =	vor.u32 $0x6, v6;
	v60 =	vld.idx.msk [tilespmem:v23+s31+$0x0], $0xffff  }
0x6b0: {  	v39 =	vor.u32 $0x5, v6;
	v25 =	vld.idx.msk [tilespmem:v62+s31+$0x0], $0xffff  }
0x6b1: {  	v38 =	vor.u32 $0x16, v6;
	[tilespmem:$0x1FAF0] =	vst v2;
	v2 =	vld.idx.msk [tilespmem:v34+s31+$0x0], $0xffff  }
0x6b2: {  	v41 =	vor.u32 $0x4, v6;
	v27 =	vld.idx.msk [tilespmem:v63+s31+$0x0], $0xffff  }
0x6b3: {  	v43 =	vor.u32 $0x3, v6;
	v29 =	vld.idx.msk [tilespmem:v31+s31+$0x0], $0xffff  }
0x6b4: {  	v33 =	vld.idx.msk [tilespmem:v37+s31+$0x0], $0xffff;
	[tilespmem:$0x1F9B0] =	vst v7;
	v7 =	vor.u32 $0x12, v6  }
0x6b5: {  	[tilespmem:$0x1FA30] =	vst v8;
	v35 =	vld.idx.msk [tilespmem:v39+s31+$0x0], $0xffff;
	v8 =	vor.u32 $0x7, v6  }
0x6b6: {  	p0 =	sne.s32 s20, $0xF0;
	v48 =	vor.u32 $0x13, v6;
	[tilespmem:$0x1FB00] =	vst v2;
	v2 =	vld.idx.msk [tilespmem:v38+s31+$0x0], $0xffff  }
.Ltmp5:
0x6b7: {  	v11 =	vld.idx.msk [tilespmem:v41+s31+$0x0], $0xffff;
	(pc) =	sbr.rel @p0 .LBB2_12-.Ltmp5, $4  }
0x6b8: {  	v16 =	vld.idx.msk [tilespmem:v43+s31+$0x0], $0xffff  }
0x6b9: {  	[tilespmem:$0x1FA10] =	vst v4;
	v4 =	vld.idx.msk [tilespmem:v7+s31+$0x0], $0xffff  }
0x6ba: {  	[tilespmem:$0x1F9D0] =	vst v3;
	v3 =	vld.idx.msk [tilespmem:v8+s31+$0x0], $0xffff  }
0x6bb: {  	s20 =	sadd.s32 $0x10, s20;
	v20 =	vor.u32 $0x2, v6;
	v45 =	vor.u32 $0x1, v6;
	[tilespmem:$0x1FB10] =	vst v2;
	v2 =	vld.idx.msk [tilespmem:v48+s31+$0x0], $0xffff  }
0x6bc: {  	_ =	sdelay $0x3  }
0x6bd: {  	v24 =	vld.idx.msk [tilespmem:v45+s31+$0x0], $0xffff  }
0x6be: {  	v28 =	vld.idx.msk [tilespmem:v45+s0+$0x0], $0xffff  }
0x6bf: {  	v32 =	vld.idx.msk [tilespmem:v45+s2+$0x0], $0xffff  }
0x6c0: {  	v36 =	vld.idx.msk [tilespmem:v20+s31+$0x0], $0xffff  }
0x6c1: {  	v47 =	vld.idx.msk [tilespmem:v6+s0+$0x0], $0xffff  }
0x6c2: {  	v49 =	vld.idx.msk [tilespmem:v6+s2+$0x0], $0xffff  }
0x6c3: {  	v51 =	vld.idx.msk [tilespmem:v6+s31+$0x0], $0xffff  }
0x6c4: {  	s17 =	sadd.s32 $0x10, s17;
	v55 =	vld.idx.msk [tilespmem:v20+s0+$0x0], $0xffff  }
0x6c5: {  	s22 =	sadd.s32 $0x10, s18;
	v45 =	vld [tilespmem:s17+$0x0]  }
0x6c6: {  	v53 =	vld [tilespmem:s22+$0x0]  }
0x6c7: {  	v20 =	vld.idx.msk [tilespmem:v20+s2+$0x0], $0xffff  }
0x6c8: {  	v47 =	vsub.f32 v47, v49;
	v49 =	vld.idx.msk [tilespmem:v43+s0+$0x0], $0xffff  }
0x6c9: {  	v43 =	vld.idx.msk [tilespmem:v43+s2+$0x0], $0xffff  }
0x6ca: {  	v28 =	vsub.f32 v28, v32;
	v32 =	vld.idx.msk [tilespmem:v41+s0+$0x0], $0xffff  }
0x6cb: {  	v45 =	vsub.f32 v53, v45;
	v53 =	vld.idx.msk [tilespmem:v39+s2+$0x0], $0xffff  }
0x6cc: {  	v20 =	vsub.f32 v55, v20;
	v47 =	vmul.f32 v47, v51;
	v51 =	vld.idx.msk [tilespmem:v41+s2+$0x0], $0xffff  }
0x6cd: {  	v24 =	vmul.f32 v28, v24;
	v28 =	vld.idx.msk [tilespmem:v39+s0+$0x0], $0xffff  }
0x6ce: {  	v20 =	vmul.f32 v20, v36;
	v36 =	vld.idx.msk [tilespmem:v31+s2+$0x0], $0xffff  }
0x6cf: {  	v45 =	vadd.f32 v47, v45;
	v55 =	vsub.f32 v49, v43;
	v43 =	vld.idx.msk [tilespmem:v37+s0+$0x0], $0xffff  }
0x6d0: {  	v49 =	vld.idx.msk [tilespmem:v8+s0+$0x0], $0xffff  }
0x6d1: {  	v24 =	vadd.f32 v24, v45;
	v45 =	vld.idx.msk [tilespmem:v37+s2+$0x0], $0xffff  }
0x6d2: {  	v47 =	vsub.f32 v32, v51;
	v51 =	vld.idx.msk [tilespmem:v8+s2+$0x0], $0xffff  }
0x6d3: {  	v16 =	vmul.f32 v55, v16;
	v55 =	vld.idx.msk [tilespmem:v31+s0+$0x0], $0xffff  }
0x6d4: {  	v53 =	vsub.f32 v28, v53;
	v28 =	vld.idx.msk [tilespmem:v21+s0+$0x0], $0xffff  }
0x6d5: {  	v32 =	vld.idx.msk [tilespmem:v46+s0+$0x0], $0xffff  }
0x6d6: {  	v20 =	vadd.f32 v20, v24;
	v24 =	vld.idx.msk [tilespmem:v7+s2+$0x0], $0xffff  }
0x6d7: {  	v39 =	vmul.f32 v53, v35;
	v35 =	vld.idx.msk [tilespmem:v19+s0+$0x0], $0xffff  }
0x6d8: {  	v41 =	vsub.f32 v43, v45;
	v43 =	vld.idx.msk [tilespmem:v63+s0+$0x0], $0xffff  }
0x6d9: {  	v45 =	vld.idx.msk [tilespmem:v63+s2+$0x0], $0xffff  }
0x6da: {  	v8 =	vsub.f32 v49, v51;
	v49 =	vld.idx.msk [tilespmem:v62+s0+$0x0], $0xffff  }
0x6db: {  	v51 =	vld.idx.msk [tilespmem:v62+s2+$0x0], $0xffff  }
0x6dc: {  	v53 =	vsub.f32 v55, v36;
	v55 =	vld.idx.msk [tilespmem:v23+s0+$0x0], $0xffff  }
0x6dd: {  	v62 =	vld.idx.msk [tilespmem:v23+s2+$0x0], $0xffff  }
0x6de: {  	v11 =	vmul.f32 v47, v11;
	v16 =	vadd.f32 v16, v20;
	v36 =	vld.idx.msk [tilespmem:v19+s2+$0x0], $0xffff  }
0x6df: {  	v23 =	vld.idx.msk [tilespmem:v7+s0+$0x0], $0xffff  }
0x6e0: {  	v11 =	vadd.f32 v11, v16;
	v16 =	vld.idx.msk [tilespmem:v18+s0+$0x0], $0xffff  }
0x6e1: {  	v47 =	vmul.f32 v41, v33;
	v41 =	vld.idx.msk [tilespmem:v56+s0+$0x0], $0xffff  }
0x6e2: {  	v3 =	vmul.f32 v8, v3;
	v8 =	vmul.f32 v53, v29;
	v29 =	vld.idx.msk [tilespmem:v21+s2+$0x0], $0xffff  }
0x6e3: {  	v63 =	vsub.f32 v43, v45;
	v43 =	vld.idx.msk [tilespmem:v56+s2+$0x0], $0xffff  }
0x6e4: {  	v56 =	vld.idx.msk [tilespmem:v12+s2+$0x0], $0xffff  }
0x6e5: {  	v33 =	vsub.f32 v49, v51;
	v49 =	vld.idx.msk [tilespmem:v54+s0+$0x0], $0xffff  }
0x6e6: {  	v51 =	vld.idx.msk [tilespmem:v54+s2+$0x0], $0xffff  }
0x6e7: {  	v11 =	vadd.f32 v39, v11;
	v39 =	vsub.f32 v55, v62;
	v55 =	vld.idx.msk [tilespmem:v12+s0+$0x0], $0xffff  }
0x6e8: {  	v62 =	vld.idx.msk [tilespmem:v10+s0+$0x0], $0xffff  }
0x6e9: {  	v54 =	vsub.f32 v35, v36;
	v36 =	vld.idx.msk [tilespmem:v42+s0+$0x0], $0xffff  }
0x6ea: {  	v7 =	vsub.f32 v23, v24;
	v24 =	vld.idx.msk [tilespmem:v9+s0+$0x0], $0xffff  }
0x6eb: {  	v31 =	vmul.f32 v63, v27;
	v63 =	vld.idx.msk [tilespmem:v10+s2+$0x0], $0xffff  }
0x6ec: {  	v11 =	vadd.f32 v47, v11;
	v47 =	vsub.f32 v28, v29;
	v28 =	vld.idx.msk [tilespmem:v48+s0+$0x0], $0xffff  }
0x6ed: {  	v29 =	vld.idx.msk [tilespmem:v48+s2+$0x0], $0xffff  }
0x6ee: {  	v37 =	vmul.f32 v33, v25;
	v33 =	vld.idx.msk [tilespmem:v46+s2+$0x0], $0xffff  }
0x6ef: {  	v46 =	vld.idx.msk [tilespmem:v34+s2+$0x0], $0xffff  }
0x6f0: {  	v45 =	vmul.f32 v39, v60;
	v60 =	vsub.f32 v41, v43;
	v41 =	vld.idx.msk [tilespmem:v38+s0+$0x0], $0xffff  }
0x6f1: {  	v53 =	vmul.f32 v47, v58;
	v58 =	vmul.f32 v54, v17;
	v54 =	vld.idx.msk [tilespmem:v26+s2+$0x0], $0xffff  }
0x6f2: {  	v17 =	vld.idx.msk [tilespmem:v18+s2+$0x0], $0xffff  }
0x6f3: {  	v3 =	vadd.f32 v3, v11;
	v18 =	vld [tilespmem:$0x1FAF0]  }
0x6f4: {  	v21 =	vsub.f32 v49, v51;
	v49 =	vld.idx.msk [tilespmem:v30+s0+$0x0], $0xffff  }
0x6f5: {  	v3 =	vadd.f32 v8, v3;
	v27 =	vsub.f32 v55, v56;
	v55 =	vld [tilespmem:$0x1FB10]  }
0x6f6: {  	v20 =	vmul.f32 v60, v15;
	v60 =	vld.idx.msk [tilespmem:v22+s2+$0x0], $0xffff  }
0x6f7: {  	v3 =	vadd.f32 v31, v3;
	v10 =	vsub.f32 v62, v63;
	v62 =	vld [tilespmem:$0x1FB00]  }
0x6f8: {  	v15 =	vld [tilespmem:$0x1F990]  }
0x6f9: {  	v3 =	vadd.f32 v37, v3;
	v37 =	vld.idx.msk [tilespmem:v42+s2+$0x0], $0xffff  }
0x6fa: {  	v42 =	vld.idx.msk [tilespmem:v38+s2+$0x0], $0xffff  }
0x6fb: {  	v25 =	vmul.f32 v21, v13;
	v21 =	vld.idx.msk [tilespmem:v14+s2+$0x0], $0xffff  }
0x6fc: {  	v39 =	vsub.f32 v28, v29;
	v28 =	vld.idx.msk [tilespmem:v5+s0+$0x0], $0xffff  }
0x6fd: {  	v29 =	vld.idx.msk [tilespmem:v5+s2+$0x0], $0xffff  }
0x6fe: {  	v43 =	vsub.f32 v32, v33;
	v32 =	vld.idx.msk [tilespmem:v1+s0+$0x0], $0xffff  }
0x6ff: {  	v33 =	vld.idx.msk [tilespmem:v1+s2+$0x0], $0xffff  }
0x700: {  	v38 =	vld [tilespmem:$0x1FAA0]  }
0x701: {  	v13 =	vld [tilespmem:$0x1FA20]  }
0x702: {  	v35 =	vmul.f32 v10, v50;
	v50 =	vld.idx.msk [tilespmem:v30+s2+$0x0], $0xffff  }
0x703: {  	v30 =	vld [tilespmem:$0x1FAC0]  }
0x704: {  	v3 =	vadd.f32 v45, v3;
	v45 =	vld.idx.msk [tilespmem:v34+s0+$0x0], $0xffff  }
0x705: {  	v34 =	vld [tilespmem:$0x1FAB0]  }
0x706: {  	v47 =	vmul.f32 v43, v44;
	v43 =	vld.idx.msk [tilespmem:v59+s0+$0x0], $0xffff  }
0x707: {  	v44 =	vld.idx.msk [tilespmem:v59+s2+$0x0], $0xffff  }
0x708: {  	v59 =	vld [tilespmem:$0x1F9D0]  }
0x709: {  	v31 =	vmul.f32 v27, v52;
	v27 =	vsub.f32 v16, v17;
	v17 =	vld [tilespmem:$0x1FA00]  }
0x70a: {  	v3 =	vadd.f32 v53, v3;
	v53 =	vld.idx.msk [tilespmem:v26+s0+$0x0], $0xffff  }
0x70b: {  	v26 =	vld [tilespmem:$0x1FAD0]  }
0x70c: {  	v48 =	vsub.f32 v36, v37;
	v36 =	vld.idx.msk [tilespmem:v0+s0+$0x0], $0xffff  }
0x70d: {  	v37 =	vld.idx.msk [tilespmem:v0+s2+$0x0], $0xffff  }
0x70e: {  	v52 =	vsub.f32 v41, v42;
	v41 =	vld.idx.msk [tilespmem:v61+s2+$0x0], $0xffff  }
0x70f: {  	v42 =	vld [tilespmem:$0x1FA90]  }
0x710: {  	v2 =	vmul.f32 v39, v2;
	v39 =	vsub.f32 v28, v29;
	v29 =	vld [tilespmem:$0x1F9A0]  }
0x711: {  	v1 =	vsub.f32 v32, v33;
	v33 =	vld [tilespmem:$0x1F980]  }
0x712: {  	v3 =	vadd.f32 v58, v3;
	v58 =	vld.idx.msk [tilespmem:v22+s0+$0x0], $0xffff  }
0x713: {  	v22 =	vld [tilespmem:$0x1FAE0]  }
0x714: {  	v63 =	vsub.f32 v49, v50;
	v50 =	vld [tilespmem:$0x1FA10]  }
0x715: {  	v51 =	vmul.f32 v48, v40;
	v40 =	vld.idx.msk [tilespmem:v61+s0+$0x0], $0xffff  }
0x716: {  	v56 =	vsub.f32 v45, v46;
	v45 =	vld [tilespmem:$0x1FA80]  }
0x717: {  	v46 =	vld [tilespmem:$0x1FA30]  }
0x718: {  	v48 =	vld [tilespmem:$0x1FA70]  }
0x719: {  	v61 =	vld [tilespmem:$0x1FA40]  }
0x71a: {  	v16 =	vld.idx.msk [tilespmem:v15+s0+$0x0], $0xffff  }
0x71b: {  	v3 =	vadd.f32 v20, v3;
	v20 =	vld.idx.msk [tilespmem:v14+s0+$0x0], $0xffff  }
0x71c: {  	v19 =	vsub.f32 v53, v54;
	v54 =	vld [tilespmem:$0x1F9F0]  }
0x71d: {  	v53 =	vsub.f32 v43, v44;
	v43 =	vld [tilespmem:$0x1F8B0]  }
0x71e: {  	v3 =	vadd.f32 v25, v3;
	v25 =	vld.idx.msk [tilespmem:v9+s2+$0x0], $0xffff  }
0x71f: {  	v0 =	vsub.f32 v36, v37;
	v37 =	vld [tilespmem:$0x1F960]  }
0x720: {  	v23 =	vsub.f32 v58, v60;
	v60 =	vld.idx.msk [tilespmem:v59+s0+$0x0], $0xffff  }
0x721: {  	v49 =	vsub.f32 v40, v41;
	v41 =	vld [tilespmem:$0x1F940]  }
0x722: {  	v3 =	vadd.f32 v31, v3;
	v1 =	vmul.f32 v1, v45;
	v45 =	vld [tilespmem:$0x1F920]  }
0x723: {  	v31 =	vsub.f32 v20, v21;
	v21 =	vld [tilespmem:$0x1F9E0]  }
0x724: {  	v4 =	vmul.f32 v7, v4;
	v3 =	vadd.f32 v35, v3;
	v9 =	vld.idx.msk [tilespmem:v50+s2+$0x0], $0xffff  }
0x725: {  	v7 =	vld.idx.msk [tilespmem:v46+s2+$0x0], $0xffff  }
0x726: {  	v35 =	vsub.f32 v24, v25;
	v25 =	vld [tilespmem:$0x1F9C0];
	v3 =	vadd.f32 v4, v3  }
0x727: {  	v8 =	vld.idx.msk [tilespmem:v54+s2+$0x0], $0xffff  }
0x728: {  	v2 =	vadd.f32 v2, v3;
	v3 =	vmul.f32 v52, v55;
	v55 =	vld.idx.msk [tilespmem:v54+s0+$0x0], $0xffff  }
0x729: {  	v44 =	vld.idx.msk [tilespmem:v43+s0+$0x0], $0xffff  }
0x72a: {  	v52 =	vld [tilespmem:$0x1FA60];
	v2 =	vadd.f32 v47, v2  }
0x72b: {  	v47 =	vld.idx.msk [tilespmem:v46+s0+$0x0], $0xffff  }
0x72c: {  	v2 =	vadd.f32 v51, v2;
	v51 =	vld.idx.msk [tilespmem:v50+s0+$0x0], $0xffff  }
0x72d: {  	v14 =	vsub.f32 v55, v8;
	v8 =	vld.idx.msk [tilespmem:v15+s2+$0x0], $0xffff  }
0x72e: {  	v55 =	vld [tilespmem:$0x1F850]  }
0x72f: {  	v2 =	vadd.f32 v3, v2;
	v3 =	vmul.f32 v56, v62;
	v56 =	vld [tilespmem:$0x1FA50]  }
0x730: {  	v58 =	vsub.f32 v47, v7;
	v7 =	vld.idx.msk [tilespmem:v59+s2+$0x0], $0xffff  }
0x731: {  	v47 =	vld [tilespmem:$0x1F890];
	v2 =	vadd.f32 v3, v2;
	v3 =	vmul.f32 v63, v18  }
0x732: {  	v63 =	vld [tilespmem:$0x1F9B0]  }
0x733: {  	v62 =	vsub.f32 v51, v9;
	v51 =	vld [tilespmem:$0x1F870];
	v2 =	vadd.f32 v3, v2;
	v3 =	vmul.f32 v19, v22  }
0x734: {  	v19 =	vld [tilespmem:$0x1F970]  }
0x735: {  	v2 =	vadd.f32 v3, v2;
	v3 =	vmul.f32 v23, v26;
	v23 =	vld [tilespmem:$0x1F950]  }
0x736: {  	v18 =	vsub.f32 v60, v7;
	v60 =	vld [tilespmem:$0x1F830]  }
0x737: {  	v26 =	vsub.f32 v16, v8;
	v16 =	vld [tilespmem:$0x1F7F0]  }
0x738: {  	v2 =	vadd.f32 v3, v2;
	v3 =	vmul.f32 v27, v30;
	v27 =	vld [tilespmem:$0x1F930]  }
0x739: {  	v0 =	vmul.f32 v0, v48;
	v48 =	vld.idx.msk [tilespmem:v47+s0+$0x0], $0xffff  }
0x73a: {  	v12 =	vld.idx.msk [tilespmem:v63+s0+$0x0], $0xffff  }
0x73b: {  	v9 =	vld.idx.msk [tilespmem:v63+s2+$0x0], $0xffff  }
0x73c: {  	v2 =	vadd.f32 v3, v2;
	v3 =	vmul.f32 v31, v34;
	v31 =	vld [tilespmem:$0x1F910]  }
0x73d: {  	v20 =	vld.idx.msk [tilespmem:v19+s0+$0x0], $0xffff  }
0x73e: {  	v7 =	vld.idx.msk [tilespmem:v19+s2+$0x0], $0xffff  }
0x73f: {  	v2 =	vadd.f32 v3, v2;
	v3 =	vmul.f32 v35, v38;
	v35 =	vld [tilespmem:$0x1F8F0]  }
0x740: {  	v24 =	vld.idx.msk [tilespmem:v23+s0+$0x0], $0xffff  }
0x741: {  	v2 =	vadd.f32 v3, v2;
	v3 =	vmul.f32 v39, v42;
	v39 =	vld [tilespmem:$0x1F8D0]  }
0x742: {  	v22 =	vsub.f32 v12, v9;
	v9 =	vld.idx.msk [tilespmem:v23+s2+$0x0], $0xffff  }
0x743: {  	v12 =	vld [tilespmem:$0x1F810]  }
0x744: {  	v28 =	vld.idx.msk [tilespmem:v27+s0+$0x0], $0xffff  }
0x745: {  	v8 =	vld.idx.msk [tilespmem:v27+s2+$0x0], $0xffff  }
0x746: {  	v30 =	vsub.f32 v20, v7;
	v20 =	vld [tilespmem:$0x1F7D0]  }
0x747: {  	v2 =	vadd.f32 v3, v2;
	v32 =	vld.idx.msk [tilespmem:v31+s0+$0x0], $0xffff  }
0x748: {  	v7 =	vld.idx.msk [tilespmem:v31+s2+$0x0], $0xffff  }
0x749: {  	v1 =	vadd.f32 v1, v2;
	v36 =	vld.idx.msk [tilespmem:v35+s0+$0x0], $0xffff  }
0x74a: {  	v34 =	vsub.f32 v24, v9;
	v9 =	vld.idx.msk [tilespmem:v35+s2+$0x0], $0xffff  }
0x74b: {  	v0 =	vadd.f32 v0, v1;
	v1 =	vmul.f32 v49, v52;
	v49 =	vld [tilespmem:$0x1F900]  }
0x74c: {  	v52 =	vld.idx.msk [tilespmem:v51+s0+$0x0], $0xffff  }
0x74d: {  	v24 =	vld [tilespmem:$0x1F7B0]  }
0x74e: {  	v38 =	vsub.f32 v28, v8;
	v28 =	vld [tilespmem:$0x1F790]  }
0x74f: {  	v40 =	vld.idx.msk [tilespmem:v39+s0+$0x0], $0xffff  }
0x750: {  	v8 =	vld.idx.msk [tilespmem:v39+s2+$0x0], $0xffff  }
0x751: {  	v0 =	vadd.f32 v1, v0;
	v1 =	vmul.f32 v53, v56;
	v53 =	vld [tilespmem:$0x1F8E0]  }
0x752: {  	v56 =	vld.idx.msk [tilespmem:v55+s0+$0x0], $0xffff  }
0x753: {  	v42 =	vsub.f32 v32, v7;
	v7 =	vld.idx.msk [tilespmem:v43+s2+$0x0], $0xffff  }
0x754: {  	v32 =	vld [tilespmem:$0x1F770]  }
0x755: {  	v0 =	vadd.f32 v1, v0;
	v1 =	vmul.f32 v58, v61;
	v58 =	vld [tilespmem:$0x1F8C0]  }
0x756: {  	v61 =	vld.idx.msk [tilespmem:v60+s0+$0x0], $0xffff  }
0x757: {  	v46 =	vsub.f32 v36, v9;
	v9 =	vld.idx.msk [tilespmem:v47+s2+$0x0], $0xffff;
	v0 =	vadd.f32 v1, v0;
	v1 =	vmul.f32 v62, v13  }
0x758: {  	v36 =	vld [tilespmem:$0x1F750]  }
0x759: {  	v47 =	vld [tilespmem:$0x1F780];
	v0 =	vadd.f32 v1, v0;
	v1 =	vmul.f32 v14, v17  }
0x75a: {  	v62 =	vld [tilespmem:$0x1F8A0]  }
0x75b: {  	v13 =	vld.idx.msk [tilespmem:v12+s0+$0x0], $0xffff;
	v0 =	vadd.f32 v1, v0;
	v1 =	vmul.f32 v18, v21  }
0x75c: {  	v50 =	vsub.f32 v40, v8;
	v8 =	vld.idx.msk [tilespmem:v51+s2+$0x0], $0xffff  }
0x75d: {  	v40 =	vld [tilespmem:$0x1F730];
	v0 =	vadd.f32 v1, v0;
	v1 =	vmul.f32 v22, v25  }
0x75e: {  	v51 =	vld [tilespmem:$0x1F760]  }
0x75f: {  	v54 =	vsub.f32 v44, v7;
	v7 =	vld.idx.msk [tilespmem:v55+s2+$0x0], $0xffff;
	v0 =	vadd.f32 v1, v0;
	v1 =	vmul.f32 v26, v29  }
0x760: {  	v14 =	vld [tilespmem:$0x1F880]  }
0x761: {  	v17 =	vld.idx.msk [tilespmem:v16+s0+$0x0], $0xffff;
	v0 =	vadd.f32 v1, v0;
	v1 =	vmul.f32 v30, v33  }
0x762: {  	v44 =	vld [tilespmem:$0x1F710]  }
0x763: {  	v55 =	vld [tilespmem:$0x1F740];
	v0 =	vadd.f32 v1, v0;
	v1 =	vmul.f32 v34, v37  }
0x764: {  	v59 =	vsub.f32 v48, v9;
	v9 =	vld.idx.msk [tilespmem:v60+s2+$0x0], $0xffff  }
0x765: {  	v18 =	vld [tilespmem:$0x1F860];
	v0 =	vadd.f32 v1, v0;
	v1 =	vmul.f32 v38, v41  }
0x766: {  	v21 =	vld.idx.msk [tilespmem:v20+s0+$0x0], $0xffff  }
0x767: {  	v63 =	vsub.f32 v52, v8;
	v8 =	vld.idx.msk [tilespmem:v12+s2+$0x0], $0xffff;
	v0 =	vadd.f32 v1, v0;
	v1 =	vmul.f32 v42, v45  }
0x768: {  	v22 =	vld [tilespmem:$0x1F840]  }
0x769: {  	v25 =	vld.idx.msk [tilespmem:v24+s0+$0x0], $0xffff;
	v0 =	vadd.f32 v1, v0;
	v1 =	vmul.f32 v46, v49  }
0x76a: {  	v15 =	vsub.f32 v56, v7;
	v7 =	vld.idx.msk [tilespmem:v16+s2+$0x0], $0xffff  }
0x76b: {  	v26 =	vld [tilespmem:$0x1F820];
	v0 =	vadd.f32 v1, v0;
	v1 =	vmul.f32 v50, v53  }
0x76c: {  	v29 =	vld.idx.msk [tilespmem:v28+s0+$0x0], $0xffff  }
0x76d: {  	v19 =	vsub.f32 v61, v9;
	v9 =	vld.idx.msk [tilespmem:v20+s2+$0x0], $0xffff;
	v0 =	vadd.f32 v1, v0;
	v1 =	vmul.f32 v54, v58  }
0x76e: {  	v61 =	vld [tilespmem:$0x1F700]  }
0x76f: {  	v30 =	vld [tilespmem:$0x1F800];
	v0 =	vadd.f32 v1, v0;
	v1 =	vmul.f32 v59, v62  }
0x770: {  	v33 =	vld.idx.msk [tilespmem:v32+s0+$0x0], $0xffff  }
0x771: {  	v23 =	vsub.f32 v13, v8;
	v8 =	vld.idx.msk [tilespmem:v24+s2+$0x0], $0xffff;
	v0 =	vadd.f32 v1, v0;
	v1 =	vmul.f32 v63, v14  }
0x772: {  	v27 =	vsub.f32 v17, v7;
	v7 =	vld.idx.msk [tilespmem:v28+s2+$0x0], $0xffff  }
0x773: {  	v34 =	vld [tilespmem:$0x1F7E0];
	v0 =	vadd.f32 v1, v0;
	v1 =	vmul.f32 v15, v18  }
0x774: {  	v37 =	vld.idx.msk [tilespmem:v36+s0+$0x0], $0xffff  }
0x775: {  	v31 =	vsub.f32 v21, v9;
	v9 =	vld.idx.msk [tilespmem:v32+s2+$0x0], $0xffff;
	v0 =	vadd.f32 v1, v0;
	v1 =	vmul.f32 v19, v22  }
0x776: {  	v38 =	vld [tilespmem:$0x1F7C0]  }
0x777: {  	v41 =	vld.idx.msk [tilespmem:v40+s0+$0x0], $0xffff;
	v0 =	vadd.f32 v1, v0;
	v1 =	vmul.f32 v23, v26  }
0x778: {  	v35 =	vsub.f32 v25, v8;
	v8 =	vld.idx.msk [tilespmem:v36+s2+$0x0], $0xffff  }
0x779: {  	v49 =	vld [tilespmem:$0x1F6F0];
	v0 =	vadd.f32 v1, v0;
	v1 =	vmul.f32 v27, v30  }
0x77a: {  	v42 =	vld [tilespmem:$0x1F7A0];
	v46 =	vor.u32 $0x3F, v6  }
0x77b: {  	v53 =	vld [tilespmem:$0x1F6D0];
	v0 =	vadd.f32 v1, v0;
	v1 =	vmul.f32 v31, v34  }
0x77c: {  	v45 =	vld.idx.msk [tilespmem:v44+s0+$0x0], $0xffff  }
0x77d: {  	v39 =	vsub.f32 v29, v7;
	v7 =	vld.idx.msk [tilespmem:v40+s2+$0x0], $0xffff;
	v0 =	vadd.f32 v1, v0;
	v1 =	vmul.f32 v35, v38  }
0x77e: {  	v43 =	vsub.f32 v33, v9;
	v9 =	vld.idx.msk [tilespmem:v44+s2+$0x0], $0xffff  }
0x77f: {  	v56 =	vld.idx.msk [tilespmem:v46+s0+$0x0], $0xffff;
	v0 =	vadd.f32 v1, v0;
	v1 =	vmul.f32 v39, v42  }
0x780: {  	v59 =	vld [tilespmem:$0x1F720]  }
0x781: {  	v48 =	vsub.f32 v37, v8;
	v50 =	vld.idx.msk [tilespmem:v49+s0+$0x0], $0xffff;
	v0 =	vadd.f32 v1, v0;
	v1 =	vmul.f32 v43, v47  }
0x782: {  	v8 =	vld.idx.msk [tilespmem:v49+s2+$0x0], $0xffff  }
0x783: {  	v52 =	vsub.f32 v41, v7;
	v54 =	vld.idx.msk [tilespmem:v53+s0+$0x0], $0xffff;
	v0 =	vadd.f32 v1, v0;
	v1 =	vmul.f32 v48, v51  }
0x784: {  	v7 =	vld.idx.msk [tilespmem:v53+s2+$0x0], $0xffff  }
0x785: {  	v58 =	vld.idx.msk [tilespmem:v46+s2+$0x0], $0xffff;
	v5 =	vsub.f32 v45, v9;
	v0 =	vadd.f32 v1, v0;
	v1 =	vmul.f32 v52, v55  }
0x786: {  	v62 =	vld [tilespmem:$0x1F6E0]  }
0x787: {  	v4 =	vsub.f32 v50, v8;
	v0 =	vadd.f32 v1, v0;
	v1 =	vmul.f32 v5, v59  }
0x788: {  	v60 =	vld.idx.msk [tilespmem:v46+s31+$0x0], $0xffff  }
0x789: {  	v3 =	vsub.f32 v54, v7;
	v0 =	vadd.f32 v1, v0;
	v1 =	vmul.f32 v4, v61;
	_ =	sdelay $0x1  }
0x78a: {  	v2 =	vsub.f32 v56, v58;
	v0 =	vadd.f32 v1, v0;
	v1 =	vmul.f32 v3, v62;
	_ =	sdelay $0x1  }
0x78b: {  	v63 =	vmul.f32 v2, v60;
	v0 =	vadd.f32 v1, v0;
	_ =	sdelay $0x1  }
0x78c: {  	s16 =	sadd.s32 $0x1, s16;
	v0 =	vadd.f32 v63, v0  }
0x78d: {  	s23 =	sadd.s32 $0x10, s19;
	p0 =	sne.s32 s16, s10  }
.Ltmp6:
0x78e: {  	[tilespmem:s23+$0x0] =	vst v0;
	(pc) =	sbr.rel @p0 .LBB2_1-.Ltmp6, $4  }
0x78f: {  	[hbm4b:s9+s3] =	stream.linear.scatter [tilespmem:s15], [sflag:$0x2], $0x200, $0x38;
	[tilespmem:$0x18D80] =	vst v63  }
0x790: {  	_ =	swait.ge [sflag:s11], $0x200  }
0x791: {  	[sflag:s11] =	ssyncset.done $0x0  }
0x792: {  	[sflag:s11] =	ssyncadd.s32 $0xFFFFFE00  }
0x793: {  	_ =	sfence.sel $0x180000  }
0x794: {  	[bflag:$0x0] =	sbarrier.arrive $0xFFFF  }
0x795: {  	_ =	strace $0x90000047  }
0x796: {  	s0 =	stileid.u32;
	[bflag:$0x2] =	sbarrier.arrive $0xFFFF  }
0x797: {  	p0 =	sne.s32 s0, $0x0;
	s0 =	rddreg [dreg:$0x5]  }
0x798: {  	s0 =	sadd.s32 @!p0 $0x100000, s0  }
0x799: {  	[sflag:s0] =	ssyncadd.tile.s32 @!p0 $0x1;
	_ =	shalt  }
.Lfunc_end2:
_tile_overlayer_lowered:
.L_overlay_start_2:
0x79a: {  	(tag) =	ssettag $0x2  }
0x79b: {  	s0 =	rddreg [dreg:$0x0];
	s2 =	stileid.u32  }
0x79c: {  	s1 =	rddreg [dreg:$0x1];
	p0 =	sne.s32 s2, $0x0  }
0x79d: {  	s3 =	rddreg [dreg:$0x2];
	[bflag:$0x3] =	sbarrier.arrive $0xFFFF;
	s2 =	simm.s32 @!p0 $0x1C02  }
0x79e: {  	[timem:s3], [sflag:s2] =	dma.local @!p0 [hbm:s0], s1  }
0x79f: {  	s0 =	simm.s32 @!p0 $0x2  }
0x7a0: {  	_ =	swait.ge @!p0 [sflag:s0], s1  }
0x7a1: {  	s1 =	ssub.s32 @!p0 $0x0, s1;
	[sflag:s0] =	ssyncset.done @!p0 $0x0  }
0x7a2: {  	[sflag:s0] =	ssyncadd.s32 @!p0 s1  }
0x7a3: {  	[bflag:$0x3] =	sbarrier.arrive $0xFFFF  }
0x7a4: {  	_ =	shalt  }

</sc_bundles>
